<compile_context>
chip_gen: v7x
topology: tpu7x:2x2x1
jax: 0.10.2.dev20260603
libtpu: 0.0.44.dev20260713+nightly
codegen_flags: <defaults>
</compile_context>

<pallas_src>
import functools

import jax
import jax.numpy as jnp
from jax import lax
from jax.experimental import pallas as pl
from jax.experimental.pallas import tpu as pltpu
from jax.experimental.pallas import tpu_sc as plsc

N = 10000
E = 320000
DH = 128
B = 64
C = 10

NC = 2
NS = 16
NW = NC * NS
K = 128
CHA = 92
CHB = 68
CH_MAX = max(CHA, CHB)
TOTCH = NS * (CHA + CHB)
TOTCH_PAD = TOTCH + CH_MAX
DEG_CH = TOTCH // NW
E_PAD = TOTCH * K
NPAD = 10240
RPT = NPAD // NS

_mesh = plsc.VectorSubcoreMesh(core_axis_name="c", subcore_axis_name="s")
_sc_params = pltpu.CompilerParams(needs_layout_passes=False)


@functools.partial(
    pl.kernel,
    out_type=jax.ShapeDtypeStruct((NC, NPAD), jnp.float32),
    scratch_types=[
        pltpu.VMEM((DEG_CH, K), jnp.int32),
        pltpu.VMEM((NPAD,), jnp.float32),
        pltpu.VMEM((NS, RPT), jnp.float32),
        pltpu.VMEM_SHARED((NS, NPAD), jnp.float32),
    ],
    mesh=_mesh,
    compiler_params=_sc_params,
)
def _deg_kernel(dst_hbm, out_hbm, dst_v, hist_v, red_v, shared):
    c = lax.axis_index("c")
    s = lax.axis_index("s")
    wid = c * NS + s
    pltpu.sync_copy(dst_hbm.at[pl.ds(wid * DEG_CH, DEG_CH)], dst_v)

    def zero_body(i, _):
        hist_v[pl.ds(i * 16, 16)] = jnp.zeros((16,), jnp.float32)
        return 0

    lax.fori_loop(0, NPAD // 16, zero_body, 0)

    ones = jnp.ones((16,), jnp.float32)

    def hist_body(j, _):
        for k in range(K // 16):
            idx = dst_v[j, pl.ds(k * 16, 16)]
            plsc.addupdate_scatter(hist_v, [idx], ones)
        return 0

    lax.fori_loop(0, DEG_CH, hist_body, 0)

    pltpu.sync_copy(hist_v, shared.at[s])
    plsc.subcore_barrier()
    pltpu.sync_copy(shared.at[:, pl.ds(s * RPT, RPT)], red_v)

    def red_body(k, _):
        v = red_v[0, pl.ds(k * 16, 16)]
        for r in range(1, NS):
            v = v + red_v[r, pl.ds(k * 16, 16)]
        hist_v[pl.ds(k * 16, 16)] = v
        return 0

    lax.fori_loop(0, RPT // 16, red_body, 0)
    pltpu.sync_copy(hist_v.at[pl.ds(0, RPT)], out_hbm.at[c, pl.ds(s * RPT, RPT)])


@functools.partial(
    pl.kernel,
    out_type=jax.ShapeDtypeStruct((NC, NPAD, DH), jnp.bfloat16),
    scratch_types=[
        pltpu.VMEM((CH_MAX, K), jnp.int32),
        pltpu.VMEM((4, K), jnp.int32),
        pltpu.VMEM((K, DH), jnp.bfloat16),
        pltpu.VMEM((K, DH), jnp.bfloat16),
        pltpu.VMEM((K, DH), jnp.bfloat16),
        pltpu.VMEM((K, DH), jnp.bfloat16),
        pltpu.VMEM_SHARED((NPAD, DH), jnp.bfloat16),
        pltpu.VMEM_SHARED((NPAD, DH), jnp.bfloat16),
        pltpu.SemaphoreType.DMA,
        pltpu.SemaphoreType.DMA,
        pltpu.SemaphoreType.DMA,
        pltpu.SemaphoreType.DMA,
        pltpu.SemaphoreType.DMA,
    ],
    mesh=_mesh,
    compiler_params=pltpu.CompilerParams(
        needs_layout_passes=False, use_tc_tiling_on_sc=False),
)
def _scatter_kernel(hws_hbm, src_hbm, dst_hbm, out_hbm,
                    src_v, didx, buf0, buf1, buf2, buf3, acc, hws_s,
                    sem0, sem1, sem2, sem3, dsem):
    c = lax.axis_index("c")
    s = lax.axis_index("s")
    chunk0 = jnp.where(c == 0, s * CHA, NS * CHA + s * CHB)
    trips = jnp.where(c == 0, CHA // 4, CHB // 4)
    cs = pltpu.async_copy(src_hbm.at[pl.ds(chunk0, CH_MAX)], src_v, sem1)
    ct = pltpu.async_copy(hws_hbm.at[pl.ds(s * RPT, RPT)],
                          hws_s.at[pl.ds(s * RPT, RPT)], sem0)

    def zero_body(i, _):
        for k in range(DH // 32):
            buf0[i, pl.ds(k * 32, 32)] = jnp.zeros((32,), jnp.bfloat16)
        return 0

    lax.fori_loop(0, K, zero_body, 0)
    base = s * RPT
    for i in range(RPT // K):
        pltpu.sync_copy(buf0, acc.at[pl.ds(base + i * K, K)])
    ct.wait()
    cs.wait()
    plsc.subcore_barrier()

    def body(i, _):
        g = 4 * i
        c0 = pltpu.async_copy(hws_s.at[src_v.at[g]], buf0, sem0)
        c1 = pltpu.async_copy(hws_s.at[src_v.at[g + 1]], buf1, sem1)
        c2 = pltpu.async_copy(hws_s.at[src_v.at[g + 2]], buf2, sem2)
        c3 = pltpu.async_copy(hws_s.at[src_v.at[g + 3]], buf3, sem3)
        cd = pltpu.async_copy(dst_hbm.at[pl.ds(chunk0 + g, 4)], didx, dsem)
        cd.wait()
        c0.wait()
        pltpu.sync_copy(buf0, acc.at[didx.at[0]], add=True)
        c1.wait()
        pltpu.sync_copy(buf1, acc.at[didx.at[1]], add=True)
        c2.wait()
        pltpu.sync_copy(buf2, acc.at[didx.at[2]], add=True)
        c3.wait()
        pltpu.sync_copy(buf3, acc.at[didx.at[3]], add=True)
        return 0

    lax.fori_loop(0, trips, body, 0)
    plsc.subcore_barrier()
    pltpu.sync_copy(acc.at[pl.ds(base, RPT)], out_hbm.at[c, pl.ds(base, RPT)])


def _tc0_body(x_ref, w_ref, degp_ref, dinv_ref, hws_ref, hwsb_ref):
    deg = degp_ref[0] + degp_ref[1] + 1.0
    dinv = lax.rsqrt(deg)
    dinv_ref[...] = dinv
    hw = jnp.dot(x_ref[...], w_ref[...], preferred_element_type=jnp.float32)
    hws = hw * dinv[0:N]
    hws_ref[...] = hws
    hwsb_ref[0:N] = hws.astype(jnp.bfloat16)
    hwsb_ref[N:NPAD] = jnp.zeros((NPAD - N, DH), jnp.bfloat16)


_tc0 = pl.pallas_call(
    _tc0_body,
    out_shape=(
        jax.ShapeDtypeStruct((NPAD, 1), jnp.float32),
        jax.ShapeDtypeStruct((N, DH), jnp.float32),
        jax.ShapeDtypeStruct((NPAD, DH), jnp.bfloat16),
    ),
)


def _tc_mid_body(acc_ref, hws_ref, dinv_ref, b_ref, w_ref, out_ref, outb_ref):
    dinv = dinv_ref[0:N]
    agg = (acc_ref[0, 0:N].astype(jnp.float32)
           + acc_ref[1, 0:N].astype(jnp.float32) + hws_ref[...])
    h = jnp.maximum(dinv * agg + b_ref[...], 0.0)
    hw = jnp.dot(h, w_ref[...], preferred_element_type=jnp.float32)
    hws = hw * dinv
    out_ref[...] = hws
    outb_ref[0:N] = hws.astype(jnp.bfloat16)
    outb_ref[N:NPAD] = jnp.zeros((NPAD - N, DH), jnp.bfloat16)


_tc_mid = pl.pallas_call(
    _tc_mid_body,
    out_shape=(
        jax.ShapeDtypeStruct((N, DH), jnp.float32),
        jax.ShapeDtypeStruct((NPAD, DH), jnp.bfloat16),
    ),
)


def _tc_fin_body(acc_ref, hws_ref, dinv_ref, b_ref, batch_ref,
                 l1w_ref, l1b_ref, l2w_ref, l2b_ref, logp_ref, logits_ref):
    dinv = dinv_ref[0:N]
    agg = (acc_ref[0, 0:N].astype(jnp.float32)
           + acc_ref[1, 0:N].astype(jnp.float32) + hws_ref[...])
    h = jnp.maximum(dinv * agg + b_ref[...], 0.0)
    classes = lax.broadcasted_iota(jnp.int32, (B, N), 0)
    oht = (batch_ref[...] == classes).astype(jnp.float32)
    sums = jnp.dot(oht, h, preferred_element_type=jnp.float32)
    cnts = jnp.dot(oht, jnp.ones((N, 1), jnp.float32),
                   preferred_element_type=jnp.float32)
    pooled = sums / jnp.maximum(cnts, 1.0)
    h1 = jnp.dot(pooled, l1w_ref[...], preferred_element_type=jnp.float32)
    h1 = jnp.maximum(h1 + l1b_ref[...], 0.0)
    logits = jnp.dot(h1, l2w_ref[...],
                     preferred_element_type=jnp.float32) + l2b_ref[...]
    m = jnp.max(logits, axis=1, keepdims=True)
    lse = jnp.log(jnp.sum(jnp.exp(logits - m), axis=1, keepdims=True)) + m
    logp_ref[...] = logits - lse
    logits_ref[...] = logits


_tc_fin = pl.pallas_call(
    _tc_fin_body,
    out_shape=(
        jax.ShapeDtypeStruct((B, C), jnp.float32),
        jax.ShapeDtypeStruct((B, C), jnp.float32),
    ),
)


def kernel(x, edge_index, batch, W0, b0, W1, b1, W2, b2,
           lin1_w, lin1_b, lin2_w, lin2_b):
    pad = TOTCH_PAD * K - E
    src3 = jnp.concatenate(
        [edge_index[0], jnp.zeros((pad,), jnp.int32)]).reshape(TOTCH_PAD, K)
    dst3 = jnp.concatenate(
        [edge_index[1], jnp.full((pad,), N, jnp.int32)]).reshape(TOTCH_PAD, K)

    degp = _deg_kernel(dst3).reshape(NC, NPAD, 1)
    dinv, hws, hwsb = _tc0(x, W0, degp)
    acc = _scatter_kernel(hwsb, src3, dst3)
    hws, hwsb = _tc_mid(acc, hws, dinv, b0.reshape(1, DH), W1)
    acc = _scatter_kernel(hwsb, src3, dst3)
    hws, hwsb = _tc_mid(acc, hws, dinv, b1.reshape(1, DH), W2)
    acc = _scatter_kernel(hwsb, src3, dst3)
    logp, logits = _tc_fin(acc, hws, dinv, b2.reshape(1, DH),
                           batch.reshape(1, N).astype(jnp.int32),
                           lin1_w, lin1_b.reshape(1, DH),
                           lin2_w, lin2_b.reshape(1, C))
    return (logp, logits, logits)

# --- scband reference (transcript-rebuilt; emitter-appended) ---
"""Pipeline reference for scband-gcn-38585986187619 (READ-ONLY COPY).

The authoritative reference and input builder live on the scoring server;
editing this copy changes nothing except your own understanding.
"""

import jax, jax.numpy as jnp
import numpy as np

N = 10000
E = 320000
D = 128
H = 128
C = 10
B = 64


def setup_inputs(seed: int = 0) -> dict:
    key = jax.random.key(seed)
    ks = jax.random.split(key, 16)
    x = jax.random.normal(ks[0], (N, D), dtype=jnp.float32)
    edge_index = jax.random.randint(ks[1], (2, E), 0, N, dtype=jnp.int32)
    batch = jnp.sort(jax.random.randint(ks[2], (N,), 0, B, dtype=jnp.int32))
    s = 1.0 / np.sqrt(D)
    W0 = jax.random.normal(ks[3], (D, H), dtype=jnp.float32) * s
    b0 = jnp.zeros((H,), dtype=jnp.float32)
    W1 = jax.random.normal(ks[4], (H, H), dtype=jnp.float32) * s
    b1 = jnp.zeros((H,), dtype=jnp.float32)
    W2 = jax.random.normal(ks[5], (H, H), dtype=jnp.float32) * s
    b2 = jnp.zeros((H,), dtype=jnp.float32)
    lin1_w = jax.random.normal(ks[6], (H, H), dtype=jnp.float32) * s
    lin1_b = jnp.zeros((H,), dtype=jnp.float32)
    lin2_w = jax.random.normal(ks[7], (H, C), dtype=jnp.float32) * s
    lin2_b = jnp.zeros((C,), dtype=jnp.float32)
    return {"x": x, "edge_index": edge_index, "batch": batch,
            "W0": W0, "b0": b0, "W1": W1, "b1": b1, "W2": W2, "b2": b2,
            "lin1_w": lin1_w, "lin1_b": lin1_b, "lin2_w": lin2_w, "lin2_b": lin2_b}


def gcn_conv(h, edge_index, W, b):
    # PyG GCNConv: add self-loops, symmetric normalization D^-1/2 A_hat D^-1/2 X W + b
    loop = jnp.arange(N, dtype=edge_index.dtype)
    src = jnp.concatenate([edge_index[0], loop])
    dst = jnp.concatenate([edge_index[1], loop])
    deg = jnp.zeros((N,), dtype=jnp.float32).at[dst].add(1.0)
    dinv = jnp.where(deg > 0, 1.0 / jnp.sqrt(deg), 0.0)
    norm = dinv[src] * dinv[dst]
    hw = h @ W
    msg = hw[src] * norm[:, None]
    out = jnp.zeros((N, hw.shape[1]), dtype=jnp.float32).at[dst].add(msg)
    return out + b


def global_mean_pool(h, batch):
    sums = jax.ops.segment_sum(h, batch, num_segments=B)
    cnts = jax.ops.segment_sum(jnp.ones((N,), dtype=jnp.float32), batch, num_segments=B)
    return sums / jnp.maximum(cnts, 1.0)[:, None]


def reference(x, edge_index, batch, W0, b0, W1, b1, W2, b2, lin1_w, lin1_b, lin2_w, lin2_b):
    h = x
    for W, b in ((W0, b0), (W1, b1), (W2, b2)):
        h = jax.nn.relu(gcn_conv(h, edge_index, W, b))
        # dropout p=0.5 is identity in eval mode
    pooled = global_mean_pool(h, batch)
    h1 = jax.nn.relu(pooled @ lin1_w + lin1_b)
    logits = h1 @ lin2_w + lin2_b
    return (jax.nn.log_softmax(logits, axis=-1), logits, logits)

if __name__ == "__main__":
    import jax
    _d = setup_inputs()
    print(jax.jit(kernel)(*tuple(_d.values())))

</pallas_src>

<mosaic_0001>
#map = affine_map<(d0, d1) -> (0, 0)>
#map1 = affine_map<(d0, d1) -> (0, 0, 0)>
module attributes {stable_mosaic.version = 14 : i64} {
  func.func @_scatter_kernel(%arg0: i32, %arg1: i32, %arg2: memref<10240x128xbf16, #tpu.memory_space<hbm>>, %arg3: memref<2652x128xi32, #tpu.memory_space<hbm>>, %arg4: memref<2652x128xi32, #tpu.memory_space<hbm>>, %arg5: memref<2x10240x128xbf16, #tpu.memory_space<hbm>>, %arg6: memref<92x128xi32, #tpu.memory_space<vmem>>, %arg7: memref<4x128xi32, #tpu.memory_space<vmem>>, %arg8: memref<128x128xbf16, #tpu.memory_space<vmem>>, %arg9: memref<128x128xbf16, #tpu.memory_space<vmem>>, %arg10: memref<128x128xbf16, #tpu.memory_space<vmem>>, %arg11: memref<128x128xbf16, #tpu.memory_space<vmem>>, %arg12: memref<10240x128xbf16, #tpu.memory_space<vmem_shared>>, %arg13: memref<10240x128xbf16, #tpu.memory_space<vmem_shared>>, %arg14: memref<!tpu.dma_semaphore, #tpu.memory_space<semaphore_mem>>, %arg15: memref<!tpu.dma_semaphore, #tpu.memory_space<semaphore_mem>>, %arg16: memref<!tpu.dma_semaphore, #tpu.memory_space<semaphore_mem>>, %arg17: memref<!tpu.dma_semaphore, #tpu.memory_space<semaphore_mem>>, %arg18: memref<!tpu.dma_semaphore, #tpu.memory_space<semaphore_mem>>) attributes {dimension_semantics = [#tpu.dimension_semantics<core_parallel>, #tpu.dimension_semantics<subcore_parallel>], iteration_bounds = array<i64: 2, 16>, scalar_prefetch = 0 : i64, scratch_operands = 13 : i64, tpu.core_type = #tpu.core_type<sc_vector_subcore>, window_params = [{transform_indices = #map}, {transform_indices = #map}, {transform_indices = #map}, {transform_indices = #map1}]} {
    %eq3A = arith.constant 0 : i32
    %eq3A_0 = arith.cmpi eq, %arg0, %eq3A : i32
    %mul3A = arith.constant 92 : i32
    %mul3A_1 = arith.muli %arg1, %mul3A : i32
    %mul3A_2 = arith.constant 68 : i32
    %mul3A_3 = arith.muli %arg1, %mul3A_2 : i32
    %add3A = arith.constant 1472 : i32
    %add3A_4 = arith.addi %add3A, %mul3A_3 : i32
    %select_n3A = arith.select %eq3A_0, %mul3A_1, %add3A_4 : i32
    %eq3A_5 = arith.constant 0 : i32
    %eq3A_6 = arith.cmpi eq, %arg0, %eq3A_5 : i32
    %jit3A = arith.constant 23 : i32
    %jit3A_7 = arith.constant 17 : i32
    %select_n3A_8 = arith.select %eq3A_6, %jit3A, %jit3A_7 : i32
    %dma_start3A = arith.constant 0 : i32
    %dma_start3A_9 = tpu.memref_slice %arg3[%select_n3A, %dma_start3A] : memref<2652x128xi32, #tpu.memory_space<hbm>> -> memref<92x128xi32, #tpu.memory_space<hbm>>
    %dma_start3A_10 = arith.constant 0 : i32
    %dma_start3A_11 = tpu.memref_slice %arg3[%select_n3A, %dma_start3A_10] : memref<2652x128xi32, #tpu.memory_space<hbm>> -> memref<92x128xi32, #tpu.memory_space<hbm>>
    tpu.enqueue_dma source(%dma_start3A_11 : memref<92x128xi32, #tpu.memory_space<hbm>>) target(%arg6 : memref<92x128xi32, #tpu.memory_space<vmem>>) target_semaphore(%arg15 : memref<!tpu.dma_semaphore, #tpu.memory_space<semaphore_mem>>)
    %mul3A_12 = arith.constant 640 : i32
    %mul3A_13 = arith.muli %arg1, %mul3A_12 : i32
    %mul3A_14 = arith.constant 640 : i32
    %mul3A_15 = arith.muli %arg1, %mul3A_14 : i32
    %dma_start3A_16 = arith.constant 0 : i32
    %dma_start3A_17 = tpu.memref_slice %arg13[%mul3A_15, %dma_start3A_16] : memref<10240x128xbf16, #tpu.memory_space<vmem_shared>> -> memref<640x128xbf16, #tpu.memory_space<vmem_shared>>
    %dma_start3A_18 = arith.constant 0 : i32
    %dma_start3A_19 = tpu.memref_slice %arg2[%mul3A_13, %dma_start3A_18] : memref<10240x128xbf16, #tpu.memory_space<hbm>> -> memref<640x128xbf16, #tpu.memory_space<hbm>>
    tpu.enqueue_dma source(%dma_start3A_19 : memref<640x128xbf16, #tpu.memory_space<hbm>>) target(%dma_start3A_17 : memref<640x128xbf16, #tpu.memory_space<vmem_shared>>) target_semaphore(%arg14 : memref<!tpu.dma_semaphore, #tpu.memory_space<semaphore_mem>>)
    %scan3A = arith.constant 0 : i32
    %scan3A_20 = arith.constant 0 : i32
    %scan3A_21 = arith.constant 128 : i32
    %scan3A_22 = arith.addi %scan3A_20, %scan3A_21 : i32
    %scan3A_23 = arith.constant 1 : i32
    %scan3A_24 = scf.for %scan3A_57 = %scan3A_20 to %scan3A_22 step %scan3A_23 iter_args(%scan3A_58 = %scan3A) -> (i32)  : i32 {
      %broadcast_in_dim3A = arith.constant 0.000000e+00 : bf16
      %broadcast_in_dim3A_59 = vector.broadcast %broadcast_in_dim3A : bf16 to vector<32xbf16>
      %swap3A = arith.index_cast %scan3A_57 : i32 to index
      %swap3A_60 = arith.constant 0 : index
      %swap3A_61 = tpu.vector_load %arg8[%swap3A, %swap3A_60] {strides = array<i32>} : memref<128x128xbf16, #tpu.memory_space<vmem>>, vector<32xbf16>,
      tpu.vector_store %arg8[%swap3A, %swap3A_60], %broadcast_in_dim3A_59 {strides = array<i32>} : memref<128x128xbf16, #tpu.memory_space<vmem>>, vector<32xbf16>,
      %broadcast_in_dim3A_62 = arith.constant 0.000000e+00 : bf16
      %broadcast_in_dim3A_63 = vector.broadcast %broadcast_in_dim3A_62 : bf16 to vector<32xbf16>
      %swap3A_64 = arith.index_cast %scan3A_57 : i32 to index
      %swap3A_65 = arith.constant 32 : index
      %swap3A_66 = tpu.vector_load %arg8[%swap3A_64, %swap3A_65] {strides = array<i32>} : memref<128x128xbf16, #tpu.memory_space<vmem>>, vector<32xbf16>,
      tpu.vector_store %arg8[%swap3A_64, %swap3A_65], %broadcast_in_dim3A_63 {strides = array<i32>} : memref<128x128xbf16, #tpu.memory_space<vmem>>, vector<32xbf16>,
      %broadcast_in_dim3A_67 = arith.constant 0.000000e+00 : bf16
      %broadcast_in_dim3A_68 = vector.broadcast %broadcast_in_dim3A_67 : bf16 to vector<32xbf16>
      %swap3A_69 = arith.index_cast %scan3A_57 : i32 to index
      %swap3A_70 = arith.constant 64 : index
      %swap3A_71 = tpu.vector_load %arg8[%swap3A_69, %swap3A_70] {strides = array<i32>} : memref<128x128xbf16, #tpu.memory_space<vmem>>, vector<32xbf16>,
      tpu.vector_store %arg8[%swap3A_69, %swap3A_70], %broadcast_in_dim3A_68 {strides = array<i32>} : memref<128x128xbf16, #tpu.memory_space<vmem>>, vector<32xbf16>,
      %broadcast_in_dim3A_72 = arith.constant 0.000000e+00 : bf16
      %broadcast_in_dim3A_73 = vector.broadcast %broadcast_in_dim3A_72 : bf16 to vector<32xbf16>
      %swap3A_74 = arith.index_cast %scan3A_57 : i32 to index
      %swap3A_75 = arith.constant 96 : index
      %swap3A_76 = tpu.vector_load %arg8[%swap3A_74, %swap3A_75] {strides = array<i32>} : memref<128x128xbf16, #tpu.memory_space<vmem>>, vector<32xbf16>,
      tpu.vector_store %arg8[%swap3A_74, %swap3A_75], %broadcast_in_dim3A_73 {strides = array<i32>} : memref<128x128xbf16, #tpu.memory_space<vmem>>, vector<32xbf16>,
      %scan3A_77 = arith.constant 0 : i32
      scf.yield %scan3A_77 : i32
    }
    %scan3A_25 = arith.constant 128 : i32
    %mul3A_26 = arith.constant 640 : i32
    %mul3A_27 = arith.muli %arg1, %mul3A_26 : i32
    %add3A_28 = arith.constant 0 : i32
    %add3A_29 = arith.addi %mul3A_27, %add3A_28 : i32
    "tpu.region"() ({
      %run_scoped3A = tpu.sem_alloc : memref<!tpu.dma_semaphore, #tpu.memory_space<semaphore_mem>>
      %dma_start3A_57 = arith.constant 0 : i32
      %dma_start3A_58 = tpu.memref_slice %arg12[%add3A_29, %dma_start3A_57] : memref<10240x128xbf16, #tpu.memory_space<vmem_shared>> -> memref<128x128xbf16, #tpu.memory_space<vmem_shared>>
      %dma_start3A_59 = arith.constant 0 : i32
      %dma_start3A_60 = tpu.memref_slice %arg12[%add3A_29, %dma_start3A_59] : memref<10240x128xbf16, #tpu.memory_space<vmem_shared>> -> memref<128x128xbf16, #tpu.memory_space<vmem_shared>>
      tpu.enqueue_dma source(%arg8 : memref<128x128xbf16, #tpu.memory_space<vmem>>) target(%dma_start3A_60 : memref<128x128xbf16, #tpu.memory_space<vmem_shared>>) target_semaphore(%run_scoped3A : memref<!tpu.dma_semaphore, #tpu.memory_space<semaphore_mem>>)
      %dma_wait3A_61 = arith.constant 0 : i32
      %dma_wait3A_62 = tpu.memref_slice %arg12[%add3A_29, %dma_wait3A_61] : memref<10240x128xbf16, #tpu.memory_space<vmem_shared>> -> memref<128x128xbf16, #tpu.memory_space<vmem_shared>>
      %dma_wait3A_63 = arith.constant 0 : i32
      %dma_wait3A_64 = tpu.memref_slice %arg12[%add3A_29, %dma_wait3A_63] : memref<10240x128xbf16, #tpu.memory_space<vmem_shared>> -> memref<128x128xbf16, #tpu.memory_space<vmem_shared>>
      tpu.wait_dma2 semaphore(%run_scoped3A : memref<!tpu.dma_semaphore, #tpu.memory_space<semaphore_mem>>) src(%arg8 : memref<128x128xbf16, #tpu.memory_space<vmem>>) dst(%dma_wait3A_64 : memref<128x128xbf16, #tpu.memory_space<vmem_shared>>)
      tpu.yield
    }) : () -> ()
    %add3A_30 = arith.constant 128 : i32
    %add3A_31 = arith.addi %mul3A_27, %add3A_30 : i32
    "tpu.region"() ({
      %run_scoped3A = tpu.sem_alloc : memref<!tpu.dma_semaphore, #tpu.memory_space<semaphore_mem>>
      %dma_start3A_57 = arith.constant 0 : i32
      %dma_start3A_58 = tpu.memref_slice %arg12[%add3A_31, %dma_start3A_57] : memref<10240x128xbf16, #tpu.memory_space<vmem_shared>> -> memref<128x128xbf16, #tpu.memory_space<vmem_shared>>
      %dma_start3A_59 = arith.constant 0 : i32
      %dma_start3A_60 = tpu.memref_slice %arg12[%add3A_31, %dma_start3A_59] : memref<10240x128xbf16, #tpu.memory_space<vmem_shared>> -> memref<128x128xbf16, #tpu.memory_space<vmem_shared>>
      tpu.enqueue_dma source(%arg8 : memref<128x128xbf16, #tpu.memory_space<vmem>>) target(%dma_start3A_60 : memref<128x128xbf16, #tpu.memory_space<vmem_shared>>) target_semaphore(%run_scoped3A : memref<!tpu.dma_semaphore, #tpu.memory_space<semaphore_mem>>)
      %dma_wait3A_61 = arith.constant 0 : i32
      %dma_wait3A_62 = tpu.memref_slice %arg12[%add3A_31, %dma_wait3A_61] : memref<10240x128xbf16, #tpu.memory_space<vmem_shared>> -> memref<128x128xbf16, #tpu.memory_space<vmem_shared>>
      %dma_wait3A_63 = arith.constant 0 : i32
      %dma_wait3A_64 = tpu.memref_slice %arg12[%add3A_31, %dma_wait3A_63] : memref<10240x128xbf16, #tpu.memory_space<vmem_shared>> -> memref<128x128xbf16, #tpu.memory_space<vmem_shared>>
      tpu.wait_dma2 semaphore(%run_scoped3A : memref<!tpu.dma_semaphore, #tpu.memory_space<semaphore_mem>>) src(%arg8 : memref<128x128xbf16, #tpu.memory_space<vmem>>) dst(%dma_wait3A_64 : memref<128x128xbf16, #tpu.memory_space<vmem_shared>>)
      tpu.yield
    }) : () -> ()
    %add3A_32 = arith.constant 256 : i32
    %add3A_33 = arith.addi %mul3A_27, %add3A_32 : i32
    "tpu.region"() ({
      %run_scoped3A = tpu.sem_alloc : memref<!tpu.dma_semaphore, #tpu.memory_space<semaphore_mem>>
      %dma_start3A_57 = arith.constant 0 : i32
      %dma_start3A_58 = tpu.memref_slice %arg12[%add3A_33, %dma_start3A_57] : memref<10240x128xbf16, #tpu.memory_space<vmem_shared>> -> memref<128x128xbf16, #tpu.memory_space<vmem_shared>>
      %dma_start3A_59 = arith.constant 0 : i32
      %dma_start3A_60 = tpu.memref_slice %arg12[%add3A_33, %dma_start3A_59] : memref<10240x128xbf16, #tpu.memory_space<vmem_shared>> -> memref<128x128xbf16, #tpu.memory_space<vmem_shared>>
      tpu.enqueue_dma source(%arg8 : memref<128x128xbf16, #tpu.memory_space<vmem>>) target(%dma_start3A_60 : memref<128x128xbf16, #tpu.memory_space<vmem_shared>>) target_semaphore(%run_scoped3A : memref<!tpu.dma_semaphore, #tpu.memory_space<semaphore_mem>>)
      %dma_wait3A_61 = arith.constant 0 : i32
      %dma_wait3A_62 = tpu.memref_slice %arg12[%add3A_33, %dma_wait3A_61] : memref<10240x128xbf16, #tpu.memory_space<vmem_shared>> -> memref<128x128xbf16, #tpu.memory_space<vmem_shared>>
      %dma_wait3A_63 = arith.constant 0 : i32
      %dma_wait3A_64 = tpu.memref_slice %arg12[%add3A_33, %dma_wait3A_63] : memref<10240x128xbf16, #tpu.memory_space<vmem_shared>> -> memref<128x128xbf16, #tpu.memory_space<vmem_shared>>
      tpu.wait_dma2 semaphore(%run_scoped3A : memref<!tpu.dma_semaphore, #tpu.memory_space<semaphore_mem>>) src(%arg8 : memref<128x128xbf16, #tpu.memory_space<vmem>>) dst(%dma_wait3A_64 : memref<128x128xbf16, #tpu.memory_space<vmem_shared>>)
      tpu.yield
    }) : () -> ()
    %add3A_34 = arith.constant 384 : i32
    %add3A_35 = arith.addi %mul3A_27, %add3A_34 : i32
    "tpu.region"() ({
      %run_scoped3A = tpu.sem_alloc : memref<!tpu.dma_semaphore, #tpu.memory_space<semaphore_mem>>
      %dma_start3A_57 = arith.constant 0 : i32
      %dma_start3A_58 = tpu.memref_slice %arg12[%add3A_35, %dma_start3A_57] : memref<10240x128xbf16, #tpu.memory_space<vmem_shared>> -> memref<128x128xbf16, #tpu.memory_space<vmem_shared>>
      %dma_start3A_59 = arith.constant 0 : i32
      %dma_start3A_60 = tpu.memref_slice %arg12[%add3A_35, %dma_start3A_59] : memref<10240x128xbf16, #tpu.memory_space<vmem_shared>> -> memref<128x128xbf16, #tpu.memory_space<vmem_shared>>
      tpu.enqueue_dma source(%arg8 : memref<128x128xbf16, #tpu.memory_space<vmem>>) target(%dma_start3A_60 : memref<128x128xbf16, #tpu.memory_space<vmem_shared>>) target_semaphore(%run_scoped3A : memref<!tpu.dma_semaphore, #tpu.memory_space<semaphore_mem>>)
      %dma_wait3A_61 = arith.constant 0 : i32
      %dma_wait3A_62 = tpu.memref_slice %arg12[%add3A_35, %dma_wait3A_61] : memref<10240x128xbf16, #tpu.memory_space<vmem_shared>> -> memref<128x128xbf16, #tpu.memory_space<vmem_shared>>
      %dma_wait3A_63 = arith.constant 0 : i32
      %dma_wait3A_64 = tpu.memref_slice %arg12[%add3A_35, %dma_wait3A_63] : memref<10240x128xbf16, #tpu.memory_space<vmem_shared>> -> memref<128x128xbf16, #tpu.memory_space<vmem_shared>>
      tpu.wait_dma2 semaphore(%run_scoped3A : memref<!tpu.dma_semaphore, #tpu.memory_space<semaphore_mem>>) src(%arg8 : memref<128x128xbf16, #tpu.memory_space<vmem>>) dst(%dma_wait3A_64 : memref<128x128xbf16, #tpu.memory_space<vmem_shared>>)
      tpu.yield
    }) : () -> ()
    %add3A_36 = arith.constant 512 : i32
    %add3A_37 = arith.addi %mul3A_27, %add3A_36 : i32
    "tpu.region"() ({
      %run_scoped3A = tpu.sem_alloc : memref<!tpu.dma_semaphore, #tpu.memory_space<semaphore_mem>>
      %dma_start3A_57 = arith.constant 0 : i32
      %dma_start3A_58 = tpu.memref_slice %arg12[%add3A_37, %dma_start3A_57] : memref<10240x128xbf16, #tpu.memory_space<vmem_shared>> -> memref<128x128xbf16, #tpu.memory_space<vmem_shared>>
      %dma_start3A_59 = arith.constant 0 : i32
      %dma_start3A_60 = tpu.memref_slice %arg12[%add3A_37, %dma_start3A_59] : memref<10240x128xbf16, #tpu.memory_space<vmem_shared>> -> memref<128x128xbf16, #tpu.memory_space<vmem_shared>>
      tpu.enqueue_dma source(%arg8 : memref<128x128xbf16, #tpu.memory_space<vmem>>) target(%dma_start3A_60 : memref<128x128xbf16, #tpu.memory_space<vmem_shared>>) target_semaphore(%run_scoped3A : memref<!tpu.dma_semaphore, #tpu.memory_space<semaphore_mem>>)
      %dma_wait3A_61 = arith.constant 0 : i32
      %dma_wait3A_62 = tpu.memref_slice %arg12[%add3A_37, %dma_wait3A_61] : memref<10240x128xbf16, #tpu.memory_space<vmem_shared>> -> memref<128x128xbf16, #tpu.memory_space<vmem_shared>>
      %dma_wait3A_63 = arith.constant 0 : i32
      %dma_wait3A_64 = tpu.memref_slice %arg12[%add3A_37, %dma_wait3A_63] : memref<10240x128xbf16, #tpu.memory_space<vmem_shared>> -> memref<128x128xbf16, #tpu.memory_space<vmem_shared>>
      tpu.wait_dma2 semaphore(%run_scoped3A : memref<!tpu.dma_semaphore, #tpu.memory_space<semaphore_mem>>) src(%arg8 : memref<128x128xbf16, #tpu.memory_space<vmem>>) dst(%dma_wait3A_64 : memref<128x128xbf16, #tpu.memory_space<vmem_shared>>)
      tpu.yield
    }) : () -> ()
    %dma_wait3A = arith.constant 0 : i32
    %dma_wait3A_38 = tpu.memref_slice %arg13[%mul3A_15, %dma_wait3A] : memref<10240x128xbf16, #tpu.memory_space<vmem_shared>> -> memref<640x128xbf16, #tpu.memory_space<vmem_shared>>
    %dma_wait3A_39 = arith.constant 0 : i32
    %dma_wait3A_40 = tpu.memref_slice %arg2[%mul3A_13, %dma_wait3A_39] : memref<10240x128xbf16, #tpu.memory_space<hbm>> -> memref<640x128xbf16, #tpu.memory_space<hbm>>
    tpu.wait_dma2 semaphore(%arg14 : memref<!tpu.dma_semaphore, #tpu.memory_space<semaphore_mem>>) src(%dma_wait3A_40 : memref<640x128xbf16, #tpu.memory_space<hbm>>) dst(%dma_wait3A_38 : memref<640x128xbf16, #tpu.memory_space<vmem_shared>>)
    %dma_wait3A_41 = arith.constant 0 : i32
    %dma_wait3A_42 = tpu.memref_slice %arg3[%select_n3A, %dma_wait3A_41] : memref<2652x128xi32, #tpu.memory_space<hbm>> -> memref<92x128xi32, #tpu.memory_space<hbm>>
    %dma_wait3A_43 = arith.constant 0 : i32
    %dma_wait3A_44 = tpu.memref_slice %arg3[%select_n3A, %dma_wait3A_43] : memref<2652x128xi32, #tpu.memory_space<hbm>> -> memref<92x128xi32, #tpu.memory_space<hbm>>
    tpu.wait_dma2 semaphore(%arg15 : memref<!tpu.dma_semaphore, #tpu.memory_space<semaphore_mem>>) src(%dma_wait3A_44 : memref<92x128xi32, #tpu.memory_space<hbm>>) dst(%arg6 : memref<92x128xi32, #tpu.memory_space<vmem>>)
    %barrier3A = arith.constant 0 : index
    tpu.barrier barrier_id(%barrier3A)
    %while3A = arith.constant 0 : i32
    %while3A_45 = arith.constant 0 : i32
    %while3A_46 = arith.subi %select_n3A_8, %while3A : i32
    %while3A_47 = arith.addi %while3A, %while3A_46 : i32
    %while3A_48 = arith.constant 1 : i32
    %while3A_49 = arith.divsi %while3A_46, %while3A_48 : i32
    %while3A_50 = arith.muli %while3A_49, %while3A_48 : i32
    %while3A_51 = arith.addi %while3A, %while3A_50 : i32
    %while3A_52 = arith.constant 1 : i32
    %while3A_53 = scf.for %while3A_57 = %while3A to %while3A_51 step %while3A_52 iter_args(%while3A_58 = %while3A_45) -> (i32)  : i32 {
      %mul3A_59 = arith.constant 4 : i32
      %mul3A_60 = arith.muli %mul3A_59, %while3A_57 : i32
      %dma_start3A_61 = arith.constant 0 : i32
      %dma_start3A_62 = tpu.memref_slice %arg6[%mul3A_60, %dma_start3A_61] : memref<92x128xi32, #tpu.memory_space<vmem>> -> memref<1x128xi32, #tpu.memory_space<vmem>>
      %dma_start3A_63 = tpu.memref_squeeze %dma_start3A_62 : memref<1x128xi32, #tpu.memory_space<vmem>> -> memref<128xi32, #tpu.memory_space<vmem>>
      %dma_start3A_64 = arith.constant 0 : i32
      %dma_start3A_65 = arith.constant 0 : i32
      %dma_start3A_66 = tpu.memref_slice %arg13[%dma_start3A_64, %dma_start3A_65] : memref<10240x128xbf16, #tpu.memory_space<vmem_shared>> -> memref<10240x128xbf16, #tpu.memory_space<vmem_shared>>
      tpu.enqueue_indirect_dma source(%dma_start3A_66 : memref<10240x128xbf16, #tpu.memory_space<vmem_shared>>) target(%arg8 : memref<128x128xbf16, #tpu.memory_space<vmem>>) offsets(%dma_start3A_63 : memref<128xi32, #tpu.memory_space<vmem>>) semaphore(%arg14 : memref<!tpu.dma_semaphore, #tpu.memory_space<semaphore_mem>>)
      %add3A_67 = arith.constant 1 : i32
      %add3A_68 = arith.addi %mul3A_60, %add3A_67 : i32
      %dma_start3A_69 = arith.constant 0 : i32
      %dma_start3A_70 = tpu.memref_slice %arg6[%add3A_68, %dma_start3A_69] : memref<92x128xi32, #tpu.memory_space<vmem>> -> memref<1x128xi32, #tpu.memory_space<vmem>>
      %dma_start3A_71 = tpu.memref_squeeze %dma_start3A_70 : memref<1x128xi32, #tpu.memory_space<vmem>> -> memref<128xi32, #tpu.memory_space<vmem>>
      %dma_start3A_72 = arith.constant 0 : i32
      %dma_start3A_73 = arith.constant 0 : i32
      %dma_start3A_74 = tpu.memref_slice %arg13[%dma_start3A_72, %dma_start3A_73] : memref<10240x128xbf16, #tpu.memory_space<vmem_shared>> -> memref<10240x128xbf16, #tpu.memory_space<vmem_shared>>
      tpu.enqueue_indirect_dma source(%dma_start3A_74 : memref<10240x128xbf16, #tpu.memory_space<vmem_shared>>) target(%arg9 : memref<128x128xbf16, #tpu.memory_space<vmem>>) offsets(%dma_start3A_71 : memref<128xi32, #tpu.memory_space<vmem>>) semaphore(%arg15 : memref<!tpu.dma_semaphore, #tpu.memory_space<semaphore_mem>>)
      %add3A_75 = arith.constant 2 : i32
      %add3A_76 = arith.addi %mul3A_60, %add3A_75 : i32
      %dma_start3A_77 = arith.constant 0 : i32
      %dma_start3A_78 = tpu.memref_slice %arg6[%add3A_76, %dma_start3A_77] : memref<92x128xi32, #tpu.memory_space<vmem>> -> memref<1x128xi32, #tpu.memory_space<vmem>>
      %dma_start3A_79 = tpu.memref_squeeze %dma_start3A_78 : memref<1x128xi32, #tpu.memory_space<vmem>> -> memref<128xi32, #tpu.memory_space<vmem>>
      %dma_start3A_80 = arith.constant 0 : i32
      %dma_start3A_81 = arith.constant 0 : i32
      %dma_start3A_82 = tpu.memref_slice %arg13[%dma_start3A_80, %dma_start3A_81] : memref<10240x128xbf16, #tpu.memory_space<vmem_shared>> -> memref<10240x128xbf16, #tpu.memory_space<vmem_shared>>
      tpu.enqueue_indirect_dma source(%dma_start3A_82 : memref<10240x128xbf16, #tpu.memory_space<vmem_shared>>) target(%arg10 : memref<128x128xbf16, #tpu.memory_space<vmem>>) offsets(%dma_start3A_79 : memref<128xi32, #tpu.memory_space<vmem>>) semaphore(%arg16 : memref<!tpu.dma_semaphore, #tpu.memory_space<semaphore_mem>>)
      %add3A_83 = arith.constant 3 : i32
      %add3A_84 = arith.addi %mul3A_60, %add3A_83 : i32
      %dma_start3A_85 = arith.constant 0 : i32
      %dma_start3A_86 = tpu.memref_slice %arg6[%add3A_84, %dma_start3A_85] : memref<92x128xi32, #tpu.memory_space<vmem>> -> memref<1x128xi32, #tpu.memory_space<vmem>>
      %dma_start3A_87 = tpu.memref_squeeze %dma_start3A_86 : memref<1x128xi32, #tpu.memory_space<vmem>> -> memref<128xi32, #tpu.memory_space<vmem>>
      %dma_start3A_88 = arith.constant 0 : i32
      %dma_start3A_89 = arith.constant 0 : i32
      %dma_start3A_90 = tpu.memref_slice %arg13[%dma_start3A_88, %dma_start3A_89] : memref<10240x128xbf16, #tpu.memory_space<vmem_shared>> -> memref<10240x128xbf16, #tpu.memory_space<vmem_shared>>
      tpu.enqueue_indirect_dma source(%dma_start3A_90 : memref<10240x128xbf16, #tpu.memory_space<vmem_shared>>) target(%arg11 : memref<128x128xbf16, #tpu.memory_space<vmem>>) offsets(%dma_start3A_87 : memref<128xi32, #tpu.memory_space<vmem>>) semaphore(%arg17 : memref<!tpu.dma_semaphore, #tpu.memory_space<semaphore_mem>>)
      %add3A_91 = arith.addi %select_n3A, %mul3A_60 : i32
      %dma_start3A_92 = arith.constant 0 : i32
      %dma_start3A_93 = tpu.memref_slice %arg4[%add3A_91, %dma_start3A_92] : memref<2652x128xi32, #tpu.memory_space<hbm>> -> memref<4x128xi32, #tpu.memory_space<hbm>>
      %dma_start3A_94 = arith.constant 0 : i32
      %dma_start3A_95 = tpu.memref_slice %arg4[%add3A_91, %dma_start3A_94] : memref<2652x128xi32, #tpu.memory_space<hbm>> -> memref<4x128xi32, #tpu.memory_space<hbm>>
      tpu.enqueue_dma source(%dma_start3A_95 : memref<4x128xi32, #tpu.memory_space<hbm>>) target(%arg7 : memref<4x128xi32, #tpu.memory_space<vmem>>) target_semaphore(%arg18 : memref<!tpu.dma_semaphore, #tpu.memory_space<semaphore_mem>>)
      %dma_wait3A_96 = arith.constant 0 : i32
      %dma_wait3A_97 = tpu.memref_slice %arg4[%add3A_91, %dma_wait3A_96] : memref<2652x128xi32, #tpu.memory_space<hbm>> -> memref<4x128xi32, #tpu.memory_space<hbm>>
      %dma_wait3A_98 = arith.constant 0 : i32
      %dma_wait3A_99 = tpu.memref_slice %arg4[%add3A_91, %dma_wait3A_98] : memref<2652x128xi32, #tpu.memory_space<hbm>> -> memref<4x128xi32, #tpu.memory_space<hbm>>
      tpu.wait_dma2 semaphore(%arg18 : memref<!tpu.dma_semaphore, #tpu.memory_space<semaphore_mem>>) src(%dma_wait3A_99 : memref<4x128xi32, #tpu.memory_space<hbm>>) dst(%arg7 : memref<4x128xi32, #tpu.memory_space<vmem>>)
      %dma_wait3A_100 = arith.constant 0 : i32
      %dma_wait3A_101 = tpu.memref_slice %arg6[%mul3A_60, %dma_wait3A_100] : memref<92x128xi32, #tpu.memory_space<vmem>> -> memref<1x128xi32, #tpu.memory_space<vmem>>
      %dma_wait3A_102 = tpu.memref_squeeze %dma_wait3A_101 : memref<1x128xi32, #tpu.memory_space<vmem>> -> memref<128xi32, #tpu.memory_space<vmem>>
      %dma_wait3A_103 = arith.constant 0 : i32
      %dma_wait3A_104 = arith.constant 0 : i32
      %dma_wait3A_105 = tpu.memref_slice %arg13[%dma_wait3A_103, %dma_wait3A_104] : memref<10240x128xbf16, #tpu.memory_space<vmem_shared>> -> memref<10240x128xbf16, #tpu.memory_space<vmem_shared>>
      tpu.wait_indirect_dma semaphore(%arg14 : memref<!tpu.dma_semaphore, #tpu.memory_space<semaphore_mem>>) src(%dma_wait3A_105 : memref<10240x128xbf16, #tpu.memory_space<vmem_shared>>) dst(%arg8 : memref<128x128xbf16, #tpu.memory_space<vmem>>)
      %run_scoped3A = arith.constant 0 : i32
      "tpu.region"() ({
        %run_scoped3A_128 = tpu.sem_alloc : memref<!tpu.dma_semaphore, #tpu.memory_space<semaphore_mem>>
        %dma_start3A_129 = arith.constant 0 : i32
        %dma_start3A_130 = tpu.memref_slice %arg7[%run_scoped3A, %dma_start3A_129] : memref<4x128xi32, #tpu.memory_space<vmem>> -> memref<1x128xi32, #tpu.memory_space<vmem>>
        %dma_start3A_131 = tpu.memref_squeeze %dma_start3A_130 : memref<1x128xi32, #tpu.memory_space<vmem>> -> memref<128xi32, #tpu.memory_space<vmem>>
        %dma_start3A_132 = arith.constant 0 : i32
        %dma_start3A_133 = arith.constant 0 : i32
        %dma_start3A_134 = tpu.memref_slice %arg12[%dma_start3A_132, %dma_start3A_133] : memref<10240x128xbf16, #tpu.memory_space<vmem_shared>> -> memref<10240x128xbf16, #tpu.memory_space<vmem_shared>>
        tpu.enqueue_indirect_dma source(%arg8 : memref<128x128xbf16, #tpu.memory_space<vmem>>) target(%dma_start3A_134 : memref<10240x128xbf16, #tpu.memory_space<vmem_shared>>) offsets(%dma_start3A_131 : memref<128xi32, #tpu.memory_space<vmem>>) semaphore(%run_scoped3A_128 : memref<!tpu.dma_semaphore, #tpu.memory_space<semaphore_mem>>) {add = true}
        %dma_wait3A_135 = arith.constant 0 : i32
        %dma_wait3A_136 = tpu.memref_slice %arg7[%run_scoped3A, %dma_wait3A_135] : memref<4x128xi32, #tpu.memory_space<vmem>> -> memref<1x128xi32, #tpu.memory_space<vmem>>
        %dma_wait3A_137 = tpu.memref_squeeze %dma_wait3A_136 : memref<1x128xi32, #tpu.memory_space<vmem>> -> memref<128xi32, #tpu.memory_space<vmem>>
        %dma_wait3A_138 = arith.constant 0 : i32
        %dma_wait3A_139 = arith.constant 0 : i32
        %dma_wait3A_140 = tpu.memref_slice %arg12[%dma_wait3A_138, %dma_wait3A_139] : memref<10240x128xbf16, #tpu.memory_space<vmem_shared>> -> memref<10240x128xbf16, #tpu.memory_space<vmem_shared>>
        tpu.wait_indirect_dma semaphore(%run_scoped3A_128 : memref<!tpu.dma_semaphore, #tpu.memory_space<semaphore_mem>>) src(%arg8 : memref<128x128xbf16, #tpu.memory_space<vmem>>) dst(%dma_wait3A_140 : memref<10240x128xbf16, #tpu.memory_space<vmem_shared>>)
        tpu.yield
      }) : () -> ()
      %dma_wait3A_106 = arith.constant 0 : i32
      %dma_wait3A_107 = tpu.memref_slice %arg6[%add3A_68, %dma_wait3A_106] : memref<92x128xi32, #tpu.memory_space<vmem>> -> memref<1x128xi32, #tpu.memory_space<vmem>>
      %dma_wait3A_108 = tpu.memref_squeeze %dma_wait3A_107 : memref<1x128xi32, #tpu.memory_space<vmem>> -> memref<128xi32, #tpu.memory_space<vmem>>
      %dma_wait3A_109 = arith.constant 0 : i32
      %dma_wait3A_110 = arith.constant 0 : i32
      %dma_wait3A_111 = tpu.memref_slice %arg13[%dma_wait3A_109, %dma_wait3A_110] : memref<10240x128xbf16, #tpu.memory_space<vmem_shared>> -> memref<10240x128xbf16, #tpu.memory_space<vmem_shared>>
      tpu.wait_indirect_dma semaphore(%arg15 : memref<!tpu.dma_semaphore, #tpu.memory_space<semaphore_mem>>) src(%dma_wait3A_111 : memref<10240x128xbf16, #tpu.memory_space<vmem_shared>>) dst(%arg9 : memref<128x128xbf16, #tpu.memory_space<vmem>>)
      %run_scoped3A_112 = arith.constant 1 : i32
      "tpu.region"() ({
        %run_scoped3A_128 = tpu.sem_alloc : memref<!tpu.dma_semaphore, #tpu.memory_space<semaphore_mem>>
        %dma_start3A_129 = arith.constant 0 : i32
        %dma_start3A_130 = tpu.memref_slice %arg7[%run_scoped3A_112, %dma_start3A_129] : memref<4x128xi32, #tpu.memory_space<vmem>> -> memref<1x128xi32, #tpu.memory_space<vmem>>
        %dma_start3A_131 = tpu.memref_squeeze %dma_start3A_130 : memref<1x128xi32, #tpu.memory_space<vmem>> -> memref<128xi32, #tpu.memory_space<vmem>>
        %dma_start3A_132 = arith.constant 0 : i32
        %dma_start3A_133 = arith.constant 0 : i32
        %dma_start3A_134 = tpu.memref_slice %arg12[%dma_start3A_132, %dma_start3A_133] : memref<10240x128xbf16, #tpu.memory_space<vmem_shared>> -> memref<10240x128xbf16, #tpu.memory_space<vmem_shared>>
        tpu.enqueue_indirect_dma source(%arg9 : memref<128x128xbf16, #tpu.memory_space<vmem>>) target(%dma_start3A_134 : memref<10240x128xbf16, #tpu.memory_space<vmem_shared>>) offsets(%dma_start3A_131 : memref<128xi32, #tpu.memory_space<vmem>>) semaphore(%run_scoped3A_128 : memref<!tpu.dma_semaphore, #tpu.memory_space<semaphore_mem>>) {add = true}
        %dma_wait3A_135 = arith.constant 0 : i32
        %dma_wait3A_136 = tpu.memref_slice %arg7[%run_scoped3A_112, %dma_wait3A_135] : memref<4x128xi32, #tpu.memory_space<vmem>> -> memref<1x128xi32, #tpu.memory_space<vmem>>
        %dma_wait3A_137 = tpu.memref_squeeze %dma_wait3A_136 : memref<1x128xi32, #tpu.memory_space<vmem>> -> memref<128xi32, #tpu.memory_space<vmem>>
        %dma_wait3A_138 = arith.constant 0 : i32
        %dma_wait3A_139 = arith.constant 0 : i32
        %dma_wait3A_140 = tpu.memref_slice %arg12[%dma_wait3A_138, %dma_wait3A_139] : memref<10240x128xbf16, #tpu.memory_space<vmem_shared>> -> memref<10240x128xbf16, #tpu.memory_space<vmem_shared>>
        tpu.wait_indirect_dma semaphore(%run_scoped3A_128 : memref<!tpu.dma_semaphore, #tpu.memory_space<semaphore_mem>>) src(%arg9 : memref<128x128xbf16, #tpu.memory_space<vmem>>) dst(%dma_wait3A_140 : memref<10240x128xbf16, #tpu.memory_space<vmem_shared>>)
        tpu.yield
      }) : () -> ()
      %dma_wait3A_113 = arith.constant 0 : i32
      %dma_wait3A_114 = tpu.memref_slice %arg6[%add3A_76, %dma_wait3A_113] : memref<92x128xi32, #tpu.memory_space<vmem>> -> memref<1x128xi32, #tpu.memory_space<vmem>>
      %dma_wait3A_115 = tpu.memref_squeeze %dma_wait3A_114 : memref<1x128xi32, #tpu.memory_space<vmem>> -> memref<128xi32, #tpu.memory_space<vmem>>
      %dma_wait3A_116 = arith.constant 0 : i32
      %dma_wait3A_117 = arith.constant 0 : i32
      %dma_wait3A_118 = tpu.memref_slice %arg13[%dma_wait3A_116, %dma_wait3A_117] : memref<10240x128xbf16, #tpu.memory_space<vmem_shared>> -> memref<10240x128xbf16, #tpu.memory_space<vmem_shared>>
      tpu.wait_indirect_dma semaphore(%arg16 : memref<!tpu.dma_semaphore, #tpu.memory_space<semaphore_mem>>) src(%dma_wait3A_118 : memref<10240x128xbf16, #tpu.memory_space<vmem_shared>>) dst(%arg10 : memref<128x128xbf16, #tpu.memory_space<vmem>>)
      %run_scoped3A_119 = arith.constant 2 : i32
      "tpu.region"() ({
        %run_scoped3A_128 = tpu.sem_alloc : memref<!tpu.dma_semaphore, #tpu.memory_space<semaphore_mem>>
        %dma_start3A_129 = arith.constant 0 : i32
        %dma_start3A_130 = tpu.memref_slice %arg7[%run_scoped3A_119, %dma_start3A_129] : memref<4x128xi32, #tpu.memory_space<vmem>> -> memref<1x128xi32, #tpu.memory_space<vmem>>
        %dma_start3A_131 = tpu.memref_squeeze %dma_start3A_130 : memref<1x128xi32, #tpu.memory_space<vmem>> -> memref<128xi32, #tpu.memory_space<vmem>>
        %dma_start3A_132 = arith.constant 0 : i32
        %dma_start3A_133 = arith.constant 0 : i32
        %dma_start3A_134 = tpu.memref_slice %arg12[%dma_start3A_132, %dma_start3A_133] : memref<10240x128xbf16, #tpu.memory_space<vmem_shared>> -> memref<10240x128xbf16, #tpu.memory_space<vmem_shared>>
        tpu.enqueue_indirect_dma source(%arg10 : memref<128x128xbf16, #tpu.memory_space<vmem>>) target(%dma_start3A_134 : memref<10240x128xbf16, #tpu.memory_space<vmem_shared>>) offsets(%dma_start3A_131 : memref<128xi32, #tpu.memory_space<vmem>>) semaphore(%run_scoped3A_128 : memref<!tpu.dma_semaphore, #tpu.memory_space<semaphore_mem>>) {add = true}
        %dma_wait3A_135 = arith.constant 0 : i32
        %dma_wait3A_136 = tpu.memref_slice %arg7[%run_scoped3A_119, %dma_wait3A_135] : memref<4x128xi32, #tpu.memory_space<vmem>> -> memref<1x128xi32, #tpu.memory_space<vmem>>
        %dma_wait3A_137 = tpu.memref_squeeze %dma_wait3A_136 : memref<1x128xi32, #tpu.memory_space<vmem>> -> memref<128xi32, #tpu.memory_space<vmem>>
        %dma_wait3A_138 = arith.constant 0 : i32
        %dma_wait3A_139 = arith.constant 0 : i32
        %dma_wait3A_140 = tpu.memref_slice %arg12[%dma_wait3A_138, %dma_wait3A_139] : memref<10240x128xbf16, #tpu.memory_space<vmem_shared>> -> memref<10240x128xbf16, #tpu.memory_space<vmem_shared>>
        tpu.wait_indirect_dma semaphore(%run_scoped3A_128 : memref<!tpu.dma_semaphore, #tpu.memory_space<semaphore_mem>>) src(%arg10 : memref<128x128xbf16, #tpu.memory_space<vmem>>) dst(%dma_wait3A_140 : memref<10240x128xbf16, #tpu.memory_space<vmem_shared>>)
        tpu.yield
      }) : () -> ()
      %dma_wait3A_120 = arith.constant 0 : i32
      %dma_wait3A_121 = tpu.memref_slice %arg6[%add3A_84, %dma_wait3A_120] : memref<92x128xi32, #tpu.memory_space<vmem>> -> memref<1x128xi32, #tpu.memory_space<vmem>>
      %dma_wait3A_122 = tpu.memref_squeeze %dma_wait3A_121 : memref<1x128xi32, #tpu.memory_space<vmem>> -> memref<128xi32, #tpu.memory_space<vmem>>
      %dma_wait3A_123 = arith.constant 0 : i32
      %dma_wait3A_124 = arith.constant 0 : i32
      %dma_wait3A_125 = tpu.memref_slice %arg13[%dma_wait3A_123, %dma_wait3A_124] : memref<10240x128xbf16, #tpu.memory_space<vmem_shared>> -> memref<10240x128xbf16, #tpu.memory_space<vmem_shared>>
      tpu.wait_indirect_dma semaphore(%arg17 : memref<!tpu.dma_semaphore, #tpu.memory_space<semaphore_mem>>) src(%dma_wait3A_125 : memref<10240x128xbf16, #tpu.memory_space<vmem_shared>>) dst(%arg11 : memref<128x128xbf16, #tpu.memory_space<vmem>>)
      %run_scoped3A_126 = arith.constant 3 : i32
      "tpu.region"() ({
        %run_scoped3A_128 = tpu.sem_alloc : memref<!tpu.dma_semaphore, #tpu.memory_space<semaphore_mem>>
        %dma_start3A_129 = arith.constant 0 : i32
        %dma_start3A_130 = tpu.memref_slice %arg7[%run_scoped3A_126, %dma_start3A_129] : memref<4x128xi32, #tpu.memory_space<vmem>> -> memref<1x128xi32, #tpu.memory_space<vmem>>
        %dma_start3A_131 = tpu.memref_squeeze %dma_start3A_130 : memref<1x128xi32, #tpu.memory_space<vmem>> -> memref<128xi32, #tpu.memory_space<vmem>>
        %dma_start3A_132 = arith.constant 0 : i32
        %dma_start3A_133 = arith.constant 0 : i32
        %dma_start3A_134 = tpu.memref_slice %arg12[%dma_start3A_132, %dma_start3A_133] : memref<10240x128xbf16, #tpu.memory_space<vmem_shared>> -> memref<10240x128xbf16, #tpu.memory_space<vmem_shared>>
        tpu.enqueue_indirect_dma source(%arg11 : memref<128x128xbf16, #tpu.memory_space<vmem>>) target(%dma_start3A_134 : memref<10240x128xbf16, #tpu.memory_space<vmem_shared>>) offsets(%dma_start3A_131 : memref<128xi32, #tpu.memory_space<vmem>>) semaphore(%run_scoped3A_128 : memref<!tpu.dma_semaphore, #tpu.memory_space<semaphore_mem>>) {add = true}
        %dma_wait3A_135 = arith.constant 0 : i32
        %dma_wait3A_136 = tpu.memref_slice %arg7[%run_scoped3A_126, %dma_wait3A_135] : memref<4x128xi32, #tpu.memory_space<vmem>> -> memref<1x128xi32, #tpu.memory_space<vmem>>
        %dma_wait3A_137 = tpu.memref_squeeze %dma_wait3A_136 : memref<1x128xi32, #tpu.memory_space<vmem>> -> memref<128xi32, #tpu.memory_space<vmem>>
        %dma_wait3A_138 = arith.constant 0 : i32
        %dma_wait3A_139 = arith.constant 0 : i32
        %dma_wait3A_140 = tpu.memref_slice %arg12[%dma_wait3A_138, %dma_wait3A_139] : memref<10240x128xbf16, #tpu.memory_space<vmem_shared>> -> memref<10240x128xbf16, #tpu.memory_space<vmem_shared>>
        tpu.wait_indirect_dma semaphore(%run_scoped3A_128 : memref<!tpu.dma_semaphore, #tpu.memory_space<semaphore_mem>>) src(%arg11 : memref<128x128xbf16, #tpu.memory_space<vmem>>) dst(%dma_wait3A_140 : memref<10240x128xbf16, #tpu.memory_space<vmem_shared>>)
        tpu.yield
      }) : () -> ()
      %while3A_127 = arith.constant 0 : i32
      scf.yield %while3A_127 : i32
    }
    %while3A_54 = arith.constant 1 : i32
    %while3A_55 = scf.for %while3A_57 = %while3A_51 to %while3A_47 step %while3A_54 iter_args(%while3A_58 = %while3A_53) -> (i32)  : i32 {
      %mul3A_59 = arith.constant 4 : i32
      %mul3A_60 = arith.muli %mul3A_59, %while3A_57 : i32
      %dma_start3A_61 = arith.constant 0 : i32
      %dma_start3A_62 = tpu.memref_slice %arg6[%mul3A_60, %dma_start3A_61] : memref<92x128xi32, #tpu.memory_space<vmem>> -> memref<1x128xi32, #tpu.memory_space<vmem>>
      %dma_start3A_63 = tpu.memref_squeeze %dma_start3A_62 : memref<1x128xi32, #tpu.memory_space<vmem>> -> memref<128xi32, #tpu.memory_space<vmem>>
      %dma_start3A_64 = arith.constant 0 : i32
      %dma_start3A_65 = arith.constant 0 : i32
      %dma_start3A_66 = tpu.memref_slice %arg13[%dma_start3A_64, %dma_start3A_65] : memref<10240x128xbf16, #tpu.memory_space<vmem_shared>> -> memref<10240x128xbf16, #tpu.memory_space<vmem_shared>>
      tpu.enqueue_indirect_dma source(%dma_start3A_66 : memref<10240x128xbf16, #tpu.memory_space<vmem_shared>>) target(%arg8 : memref<128x128xbf16, #tpu.memory_space<vmem>>) offsets(%dma_start3A_63 : memref<128xi32, #tpu.memory_space<vmem>>) semaphore(%arg14 : memref<!tpu.dma_semaphore, #tpu.memory_space<semaphore_mem>>)
      %add3A_67 = arith.constant 1 : i32
      %add3A_68 = arith.addi %mul3A_60, %add3A_67 : i32
      %dma_start3A_69 = arith.constant 0 : i32
      %dma_start3A_70 = tpu.memref_slice %arg6[%add3A_68, %dma_start3A_69] : memref<92x128xi32, #tpu.memory_space<vmem>> -> memref<1x128xi32, #tpu.memory_space<vmem>>
      %dma_start3A_71 = tpu.memref_squeeze %dma_start3A_70 : memref<1x128xi32, #tpu.memory_space<vmem>> -> memref<128xi32, #tpu.memory_space<vmem>>
      %dma_start3A_72 = arith.constant 0 : i32
      %dma_start3A_73 = arith.constant 0 : i32
      %dma_start3A_74 = tpu.memref_slice %arg13[%dma_start3A_72, %dma_start3A_73] : memref<10240x128xbf16, #tpu.memory_space<vmem_shared>> -> memref<10240x128xbf16, #tpu.memory_space<vmem_shared>>
      tpu.enqueue_indirect_dma source(%dma_start3A_74 : memref<10240x128xbf16, #tpu.memory_space<vmem_shared>>) target(%arg9 : memref<128x128xbf16, #tpu.memory_space<vmem>>) offsets(%dma_start3A_71 : memref<128xi32, #tpu.memory_space<vmem>>) semaphore(%arg15 : memref<!tpu.dma_semaphore, #tpu.memory_space<semaphore_mem>>)
      %add3A_75 = arith.constant 2 : i32
      %add3A_76 = arith.addi %mul3A_60, %add3A_75 : i32
      %dma_start3A_77 = arith.constant 0 : i32
      %dma_start3A_78 = tpu.memref_slice %arg6[%add3A_76, %dma_start3A_77] : memref<92x128xi32, #tpu.memory_space<vmem>> -> memref<1x128xi32, #tpu.memory_space<vmem>>
      %dma_start3A_79 = tpu.memref_squeeze %dma_start3A_78 : memref<1x128xi32, #tpu.memory_space<vmem>> -> memref<128xi32, #tpu.memory_space<vmem>>
      %dma_start3A_80 = arith.constant 0 : i32
      %dma_start3A_81 = arith.constant 0 : i32
      %dma_start3A_82 = tpu.memref_slice %arg13[%dma_start3A_80, %dma_start3A_81] : memref<10240x128xbf16, #tpu.memory_space<vmem_shared>> -> memref<10240x128xbf16, #tpu.memory_space<vmem_shared>>
      tpu.enqueue_indirect_dma source(%dma_start3A_82 : memref<10240x128xbf16, #tpu.memory_space<vmem_shared>>) target(%arg10 : memref<128x128xbf16, #tpu.memory_space<vmem>>) offsets(%dma_start3A_79 : memref<128xi32, #tpu.memory_space<vmem>>) semaphore(%arg16 : memref<!tpu.dma_semaphore, #tpu.memory_space<semaphore_mem>>)
      %add3A_83 = arith.constant 3 : i32
      %add3A_84 = arith.addi %mul3A_60, %add3A_83 : i32
      %dma_start3A_85 = arith.constant 0 : i32
      %dma_start3A_86 = tpu.memref_slice %arg6[%add3A_84, %dma_start3A_85] : memref<92x128xi32, #tpu.memory_space<vmem>> -> memref<1x128xi32, #tpu.memory_space<vmem>>
      %dma_start3A_87 = tpu.memref_squeeze %dma_start3A_86 : memref<1x128xi32, #tpu.memory_space<vmem>> -> memref<128xi32, #tpu.memory_space<vmem>>
      %dma_start3A_88 = arith.constant 0 : i32
      %dma_start3A_89 = arith.constant 0 : i32
      %dma_start3A_90 = tpu.memref_slice %arg13[%dma_start3A_88, %dma_start3A_89] : memref<10240x128xbf16, #tpu.memory_space<vmem_shared>> -> memref<10240x128xbf16, #tpu.memory_space<vmem_shared>>
      tpu.enqueue_indirect_dma source(%dma_start3A_90 : memref<10240x128xbf16, #tpu.memory_space<vmem_shared>>) target(%arg11 : memref<128x128xbf16, #tpu.memory_space<vmem>>) offsets(%dma_start3A_87 : memref<128xi32, #tpu.memory_space<vmem>>) semaphore(%arg17 : memref<!tpu.dma_semaphore, #tpu.memory_space<semaphore_mem>>)
      %add3A_91 = arith.addi %select_n3A, %mul3A_60 : i32
      %dma_start3A_92 = arith.constant 0 : i32
      %dma_start3A_93 = tpu.memref_slice %arg4[%add3A_91, %dma_start3A_92] : memref<2652x128xi32, #tpu.memory_space<hbm>> -> memref<4x128xi32, #tpu.memory_space<hbm>>
      %dma_start3A_94 = arith.constant 0 : i32
      %dma_start3A_95 = tpu.memref_slice %arg4[%add3A_91, %dma_start3A_94] : memref<2652x128xi32, #tpu.memory_space<hbm>> -> memref<4x128xi32, #tpu.memory_space<hbm>>
      tpu.enqueue_dma source(%dma_start3A_95 : memref<4x128xi32, #tpu.memory_space<hbm>>) target(%arg7 : memref<4x128xi32, #tpu.memory_space<vmem>>) target_semaphore(%arg18 : memref<!tpu.dma_semaphore, #tpu.memory_space<semaphore_mem>>)
      %dma_wait3A_96 = arith.constant 0 : i32
      %dma_wait3A_97 = tpu.memref_slice %arg4[%add3A_91, %dma_wait3A_96] : memref<2652x128xi32, #tpu.memory_space<hbm>> -> memref<4x128xi32, #tpu.memory_space<hbm>>
      %dma_wait3A_98 = arith.constant 0 : i32
      %dma_wait3A_99 = tpu.memref_slice %arg4[%add3A_91, %dma_wait3A_98] : memref<2652x128xi32, #tpu.memory_space<hbm>> -> memref<4x128xi32, #tpu.memory_space<hbm>>
      tpu.wait_dma2 semaphore(%arg18 : memref<!tpu.dma_semaphore, #tpu.memory_space<semaphore_mem>>) src(%dma_wait3A_99 : memref<4x128xi32, #tpu.memory_space<hbm>>) dst(%arg7 : memref<4x128xi32, #tpu.memory_space<vmem>>)
      %dma_wait3A_100 = arith.constant 0 : i32
      %dma_wait3A_101 = tpu.memref_slice %arg6[%mul3A_60, %dma_wait3A_100] : memref<92x128xi32, #tpu.memory_space<vmem>> -> memref<1x128xi32, #tpu.memory_space<vmem>>
      %dma_wait3A_102 = tpu.memref_squeeze %dma_wait3A_101 : memref<1x128xi32, #tpu.memory_space<vmem>> -> memref<128xi32, #tpu.memory_space<vmem>>
      %dma_wait3A_103 = arith.constant 0 : i32
      %dma_wait3A_104 = arith.constant 0 : i32
      %dma_wait3A_105 = tpu.memref_slice %arg13[%dma_wait3A_103, %dma_wait3A_104] : memref<10240x128xbf16, #tpu.memory_space<vmem_shared>> -> memref<10240x128xbf16, #tpu.memory_space<vmem_shared>>
      tpu.wait_indirect_dma semaphore(%arg14 : memref<!tpu.dma_semaphore, #tpu.memory_space<semaphore_mem>>) src(%dma_wait3A_105 : memref<10240x128xbf16, #tpu.memory_space<vmem_shared>>) dst(%arg8 : memref<128x128xbf16, #tpu.memory_space<vmem>>)
      %run_scoped3A = arith.constant 0 : i32
      "tpu.region"() ({
        %run_scoped3A_128 = tpu.sem_alloc : memref<!tpu.dma_semaphore, #tpu.memory_space<semaphore_mem>>
        %dma_start3A_129 = arith.constant 0 : i32
        %dma_start3A_130 = tpu.memref_slice %arg7[%run_scoped3A, %dma_start3A_129] : memref<4x128xi32, #tpu.memory_space<vmem>> -> memref<1x128xi32, #tpu.memory_space<vmem>>
        %dma_start3A_131 = tpu.memref_squeeze %dma_start3A_130 : memref<1x128xi32, #tpu.memory_space<vmem>> -> memref<128xi32, #tpu.memory_space<vmem>>
        %dma_start3A_132 = arith.constant 0 : i32
        %dma_start3A_133 = arith.constant 0 : i32
        %dma_start3A_134 = tpu.memref_slice %arg12[%dma_start3A_132, %dma_start3A_133] : memref<10240x128xbf16, #tpu.memory_space<vmem_shared>> -> memref<10240x128xbf16, #tpu.memory_space<vmem_shared>>
        tpu.enqueue_indirect_dma source(%arg8 : memref<128x128xbf16, #tpu.memory_space<vmem>>) target(%dma_start3A_134 : memref<10240x128xbf16, #tpu.memory_space<vmem_shared>>) offsets(%dma_start3A_131 : memref<128xi32, #tpu.memory_space<vmem>>) semaphore(%run_scoped3A_128 : memref<!tpu.dma_semaphore, #tpu.memory_space<semaphore_mem>>) {add = true}
        %dma_wait3A_135 = arith.constant 0 : i32
        %dma_wait3A_136 = tpu.memref_slice %arg7[%run_scoped3A, %dma_wait3A_135] : memref<4x128xi32, #tpu.memory_space<vmem>> -> memref<1x128xi32, #tpu.memory_space<vmem>>
        %dma_wait3A_137 = tpu.memref_squeeze %dma_wait3A_136 : memref<1x128xi32, #tpu.memory_space<vmem>> -> memref<128xi32, #tpu.memory_space<vmem>>
        %dma_wait3A_138 = arith.constant 0 : i32
        %dma_wait3A_139 = arith.constant 0 : i32
        %dma_wait3A_140 = tpu.memref_slice %arg12[%dma_wait3A_138, %dma_wait3A_139] : memref<10240x128xbf16, #tpu.memory_space<vmem_shared>> -> memref<10240x128xbf16, #tpu.memory_space<vmem_shared>>
        tpu.wait_indirect_dma semaphore(%run_scoped3A_128 : memref<!tpu.dma_semaphore, #tpu.memory_space<semaphore_mem>>) src(%arg8 : memref<128x128xbf16, #tpu.memory_space<vmem>>) dst(%dma_wait3A_140 : memref<10240x128xbf16, #tpu.memory_space<vmem_shared>>)
        tpu.yield
      }) : () -> ()
      %dma_wait3A_106 = arith.constant 0 : i32
      %dma_wait3A_107 = tpu.memref_slice %arg6[%add3A_68, %dma_wait3A_106] : memref<92x128xi32, #tpu.memory_space<vmem>> -> memref<1x128xi32, #tpu.memory_space<vmem>>
      %dma_wait3A_108 = tpu.memref_squeeze %dma_wait3A_107 : memref<1x128xi32, #tpu.memory_space<vmem>> -> memref<128xi32, #tpu.memory_space<vmem>>
      %dma_wait3A_109 = arith.constant 0 : i32
      %dma_wait3A_110 = arith.constant 0 : i32
      %dma_wait3A_111 = tpu.memref_slice %arg13[%dma_wait3A_109, %dma_wait3A_110] : memref<10240x128xbf16, #tpu.memory_space<vmem_shared>> -> memref<10240x128xbf16, #tpu.memory_space<vmem_shared>>
      tpu.wait_indirect_dma semaphore(%arg15 : memref<!tpu.dma_semaphore, #tpu.memory_space<semaphore_mem>>) src(%dma_wait3A_111 : memref<10240x128xbf16, #tpu.memory_space<vmem_shared>>) dst(%arg9 : memref<128x128xbf16, #tpu.memory_space<vmem>>)
      %run_scoped3A_112 = arith.constant 1 : i32
      "tpu.region"() ({
        %run_scoped3A_128 = tpu.sem_alloc : memref<!tpu.dma_semaphore, #tpu.memory_space<semaphore_mem>>
        %dma_start3A_129 = arith.constant 0 : i32
        %dma_start3A_130 = tpu.memref_slice %arg7[%run_scoped3A_112, %dma_start3A_129] : memref<4x128xi32, #tpu.memory_space<vmem>> -> memref<1x128xi32, #tpu.memory_space<vmem>>
        %dma_start3A_131 = tpu.memref_squeeze %dma_start3A_130 : memref<1x128xi32, #tpu.memory_space<vmem>> -> memref<128xi32, #tpu.memory_space<vmem>>
        %dma_start3A_132 = arith.constant 0 : i32
        %dma_start3A_133 = arith.constant 0 : i32
        %dma_start3A_134 = tpu.memref_slice %arg12[%dma_start3A_132, %dma_start3A_133] : memref<10240x128xbf16, #tpu.memory_space<vmem_shared>> -> memref<10240x128xbf16, #tpu.memory_space<vmem_shared>>
        tpu.enqueue_indirect_dma source(%arg9 : memref<128x128xbf16, #tpu.memory_space<vmem>>) target(%dma_start3A_134 : memref<10240x128xbf16, #tpu.memory_space<vmem_shared>>) offsets(%dma_start3A_131 : memref<128xi32, #tpu.memory_space<vmem>>) semaphore(%run_scoped3A_128 : memref<!tpu.dma_semaphore, #tpu.memory_space<semaphore_mem>>) {add = true}
        %dma_wait3A_135 = arith.constant 0 : i32
        %dma_wait3A_136 = tpu.memref_slice %arg7[%run_scoped3A_112, %dma_wait3A_135] : memref<4x128xi32, #tpu.memory_space<vmem>> -> memref<1x128xi32, #tpu.memory_space<vmem>>
        %dma_wait3A_137 = tpu.memref_squeeze %dma_wait3A_136 : memref<1x128xi32, #tpu.memory_space<vmem>> -> memref<128xi32, #tpu.memory_space<vmem>>
        %dma_wait3A_138 = arith.constant 0 : i32
        %dma_wait3A_139 = arith.constant 0 : i32
        %dma_wait3A_140 = tpu.memref_slice %arg12[%dma_wait3A_138, %dma_wait3A_139] : memref<10240x128xbf16, #tpu.memory_space<vmem_shared>> -> memref<10240x128xbf16, #tpu.memory_space<vmem_shared>>
        tpu.wait_indirect_dma semaphore(%run_scoped3A_128 : memref<!tpu.dma_semaphore, #tpu.memory_space<semaphore_mem>>) src(%arg9 : memref<128x128xbf16, #tpu.memory_space<vmem>>) dst(%dma_wait3A_140 : memref<10240x128xbf16, #tpu.memory_space<vmem_shared>>)
        tpu.yield
      }) : () -> ()
      %dma_wait3A_113 = arith.constant 0 : i32
      %dma_wait3A_114 = tpu.memref_slice %arg6[%add3A_76, %dma_wait3A_113] : memref<92x128xi32, #tpu.memory_space<vmem>> -> memref<1x128xi32, #tpu.memory_space<vmem>>
      %dma_wait3A_115 = tpu.memref_squeeze %dma_wait3A_114 : memref<1x128xi32, #tpu.memory_space<vmem>> -> memref<128xi32, #tpu.memory_space<vmem>>
      %dma_wait3A_116 = arith.constant 0 : i32
      %dma_wait3A_117 = arith.constant 0 : i32
      %dma_wait3A_118 = tpu.memref_slice %arg13[%dma_wait3A_116, %dma_wait3A_117] : memref<10240x128xbf16, #tpu.memory_space<vmem_shared>> -> memref<10240x128xbf16, #tpu.memory_space<vmem_shared>>
      tpu.wait_indirect_dma semaphore(%arg16 : memref<!tpu.dma_semaphore, #tpu.memory_space<semaphore_mem>>) src(%dma_wait3A_118 : memref<10240x128xbf16, #tpu.memory_space<vmem_shared>>) dst(%arg10 : memref<128x128xbf16, #tpu.memory_space<vmem>>)
      %run_scoped3A_119 = arith.constant 2 : i32
      "tpu.region"() ({
        %run_scoped3A_128 = tpu.sem_alloc : memref<!tpu.dma_semaphore, #tpu.memory_space<semaphore_mem>>
        %dma_start3A_129 = arith.constant 0 : i32
        %dma_start3A_130 = tpu.memref_slice %arg7[%run_scoped3A_119, %dma_start3A_129] : memref<4x128xi32, #tpu.memory_space<vmem>> -> memref<1x128xi32, #tpu.memory_space<vmem>>
        %dma_start3A_131 = tpu.memref_squeeze %dma_start3A_130 : memref<1x128xi32, #tpu.memory_space<vmem>> -> memref<128xi32, #tpu.memory_space<vmem>>
        %dma_start3A_132 = arith.constant 0 : i32
        %dma_start3A_133 = arith.constant 0 : i32
        %dma_start3A_134 = tpu.memref_slice %arg12[%dma_start3A_132, %dma_start3A_133] : memref<10240x128xbf16, #tpu.memory_space<vmem_shared>> -> memref<10240x128xbf16, #tpu.memory_space<vmem_shared>>
        tpu.enqueue_indirect_dma source(%arg10 : memref<128x128xbf16, #tpu.memory_space<vmem>>) target(%dma_start3A_134 : memref<10240x128xbf16, #tpu.memory_space<vmem_shared>>) offsets(%dma_start3A_131 : memref<128xi32, #tpu.memory_space<vmem>>) semaphore(%run_scoped3A_128 : memref<!tpu.dma_semaphore, #tpu.memory_space<semaphore_mem>>) {add = true}
        %dma_wait3A_135 = arith.constant 0 : i32
        %dma_wait3A_136 = tpu.memref_slice %arg7[%run_scoped3A_119, %dma_wait3A_135] : memref<4x128xi32, #tpu.memory_space<vmem>> -> memref<1x128xi32, #tpu.memory_space<vmem>>
        %dma_wait3A_137 = tpu.memref_squeeze %dma_wait3A_136 : memref<1x128xi32, #tpu.memory_space<vmem>> -> memref<128xi32, #tpu.memory_space<vmem>>
        %dma_wait3A_138 = arith.constant 0 : i32
        %dma_wait3A_139 = arith.constant 0 : i32
        %dma_wait3A_140 = tpu.memref_slice %arg12[%dma_wait3A_138, %dma_wait3A_139] : memref<10240x128xbf16, #tpu.memory_space<vmem_shared>> -> memref<10240x128xbf16, #tpu.memory_space<vmem_shared>>
        tpu.wait_indirect_dma semaphore(%run_scoped3A_128 : memref<!tpu.dma_semaphore, #tpu.memory_space<semaphore_mem>>) src(%arg10 : memref<128x128xbf16, #tpu.memory_space<vmem>>) dst(%dma_wait3A_140 : memref<10240x128xbf16, #tpu.memory_space<vmem_shared>>)
        tpu.yield
      }) : () -> ()
      %dma_wait3A_120 = arith.constant 0 : i32
      %dma_wait3A_121 = tpu.memref_slice %arg6[%add3A_84, %dma_wait3A_120] : memref<92x128xi32, #tpu.memory_space<vmem>> -> memref<1x128xi32, #tpu.memory_space<vmem>>
      %dma_wait3A_122 = tpu.memref_squeeze %dma_wait3A_121 : memref<1x128xi32, #tpu.memory_space<vmem>> -> memref<128xi32, #tpu.memory_space<vmem>>
      %dma_wait3A_123 = arith.constant 0 : i32
      %dma_wait3A_124 = arith.constant 0 : i32
      %dma_wait3A_125 = tpu.memref_slice %arg13[%dma_wait3A_123, %dma_wait3A_124] : memref<10240x128xbf16, #tpu.memory_space<vmem_shared>> -> memref<10240x128xbf16, #tpu.memory_space<vmem_shared>>
      tpu.wait_indirect_dma semaphore(%arg17 : memref<!tpu.dma_semaphore, #tpu.memory_space<semaphore_mem>>) src(%dma_wait3A_125 : memref<10240x128xbf16, #tpu.memory_space<vmem_shared>>) dst(%arg11 : memref<128x128xbf16, #tpu.memory_space<vmem>>)
      %run_scoped3A_126 = arith.constant 3 : i32
      "tpu.region"() ({
        %run_scoped3A_128 = tpu.sem_alloc : memref<!tpu.dma_semaphore, #tpu.memory_space<semaphore_mem>>
        %dma_start3A_129 = arith.constant 0 : i32
        %dma_start3A_130 = tpu.memref_slice %arg7[%run_scoped3A_126, %dma_start3A_129] : memref<4x128xi32, #tpu.memory_space<vmem>> -> memref<1x128xi32, #tpu.memory_space<vmem>>
        %dma_start3A_131 = tpu.memref_squeeze %dma_start3A_130 : memref<1x128xi32, #tpu.memory_space<vmem>> -> memref<128xi32, #tpu.memory_space<vmem>>
        %dma_start3A_132 = arith.constant 0 : i32
        %dma_start3A_133 = arith.constant 0 : i32
        %dma_start3A_134 = tpu.memref_slice %arg12[%dma_start3A_132, %dma_start3A_133] : memref<10240x128xbf16, #tpu.memory_space<vmem_shared>> -> memref<10240x128xbf16, #tpu.memory_space<vmem_shared>>
        tpu.enqueue_indirect_dma source(%arg11 : memref<128x128xbf16, #tpu.memory_space<vmem>>) target(%dma_start3A_134 : memref<10240x128xbf16, #tpu.memory_space<vmem_shared>>) offsets(%dma_start3A_131 : memref<128xi32, #tpu.memory_space<vmem>>) semaphore(%run_scoped3A_128 : memref<!tpu.dma_semaphore, #tpu.memory_space<semaphore_mem>>) {add = true}
        %dma_wait3A_135 = arith.constant 0 : i32
        %dma_wait3A_136 = tpu.memref_slice %arg7[%run_scoped3A_126, %dma_wait3A_135] : memref<4x128xi32, #tpu.memory_space<vmem>> -> memref<1x128xi32, #tpu.memory_space<vmem>>
        %dma_wait3A_137 = tpu.memref_squeeze %dma_wait3A_136 : memref<1x128xi32, #tpu.memory_space<vmem>> -> memref<128xi32, #tpu.memory_space<vmem>>
        %dma_wait3A_138 = arith.constant 0 : i32
        %dma_wait3A_139 = arith.constant 0 : i32
        %dma_wait3A_140 = tpu.memref_slice %arg12[%dma_wait3A_138, %dma_wait3A_139] : memref<10240x128xbf16, #tpu.memory_space<vmem_shared>> -> memref<10240x128xbf16, #tpu.memory_space<vmem_shared>>
        tpu.wait_indirect_dma semaphore(%run_scoped3A_128 : memref<!tpu.dma_semaphore, #tpu.memory_space<semaphore_mem>>) src(%arg11 : memref<128x128xbf16, #tpu.memory_space<vmem>>) dst(%dma_wait3A_140 : memref<10240x128xbf16, #tpu.memory_space<vmem_shared>>)
        tpu.yield
      }) : () -> ()
      %while3A_127 = arith.constant 0 : i32
      scf.yield %while3A_127 : i32
    }
    %barrier3A_56 = arith.constant 0 : index
    tpu.barrier barrier_id(%barrier3A_56)
    "tpu.region"() ({
      %run_scoped3A = tpu.sem_alloc : memref<!tpu.dma_semaphore, #tpu.memory_space<semaphore_mem>>
      %dma_start3A_57 = arith.constant 0 : i32
      %dma_start3A_58 = tpu.memref_slice %arg5[%arg0, %mul3A_27, %dma_start3A_57] : memref<2x10240x128xbf16, #tpu.memory_space<hbm>> -> memref<1x640x128xbf16, #tpu.memory_space<hbm>>
      %dma_start3A_59 = tpu.memref_squeeze %dma_start3A_58 : memref<1x640x128xbf16, #tpu.memory_space<hbm>> -> memref<640x128xbf16, #tpu.memory_space<hbm>>
      %dma_start3A_60 = arith.constant 0 : i32
      %dma_start3A_61 = tpu.memref_slice %arg12[%mul3A_27, %dma_start3A_60] : memref<10240x128xbf16, #tpu.memory_space<vmem_shared>> -> memref<640x128xbf16, #tpu.memory_space<vmem_shared>>
      tpu.enqueue_dma source(%dma_start3A_61 : memref<640x128xbf16, #tpu.memory_space<vmem_shared>>) target(%dma_start3A_59 : memref<640x128xbf16, #tpu.memory_space<hbm>>) target_semaphore(%run_scoped3A : memref<!tpu.dma_semaphore, #tpu.memory_space<semaphore_mem>>)
      %dma_wait3A_62 = arith.constant 0 : i32
      %dma_wait3A_63 = tpu.memref_slice %arg5[%arg0, %mul3A_27, %dma_wait3A_62] : memref<2x10240x128xbf16, #tpu.memory_space<hbm>> -> memref<1x640x128xbf16, #tpu.memory_space<hbm>>
      %dma_wait3A_64 = tpu.memref_squeeze %dma_wait3A_63 : memref<1x640x128xbf16, #tpu.memory_space<hbm>> -> memref<640x128xbf16, #tpu.memory_space<hbm>>
      %dma_wait3A_65 = arith.constant 0 : i32
      %dma_wait3A_66 = tpu.memref_slice %arg12[%mul3A_27, %dma_wait3A_65] : memref<10240x128xbf16, #tpu.memory_space<vmem_shared>> -> memref<640x128xbf16, #tpu.memory_space<vmem_shared>>
      tpu.wait_dma2 semaphore(%run_scoped3A : memref<!tpu.dma_semaphore, #tpu.memory_space<semaphore_mem>>) src(%dma_wait3A_66 : memref<640x128xbf16, #tpu.memory_space<vmem_shared>>) dst(%dma_wait3A_64 : memref<640x128xbf16, #tpu.memory_space<hbm>>)
      tpu.yield
    }) : () -> ()
    return
  }
}

#map = affine_map<(d0, d1) -> (0, 0)>
module attributes {stable_mosaic.version = 14 : i64} {
  func.func @_deg_kernel(%arg0: i32, %arg1: i32, %arg2: memref<2652x128xi32, #tpu.memory_space<hbm>>, %arg3: memref<2x10240xf32, #tpu.memory_space<hbm>>, %arg4: memref<80x128xi32, #tpu.memory_space<vmem>>, %arg5: memref<10240xf32, #tpu.memory_space<vmem>>, %arg6: memref<16x640xf32, #tpu.memory_space<vmem>>, %arg7: memref<16x10240xf32, #tpu.memory_space<vmem_shared>>) attributes {dimension_semantics = [#tpu.dimension_semantics<core_parallel>, #tpu.dimension_semantics<subcore_parallel>], iteration_bounds = array<i64: 2, 16>, scalar_prefetch = 0 : i64, scratch_operands = 4 : i64, tpu.core_type = #tpu.core_type<sc_vector_subcore>, window_params = [{transform_indices = #map}, {transform_indices = #map}]} {
    %mul3A = arith.constant 16 : i32
    %mul3A_0 = arith.muli %arg0, %mul3A : i32
    %add3A = arith.addi %mul3A_0, %arg1 : i32
    %mul3A_1 = arith.constant 80 : i32
    %mul3A_2 = arith.muli %add3A, %mul3A_1 : i32
    "tpu.region"() ({
      %run_scoped3A = tpu.sem_alloc : memref<!tpu.dma_semaphore, #tpu.memory_space<semaphore_mem>>
      %dma_start3A = arith.constant 0 : i32
      %dma_start3A_28 = tpu.memref_slice %arg2[%mul3A_2, %dma_start3A] : memref<2652x128xi32, #tpu.memory_space<hbm>> -> memref<80x128xi32, #tpu.memory_space<hbm>>
      %dma_start3A_29 = arith.constant 0 : i32
      %dma_start3A_30 = tpu.memref_slice %arg2[%mul3A_2, %dma_start3A_29] : memref<2652x128xi32, #tpu.memory_space<hbm>> -> memref<80x128xi32, #tpu.memory_space<hbm>>
      tpu.enqueue_dma source(%dma_start3A_30 : memref<80x128xi32, #tpu.memory_space<hbm>>) target(%arg4 : memref<80x128xi32, #tpu.memory_space<vmem>>) target_semaphore(%run_scoped3A : memref<!tpu.dma_semaphore, #tpu.memory_space<semaphore_mem>>)
      %dma_wait3A = arith.constant 0 : i32
      %dma_wait3A_31 = tpu.memref_slice %arg2[%mul3A_2, %dma_wait3A] : memref<2652x128xi32, #tpu.memory_space<hbm>> -> memref<80x128xi32, #tpu.memory_space<hbm>>
      %dma_wait3A_32 = arith.constant 0 : i32
      %dma_wait3A_33 = tpu.memref_slice %arg2[%mul3A_2, %dma_wait3A_32] : memref<2652x128xi32, #tpu.memory_space<hbm>> -> memref<80x128xi32, #tpu.memory_space<hbm>>
      tpu.wait_dma2 semaphore(%run_scoped3A : memref<!tpu.dma_semaphore, #tpu.memory_space<semaphore_mem>>) src(%dma_wait3A_33 : memref<80x128xi32, #tpu.memory_space<hbm>>) dst(%arg4 : memref<80x128xi32, #tpu.memory_space<vmem>>)
      tpu.yield
    }) : () -> ()
    %scan3A = arith.constant 0 : i32
    %scan3A_3 = arith.constant 0 : i32
    %scan3A_4 = arith.constant 640 : i32
    %scan3A_5 = arith.addi %scan3A_3, %scan3A_4 : i32
    %scan3A_6 = arith.constant 1 : i32
    %scan3A_7 = scf.for %scan3A_28 = %scan3A_3 to %scan3A_5 step %scan3A_6 iter_args(%scan3A_29 = %scan3A) -> (i32)  : i32 {
      %broadcast_in_dim3A_30 = arith.constant 0.000000e+00 : f32
      %broadcast_in_dim3A_31 = vector.broadcast %broadcast_in_dim3A_30 : f32 to vector<16xf32>
      %mul3A_32 = arith.constant 16 : i32
      %mul3A_33 = arith.muli %scan3A_28, %mul3A_32 : i32
      %swap3A = arith.index_cast %mul3A_33 : i32 to index
      %swap3A_34 = tpu.vector_load %arg5[%swap3A] {strides = array<i32>} : memref<10240xf32, #tpu.memory_space<vmem>>, vector<16xf32>,
      tpu.vector_store %arg5[%swap3A], %broadcast_in_dim3A_31 {strides = array<i32>} : memref<10240xf32, #tpu.memory_space<vmem>>, vector<16xf32>,
      %scan3A_35 = arith.constant 0 : i32
      scf.yield %scan3A_35 : i32
    }
    %scan3A_8 = arith.constant 640 : i32
    %broadcast_in_dim3A = arith.constant 1.000000e+00 : f32
    %broadcast_in_dim3A_9 = vector.broadcast %broadcast_in_dim3A : f32 to vector<16xf32>
    %scan3A_10 = arith.constant 0 : i32
    %scan3A_11 = arith.constant 0 : i32
    %scan3A_12 = arith.constant 80 : i32
    %scan3A_13 = arith.addi %scan3A_11, %scan3A_12 : i32
    %scan3A_14 = arith.constant 1 : i32
    %scan3A_15 = scf.for %scan3A_28 = %scan3A_11 to %scan3A_13 step %scan3A_14 iter_args(%scan3A_29 = %scan3A_10) -> (i32)  : i32 {
      %get3A = arith.index_cast %scan3A_28 : i32 to index
      %get3A_30 = arith.constant 0 : index
      %get3A_31 = tpu.vector_load %arg4[%get3A, %get3A_30] {strides = array<i32>} : memref<80x128xi32, #tpu.memory_space<vmem>>, vector<16xi32>,
      tpu.vector_store_idx %arg5[%get3A_31], %broadcast_in_dim3A_9 {add = true} : memref<10240xf32, #tpu.memory_space<vmem>>[vector<16xi32>], vector<16xf32>,
      %get3A_32 = arith.index_cast %scan3A_28 : i32 to index
      %get3A_33 = arith.constant 16 : index
      %get3A_34 = tpu.vector_load %arg4[%get3A_32, %get3A_33] {strides = array<i32>} : memref<80x128xi32, #tpu.memory_space<vmem>>, vector<16xi32>,
      tpu.vector_store_idx %arg5[%get3A_34], %broadcast_in_dim3A_9 {add = true} : memref<10240xf32, #tpu.memory_space<vmem>>[vector<16xi32>], vector<16xf32>,
      %get3A_35 = arith.index_cast %scan3A_28 : i32 to index
      %get3A_36 = arith.constant 32 : index
      %get3A_37 = tpu.vector_load %arg4[%get3A_35, %get3A_36] {strides = array<i32>} : memref<80x128xi32, #tpu.memory_space<vmem>>, vector<16xi32>,
      tpu.vector_store_idx %arg5[%get3A_37], %broadcast_in_dim3A_9 {add = true} : memref<10240xf32, #tpu.memory_space<vmem>>[vector<16xi32>], vector<16xf32>,
      %get3A_38 = arith.index_cast %scan3A_28 : i32 to index
      %get3A_39 = arith.constant 48 : index
      %get3A_40 = tpu.vector_load %arg4[%get3A_38, %get3A_39] {strides = array<i32>} : memref<80x128xi32, #tpu.memory_space<vmem>>, vector<16xi32>,
      tpu.vector_store_idx %arg5[%get3A_40], %broadcast_in_dim3A_9 {add = true} : memref<10240xf32, #tpu.memory_space<vmem>>[vector<16xi32>], vector<16xf32>,
      %get3A_41 = arith.index_cast %scan3A_28 : i32 to index
      %get3A_42 = arith.constant 64 : index
      %get3A_43 = tpu.vector_load %arg4[%get3A_41, %get3A_42] {strides = array<i32>} : memref<80x128xi32, #tpu.memory_space<vmem>>, vector<16xi32>,
      tpu.vector_store_idx %arg5[%get3A_43], %broadcast_in_dim3A_9 {add = true} : memref<10240xf32, #tpu.memory_space<vmem>>[vector<16xi32>], vector<16xf32>,
      %get3A_44 = arith.index_cast %scan3A_28 : i32 to index
      %get3A_45 = arith.constant 80 : index
      %get3A_46 = tpu.vector_load %arg4[%get3A_44, %get3A_45] {strides = array<i32>} : memref<80x128xi32, #tpu.memory_space<vmem>>, vector<16xi32>,
      tpu.vector_store_idx %arg5[%get3A_46], %broadcast_in_dim3A_9 {add = true} : memref<10240xf32, #tpu.memory_space<vmem>>[vector<16xi32>], vector<16xf32>,
      %get3A_47 = arith.index_cast %scan3A_28 : i32 to index
      %get3A_48 = arith.constant 96 : index
      %get3A_49 = tpu.vector_load %arg4[%get3A_47, %get3A_48] {strides = array<i32>} : memref<80x128xi32, #tpu.memory_space<vmem>>, vector<16xi32>,
      tpu.vector_store_idx %arg5[%get3A_49], %broadcast_in_dim3A_9 {add = true} : memref<10240xf32, #tpu.memory_space<vmem>>[vector<16xi32>], vector<16xf32>,
      %get3A_50 = arith.index_cast %scan3A_28 : i32 to index
      %get3A_51 = arith.constant 112 : index
      %get3A_52 = tpu.vector_load %arg4[%get3A_50, %get3A_51] {strides = array<i32>} : memref<80x128xi32, #tpu.memory_space<vmem>>, vector<16xi32>,
      tpu.vector_store_idx %arg5[%get3A_52], %broadcast_in_dim3A_9 {add = true} : memref<10240xf32, #tpu.memory_space<vmem>>[vector<16xi32>], vector<16xf32>,
      %scan3A_53 = arith.constant 0 : i32
      scf.yield %scan3A_53 : i32
    }
    %scan3A_16 = arith.constant 80 : i32
    "tpu.region"() ({
      %run_scoped3A = tpu.sem_alloc : memref<!tpu.dma_semaphore, #tpu.memory_space<semaphore_mem>>
      %dma_start3A = arith.constant 0 : i32
      %dma_start3A_28 = tpu.memref_slice %arg7[%arg1, %dma_start3A] : memref<16x10240xf32, #tpu.memory_space<vmem_shared>> -> memref<1x10240xf32, #tpu.memory_space<vmem_shared>>
      %dma_start3A_29 = tpu.memref_squeeze %dma_start3A_28 : memref<1x10240xf32, #tpu.memory_space<vmem_shared>> -> memref<10240xf32, #tpu.memory_space<vmem_shared>>
      %dma_start3A_30 = arith.constant 0 : i32
      %dma_start3A_31 = tpu.memref_slice %arg7[%arg1, %dma_start3A_30] : memref<16x10240xf32, #tpu.memory_space<vmem_shared>> -> memref<1x10240xf32, #tpu.memory_space<vmem_shared>>
      %dma_start3A_32 = tpu.memref_squeeze %dma_start3A_31 : memref<1x10240xf32, #tpu.memory_space<vmem_shared>> -> memref<10240xf32, #tpu.memory_space<vmem_shared>>
      tpu.enqueue_dma source(%arg5 : memref<10240xf32, #tpu.memory_space<vmem>>) target(%dma_start3A_32 : memref<10240xf32, #tpu.memory_space<vmem_shared>>) target_semaphore(%run_scoped3A : memref<!tpu.dma_semaphore, #tpu.memory_space<semaphore_mem>>)
      %dma_wait3A = arith.constant 0 : i32
      %dma_wait3A_33 = tpu.memref_slice %arg7[%arg1, %dma_wait3A] : memref<16x10240xf32, #tpu.memory_space<vmem_shared>> -> memref<1x10240xf32, #tpu.memory_space<vmem_shared>>
      %dma_wait3A_34 = tpu.memref_squeeze %dma_wait3A_33 : memref<1x10240xf32, #tpu.memory_space<vmem_shared>> -> memref<10240xf32, #tpu.memory_space<vmem_shared>>
      %dma_wait3A_35 = arith.constant 0 : i32
      %dma_wait3A_36 = tpu.memref_slice %arg7[%arg1, %dma_wait3A_35] : memref<16x10240xf32, #tpu.memory_space<vmem_shared>> -> memref<1x10240xf32, #tpu.memory_space<vmem_shared>>
      %dma_wait3A_37 = tpu.memref_squeeze %dma_wait3A_36 : memref<1x10240xf32, #tpu.memory_space<vmem_shared>> -> memref<10240xf32, #tpu.memory_space<vmem_shared>>
      tpu.wait_dma2 semaphore(%run_scoped3A : memref<!tpu.dma_semaphore, #tpu.memory_space<semaphore_mem>>) src(%arg5 : memref<10240xf32, #tpu.memory_space<vmem>>) dst(%dma_wait3A_37 : memref<10240xf32, #tpu.memory_space<vmem_shared>>)
      tpu.yield
    }) : () -> ()
    %barrier3A = arith.constant 0 : index
    tpu.barrier barrier_id(%barrier3A)
    %mul3A_17 = arith.constant 640 : i32
    %mul3A_18 = arith.muli %arg1, %mul3A_17 : i32
    "tpu.region"() ({
      %run_scoped3A = tpu.sem_alloc : memref<!tpu.dma_semaphore, #tpu.memory_space<semaphore_mem>>
      %dma_start3A = arith.constant 0 : i32
      %dma_start3A_28 = tpu.memref_slice %arg7[%dma_start3A, %mul3A_18] : memref<16x10240xf32, #tpu.memory_space<vmem_shared>> -> memref<16x640xf32, #tpu.memory_space<vmem_shared>>
      %dma_start3A_29 = arith.constant 0 : i32
      %dma_start3A_30 = tpu.memref_slice %arg7[%dma_start3A_29, %mul3A_18] : memref<16x10240xf32, #tpu.memory_space<vmem_shared>> -> memref<16x640xf32, #tpu.memory_space<vmem_shared>>
      tpu.enqueue_dma source(%dma_start3A_30 : memref<16x640xf32, #tpu.memory_space<vmem_shared>>) target(%arg6 : memref<16x640xf32, #tpu.memory_space<vmem>>) target_semaphore(%run_scoped3A : memref<!tpu.dma_semaphore, #tpu.memory_space<semaphore_mem>>)
      %dma_wait3A = arith.constant 0 : i32
      %dma_wait3A_31 = tpu.memref_slice %arg7[%dma_wait3A, %mul3A_18] : memref<16x10240xf32, #tpu.memory_space<vmem_shared>> -> memref<16x640xf32, #tpu.memory_space<vmem_shared>>
      %dma_wait3A_32 = arith.constant 0 : i32
      %dma_wait3A_33 = tpu.memref_slice %arg7[%dma_wait3A_32, %mul3A_18] : memref<16x10240xf32, #tpu.memory_space<vmem_shared>> -> memref<16x640xf32, #tpu.memory_space<vmem_shared>>
      tpu.wait_dma2 semaphore(%run_scoped3A : memref<!tpu.dma_semaphore, #tpu.memory_space<semaphore_mem>>) src(%dma_wait3A_33 : memref<16x640xf32, #tpu.memory_space<vmem_shared>>) dst(%arg6 : memref<16x640xf32, #tpu.memory_space<vmem>>)
      tpu.yield
    }) : () -> ()
    %scan3A_19 = arith.constant 0 : i32
    %scan3A_20 = arith.constant 0 : i32
    %scan3A_21 = arith.constant 40 : i32
    %scan3A_22 = arith.addi %scan3A_20, %scan3A_21 : i32
    %scan3A_23 = arith.constant 1 : i32
    %scan3A_24 = scf.for %scan3A_28 = %scan3A_20 to %scan3A_22 step %scan3A_23 iter_args(%scan3A_29 = %scan3A_19) -> (i32)  : i32 {
      %mul3A_30 = arith.constant 16 : i32
      %mul3A_31 = arith.muli %scan3A_28, %mul3A_30 : i32
      %get3A = arith.constant 0 : i32
      %get3A_32 = arith.index_cast %get3A : i32 to index
      %get3A_33 = arith.index_cast %mul3A_31 : i32 to index
      %get3A_34 = tpu.vector_load %arg6[%get3A_32, %get3A_33] {strides = array<i32>} : memref<16x640xf32, #tpu.memory_space<vmem>>, vector<16xf32>,
      %mul3A_35 = arith.constant 16 : i32
      %mul3A_36 = arith.muli %scan3A_28, %mul3A_35 : i32
      %get3A_37 = arith.constant 1 : i32
      %get3A_38 = arith.index_cast %get3A_37 : i32 to index
      %get3A_39 = arith.index_cast %mul3A_36 : i32 to index
      %get3A_40 = tpu.vector_load %arg6[%get3A_38, %get3A_39] {strides = array<i32>} : memref<16x640xf32, #tpu.memory_space<vmem>>, vector<16xf32>,
      %add3A_41 = arith.addf %get3A_34, %get3A_40 : vector<16xf32>
      %mul3A_42 = arith.constant 16 : i32
      %mul3A_43 = arith.muli %scan3A_28, %mul3A_42 : i32
      %get3A_44 = arith.constant 2 : i32
      %get3A_45 = arith.index_cast %get3A_44 : i32 to index
      %get3A_46 = arith.index_cast %mul3A_43 : i32 to index
      %get3A_47 = tpu.vector_load %arg6[%get3A_45, %get3A_46] {strides = array<i32>} : memref<16x640xf32, #tpu.memory_space<vmem>>, vector<16xf32>,
      %add3A_48 = arith.addf %add3A_41, %get3A_47 : vector<16xf32>
      %mul3A_49 = arith.constant 16 : i32
      %mul3A_50 = arith.muli %scan3A_28, %mul3A_49 : i32
      %get3A_51 = arith.constant 3 : i32
      %get3A_52 = arith.index_cast %get3A_51 : i32 to index
      %get3A_53 = arith.index_cast %mul3A_50 : i32 to index
      %get3A_54 = tpu.vector_load %arg6[%get3A_52, %get3A_53] {strides = array<i32>} : memref<16x640xf32, #tpu.memory_space<vmem>>, vector<16xf32>,
      %add3A_55 = arith.addf %add3A_48, %get3A_54 : vector<16xf32>
      %mul3A_56 = arith.constant 16 : i32
      %mul3A_57 = arith.muli %scan3A_28, %mul3A_56 : i32
      %get3A_58 = arith.constant 4 : i32
      %get3A_59 = arith.index_cast %get3A_58 : i32 to index
      %get3A_60 = arith.index_cast %mul3A_57 : i32 to index
      %get3A_61 = tpu.vector_load %arg6[%get3A_59, %get3A_60] {strides = array<i32>} : memref<16x640xf32, #tpu.memory_space<vmem>>, vector<16xf32>,
      %add3A_62 = arith.addf %add3A_55, %get3A_61 : vector<16xf32>
      %mul3A_63 = arith.constant 16 : i32
      %mul3A_64 = arith.muli %scan3A_28, %mul3A_63 : i32
      %get3A_65 = arith.constant 5 : i32
      %get3A_66 = arith.index_cast %get3A_65 : i32 to index
      %get3A_67 = arith.index_cast %mul3A_64 : i32 to index
      %get3A_68 = tpu.vector_load %arg6[%get3A_66, %get3A_67] {strides = array<i32>} : memref<16x640xf32, #tpu.memory_space<vmem>>, vector<16xf32>,
      %add3A_69 = arith.addf %add3A_62, %get3A_68 : vector<16xf32>
      %mul3A_70 = arith.constant 16 : i32
      %mul3A_71 = arith.muli %scan3A_28, %mul3A_70 : i32
      %get3A_72 = arith.constant 6 : i32
      %get3A_73 = arith.index_cast %get3A_72 : i32 to index
      %get3A_74 = arith.index_cast %mul3A_71 : i32 to index
      %get3A_75 = tpu.vector_load %arg6[%get3A_73, %get3A_74] {strides = array<i32>} : memref<16x640xf32, #tpu.memory_space<vmem>>, vector<16xf32>,
      %add3A_76 = arith.addf %add3A_69, %get3A_75 : vector<16xf32>
      %mul3A_77 = arith.constant 16 : i32
      %mul3A_78 = arith.muli %scan3A_28, %mul3A_77 : i32
      %get3A_79 = arith.constant 7 : i32
      %get3A_80 = arith.index_cast %get3A_79 : i32 to index
      %get3A_81 = arith.index_cast %mul3A_78 : i32 to index
      %get3A_82 = tpu.vector_load %arg6[%get3A_80, %get3A_81] {strides = array<i32>} : memref<16x640xf32, #tpu.memory_space<vmem>>, vector<16xf32>,
      %add3A_83 = arith.addf %add3A_76, %get3A_82 : vector<16xf32>
      %mul3A_84 = arith.constant 16 : i32
      %mul3A_85 = arith.muli %scan3A_28, %mul3A_84 : i32
      %get3A_86 = arith.constant 8 : i32
      %get3A_87 = arith.index_cast %get3A_86 : i32 to index
      %get3A_88 = arith.index_cast %mul3A_85 : i32 to index
      %get3A_89 = tpu.vector_load %arg6[%get3A_87, %get3A_88] {strides = array<i32>} : memref<16x640xf32, #tpu.memory_space<vmem>>, vector<16xf32>,
      %add3A_90 = arith.addf %add3A_83, %get3A_89 : vector<16xf32>
      %mul3A_91 = arith.constant 16 : i32
      %mul3A_92 = arith.muli %scan3A_28, %mul3A_91 : i32
      %get3A_93 = arith.constant 9 : i32
      %get3A_94 = arith.index_cast %get3A_93 : i32 to index
      %get3A_95 = arith.index_cast %mul3A_92 : i32 to index
      %get3A_96 = tpu.vector_load %arg6[%get3A_94, %get3A_95] {strides = array<i32>} : memref<16x640xf32, #tpu.memory_space<vmem>>, vector<16xf32>,
      %add3A_97 = arith.addf %add3A_90, %get3A_96 : vector<16xf32>
      %mul3A_98 = arith.constant 16 : i32
      %mul3A_99 = arith.muli %scan3A_28, %mul3A_98 : i32
      %get3A_100 = arith.constant 10 : i32
      %get3A_101 = arith.index_cast %get3A_100 : i32 to index
      %get3A_102 = arith.index_cast %mul3A_99 : i32 to index
      %get3A_103 = tpu.vector_load %arg6[%get3A_101, %get3A_102] {strides = array<i32>} : memref<16x640xf32, #tpu.memory_space<vmem>>, vector<16xf32>,
      %add3A_104 = arith.addf %add3A_97, %get3A_103 : vector<16xf32>
      %mul3A_105 = arith.constant 16 : i32
      %mul3A_106 = arith.muli %scan3A_28, %mul3A_105 : i32
      %get3A_107 = arith.constant 11 : i32
      %get3A_108 = arith.index_cast %get3A_107 : i32 to index
      %get3A_109 = arith.index_cast %mul3A_106 : i32 to index
      %get3A_110 = tpu.vector_load %arg6[%get3A_108, %get3A_109] {strides = array<i32>} : memref<16x640xf32, #tpu.memory_space<vmem>>, vector<16xf32>,
      %add3A_111 = arith.addf %add3A_104, %get3A_110 : vector<16xf32>
      %mul3A_112 = arith.constant 16 : i32
      %mul3A_113 = arith.muli %scan3A_28, %mul3A_112 : i32
      %get3A_114 = arith.constant 12 : i32
      %get3A_115 = arith.index_cast %get3A_114 : i32 to index
      %get3A_116 = arith.index_cast %mul3A_113 : i32 to index
      %get3A_117 = tpu.vector_load %arg6[%get3A_115, %get3A_116] {strides = array<i32>} : memref<16x640xf32, #tpu.memory_space<vmem>>, vector<16xf32>,
      %add3A_118 = arith.addf %add3A_111, %get3A_117 : vector<16xf32>
      %mul3A_119 = arith.constant 16 : i32
      %mul3A_120 = arith.muli %scan3A_28, %mul3A_119 : i32
      %get3A_121 = arith.constant 13 : i32
      %get3A_122 = arith.index_cast %get3A_121 : i32 to index
      %get3A_123 = arith.index_cast %mul3A_120 : i32 to index
      %get3A_124 = tpu.vector_load %arg6[%get3A_122, %get3A_123] {strides = array<i32>} : memref<16x640xf32, #tpu.memory_space<vmem>>, vector<16xf32>,
      %add3A_125 = arith.addf %add3A_118, %get3A_124 : vector<16xf32>
      %mul3A_126 = arith.constant 16 : i32
      %mul3A_127 = arith.muli %scan3A_28, %mul3A_126 : i32
      %get3A_128 = arith.constant 14 : i32
      %get3A_129 = arith.index_cast %get3A_128 : i32 to index
      %get3A_130 = arith.index_cast %mul3A_127 : i32 to index
      %get3A_131 = tpu.vector_load %arg6[%get3A_129, %get3A_130] {strides = array<i32>} : memref<16x640xf32, #tpu.memory_space<vmem>>, vector<16xf32>,
      %add3A_132 = arith.addf %add3A_125, %get3A_131 : vector<16xf32>
      %mul3A_133 = arith.constant 16 : i32
      %mul3A_134 = arith.muli %scan3A_28, %mul3A_133 : i32
      %get3A_135 = arith.constant 15 : i32
      %get3A_136 = arith.index_cast %get3A_135 : i32 to index
      %get3A_137 = arith.index_cast %mul3A_134 : i32 to index
      %get3A_138 = tpu.vector_load %arg6[%get3A_136, %get3A_137] {strides = array<i32>} : memref<16x640xf32, #tpu.memory_space<vmem>>, vector<16xf32>,
      %add3A_139 = arith.addf %add3A_132, %get3A_138 : vector<16xf32>
      %mul3A_140 = arith.constant 16 : i32
      %mul3A_141 = arith.muli %scan3A_28, %mul3A_140 : i32
      %swap3A = arith.index_cast %mul3A_141 : i32 to index
      %swap3A_142 = tpu.vector_load %arg5[%swap3A] {strides = array<i32>} : memref<10240xf32, #tpu.memory_space<vmem>>, vector<16xf32>,
      tpu.vector_store %arg5[%swap3A], %add3A_139 {strides = array<i32>} : memref<10240xf32, #tpu.memory_space<vmem>>, vector<16xf32>,
      %scan3A_143 = arith.constant 0 : i32
      scf.yield %scan3A_143 : i32
    }
    %scan3A_25 = arith.constant 40 : i32
    %mul3A_26 = arith.constant 640 : i32
    %mul3A_27 = arith.muli %arg1, %mul3A_26 : i32
    "tpu.region"() ({
      %run_scoped3A = tpu.sem_alloc : memref<!tpu.dma_semaphore, #tpu.memory_space<semaphore_mem>>
      %dma_start3A = arith.constant 0 : i32
      %dma_start3A_28 = tpu.memref_slice %arg5[%dma_start3A] : memref<10240xf32, #tpu.memory_space<vmem>> -> memref<640xf32, #tpu.memory_space<vmem>>
      %dma_start3A_29 = tpu.memref_slice %arg3[%arg0, %mul3A_27] : memref<2x10240xf32, #tpu.memory_space<hbm>> -> memref<1x640xf32, #tpu.memory_space<hbm>>
      %dma_start3A_30 = tpu.memref_squeeze %dma_start3A_29 : memref<1x640xf32, #tpu.memory_space<hbm>> -> memref<640xf32, #tpu.memory_space<hbm>>
      %dma_start3A_31 = tpu.memref_slice %arg3[%arg0, %mul3A_27] : memref<2x10240xf32, #tpu.memory_space<hbm>> -> memref<1x640xf32, #tpu.memory_space<hbm>>
      %dma_start3A_32 = tpu.memref_squeeze %dma_start3A_31 : memref<1x640xf32, #tpu.memory_space<hbm>> -> memref<640xf32, #tpu.memory_space<hbm>>
      %dma_start3A_33 = arith.constant 0 : i32
      %dma_start3A_34 = tpu.memref_slice %arg5[%dma_start3A_33] : memref<10240xf32, #tpu.memory_space<vmem>> -> memref<640xf32, #tpu.memory_space<vmem>>
      tpu.enqueue_dma source(%dma_start3A_34 : memref<640xf32, #tpu.memory_space<vmem>>) target(%dma_start3A_32 : memref<640xf32, #tpu.memory_space<hbm>>) target_semaphore(%run_scoped3A : memref<!tpu.dma_semaphore, #tpu.memory_space<semaphore_mem>>)
      %dma_wait3A = arith.constant 0 : i32
      %dma_wait3A_35 = tpu.memref_slice %arg5[%dma_wait3A] : memref<10240xf32, #tpu.memory_space<vmem>> -> memref<640xf32, #tpu.memory_space<vmem>>
      %dma_wait3A_36 = tpu.memref_slice %arg3[%arg0, %mul3A_27] : memref<2x10240xf32, #tpu.memory_space<hbm>> -> memref<1x640xf32, #tpu.memory_space<hbm>>
      %dma_wait3A_37 = tpu.memref_squeeze %dma_wait3A_36 : memref<1x640xf32, #tpu.memory_space<hbm>> -> memref<640xf32, #tpu.memory_space<hbm>>
      %dma_wait3A_38 = tpu.memref_slice %arg3[%arg0, %mul3A_27] : memref<2x10240xf32, #tpu.memory_space<hbm>> -> memref<1x640xf32, #tpu.memory_space<hbm>>
      %dma_wait3A_39 = tpu.memref_squeeze %dma_wait3A_38 : memref<1x640xf32, #tpu.memory_space<hbm>> -> memref<640xf32, #tpu.memory_space<hbm>>
      %dma_wait3A_40 = arith.constant 0 : i32
      %dma_wait3A_41 = tpu.memref_slice %arg5[%dma_wait3A_40] : memref<10240xf32, #tpu.memory_space<vmem>> -> memref<640xf32, #tpu.memory_space<vmem>>
      tpu.wait_dma2 semaphore(%run_scoped3A : memref<!tpu.dma_semaphore, #tpu.memory_space<semaphore_mem>>) src(%dma_wait3A_41 : memref<640xf32, #tpu.memory_space<vmem>>) dst(%dma_wait3A_39 : memref<640xf32, #tpu.memory_space<hbm>>)
      tpu.yield
    }) : () -> ()
    return
  }
}

#map = affine_map<(d0, d1) -> (0, 0)>
#map1 = affine_map<(d0, d1) -> (0, 0, 0)>
module attributes {stable_mosaic.version = 14 : i64} {
  func.func @_scatter_kernel(%arg0: i32, %arg1: i32, %arg2: memref<10240x128xbf16, #tpu.memory_space<hbm>>, %arg3: memref<2652x128xi32, #tpu.memory_space<hbm>>, %arg4: memref<2652x128xi32, #tpu.memory_space<hbm>>, %arg5: memref<2x10240x128xbf16, #tpu.memory_space<hbm>>, %arg6: memref<92x128xi32, #tpu.memory_space<vmem>>, %arg7: memref<4x128xi32, #tpu.memory_space<vmem>>, %arg8: memref<128x128xbf16, #tpu.memory_space<vmem>>, %arg9: memref<128x128xbf16, #tpu.memory_space<vmem>>, %arg10: memref<128x128xbf16, #tpu.memory_space<vmem>>, %arg11: memref<128x128xbf16, #tpu.memory_space<vmem>>, %arg12: memref<10240x128xbf16, #tpu.memory_space<vmem_shared>>, %arg13: memref<10240x128xbf16, #tpu.memory_space<vmem_shared>>, %arg14: memref<!tpu.dma_semaphore, #tpu.memory_space<semaphore_mem>>, %arg15: memref<!tpu.dma_semaphore, #tpu.memory_space<semaphore_mem>>, %arg16: memref<!tpu.dma_semaphore, #tpu.memory_space<semaphore_mem>>, %arg17: memref<!tpu.dma_semaphore, #tpu.memory_space<semaphore_mem>>, %arg18: memref<!tpu.dma_semaphore, #tpu.memory_space<semaphore_mem>>) attributes {dimension_semantics = [#tpu.dimension_semantics<core_parallel>, #tpu.dimension_semantics<subcore_parallel>], iteration_bounds = array<i64: 2, 16>, scalar_prefetch = 0 : i64, scratch_operands = 13 : i64, tpu.core_type = #tpu.core_type<sc_vector_subcore>, window_params = [{transform_indices = #map}, {transform_indices = #map}, {transform_indices = #map}, {transform_indices = #map1}]} {
    %eq3A = arith.constant 0 : i32
    %eq3A_0 = arith.cmpi eq, %arg0, %eq3A : i32
    %mul3A = arith.constant 92 : i32
    %mul3A_1 = arith.muli %arg1, %mul3A : i32
    %mul3A_2 = arith.constant 68 : i32
    %mul3A_3 = arith.muli %arg1, %mul3A_2 : i32
    %add3A = arith.constant 1472 : i32
    %add3A_4 = arith.addi %add3A, %mul3A_3 : i32
    %select_n3A = arith.select %eq3A_0, %mul3A_1, %add3A_4 : i32
    %eq3A_5 = arith.constant 0 : i32
    %eq3A_6 = arith.cmpi eq, %arg0, %eq3A_5 : i32
    %jit3A = arith.constant 23 : i32
    %jit3A_7 = arith.constant 17 : i32
    %select_n3A_8 = arith.select %eq3A_6, %jit3A, %jit3A_7 : i32
    %dma_start3A = arith.constant 0 : i32
    %dma_start3A_9 = tpu.memref_slice %arg3[%select_n3A, %dma_start3A] : memref<2652x128xi32, #tpu.memory_space<hbm>> -> memref<92x128xi32, #tpu.memory_space<hbm>>
    %dma_start3A_10 = arith.constant 0 : i32
    %dma_start3A_11 = tpu.memref_slice %arg3[%select_n3A, %dma_start3A_10] : memref<2652x128xi32, #tpu.memory_space<hbm>> -> memref<92x128xi32, #tpu.memory_space<hbm>>
    tpu.enqueue_dma source(%dma_start3A_11 : memref<92x128xi32, #tpu.memory_space<hbm>>) target(%arg6 : memref<92x128xi32, #tpu.memory_space<vmem>>) target_semaphore(%arg15 : memref<!tpu.dma_semaphore, #tpu.memory_space<semaphore_mem>>)
    %mul3A_12 = arith.constant 640 : i32
    %mul3A_13 = arith.muli %arg1, %mul3A_12 : i32
    %mul3A_14 = arith.constant 640 : i32
    %mul3A_15 = arith.muli %arg1, %mul3A_14 : i32
    %dma_start3A_16 = arith.constant 0 : i32
    %dma_start3A_17 = tpu.memref_slice %arg13[%mul3A_15, %dma_start3A_16] : memref<10240x128xbf16, #tpu.memory_space<vmem_shared>> -> memref<640x128xbf16, #tpu.memory_space<vmem_shared>>
    %dma_start3A_18 = arith.constant 0 : i32
    %dma_start3A_19 = tpu.memref_slice %arg2[%mul3A_13, %dma_start3A_18] : memref<10240x128xbf16, #tpu.memory_space<hbm>> -> memref<640x128xbf16, #tpu.memory_space<hbm>>
    tpu.enqueue_dma source(%dma_start3A_19 : memref<640x128xbf16, #tpu.memory_space<hbm>>) target(%dma_start3A_17 : memref<640x128xbf16, #tpu.memory_space<vmem_shared>>) target_semaphore(%arg14 : memref<!tpu.dma_semaphore, #tpu.memory_space<semaphore_mem>>)
    %scan3A = arith.constant 0 : i32
    %scan3A_20 = arith.constant 0 : i32
    %scan3A_21 = arith.constant 128 : i32
    %scan3A_22 = arith.addi %scan3A_20, %scan3A_21 : i32
    %scan3A_23 = arith.constant 1 : i32
    %scan3A_24 = scf.for %scan3A_57 = %scan3A_20 to %scan3A_22 step %scan3A_23 iter_args(%scan3A_58 = %scan3A) -> (i32)  : i32 {
      %broadcast_in_dim3A = arith.constant 0.000000e+00 : bf16
      %broadcast_in_dim3A_59 = vector.broadcast %broadcast_in_dim3A : bf16 to vector<32xbf16>
      %swap3A = arith.index_cast %scan3A_57 : i32 to index
      %swap3A_60 = arith.constant 0 : index
      %swap3A_61 = tpu.vector_load %arg8[%swap3A, %swap3A_60] {strides = array<i32>} : memref<128x128xbf16, #tpu.memory_space<vmem>>, vector<32xbf16>,
      tpu.vector_store %arg8[%swap3A, %swap3A_60], %broadcast_in_dim3A_59 {strides = array<i32>} : memref<128x128xbf16, #tpu.memory_space<vmem>>, vector<32xbf16>,
      %broadcast_in_dim3A_62 = arith.constant 0.000000e+00 : bf16
      %broadcast_in_dim3A_63 = vector.broadcast %broadcast_in_dim3A_62 : bf16 to vector<32xbf16>
      %swap3A_64 = arith.index_cast %scan3A_57 : i32 to index
      %swap3A_65 = arith.constant 32 : index
      %swap3A_66 = tpu.vector_load %arg8[%swap3A_64, %swap3A_65] {strides = array<i32>} : memref<128x128xbf16, #tpu.memory_space<vmem>>, vector<32xbf16>,
      tpu.vector_store %arg8[%swap3A_64, %swap3A_65], %broadcast_in_dim3A_63 {strides = array<i32>} : memref<128x128xbf16, #tpu.memory_space<vmem>>, vector<32xbf16>,
      %broadcast_in_dim3A_67 = arith.constant 0.000000e+00 : bf16
      %broadcast_in_dim3A_68 = vector.broadcast %broadcast_in_dim3A_67 : bf16 to vector<32xbf16>
      %swap3A_69 = arith.index_cast %scan3A_57 : i32 to index
      %swap3A_70 = arith.constant 64 : index
      %swap3A_71 = tpu.vector_load %arg8[%swap3A_69, %swap3A_70] {strides = array<i32>} : memref<128x128xbf16, #tpu.memory_space<vmem>>, vector<32xbf16>,
      tpu.vector_store %arg8[%swap3A_69, %swap3A_70], %broadcast_in_dim3A_68 {strides = array<i32>} : memref<128x128xbf16, #tpu.memory_space<vmem>>, vector<32xbf16>,
      %broadcast_in_dim3A_72 = arith.constant 0.000000e+00 : bf16
      %broadcast_in_dim3A_73 = vector.broadcast %broadcast_in_dim3A_72 : bf16 to vector<32xbf16>
      %swap3A_74 = arith.index_cast %scan3A_57 : i32 to index
      %swap3A_75 = arith.constant 96 : index
      %swap3A_76 = tpu.vector_load %arg8[%swap3A_74, %swap3A_75] {strides = array<i32>} : memref<128x128xbf16, #tpu.memory_space<vmem>>, vector<32xbf16>,
      tpu.vector_store %arg8[%swap3A_74, %swap3A_75], %broadcast_in_dim3A_73 {strides = array<i32>} : memref<128x128xbf16, #tpu.memory_space<vmem>>, vector<32xbf16>,
      %scan3A_77 = arith.constant 0 : i32
      scf.yield %scan3A_77 : i32
    }
    %scan3A_25 = arith.constant 128 : i32
    %mul3A_26 = arith.constant 640 : i32
    %mul3A_27 = arith.muli %arg1, %mul3A_26 : i32
    %add3A_28 = arith.constant 0 : i32
    %add3A_29 = arith.addi %mul3A_27, %add3A_28 : i32
    "tpu.region"() ({
      %run_scoped3A = tpu.sem_alloc : memref<!tpu.dma_semaphore, #tpu.memory_space<semaphore_mem>>
      %dma_start3A_57 = arith.constant 0 : i32
      %dma_start3A_58 = tpu.memref_slice %arg12[%add3A_29, %dma_start3A_57] : memref<10240x128xbf16, #tpu.memory_space<vmem_shared>> -> memref<128x128xbf16, #tpu.memory_space<vmem_shared>>
      %dma_start3A_59 = arith.constant 0 : i32
      %dma_start3A_60 = tpu.memref_slice %arg12[%add3A_29, %dma_start3A_59] : memref<10240x128xbf16, #tpu.memory_space<vmem_shared>> -> memref<128x128xbf16, #tpu.memory_space<vmem_shared>>
      tpu.enqueue_dma source(%arg8 : memref<128x128xbf16, #tpu.memory_space<vmem>>) target(%dma_start3A_60 : memref<128x128xbf16, #tpu.memory_space<vmem_shared>>) target_semaphore(%run_scoped3A : memref<!tpu.dma_semaphore, #tpu.memory_space<semaphore_mem>>)
      %dma_wait3A_61 = arith.constant 0 : i32
      %dma_wait3A_62 = tpu.memref_slice %arg12[%add3A_29, %dma_wait3A_61] : memref<10240x128xbf16, #tpu.memory_space<vmem_shared>> -> memref<128x128xbf16, #tpu.memory_space<vmem_shared>>
      %dma_wait3A_63 = arith.constant 0 : i32
      %dma_wait3A_64 = tpu.memref_slice %arg12[%add3A_29, %dma_wait3A_63] : memref<10240x128xbf16, #tpu.memory_space<vmem_shared>> -> memref<128x128xbf16, #tpu.memory_space<vmem_shared>>
      tpu.wait_dma2 semaphore(%run_scoped3A : memref<!tpu.dma_semaphore, #tpu.memory_space<semaphore_mem>>) src(%arg8 : memref<128x128xbf16, #tpu.memory_space<vmem>>) dst(%dma_wait3A_64 : memref<128x128xbf16, #tpu.memory_space<vmem_shared>>)
      tpu.yield
    }) : () -> ()
    %add3A_30 = arith.constant 128 : i32
    %add3A_31 = arith.addi %mul3A_27, %add3A_30 : i32
    "tpu.region"() ({
      %run_scoped3A = tpu.sem_alloc : memref<!tpu.dma_semaphore, #tpu.memory_space<semaphore_mem>>
      %dma_start3A_57 = arith.constant 0 : i32
      %dma_start3A_58 = tpu.memref_slice %arg12[%add3A_31, %dma_start3A_57] : memref<10240x128xbf16, #tpu.memory_space<vmem_shared>> -> memref<128x128xbf16, #tpu.memory_space<vmem_shared>>
      %dma_start3A_59 = arith.constant 0 : i32
      %dma_start3A_60 = tpu.memref_slice %arg12[%add3A_31, %dma_start3A_59] : memref<10240x128xbf16, #tpu.memory_space<vmem_shared>> -> memref<128x128xbf16, #tpu.memory_space<vmem_shared>>
      tpu.enqueue_dma source(%arg8 : memref<128x128xbf16, #tpu.memory_space<vmem>>) target(%dma_start3A_60 : memref<128x128xbf16, #tpu.memory_space<vmem_shared>>) target_semaphore(%run_scoped3A : memref<!tpu.dma_semaphore, #tpu.memory_space<semaphore_mem>>)
      %dma_wait3A_61 = arith.constant 0 : i32
      %dma_wait3A_62 = tpu.memref_slice %arg12[%add3A_31, %dma_wait3A_61] : memref<10240x128xbf16, #tpu.memory_space<vmem_shared>> -> memref<128x128xbf16, #tpu.memory_space<vmem_shared>>
      %dma_wait3A_63 = arith.constant 0 : i32
      %dma_wait3A_64 = tpu.memref_slice %arg12[%add3A_31, %dma_wait3A_63] : memref<10240x128xbf16, #tpu.memory_space<vmem_shared>> -> memref<128x128xbf16, #tpu.memory_space<vmem_shared>>
      tpu.wait_dma2 semaphore(%run_scoped3A : memref<!tpu.dma_semaphore, #tpu.memory_space<semaphore_mem>>) src(%arg8 : memref<128x128xbf16, #tpu.memory_space<vmem>>) dst(%dma_wait3A_64 : memref<128x128xbf16, #tpu.memory_space<vmem_shared>>)
      tpu.yield
    }) : () -> ()
    %add3A_32 = arith.constant 256 : i32
    %add3A_33 = arith.addi %mul3A_27, %add3A_32 : i32
    "tpu.region"() ({
      %run_scoped3A = tpu.sem_alloc : memref<!tpu.dma_semaphore, #tpu.memory_space<semaphore_mem>>
      %dma_start3A_57 = arith.constant 0 : i32
      %dma_start3A_58 = tpu.memref_slice %arg12[%add3A_33, %dma_start3A_57] : memref<10240x128xbf16, #tpu.memory_space<vmem_shared>> -> memref<128x128xbf16, #tpu.memory_space<vmem_shared>>
      %dma_start3A_59 = arith.constant 0 : i32
      %dma_start3A_60 = tpu.memref_slice %arg12[%add3A_33, %dma_start3A_59] : memref<10240x128xbf16, #tpu.memory_space<vmem_shared>> -> memref<128x128xbf16, #tpu.memory_space<vmem_shared>>
      tpu.enqueue_dma source(%arg8 : memref<128x128xbf16, #tpu.memory_space<vmem>>) target(%dma_start3A_60 : memref<128x128xbf16, #tpu.memory_space<vmem_shared>>) target_semaphore(%run_scoped3A : memref<!tpu.dma_semaphore, #tpu.memory_space<semaphore_mem>>)
      %dma_wait3A_61 = arith.constant 0 : i32
      %dma_wait3A_62 = tpu.memref_slice %arg12[%add3A_33, %dma_wait3A_61] : memref<10240x128xbf16, #tpu.memory_space<vmem_shared>> -> memref<128x128xbf16, #tpu.memory_space<vmem_shared>>
      %dma_wait3A_63 = arith.constant 0 : i32
      %dma_wait3A_64 = tpu.memref_slice %arg12[%add3A_33, %dma_wait3A_63] : memref<10240x128xbf16, #tpu.memory_space<vmem_shared>> -> memref<128x128xbf16, #tpu.memory_space<vmem_shared>>
      tpu.wait_dma2 semaphore(%run_scoped3A : memref<!tpu.dma_semaphore, #tpu.memory_space<semaphore_mem>>) src(%arg8 : memref<128x128xbf16, #tpu.memory_space<vmem>>) dst(%dma_wait3A_64 : memref<128x128xbf16, #tpu.memory_space<vmem_shared>>)
      tpu.yield
    }) : () -> ()
    %add3A_34 = arith.constant 384 : i32
    %add3A_35 = arith.addi %mul3A_27, %add3A_34 : i32
    "tpu.region"() ({
      %run_scoped3A = tpu.sem_alloc : memref<!tpu.dma_semaphore, #tpu.memory_space<semaphore_mem>>
      %dma_start3A_57 = arith.constant 0 : i32
      %dma_start3A_58 = tpu.memref_slice %arg12[%add3A_35, %dma_start3A_57] : memref<10240x128xbf16, #tpu.memory_space<vmem_shared>> -> memref<128x128xbf16, #tpu.memory_space<vmem_shared>>
      %dma_start3A_59 = arith.constant 0 : i32
      %dma_start3A_60 = tpu.memref_slice %arg12[%add3A_35, %dma_start3A_59] : memref<10240x128xbf16, #tpu.memory_space<vmem_shared>> -> memref<128x128xbf16, #tpu.memory_space<vmem_shared>>
      tpu.enqueue_dma source(%arg8 : memref<128x128xbf16, #tpu.memory_space<vmem>>) target(%dma_start3A_60 : memref<128x128xbf16, #tpu.memory_space<vmem_shared>>) target_semaphore(%run_scoped3A : memref<!tpu.dma_semaphore, #tpu.memory_space<semaphore_mem>>)
      %dma_wait3A_61 = arith.constant 0 : i32
      %dma_wait3A_62 = tpu.memref_slice %arg12[%add3A_35, %dma_wait3A_61] : memref<10240x128xbf16, #tpu.memory_space<vmem_shared>> -> memref<128x128xbf16, #tpu.memory_space<vmem_shared>>
      %dma_wait3A_63 = arith.constant 0 : i32
      %dma_wait3A_64 = tpu.memref_slice %arg12[%add3A_35, %dma_wait3A_63] : memref<10240x128xbf16, #tpu.memory_space<vmem_shared>> -> memref<128x128xbf16, #tpu.memory_space<vmem_shared>>
      tpu.wait_dma2 semaphore(%run_scoped3A : memref<!tpu.dma_semaphore, #tpu.memory_space<semaphore_mem>>) src(%arg8 : memref<128x128xbf16, #tpu.memory_space<vmem>>) dst(%dma_wait3A_64 : memref<128x128xbf16, #tpu.memory_space<vmem_shared>>)
      tpu.yield
    }) : () -> ()
    %add3A_36 = arith.constant 512 : i32
    %add3A_37 = arith.addi %mul3A_27, %add3A_36 : i32
    "tpu.region"() ({
      %run_scoped3A = tpu.sem_alloc : memref<!tpu.dma_semaphore, #tpu.memory_space<semaphore_mem>>
      %dma_start3A_57 = arith.constant 0 : i32
      %dma_start3A_58 = tpu.memref_slice %arg12[%add3A_37, %dma_start3A_57] : memref<10240x128xbf16, #tpu.memory_space<vmem_shared>> -> memref<128x128xbf16, #tpu.memory_space<vmem_shared>>
      %dma_start3A_59 = arith.constant 0 : i32
      %dma_start3A_60 = tpu.memref_slice %arg12[%add3A_37, %dma_start3A_59] : memref<10240x128xbf16, #tpu.memory_space<vmem_shared>> -> memref<128x128xbf16, #tpu.memory_space<vmem_shared>>
      tpu.enqueue_dma source(%arg8 : memref<128x128xbf16, #tpu.memory_space<vmem>>) target(%dma_start3A_60 : memref<128x128xbf16, #tpu.memory_space<vmem_shared>>) target_semaphore(%run_scoped3A : memref<!tpu.dma_semaphore, #tpu.memory_space<semaphore_mem>>)
      %dma_wait3A_61 = arith.constant 0 : i32
      %dma_wait3A_62 = tpu.memref_slice %arg12[%add3A_37, %dma_wait3A_61] : memref<10240x128xbf16, #tpu.memory_space<vmem_shared>> -> memref<128x128xbf16, #tpu.memory_space<vmem_shared>>
      %dma_wait3A_63 = arith.constant 0 : i32
      %dma_wait3A_64 = tpu.memref_slice %arg12[%add3A_37, %dma_wait3A_63] : memref<10240x128xbf16, #tpu.memory_space<vmem_shared>> -> memref<128x128xbf16, #tpu.memory_space<vmem_shared>>
      tpu.wait_dma2 semaphore(%run_scoped3A : memref<!tpu.dma_semaphore, #tpu.memory_space<semaphore_mem>>) src(%arg8 : memref<128x128xbf16, #tpu.memory_space<vmem>>) dst(%dma_wait3A_64 : memref<128x128xbf16, #tpu.memory_space<vmem_shared>>)
      tpu.yield
    }) : () -> ()
    %dma_wait3A = arith.constant 0 : i32
    %dma_wait3A_38 = tpu.memref_slice %arg13[%mul3A_15, %dma_wait3A] : memref<10240x128xbf16, #tpu.memory_space<vmem_shared>> -> memref<640x128xbf16, #tpu.memory_space<vmem_shared>>
    %dma_wait3A_39 = arith.constant 0 : i32
    %dma_wait3A_40 = tpu.memref_slice %arg2[%mul3A_13, %dma_wait3A_39] : memref<10240x128xbf16, #tpu.memory_space<hbm>> -> memref<640x128xbf16, #tpu.memory_space<hbm>>
    tpu.wait_dma2 semaphore(%arg14 : memref<!tpu.dma_semaphore, #tpu.memory_space<semaphore_mem>>) src(%dma_wait3A_40 : memref<640x128xbf16, #tpu.memory_space<hbm>>) dst(%dma_wait3A_38 : memref<640x128xbf16, #tpu.memory_space<vmem_shared>>)
    %dma_wait3A_41 = arith.constant 0 : i32
    %dma_wait3A_42 = tpu.memref_slice %arg3[%select_n3A, %dma_wait3A_41] : memref<2652x128xi32, #tpu.memory_space<hbm>> -> memref<92x128xi32, #tpu.memory_space<hbm>>
    %dma_wait3A_43 = arith.constant 0 : i32
    %dma_wait3A_44 = tpu.memref_slice %arg3[%select_n3A, %dma_wait3A_43] : memref<2652x128xi32, #tpu.memory_space<hbm>> -> memref<92x128xi32, #tpu.memory_space<hbm>>
    tpu.wait_dma2 semaphore(%arg15 : memref<!tpu.dma_semaphore, #tpu.memory_space<semaphore_mem>>) src(%dma_wait3A_44 : memref<92x128xi32, #tpu.memory_space<hbm>>) dst(%arg6 : memref<92x128xi32, #tpu.memory_space<vmem>>)
    %barrier3A = arith.constant 0 : index
    tpu.barrier barrier_id(%barrier3A)
    %while3A = arith.constant 0 : i32
    %while3A_45 = arith.constant 0 : i32
    %while3A_46 = arith.subi %select_n3A_8, %while3A : i32
    %while3A_47 = arith.addi %while3A, %while3A_46 : i32
    %while3A_48 = arith.constant 1 : i32
    %while3A_49 = arith.divsi %while3A_46, %while3A_48 : i32
    %while3A_50 = arith.muli %while3A_49, %while3A_48 : i32
    %while3A_51 = arith.addi %while3A, %while3A_50 : i32
    %while3A_52 = arith.constant 1 : i32
    %while3A_53 = scf.for %while3A_57 = %while3A to %while3A_51 step %while3A_52 iter_args(%while3A_58 = %while3A_45) -> (i32)  : i32 {
      %mul3A_59 = arith.constant 4 : i32
      %mul3A_60 = arith.muli %mul3A_59, %while3A_57 : i32
      %dma_start3A_61 = arith.constant 0 : i32
      %dma_start3A_62 = tpu.memref_slice %arg6[%mul3A_60, %dma_start3A_61] : memref<92x128xi32, #tpu.memory_space<vmem>> -> memref<1x128xi32, #tpu.memory_space<vmem>>
      %dma_start3A_63 = tpu.memref_squeeze %dma_start3A_62 : memref<1x128xi32, #tpu.memory_space<vmem>> -> memref<128xi32, #tpu.memory_space<vmem>>
      %dma_start3A_64 = arith.constant 0 : i32
      %dma_start3A_65 = arith.constant 0 : i32
      %dma_start3A_66 = tpu.memref_slice %arg13[%dma_start3A_64, %dma_start3A_65] : memref<10240x128xbf16, #tpu.memory_space<vmem_shared>> -> memref<10240x128xbf16, #tpu.memory_space<vmem_shared>>
      tpu.enqueue_indirect_dma source(%dma_start3A_66 : memref<10240x128xbf16, #tpu.memory_space<vmem_shared>>) target(%arg8 : memref<128x128xbf16, #tpu.memory_space<vmem>>) offsets(%dma_start3A_63 : memref<128xi32, #tpu.memory_space<vmem>>) semaphore(%arg14 : memref<!tpu.dma_semaphore, #tpu.memory_space<semaphore_mem>>)
      %add3A_67 = arith.constant 1 : i32
      %add3A_68 = arith.addi %mul3A_60, %add3A_67 : i32
      %dma_start3A_69 = arith.constant 0 : i32
      %dma_start3A_70 = tpu.memref_slice %arg6[%add3A_68, %dma_start3A_69] : memref<92x128xi32, #tpu.memory_space<vmem>> -> memref<1x128xi32, #tpu.memory_space<vmem>>
      %dma_start3A_71 = tpu.memref_squeeze %dma_start3A_70 : memref<1x128xi32, #tpu.memory_space<vmem>> -> memref<128xi32, #tpu.memory_space<vmem>>
      %dma_start3A_72 = arith.constant 0 : i32
      %dma_start3A_73 = arith.constant 0 : i32
      %dma_start3A_74 = tpu.memref_slice %arg13[%dma_start3A_72, %dma_start3A_73] : memref<10240x128xbf16, #tpu.memory_space<vmem_shared>> -> memref<10240x128xbf16, #tpu.memory_space<vmem_shared>>
      tpu.enqueue_indirect_dma source(%dma_start3A_74 : memref<10240x128xbf16, #tpu.memory_space<vmem_shared>>) target(%arg9 : memref<128x128xbf16, #tpu.memory_space<vmem>>) offsets(%dma_start3A_71 : memref<128xi32, #tpu.memory_space<vmem>>) semaphore(%arg15 : memref<!tpu.dma_semaphore, #tpu.memory_space<semaphore_mem>>)
      %add3A_75 = arith.constant 2 : i32
      %add3A_76 = arith.addi %mul3A_60, %add3A_75 : i32
      %dma_start3A_77 = arith.constant 0 : i32
      %dma_start3A_78 = tpu.memref_slice %arg6[%add3A_76, %dma_start3A_77] : memref<92x128xi32, #tpu.memory_space<vmem>> -> memref<1x128xi32, #tpu.memory_space<vmem>>
      %dma_start3A_79 = tpu.memref_squeeze %dma_start3A_78 : memref<1x128xi32, #tpu.memory_space<vmem>> -> memref<128xi32, #tpu.memory_space<vmem>>
      %dma_start3A_80 = arith.constant 0 : i32
      %dma_start3A_81 = arith.constant 0 : i32
      %dma_start3A_82 = tpu.memref_slice %arg13[%dma_start3A_80, %dma_start3A_81] : memref<10240x128xbf16, #tpu.memory_space<vmem_shared>> -> memref<10240x128xbf16, #tpu.memory_space<vmem_shared>>
      tpu.enqueue_indirect_dma source(%dma_start3A_82 : memref<10240x128xbf16, #tpu.memory_space<vmem_shared>>) target(%arg10 : memref<128x128xbf16, #tpu.memory_space<vmem>>) offsets(%dma_start3A_79 : memref<128xi32, #tpu.memory_space<vmem>>) semaphore(%arg16 : memref<!tpu.dma_semaphore, #tpu.memory_space<semaphore_mem>>)
      %add3A_83 = arith.constant 3 : i32
      %add3A_84 = arith.addi %mul3A_60, %add3A_83 : i32
      %dma_start3A_85 = arith.constant 0 : i32
      %dma_start3A_86 = tpu.memref_slice %arg6[%add3A_84, %dma_start3A_85] : memref<92x128xi32, #tpu.memory_space<vmem>> -> memref<1x128xi32, #tpu.memory_space<vmem>>
      %dma_start3A_87 = tpu.memref_squeeze %dma_start3A_86 : memref<1x128xi32, #tpu.memory_space<vmem>> -> memref<128xi32, #tpu.memory_space<vmem>>
      %dma_start3A_88 = arith.constant 0 : i32
      %dma_start3A_89 = arith.constant 0 : i32
      %dma_start3A_90 = tpu.memref_slice %arg13[%dma_start3A_88, %dma_start3A_89] : memref<10240x128xbf16, #tpu.memory_space<vmem_shared>> -> memref<10240x128xbf16, #tpu.memory_space<vmem_shared>>
      tpu.enqueue_indirect_dma source(%dma_start3A_90 : memref<10240x128xbf16, #tpu.memory_space<vmem_shared>>) target(%arg11 : memref<128x128xbf16, #tpu.memory_space<vmem>>) offsets(%dma_start3A_87 : memref<128xi32, #tpu.memory_space<vmem>>) semaphore(%arg17 : memref<!tpu.dma_semaphore, #tpu.memory_space<semaphore_mem>>)
      %add3A_91 = arith.addi %select_n3A, %mul3A_60 : i32
      %dma_start3A_92 = arith.constant 0 : i32
      %dma_start3A_93 = tpu.memref_slice %arg4[%add3A_91, %dma_start3A_92] : memref<2652x128xi32, #tpu.memory_space<hbm>> -> memref<4x128xi32, #tpu.memory_space<hbm>>
      %dma_start3A_94 = arith.constant 0 : i32
      %dma_start3A_95 = tpu.memref_slice %arg4[%add3A_91, %dma_start3A_94] : memref<2652x128xi32, #tpu.memory_space<hbm>> -> memref<4x128xi32, #tpu.memory_space<hbm>>
      tpu.enqueue_dma source(%dma_start3A_95 : memref<4x128xi32, #tpu.memory_space<hbm>>) target(%arg7 : memref<4x128xi32, #tpu.memory_space<vmem>>) target_semaphore(%arg18 : memref<!tpu.dma_semaphore, #tpu.memory_space<semaphore_mem>>)
      %dma_wait3A_96 = arith.constant 0 : i32
      %dma_wait3A_97 = tpu.memref_slice %arg4[%add3A_91, %dma_wait3A_96] : memref<2652x128xi32, #tpu.memory_space<hbm>> -> memref<4x128xi32, #tpu.memory_space<hbm>>
      %dma_wait3A_98 = arith.constant 0 : i32
      %dma_wait3A_99 = tpu.memref_slice %arg4[%add3A_91, %dma_wait3A_98] : memref<2652x128xi32, #tpu.memory_space<hbm>> -> memref<4x128xi32, #tpu.memory_space<hbm>>
      tpu.wait_dma2 semaphore(%arg18 : memref<!tpu.dma_semaphore, #tpu.memory_space<semaphore_mem>>) src(%dma_wait3A_99 : memref<4x128xi32, #tpu.memory_space<hbm>>) dst(%arg7 : memref<4x128xi32, #tpu.memory_space<vmem>>)
      %dma_wait3A_100 = arith.constant 0 : i32
      %dma_wait3A_101 = tpu.memref_slice %arg6[%mul3A_60, %dma_wait3A_100] : memref<92x128xi32, #tpu.memory_space<vmem>> -> memref<1x128xi32, #tpu.memory_space<vmem>>
      %dma_wait3A_102 = tpu.memref_squeeze %dma_wait3A_101 : memref<1x128xi32, #tpu.memory_space<vmem>> -> memref<128xi32, #tpu.memory_space<vmem>>
      %dma_wait3A_103 = arith.constant 0 : i32
      %dma_wait3A_104 = arith.constant 0 : i32
      %dma_wait3A_105 = tpu.memref_slice %arg13[%dma_wait3A_103, %dma_wait3A_104] : memref<10240x128xbf16, #tpu.memory_space<vmem_shared>> -> memref<10240x128xbf16, #tpu.memory_space<vmem_shared>>
      tpu.wait_indirect_dma semaphore(%arg14 : memref<!tpu.dma_semaphore, #tpu.memory_space<semaphore_mem>>) src(%dma_wait3A_105 : memref<10240x128xbf16, #tpu.memory_space<vmem_shared>>) dst(%arg8 : memref<128x128xbf16, #tpu.memory_space<vmem>>)
      %run_scoped3A = arith.constant 0 : i32
      "tpu.region"() ({
        %run_scoped3A_128 = tpu.sem_alloc : memref<!tpu.dma_semaphore, #tpu.memory_space<semaphore_mem>>
        %dma_start3A_129 = arith.constant 0 : i32
        %dma_start3A_130 = tpu.memref_slice %arg7[%run_scoped3A, %dma_start3A_129] : memref<4x128xi32, #tpu.memory_space<vmem>> -> memref<1x128xi32, #tpu.memory_space<vmem>>
        %dma_start3A_131 = tpu.memref_squeeze %dma_start3A_130 : memref<1x128xi32, #tpu.memory_space<vmem>> -> memref<128xi32, #tpu.memory_space<vmem>>
        %dma_start3A_132 = arith.constant 0 : i32
        %dma_start3A_133 = arith.constant 0 : i32
        %dma_start3A_134 = tpu.memref_slice %arg12[%dma_start3A_132, %dma_start3A_133] : memref<10240x128xbf16, #tpu.memory_space<vmem_shared>> -> memref<10240x128xbf16, #tpu.memory_space<vmem_shared>>
        tpu.enqueue_indirect_dma source(%arg8 : memref<128x128xbf16, #tpu.memory_space<vmem>>) target(%dma_start3A_134 : memref<10240x128xbf16, #tpu.memory_space<vmem_shared>>) offsets(%dma_start3A_131 : memref<128xi32, #tpu.memory_space<vmem>>) semaphore(%run_scoped3A_128 : memref<!tpu.dma_semaphore, #tpu.memory_space<semaphore_mem>>) {add = true}
        %dma_wait3A_135 = arith.constant 0 : i32
        %dma_wait3A_136 = tpu.memref_slice %arg7[%run_scoped3A, %dma_wait3A_135] : memref<4x128xi32, #tpu.memory_space<vmem>> -> memref<1x128xi32, #tpu.memory_space<vmem>>
        %dma_wait3A_137 = tpu.memref_squeeze %dma_wait3A_136 : memref<1x128xi32, #tpu.memory_space<vmem>> -> memref<128xi32, #tpu.memory_space<vmem>>
        %dma_wait3A_138 = arith.constant 0 : i32
        %dma_wait3A_139 = arith.constant 0 : i32
        %dma_wait3A_140 = tpu.memref_slice %arg12[%dma_wait3A_138, %dma_wait3A_139] : memref<10240x128xbf16, #tpu.memory_space<vmem_shared>> -> memref<10240x128xbf16, #tpu.memory_space<vmem_shared>>
        tpu.wait_indirect_dma semaphore(%run_scoped3A_128 : memref<!tpu.dma_semaphore, #tpu.memory_space<semaphore_mem>>) src(%arg8 : memref<128x128xbf16, #tpu.memory_space<vmem>>) dst(%dma_wait3A_140 : memref<10240x128xbf16, #tpu.memory_space<vmem_shared>>)
        tpu.yield
      }) : () -> ()
      %dma_wait3A_106 = arith.constant 0 : i32
      %dma_wait3A_107 = tpu.memref_slice %arg6[%add3A_68, %dma_wait3A_106] : memref<92x128xi32, #tpu.memory_space<vmem>> -> memref<1x128xi32, #tpu.memory_space<vmem>>
      %dma_wait3A_108 = tpu.memref_squeeze %dma_wait3A_107 : memref<1x128xi32, #tpu.memory_space<vmem>> -> memref<128xi32, #tpu.memory_space<vmem>>
      %dma_wait3A_109 = arith.constant 0 : i32
      %dma_wait3A_110 = arith.constant 0 : i32
      %dma_wait3A_111 = tpu.memref_slice %arg13[%dma_wait3A_109, %dma_wait3A_110] : memref<10240x128xbf16, #tpu.memory_space<vmem_shared>> -> memref<10240x128xbf16, #tpu.memory_space<vmem_shared>>
      tpu.wait_indirect_dma semaphore(%arg15 : memref<!tpu.dma_semaphore, #tpu.memory_space<semaphore_mem>>) src(%dma_wait3A_111 : memref<10240x128xbf16, #tpu.memory_space<vmem_shared>>) dst(%arg9 : memref<128x128xbf16, #tpu.memory_space<vmem>>)
      %run_scoped3A_112 = arith.constant 1 : i32
      "tpu.region"() ({
        %run_scoped3A_128 = tpu.sem_alloc : memref<!tpu.dma_semaphore, #tpu.memory_space<semaphore_mem>>
        %dma_start3A_129 = arith.constant 0 : i32
        %dma_start3A_130 = tpu.memref_slice %arg7[%run_scoped3A_112, %dma_start3A_129] : memref<4x128xi32, #tpu.memory_space<vmem>> -> memref<1x128xi32, #tpu.memory_space<vmem>>
        %dma_start3A_131 = tpu.memref_squeeze %dma_start3A_130 : memref<1x128xi32, #tpu.memory_space<vmem>> -> memref<128xi32, #tpu.memory_space<vmem>>
        %dma_start3A_132 = arith.constant 0 : i32
        %dma_start3A_133 = arith.constant 0 : i32
        %dma_start3A_134 = tpu.memref_slice %arg12[%dma_start3A_132, %dma_start3A_133] : memref<10240x128xbf16, #tpu.memory_space<vmem_shared>> -> memref<10240x128xbf16, #tpu.memory_space<vmem_shared>>
        tpu.enqueue_indirect_dma source(%arg9 : memref<128x128xbf16, #tpu.memory_space<vmem>>) target(%dma_start3A_134 : memref<10240x128xbf16, #tpu.memory_space<vmem_shared>>) offsets(%dma_start3A_131 : memref<128xi32, #tpu.memory_space<vmem>>) semaphore(%run_scoped3A_128 : memref<!tpu.dma_semaphore, #tpu.memory_space<semaphore_mem>>) {add = true}
        %dma_wait3A_135 = arith.constant 0 : i32
        %dma_wait3A_136 = tpu.memref_slice %arg7[%run_scoped3A_112, %dma_wait3A_135] : memref<4x128xi32, #tpu.memory_space<vmem>> -> memref<1x128xi32, #tpu.memory_space<vmem>>
        %dma_wait3A_137 = tpu.memref_squeeze %dma_wait3A_136 : memref<1x128xi32, #tpu.memory_space<vmem>> -> memref<128xi32, #tpu.memory_space<vmem>>
        %dma_wait3A_138 = arith.constant 0 : i32
        %dma_wait3A_139 = arith.constant 0 : i32
        %dma_wait3A_140 = tpu.memref_slice %arg12[%dma_wait3A_138, %dma_wait3A_139] : memref<10240x128xbf16, #tpu.memory_space<vmem_shared>> -> memref<10240x128xbf16, #tpu.memory_space<vmem_shared>>
        tpu.wait_indirect_dma semaphore(%run_scoped3A_128 : memref<!tpu.dma_semaphore, #tpu.memory_space<semaphore_mem>>) src(%arg9 : memref<128x128xbf16, #tpu.memory_space<vmem>>) dst(%dma_wait3A_140 : memref<10240x128xbf16, #tpu.memory_space<vmem_shared>>)
        tpu.yield
      }) : () -> ()
      %dma_wait3A_113 = arith.constant 0 : i32
      %dma_wait3A_114 = tpu.memref_slice %arg6[%add3A_76, %dma_wait3A_113] : memref<92x128xi32, #tpu.memory_space<vmem>> -> memref<1x128xi32, #tpu.memory_space<vmem>>
      %dma_wait3A_115 = tpu.memref_squeeze %dma_wait3A_114 : memref<1x128xi32, #tpu.memory_space<vmem>> -> memref<128xi32, #tpu.memory_space<vmem>>
      %dma_wait3A_116 = arith.constant 0 : i32
      %dma_wait3A_117 = arith.constant 0 : i32
      %dma_wait3A_118 = tpu.memref_slice %arg13[%dma_wait3A_116, %dma_wait3A_117] : memref<10240x128xbf16, #tpu.memory_space<vmem_shared>> -> memref<10240x128xbf16, #tpu.memory_space<vmem_shared>>
      tpu.wait_indirect_dma semaphore(%arg16 : memref<!tpu.dma_semaphore, #tpu.memory_space<semaphore_mem>>) src(%dma_wait3A_118 : memref<10240x128xbf16, #tpu.memory_space<vmem_shared>>) dst(%arg10 : memref<128x128xbf16, #tpu.memory_space<vmem>>)
      %run_scoped3A_119 = arith.constant 2 : i32
      "tpu.region"() ({
        %run_scoped3A_128 = tpu.sem_alloc : memref<!tpu.dma_semaphore, #tpu.memory_space<semaphore_mem>>
        %dma_start3A_129 = arith.constant 0 : i32
        %dma_start3A_130 = tpu.memref_slice %arg7[%run_scoped3A_119, %dma_start3A_129] : memref<4x128xi32, #tpu.memory_space<vmem>> -> memref<1x128xi32, #tpu.memory_space<vmem>>
        %dma_start3A_131 = tpu.memref_squeeze %dma_start3A_130 : memref<1x128xi32, #tpu.memory_space<vmem>> -> memref<128xi32, #tpu.memory_space<vmem>>
        %dma_start3A_132 = arith.constant 0 : i32
        %dma_start3A_133 = arith.constant 0 : i32
        %dma_start3A_134 = tpu.memref_slice %arg12[%dma_start3A_132, %dma_start3A_133] : memref<10240x128xbf16, #tpu.memory_space<vmem_shared>> -> memref<10240x128xbf16, #tpu.memory_space<vmem_shared>>
        tpu.enqueue_indirect_dma source(%arg10 : memref<128x128xbf16, #tpu.memory_space<vmem>>) target(%dma_start3A_134 : memref<10240x128xbf16, #tpu.memory_space<vmem_shared>>) offsets(%dma_start3A_131 : memref<128xi32, #tpu.memory_space<vmem>>) semaphore(%run_scoped3A_128 : memref<!tpu.dma_semaphore, #tpu.memory_space<semaphore_mem>>) {add = true}
        %dma_wait3A_135 = arith.constant 0 : i32
        %dma_wait3A_136 = tpu.memref_slice %arg7[%run_scoped3A_119, %dma_wait3A_135] : memref<4x128xi32, #tpu.memory_space<vmem>> -> memref<1x128xi32, #tpu.memory_space<vmem>>
        %dma_wait3A_137 = tpu.memref_squeeze %dma_wait3A_136 : memref<1x128xi32, #tpu.memory_space<vmem>> -> memref<128xi32, #tpu.memory_space<vmem>>
        %dma_wait3A_138 = arith.constant 0 : i32
        %dma_wait3A_139 = arith.constant 0 : i32
        %dma_wait3A_140 = tpu.memref_slice %arg12[%dma_wait3A_138, %dma_wait3A_139] : memref<10240x128xbf16, #tpu.memory_space<vmem_shared>> -> memref<10240x128xbf16, #tpu.memory_space<vmem_shared>>
        tpu.wait_indirect_dma semaphore(%run_scoped3A_128 : memref<!tpu.dma_semaphore, #tpu.memory_space<semaphore_mem>>) src(%arg10 : memref<128x128xbf16, #tpu.memory_space<vmem>>) dst(%dma_wait3A_140 : memref<10240x128xbf16, #tpu.memory_space<vmem_shared>>)
        tpu.yield
      }) : () -> ()
      %dma_wait3A_120 = arith.constant 0 : i32
      %dma_wait3A_121 = tpu.memref_slice %arg6[%add3A_84, %dma_wait3A_120] : memref<92x128xi32, #tpu.memory_space<vmem>> -> memref<1x128xi32, #tpu.memory_space<vmem>>
      %dma_wait3A_122 = tpu.memref_squeeze %dma_wait3A_121 : memref<1x128xi32, #tpu.memory_space<vmem>> -> memref<128xi32, #tpu.memory_space<vmem>>
      %dma_wait3A_123 = arith.constant 0 : i32
      %dma_wait3A_124 = arith.constant 0 : i32
      %dma_wait3A_125 = tpu.memref_slice %arg13[%dma_wait3A_123, %dma_wait3A_124] : memref<10240x128xbf16, #tpu.memory_space<vmem_shared>> -> memref<10240x128xbf16, #tpu.memory_space<vmem_shared>>
      tpu.wait_indirect_dma semaphore(%arg17 : memref<!tpu.dma_semaphore, #tpu.memory_space<semaphore_mem>>) src(%dma_wait3A_125 : memref<10240x128xbf16, #tpu.memory_space<vmem_shared>>) dst(%arg11 : memref<128x128xbf16, #tpu.memory_space<vmem>>)
      %run_scoped3A_126 = arith.constant 3 : i32
      "tpu.region"() ({
        %run_scoped3A_128 = tpu.sem_alloc : memref<!tpu.dma_semaphore, #tpu.memory_space<semaphore_mem>>
        %dma_start3A_129 = arith.constant 0 : i32
        %dma_start3A_130 = tpu.memref_slice %arg7[%run_scoped3A_126, %dma_start3A_129] : memref<4x128xi32, #tpu.memory_space<vmem>> -> memref<1x128xi32, #tpu.memory_space<vmem>>
        %dma_start3A_131 = tpu.memref_squeeze %dma_start3A_130 : memref<1x128xi32, #tpu.memory_space<vmem>> -> memref<128xi32, #tpu.memory_space<vmem>>
        %dma_start3A_132 = arith.constant 0 : i32
        %dma_start3A_133 = arith.constant 0 : i32
        %dma_start3A_134 = tpu.memref_slice %arg12[%dma_start3A_132, %dma_start3A_133] : memref<10240x128xbf16, #tpu.memory_space<vmem_shared>> -> memref<10240x128xbf16, #tpu.memory_space<vmem_shared>>
        tpu.enqueue_indirect_dma source(%arg11 : memref<128x128xbf16, #tpu.memory_space<vmem>>) target(%dma_start3A_134 : memref<10240x128xbf16, #tpu.memory_space<vmem_shared>>) offsets(%dma_start3A_131 : memref<128xi32, #tpu.memory_space<vmem>>) semaphore(%run_scoped3A_128 : memref<!tpu.dma_semaphore, #tpu.memory_space<semaphore_mem>>) {add = true}
        %dma_wait3A_135 = arith.constant 0 : i32
        %dma_wait3A_136 = tpu.memref_slice %arg7[%run_scoped3A_126, %dma_wait3A_135] : memref<4x128xi32, #tpu.memory_space<vmem>> -> memref<1x128xi32, #tpu.memory_space<vmem>>
        %dma_wait3A_137 = tpu.memref_squeeze %dma_wait3A_136 : memref<1x128xi32, #tpu.memory_space<vmem>> -> memref<128xi32, #tpu.memory_space<vmem>>
        %dma_wait3A_138 = arith.constant 0 : i32
        %dma_wait3A_139 = arith.constant 0 : i32
        %dma_wait3A_140 = tpu.memref_slice %arg12[%dma_wait3A_138, %dma_wait3A_139] : memref<10240x128xbf16, #tpu.memory_space<vmem_shared>> -> memref<10240x128xbf16, #tpu.memory_space<vmem_shared>>
        tpu.wait_indirect_dma semaphore(%run_scoped3A_128 : memref<!tpu.dma_semaphore, #tpu.memory_space<semaphore_mem>>) src(%arg11 : memref<128x128xbf16, #tpu.memory_space<vmem>>) dst(%dma_wait3A_140 : memref<10240x128xbf16, #tpu.memory_space<vmem_shared>>)
        tpu.yield
      }) : () -> ()
      %while3A_127 = arith.constant 0 : i32
      scf.yield %while3A_127 : i32
    }
    %while3A_54 = arith.constant 1 : i32
    %while3A_55 = scf.for %while3A_57 = %while3A_51 to %while3A_47 step %while3A_54 iter_args(%while3A_58 = %while3A_53) -> (i32)  : i32 {
      %mul3A_59 = arith.constant 4 : i32
      %mul3A_60 = arith.muli %mul3A_59, %while3A_57 : i32
      %dma_start3A_61 = arith.constant 0 : i32
      %dma_start3A_62 = tpu.memref_slice %arg6[%mul3A_60, %dma_start3A_61] : memref<92x128xi32, #tpu.memory_space<vmem>> -> memref<1x128xi32, #tpu.memory_space<vmem>>
      %dma_start3A_63 = tpu.memref_squeeze %dma_start3A_62 : memref<1x128xi32, #tpu.memory_space<vmem>> -> memref<128xi32, #tpu.memory_space<vmem>>
      %dma_start3A_64 = arith.constant 0 : i32
      %dma_start3A_65 = arith.constant 0 : i32
      %dma_start3A_66 = tpu.memref_slice %arg13[%dma_start3A_64, %dma_start3A_65] : memref<10240x128xbf16, #tpu.memory_space<vmem_shared>> -> memref<10240x128xbf16, #tpu.memory_space<vmem_shared>>
      tpu.enqueue_indirect_dma source(%dma_start3A_66 : memref<10240x128xbf16, #tpu.memory_space<vmem_shared>>) target(%arg8 : memref<128x128xbf16, #tpu.memory_space<vmem>>) offsets(%dma_start3A_63 : memref<128xi32, #tpu.memory_space<vmem>>) semaphore(%arg14 : memref<!tpu.dma_semaphore, #tpu.memory_space<semaphore_mem>>)
      %add3A_67 = arith.constant 1 : i32
      %add3A_68 = arith.addi %mul3A_60, %add3A_67 : i32
      %dma_start3A_69 = arith.constant 0 : i32
      %dma_start3A_70 = tpu.memref_slice %arg6[%add3A_68, %dma_start3A_69] : memref<92x128xi32, #tpu.memory_space<vmem>> -> memref<1x128xi32, #tpu.memory_space<vmem>>
      %dma_start3A_71 = tpu.memref_squeeze %dma_start3A_70 : memref<1x128xi32, #tpu.memory_space<vmem>> -> memref<128xi32, #tpu.memory_space<vmem>>
      %dma_start3A_72 = arith.constant 0 : i32
      %dma_start3A_73 = arith.constant 0 : i32
      %dma_start3A_74 = tpu.memref_slice %arg13[%dma_start3A_72, %dma_start3A_73] : memref<10240x128xbf16, #tpu.memory_space<vmem_shared>> -> memref<10240x128xbf16, #tpu.memory_space<vmem_shared>>
      tpu.enqueue_indirect_dma source(%dma_start3A_74 : memref<10240x128xbf16, #tpu.memory_space<vmem_shared>>) target(%arg9 : memref<128x128xbf16, #tpu.memory_space<vmem>>) offsets(%dma_start3A_71 : memref<128xi32, #tpu.memory_space<vmem>>) semaphore(%arg15 : memref<!tpu.dma_semaphore, #tpu.memory_space<semaphore_mem>>)
      %add3A_75 = arith.constant 2 : i32
      %add3A_76 = arith.addi %mul3A_60, %add3A_75 : i32
      %dma_start3A_77 = arith.constant 0 : i32
      %dma_start3A_78 = tpu.memref_slice %arg6[%add3A_76, %dma_start3A_77] : memref<92x128xi32, #tpu.memory_space<vmem>> -> memref<1x128xi32, #tpu.memory_space<vmem>>
      %dma_start3A_79 = tpu.memref_squeeze %dma_start3A_78 : memref<1x128xi32, #tpu.memory_space<vmem>> -> memref<128xi32, #tpu.memory_space<vmem>>
      %dma_start3A_80 = arith.constant 0 : i32
      %dma_start3A_81 = arith.constant 0 : i32
      %dma_start3A_82 = tpu.memref_slice %arg13[%dma_start3A_80, %dma_start3A_81] : memref<10240x128xbf16, #tpu.memory_space<vmem_shared>> -> memref<10240x128xbf16, #tpu.memory_space<vmem_shared>>
      tpu.enqueue_indirect_dma source(%dma_start3A_82 : memref<10240x128xbf16, #tpu.memory_space<vmem_shared>>) target(%arg10 : memref<128x128xbf16, #tpu.memory_space<vmem>>) offsets(%dma_start3A_79 : memref<128xi32, #tpu.memory_space<vmem>>) semaphore(%arg16 : memref<!tpu.dma_semaphore, #tpu.memory_space<semaphore_mem>>)
      %add3A_83 = arith.constant 3 : i32
      %add3A_84 = arith.addi %mul3A_60, %add3A_83 : i32
      %dma_start3A_85 = arith.constant 0 : i32
      %dma_start3A_86 = tpu.memref_slice %arg6[%add3A_84, %dma_start3A_85] : memref<92x128xi32, #tpu.memory_space<vmem>> -> memref<1x128xi32, #tpu.memory_space<vmem>>
      %dma_start3A_87 = tpu.memref_squeeze %dma_start3A_86 : memref<1x128xi32, #tpu.memory_space<vmem>> -> memref<128xi32, #tpu.memory_space<vmem>>
      %dma_start3A_88 = arith.constant 0 : i32
      %dma_start3A_89 = arith.constant 0 : i32
      %dma_start3A_90 = tpu.memref_slice %arg13[%dma_start3A_88, %dma_start3A_89] : memref<10240x128xbf16, #tpu.memory_space<vmem_shared>> -> memref<10240x128xbf16, #tpu.memory_space<vmem_shared>>
      tpu.enqueue_indirect_dma source(%dma_start3A_90 : memref<10240x128xbf16, #tpu.memory_space<vmem_shared>>) target(%arg11 : memref<128x128xbf16, #tpu.memory_space<vmem>>) offsets(%dma_start3A_87 : memref<128xi32, #tpu.memory_space<vmem>>) semaphore(%arg17 : memref<!tpu.dma_semaphore, #tpu.memory_space<semaphore_mem>>)
      %add3A_91 = arith.addi %select_n3A, %mul3A_60 : i32
      %dma_start3A_92 = arith.constant 0 : i32
      %dma_start3A_93 = tpu.memref_slice %arg4[%add3A_91, %dma_start3A_92] : memref<2652x128xi32, #tpu.memory_space<hbm>> -> memref<4x128xi32, #tpu.memory_space<hbm>>
      %dma_start3A_94 = arith.constant 0 : i32
      %dma_start3A_95 = tpu.memref_slice %arg4[%add3A_91, %dma_start3A_94] : memref<2652x128xi32, #tpu.memory_space<hbm>> -> memref<4x128xi32, #tpu.memory_space<hbm>>
      tpu.enqueue_dma source(%dma_start3A_95 : memref<4x128xi32, #tpu.memory_space<hbm>>) target(%arg7 : memref<4x128xi32, #tpu.memory_space<vmem>>) target_semaphore(%arg18 : memref<!tpu.dma_semaphore, #tpu.memory_space<semaphore_mem>>)
      %dma_wait3A_96 = arith.constant 0 : i32
      %dma_wait3A_97 = tpu.memref_slice %arg4[%add3A_91, %dma_wait3A_96] : memref<2652x128xi32, #tpu.memory_space<hbm>> -> memref<4x128xi32, #tpu.memory_space<hbm>>
      %dma_wait3A_98 = arith.constant 0 : i32
      %dma_wait3A_99 = tpu.memref_slice %arg4[%add3A_91, %dma_wait3A_98] : memref<2652x128xi32, #tpu.memory_space<hbm>> -> memref<4x128xi32, #tpu.memory_space<hbm>>
      tpu.wait_dma2 semaphore(%arg18 : memref<!tpu.dma_semaphore, #tpu.memory_space<semaphore_mem>>) src(%dma_wait3A_99 : memref<4x128xi32, #tpu.memory_space<hbm>>) dst(%arg7 : memref<4x128xi32, #tpu.memory_space<vmem>>)
      %dma_wait3A_100 = arith.constant 0 : i32
      %dma_wait3A_101 = tpu.memref_slice %arg6[%mul3A_60, %dma_wait3A_100] : memref<92x128xi32, #tpu.memory_space<vmem>> -> memref<1x128xi32, #tpu.memory_space<vmem>>
      %dma_wait3A_102 = tpu.memref_squeeze %dma_wait3A_101 : memref<1x128xi32, #tpu.memory_space<vmem>> -> memref<128xi32, #tpu.memory_space<vmem>>
      %dma_wait3A_103 = arith.constant 0 : i32
      %dma_wait3A_104 = arith.constant 0 : i32
      %dma_wait3A_105 = tpu.memref_slice %arg13[%dma_wait3A_103, %dma_wait3A_104] : memref<10240x128xbf16, #tpu.memory_space<vmem_shared>> -> memref<10240x128xbf16, #tpu.memory_space<vmem_shared>>
      tpu.wait_indirect_dma semaphore(%arg14 : memref<!tpu.dma_semaphore, #tpu.memory_space<semaphore_mem>>) src(%dma_wait3A_105 : memref<10240x128xbf16, #tpu.memory_space<vmem_shared>>) dst(%arg8 : memref<128x128xbf16, #tpu.memory_space<vmem>>)
      %run_scoped3A = arith.constant 0 : i32
      "tpu.region"() ({
        %run_scoped3A_128 = tpu.sem_alloc : memref<!tpu.dma_semaphore, #tpu.memory_space<semaphore_mem>>
        %dma_start3A_129 = arith.constant 0 : i32
        %dma_start3A_130 = tpu.memref_slice %arg7[%run_scoped3A, %dma_start3A_129] : memref<4x128xi32, #tpu.memory_space<vmem>> -> memref<1x128xi32, #tpu.memory_space<vmem>>
        %dma_start3A_131 = tpu.memref_squeeze %dma_start3A_130 : memref<1x128xi32, #tpu.memory_space<vmem>> -> memref<128xi32, #tpu.memory_space<vmem>>
        %dma_start3A_132 = arith.constant 0 : i32
        %dma_start3A_133 = arith.constant 0 : i32
        %dma_start3A_134 = tpu.memref_slice %arg12[%dma_start3A_132, %dma_start3A_133] : memref<10240x128xbf16, #tpu.memory_space<vmem_shared>> -> memref<10240x128xbf16, #tpu.memory_space<vmem_shared>>
        tpu.enqueue_indirect_dma source(%arg8 : memref<128x128xbf16, #tpu.memory_space<vmem>>) target(%dma_start3A_134 : memref<10240x128xbf16, #tpu.memory_space<vmem_shared>>) offsets(%dma_start3A_131 : memref<128xi32, #tpu.memory_space<vmem>>) semaphore(%run_scoped3A_128 : memref<!tpu.dma_semaphore, #tpu.memory_space<semaphore_mem>>) {add = true}
        %dma_wait3A_135 = arith.constant 0 : i32
        %dma_wait3A_136 = tpu.memref_slice %arg7[%run_scoped3A, %dma_wait3A_135] : memref<4x128xi32, #tpu.memory_space<vmem>> -> memref<1x128xi32, #tpu.memory_space<vmem>>
        %dma_wait3A_137 = tpu.memref_squeeze %dma_wait3A_136 : memref<1x128xi32, #tpu.memory_space<vmem>> -> memref<128xi32, #tpu.memory_space<vmem>>
        %dma_wait3A_138 = arith.constant 0 : i32
        %dma_wait3A_139 = arith.constant 0 : i32
        %dma_wait3A_140 = tpu.memref_slice %arg12[%dma_wait3A_138, %dma_wait3A_139] : memref<10240x128xbf16, #tpu.memory_space<vmem_shared>> -> memref<10240x128xbf16, #tpu.memory_space<vmem_shared>>
        tpu.wait_indirect_dma semaphore(%run_scoped3A_128 : memref<!tpu.dma_semaphore, #tpu.memory_space<semaphore_mem>>) src(%arg8 : memref<128x128xbf16, #tpu.memory_space<vmem>>) dst(%dma_wait3A_140 : memref<10240x128xbf16, #tpu.memory_space<vmem_shared>>)
        tpu.yield
      }) : () -> ()
      %dma_wait3A_106 = arith.constant 0 : i32
      %dma_wait3A_107 = tpu.memref_slice %arg6[%add3A_68, %dma_wait3A_106] : memref<92x128xi32, #tpu.memory_space<vmem>> -> memref<1x128xi32, #tpu.memory_space<vmem>>
      %dma_wait3A_108 = tpu.memref_squeeze %dma_wait3A_107 : memref<1x128xi32, #tpu.memory_space<vmem>> -> memref<128xi32, #tpu.memory_space<vmem>>
      %dma_wait3A_109 = arith.constant 0 : i32
      %dma_wait3A_110 = arith.constant 0 : i32
      %dma_wait3A_111 = tpu.memref_slice %arg13[%dma_wait3A_109, %dma_wait3A_110] : memref<10240x128xbf16, #tpu.memory_space<vmem_shared>> -> memref<10240x128xbf16, #tpu.memory_space<vmem_shared>>
      tpu.wait_indirect_dma semaphore(%arg15 : memref<!tpu.dma_semaphore, #tpu.memory_space<semaphore_mem>>) src(%dma_wait3A_111 : memref<10240x128xbf16, #tpu.memory_space<vmem_shared>>) dst(%arg9 : memref<128x128xbf16, #tpu.memory_space<vmem>>)
      %run_scoped3A_112 = arith.constant 1 : i32
      "tpu.region"() ({
        %run_scoped3A_128 = tpu.sem_alloc : memref<!tpu.dma_semaphore, #tpu.memory_space<semaphore_mem>>
        %dma_start3A_129 = arith.constant 0 : i32
        %dma_start3A_130 = tpu.memref_slice %arg7[%run_scoped3A_112, %dma_start3A_129] : memref<4x128xi32, #tpu.memory_space<vmem>> -> memref<1x128xi32, #tpu.memory_space<vmem>>
        %dma_start3A_131 = tpu.memref_squeeze %dma_start3A_130 : memref<1x128xi32, #tpu.memory_space<vmem>> -> memref<128xi32, #tpu.memory_space<vmem>>
        %dma_start3A_132 = arith.constant 0 : i32
        %dma_start3A_133 = arith.constant 0 : i32
        %dma_start3A_134 = tpu.memref_slice %arg12[%dma_start3A_132, %dma_start3A_133] : memref<10240x128xbf16, #tpu.memory_space<vmem_shared>> -> memref<10240x128xbf16, #tpu.memory_space<vmem_shared>>
        tpu.enqueue_indirect_dma source(%arg9 : memref<128x128xbf16, #tpu.memory_space<vmem>>) target(%dma_start3A_134 : memref<10240x128xbf16, #tpu.memory_space<vmem_shared>>) offsets(%dma_start3A_131 : memref<128xi32, #tpu.memory_space<vmem>>) semaphore(%run_scoped3A_128 : memref<!tpu.dma_semaphore, #tpu.memory_space<semaphore_mem>>) {add = true}
        %dma_wait3A_135 = arith.constant 0 : i32
        %dma_wait3A_136 = tpu.memref_slice %arg7[%run_scoped3A_112, %dma_wait3A_135] : memref<4x128xi32, #tpu.memory_space<vmem>> -> memref<1x128xi32, #tpu.memory_space<vmem>>
        %dma_wait3A_137 = tpu.memref_squeeze %dma_wait3A_136 : memref<1x128xi32, #tpu.memory_space<vmem>> -> memref<128xi32, #tpu.memory_space<vmem>>
        %dma_wait3A_138 = arith.constant 0 : i32
        %dma_wait3A_139 = arith.constant 0 : i32
        %dma_wait3A_140 = tpu.memref_slice %arg12[%dma_wait3A_138, %dma_wait3A_139] : memref<10240x128xbf16, #tpu.memory_space<vmem_shared>> -> memref<10240x128xbf16, #tpu.memory_space<vmem_shared>>
        tpu.wait_indirect_dma semaphore(%run_scoped3A_128 : memref<!tpu.dma_semaphore, #tpu.memory_space<semaphore_mem>>) src(%arg9 : memref<128x128xbf16, #tpu.memory_space<vmem>>) dst(%dma_wait3A_140 : memref<10240x128xbf16, #tpu.memory_space<vmem_shared>>)
        tpu.yield
      }) : () -> ()
      %dma_wait3A_113 = arith.constant 0 : i32
      %dma_wait3A_114 = tpu.memref_slice %arg6[%add3A_76, %dma_wait3A_113] : memref<92x128xi32, #tpu.memory_space<vmem>> -> memref<1x128xi32, #tpu.memory_space<vmem>>
      %dma_wait3A_115 = tpu.memref_squeeze %dma_wait3A_114 : memref<1x128xi32, #tpu.memory_space<vmem>> -> memref<128xi32, #tpu.memory_space<vmem>>
      %dma_wait3A_116 = arith.constant 0 : i32
      %dma_wait3A_117 = arith.constant 0 : i32
      %dma_wait3A_118 = tpu.memref_slice %arg13[%dma_wait3A_116, %dma_wait3A_117] : memref<10240x128xbf16, #tpu.memory_space<vmem_shared>> -> memref<10240x128xbf16, #tpu.memory_space<vmem_shared>>
      tpu.wait_indirect_dma semaphore(%arg16 : memref<!tpu.dma_semaphore, #tpu.memory_space<semaphore_mem>>) src(%dma_wait3A_118 : memref<10240x128xbf16, #tpu.memory_space<vmem_shared>>) dst(%arg10 : memref<128x128xbf16, #tpu.memory_space<vmem>>)
      %run_scoped3A_119 = arith.constant 2 : i32
      "tpu.region"() ({
        %run_scoped3A_128 = tpu.sem_alloc : memref<!tpu.dma_semaphore, #tpu.memory_space<semaphore_mem>>
        %dma_start3A_129 = arith.constant 0 : i32
        %dma_start3A_130 = tpu.memref_slice %arg7[%run_scoped3A_119, %dma_start3A_129] : memref<4x128xi32, #tpu.memory_space<vmem>> -> memref<1x128xi32, #tpu.memory_space<vmem>>
        %dma_start3A_131 = tpu.memref_squeeze %dma_start3A_130 : memref<1x128xi32, #tpu.memory_space<vmem>> -> memref<128xi32, #tpu.memory_space<vmem>>
        %dma_start3A_132 = arith.constant 0 : i32
        %dma_start3A_133 = arith.constant 0 : i32
        %dma_start3A_134 = tpu.memref_slice %arg12[%dma_start3A_132, %dma_start3A_133] : memref<10240x128xbf16, #tpu.memory_space<vmem_shared>> -> memref<10240x128xbf16, #tpu.memory_space<vmem_shared>>
        tpu.enqueue_indirect_dma source(%arg10 : memref<128x128xbf16, #tpu.memory_space<vmem>>) target(%dma_start3A_134 : memref<10240x128xbf16, #tpu.memory_space<vmem_shared>>) offsets(%dma_start3A_131 : memref<128xi32, #tpu.memory_space<vmem>>) semaphore(%run_scoped3A_128 : memref<!tpu.dma_semaphore, #tpu.memory_space<semaphore_mem>>) {add = true}
        %dma_wait3A_135 = arith.constant 0 : i32
        %dma_wait3A_136 = tpu.memref_slice %arg7[%run_scoped3A_119, %dma_wait3A_135] : memref<4x128xi32, #tpu.memory_space<vmem>> -> memref<1x128xi32, #tpu.memory_space<vmem>>
        %dma_wait3A_137 = tpu.memref_squeeze %dma_wait3A_136 : memref<1x128xi32, #tpu.memory_space<vmem>> -> memref<128xi32, #tpu.memory_space<vmem>>
        %dma_wait3A_138 = arith.constant 0 : i32
        %dma_wait3A_139 = arith.constant 0 : i32
        %dma_wait3A_140 = tpu.memref_slice %arg12[%dma_wait3A_138, %dma_wait3A_139] : memref<10240x128xbf16, #tpu.memory_space<vmem_shared>> -> memref<10240x128xbf16, #tpu.memory_space<vmem_shared>>
        tpu.wait_indirect_dma semaphore(%run_scoped3A_128 : memref<!tpu.dma_semaphore, #tpu.memory_space<semaphore_mem>>) src(%arg10 : memref<128x128xbf16, #tpu.memory_space<vmem>>) dst(%dma_wait3A_140 : memref<10240x128xbf16, #tpu.memory_space<vmem_shared>>)
        tpu.yield
      }) : () -> ()
      %dma_wait3A_120 = arith.constant 0 : i32
      %dma_wait3A_121 = tpu.memref_slice %arg6[%add3A_84, %dma_wait3A_120] : memref<92x128xi32, #tpu.memory_space<vmem>> -> memref<1x128xi32, #tpu.memory_space<vmem>>
      %dma_wait3A_122 = tpu.memref_squeeze %dma_wait3A_121 : memref<1x128xi32, #tpu.memory_space<vmem>> -> memref<128xi32, #tpu.memory_space<vmem>>
      %dma_wait3A_123 = arith.constant 0 : i32
      %dma_wait3A_124 = arith.constant 0 : i32
      %dma_wait3A_125 = tpu.memref_slice %arg13[%dma_wait3A_123, %dma_wait3A_124] : memref<10240x128xbf16, #tpu.memory_space<vmem_shared>> -> memref<10240x128xbf16, #tpu.memory_space<vmem_shared>>
      tpu.wait_indirect_dma semaphore(%arg17 : memref<!tpu.dma_semaphore, #tpu.memory_space<semaphore_mem>>) src(%dma_wait3A_125 : memref<10240x128xbf16, #tpu.memory_space<vmem_shared>>) dst(%arg11 : memref<128x128xbf16, #tpu.memory_space<vmem>>)
      %run_scoped3A_126 = arith.constant 3 : i32
      "tpu.region"() ({
        %run_scoped3A_128 = tpu.sem_alloc : memref<!tpu.dma_semaphore, #tpu.memory_space<semaphore_mem>>
        %dma_start3A_129 = arith.constant 0 : i32
        %dma_start3A_130 = tpu.memref_slice %arg7[%run_scoped3A_126, %dma_start3A_129] : memref<4x128xi32, #tpu.memory_space<vmem>> -> memref<1x128xi32, #tpu.memory_space<vmem>>
        %dma_start3A_131 = tpu.memref_squeeze %dma_start3A_130 : memref<1x128xi32, #tpu.memory_space<vmem>> -> memref<128xi32, #tpu.memory_space<vmem>>
        %dma_start3A_132 = arith.constant 0 : i32
        %dma_start3A_133 = arith.constant 0 : i32
        %dma_start3A_134 = tpu.memref_slice %arg12[%dma_start3A_132, %dma_start3A_133] : memref<10240x128xbf16, #tpu.memory_space<vmem_shared>> -> memref<10240x128xbf16, #tpu.memory_space<vmem_shared>>
        tpu.enqueue_indirect_dma source(%arg11 : memref<128x128xbf16, #tpu.memory_space<vmem>>) target(%dma_start3A_134 : memref<10240x128xbf16, #tpu.memory_space<vmem_shared>>) offsets(%dma_start3A_131 : memref<128xi32, #tpu.memory_space<vmem>>) semaphore(%run_scoped3A_128 : memref<!tpu.dma_semaphore, #tpu.memory_space<semaphore_mem>>) {add = true}
        %dma_wait3A_135 = arith.constant 0 : i32
        %dma_wait3A_136 = tpu.memref_slice %arg7[%run_scoped3A_126, %dma_wait3A_135] : memref<4x128xi32, #tpu.memory_space<vmem>> -> memref<1x128xi32, #tpu.memory_space<vmem>>
        %dma_wait3A_137 = tpu.memref_squeeze %dma_wait3A_136 : memref<1x128xi32, #tpu.memory_space<vmem>> -> memref<128xi32, #tpu.memory_space<vmem>>
        %dma_wait3A_138 = arith.constant 0 : i32
        %dma_wait3A_139 = arith.constant 0 : i32
        %dma_wait3A_140 = tpu.memref_slice %arg12[%dma_wait3A_138, %dma_wait3A_139] : memref<10240x128xbf16, #tpu.memory_space<vmem_shared>> -> memref<10240x128xbf16, #tpu.memory_space<vmem_shared>>
        tpu.wait_indirect_dma semaphore(%run_scoped3A_128 : memref<!tpu.dma_semaphore, #tpu.memory_space<semaphore_mem>>) src(%arg11 : memref<128x128xbf16, #tpu.memory_space<vmem>>) dst(%dma_wait3A_140 : memref<10240x128xbf16, #tpu.memory_space<vmem_shared>>)
        tpu.yield
      }) : () -> ()
      %while3A_127 = arith.constant 0 : i32
      scf.yield %while3A_127 : i32
    }
    %barrier3A_56 = arith.constant 0 : index
    tpu.barrier barrier_id(%barrier3A_56)
    "tpu.region"() ({
      %run_scoped3A = tpu.sem_alloc : memref<!tpu.dma_semaphore, #tpu.memory_space<semaphore_mem>>
      %dma_start3A_57 = arith.constant 0 : i32
      %dma_start3A_58 = tpu.memref_slice %arg5[%arg0, %mul3A_27, %dma_start3A_57] : memref<2x10240x128xbf16, #tpu.memory_space<hbm>> -> memref<1x640x128xbf16, #tpu.memory_space<hbm>>
      %dma_start3A_59 = tpu.memref_squeeze %dma_start3A_58 : memref<1x640x128xbf16, #tpu.memory_space<hbm>> -> memref<640x128xbf16, #tpu.memory_space<hbm>>
      %dma_start3A_60 = arith.constant 0 : i32
      %dma_start3A_61 = tpu.memref_slice %arg12[%mul3A_27, %dma_start3A_60] : memref<10240x128xbf16, #tpu.memory_space<vmem_shared>> -> memref<640x128xbf16, #tpu.memory_space<vmem_shared>>
      tpu.enqueue_dma source(%dma_start3A_61 : memref<640x128xbf16, #tpu.memory_space<vmem_shared>>) target(%dma_start3A_59 : memref<640x128xbf16, #tpu.memory_space<hbm>>) target_semaphore(%run_scoped3A : memref<!tpu.dma_semaphore, #tpu.memory_space<semaphore_mem>>)
      %dma_wait3A_62 = arith.constant 0 : i32
      %dma_wait3A_63 = tpu.memref_slice %arg5[%arg0, %mul3A_27, %dma_wait3A_62] : memref<2x10240x128xbf16, #tpu.memory_space<hbm>> -> memref<1x640x128xbf16, #tpu.memory_space<hbm>>
      %dma_wait3A_64 = tpu.memref_squeeze %dma_wait3A_63 : memref<1x640x128xbf16, #tpu.memory_space<hbm>> -> memref<640x128xbf16, #tpu.memory_space<hbm>>
      %dma_wait3A_65 = arith.constant 0 : i32
      %dma_wait3A_66 = tpu.memref_slice %arg12[%mul3A_27, %dma_wait3A_65] : memref<10240x128xbf16, #tpu.memory_space<vmem_shared>> -> memref<640x128xbf16, #tpu.memory_space<vmem_shared>>
      tpu.wait_dma2 semaphore(%run_scoped3A : memref<!tpu.dma_semaphore, #tpu.memory_space<semaphore_mem>>) src(%dma_wait3A_66 : memref<640x128xbf16, #tpu.memory_space<vmem_shared>>) dst(%dma_wait3A_64 : memref<640x128xbf16, #tpu.memory_space<hbm>>)
      tpu.yield
    }) : () -> ()
    return
  }
}

#map = affine_map<(d0, d1) -> (0, 0)>
#map1 = affine_map<(d0, d1) -> (0, 0, 0)>
module attributes {stable_mosaic.version = 14 : i64} {
  func.func @_scatter_kernel(%arg0: i32, %arg1: i32, %arg2: memref<10240x128xbf16, #tpu.memory_space<hbm>>, %arg3: memref<2652x128xi32, #tpu.memory_space<hbm>>, %arg4: memref<2652x128xi32, #tpu.memory_space<hbm>>, %arg5: memref<2x10240x128xbf16, #tpu.memory_space<hbm>>, %arg6: memref<92x128xi32, #tpu.memory_space<vmem>>, %arg7: memref<4x128xi32, #tpu.memory_space<vmem>>, %arg8: memref<128x128xbf16, #tpu.memory_space<vmem>>, %arg9: memref<128x128xbf16, #tpu.memory_space<vmem>>, %arg10: memref<128x128xbf16, #tpu.memory_space<vmem>>, %arg11: memref<128x128xbf16, #tpu.memory_space<vmem>>, %arg12: memref<10240x128xbf16, #tpu.memory_space<vmem_shared>>, %arg13: memref<10240x128xbf16, #tpu.memory_space<vmem_shared>>, %arg14: memref<!tpu.dma_semaphore, #tpu.memory_space<semaphore_mem>>, %arg15: memref<!tpu.dma_semaphore, #tpu.memory_space<semaphore_mem>>, %arg16: memref<!tpu.dma_semaphore, #tpu.memory_space<semaphore_mem>>, %arg17: memref<!tpu.dma_semaphore, #tpu.memory_space<semaphore_mem>>, %arg18: memref<!tpu.dma_semaphore, #tpu.memory_space<semaphore_mem>>) attributes {dimension_semantics = [#tpu.dimension_semantics<core_parallel>, #tpu.dimension_semantics<subcore_parallel>], iteration_bounds = array<i64: 2, 16>, scalar_prefetch = 0 : i64, scratch_operands = 13 : i64, tpu.core_type = #tpu.core_type<sc_vector_subcore>, window_params = [{transform_indices = #map}, {transform_indices = #map}, {transform_indices = #map}, {transform_indices = #map1}]} {
    %eq3A = arith.constant 0 : i32
    %eq3A_0 = arith.cmpi eq, %arg0, %eq3A : i32
    %mul3A = arith.constant 92 : i32
    %mul3A_1 = arith.muli %arg1, %mul3A : i32
    %mul3A_2 = arith.constant 68 : i32
    %mul3A_3 = arith.muli %arg1, %mul3A_2 : i32
    %add3A = arith.constant 1472 : i32
    %add3A_4 = arith.addi %add3A, %mul3A_3 : i32
    %select_n3A = arith.select %eq3A_0, %mul3A_1, %add3A_4 : i32
    %eq3A_5 = arith.constant 0 : i32
    %eq3A_6 = arith.cmpi eq, %arg0, %eq3A_5 : i32
    %jit3A = arith.constant 23 : i32
    %jit3A_7 = arith.constant 17 : i32
    %select_n3A_8 = arith.select %eq3A_6, %jit3A, %jit3A_7 : i32
    %dma_start3A = arith.constant 0 : i32
    %dma_start3A_9 = tpu.memref_slice %arg3[%select_n3A, %dma_start3A] : memref<2652x128xi32, #tpu.memory_space<hbm>> -> memref<92x128xi32, #tpu.memory_space<hbm>>
    %dma_start3A_10 = arith.constant 0 : i32
    %dma_start3A_11 = tpu.memref_slice %arg3[%select_n3A, %dma_start3A_10] : memref<2652x128xi32, #tpu.memory_space<hbm>> -> memref<92x128xi32, #tpu.memory_space<hbm>>
    tpu.enqueue_dma source(%dma_start3A_11 : memref<92x128xi32, #tpu.memory_space<hbm>>) target(%arg6 : memref<92x128xi32, #tpu.memory_space<vmem>>) target_semaphore(%arg15 : memref<!tpu.dma_semaphore, #tpu.memory_space<semaphore_mem>>)
    %mul3A_12 = arith.constant 640 : i32
    %mul3A_13 = arith.muli %arg1, %mul3A_12 : i32
    %mul3A_14 = arith.constant 640 : i32
    %mul3A_15 = arith.muli %arg1, %mul3A_14 : i32
    %dma_start3A_16 = arith.constant 0 : i32
    %dma_start3A_17 = tpu.memref_slice %arg13[%mul3A_15, %dma_start3A_16] : memref<10240x128xbf16, #tpu.memory_space<vmem_shared>> -> memref<640x128xbf16, #tpu.memory_space<vmem_shared>>
    %dma_start3A_18 = arith.constant 0 : i32
    %dma_start3A_19 = tpu.memref_slice %arg2[%mul3A_13, %dma_start3A_18] : memref<10240x128xbf16, #tpu.memory_space<hbm>> -> memref<640x128xbf16, #tpu.memory_space<hbm>>
    tpu.enqueue_dma source(%dma_start3A_19 : memref<640x128xbf16, #tpu.memory_space<hbm>>) target(%dma_start3A_17 : memref<640x128xbf16, #tpu.memory_space<vmem_shared>>) target_semaphore(%arg14 : memref<!tpu.dma_semaphore, #tpu.memory_space<semaphore_mem>>)
    %scan3A = arith.constant 0 : i32
    %scan3A_20 = arith.constant 0 : i32
    %scan3A_21 = arith.constant 128 : i32
    %scan3A_22 = arith.addi %scan3A_20, %scan3A_21 : i32
    %scan3A_23 = arith.constant 1 : i32
    %scan3A_24 = scf.for %scan3A_57 = %scan3A_20 to %scan3A_22 step %scan3A_23 iter_args(%scan3A_58 = %scan3A) -> (i32)  : i32 {
      %broadcast_in_dim3A = arith.constant 0.000000e+00 : bf16
      %broadcast_in_dim3A_59 = vector.broadcast %broadcast_in_dim3A : bf16 to vector<32xbf16>
      %swap3A = arith.index_cast %scan3A_57 : i32 to index
      %swap3A_60 = arith.constant 0 : index
      %swap3A_61 = tpu.vector_load %arg8[%swap3A, %swap3A_60] {strides = array<i32>} : memref<128x128xbf16, #tpu.memory_space<vmem>>, vector<32xbf16>,
      tpu.vector_store %arg8[%swap3A, %swap3A_60], %broadcast_in_dim3A_59 {strides = array<i32>} : memref<128x128xbf16, #tpu.memory_space<vmem>>, vector<32xbf16>,
      %broadcast_in_dim3A_62 = arith.constant 0.000000e+00 : bf16
      %broadcast_in_dim3A_63 = vector.broadcast %broadcast_in_dim3A_62 : bf16 to vector<32xbf16>
      %swap3A_64 = arith.index_cast %scan3A_57 : i32 to index
      %swap3A_65 = arith.constant 32 : index
      %swap3A_66 = tpu.vector_load %arg8[%swap3A_64, %swap3A_65] {strides = array<i32>} : memref<128x128xbf16, #tpu.memory_space<vmem>>, vector<32xbf16>,
      tpu.vector_store %arg8[%swap3A_64, %swap3A_65], %broadcast_in_dim3A_63 {strides = array<i32>} : memref<128x128xbf16, #tpu.memory_space<vmem>>, vector<32xbf16>,
      %broadcast_in_dim3A_67 = arith.constant 0.000000e+00 : bf16
      %broadcast_in_dim3A_68 = vector.broadcast %broadcast_in_dim3A_67 : bf16 to vector<32xbf16>
      %swap3A_69 = arith.index_cast %scan3A_57 : i32 to index
      %swap3A_70 = arith.constant 64 : index
      %swap3A_71 = tpu.vector_load %arg8[%swap3A_69, %swap3A_70] {strides = array<i32>} : memref<128x128xbf16, #tpu.memory_space<vmem>>, vector<32xbf16>,
      tpu.vector_store %arg8[%swap3A_69, %swap3A_70], %broadcast_in_dim3A_68 {strides = array<i32>} : memref<128x128xbf16, #tpu.memory_space<vmem>>, vector<32xbf16>,
      %broadcast_in_dim3A_72 = arith.constant 0.000000e+00 : bf16
      %broadcast_in_dim3A_73 = vector.broadcast %broadcast_in_dim3A_72 : bf16 to vector<32xbf16>
      %swap3A_74 = arith.index_cast %scan3A_57 : i32 to index
      %swap3A_75 = arith.constant 96 : index
      %swap3A_76 = tpu.vector_load %arg8[%swap3A_74, %swap3A_75] {strides = array<i32>} : memref<128x128xbf16, #tpu.memory_space<vmem>>, vector<32xbf16>,
      tpu.vector_store %arg8[%swap3A_74, %swap3A_75], %broadcast_in_dim3A_73 {strides = array<i32>} : memref<128x128xbf16, #tpu.memory_space<vmem>>, vector<32xbf16>,
      %scan3A_77 = arith.constant 0 : i32
      scf.yield %scan3A_77 : i32
    }
    %scan3A_25 = arith.constant 128 : i32
    %mul3A_26 = arith.constant 640 : i32
    %mul3A_27 = arith.muli %arg1, %mul3A_26 : i32
    %add3A_28 = arith.constant 0 : i32
    %add3A_29 = arith.addi %mul3A_27, %add3A_28 : i32
    "tpu.region"() ({
      %run_scoped3A = tpu.sem_alloc : memref<!tpu.dma_semaphore, #tpu.memory_space<semaphore_mem>>
      %dma_start3A_57 = arith.constant 0 : i32
      %dma_start3A_58 = tpu.memref_slice %arg12[%add3A_29, %dma_start3A_57] : memref<10240x128xbf16, #tpu.memory_space<vmem_shared>> -> memref<128x128xbf16, #tpu.memory_space<vmem_shared>>
      %dma_start3A_59 = arith.constant 0 : i32
      %dma_start3A_60 = tpu.memref_slice %arg12[%add3A_29, %dma_start3A_59] : memref<10240x128xbf16, #tpu.memory_space<vmem_shared>> -> memref<128x128xbf16, #tpu.memory_space<vmem_shared>>
      tpu.enqueue_dma source(%arg8 : memref<128x128xbf16, #tpu.memory_space<vmem>>) target(%dma_start3A_60 : memref<128x128xbf16, #tpu.memory_space<vmem_shared>>) target_semaphore(%run_scoped3A : memref<!tpu.dma_semaphore, #tpu.memory_space<semaphore_mem>>)
      %dma_wait3A_61 = arith.constant 0 : i32
      %dma_wait3A_62 = tpu.memref_slice %arg12[%add3A_29, %dma_wait3A_61] : memref<10240x128xbf16, #tpu.memory_space<vmem_shared>> -> memref<128x128xbf16, #tpu.memory_space<vmem_shared>>
      %dma_wait3A_63 = arith.constant 0 : i32
      %dma_wait3A_64 = tpu.memref_slice %arg12[%add3A_29, %dma_wait3A_63] : memref<10240x128xbf16, #tpu.memory_space<vmem_shared>> -> memref<128x128xbf16, #tpu.memory_space<vmem_shared>>
      tpu.wait_dma2 semaphore(%run_scoped3A : memref<!tpu.dma_semaphore, #tpu.memory_space<semaphore_mem>>) src(%arg8 : memref<128x128xbf16, #tpu.memory_space<vmem>>) dst(%dma_wait3A_64 : memref<128x128xbf16, #tpu.memory_space<vmem_shared>>)
      tpu.yield
    }) : () -> ()
    %add3A_30 = arith.constant 128 : i32
    %add3A_31 = arith.addi %mul3A_27, %add3A_30 : i32
    "tpu.region"() ({
      %run_scoped3A = tpu.sem_alloc : memref<!tpu.dma_semaphore, #tpu.memory_space<semaphore_mem>>
      %dma_start3A_57 = arith.constant 0 : i32
      %dma_start3A_58 = tpu.memref_slice %arg12[%add3A_31, %dma_start3A_57] : memref<10240x128xbf16, #tpu.memory_space<vmem_shared>> -> memref<128x128xbf16, #tpu.memory_space<vmem_shared>>
      %dma_start3A_59 = arith.constant 0 : i32
      %dma_start3A_60 = tpu.memref_slice %arg12[%add3A_31, %dma_start3A_59] : memref<10240x128xbf16, #tpu.memory_space<vmem_shared>> -> memref<128x128xbf16, #tpu.memory_space<vmem_shared>>
      tpu.enqueue_dma source(%arg8 : memref<128x128xbf16, #tpu.memory_space<vmem>>) target(%dma_start3A_60 : memref<128x128xbf16, #tpu.memory_space<vmem_shared>>) target_semaphore(%run_scoped3A : memref<!tpu.dma_semaphore, #tpu.memory_space<semaphore_mem>>)
      %dma_wait3A_61 = arith.constant 0 : i32
      %dma_wait3A_62 = tpu.memref_slice %arg12[%add3A_31, %dma_wait3A_61] : memref<10240x128xbf16, #tpu.memory_space<vmem_shared>> -> memref<128x128xbf16, #tpu.memory_space<vmem_shared>>
      %dma_wait3A_63 = arith.constant 0 : i32
      %dma_wait3A_64 = tpu.memref_slice %arg12[%add3A_31, %dma_wait3A_63] : memref<10240x128xbf16, #tpu.memory_space<vmem_shared>> -> memref<128x128xbf16, #tpu.memory_space<vmem_shared>>
      tpu.wait_dma2 semaphore(%run_scoped3A : memref<!tpu.dma_semaphore, #tpu.memory_space<semaphore_mem>>) src(%arg8 : memref<128x128xbf16, #tpu.memory_space<vmem>>) dst(%dma_wait3A_64 : memref<128x128xbf16, #tpu.memory_space<vmem_shared>>)
      tpu.yield
    }) : () -> ()
    %add3A_32 = arith.constant 256 : i32
    %add3A_33 = arith.addi %mul3A_27, %add3A_32 : i32
    "tpu.region"() ({
      %run_scoped3A = tpu.sem_alloc : memref<!tpu.dma_semaphore, #tpu.memory_space<semaphore_mem>>
      %dma_start3A_57 = arith.constant 0 : i32
      %dma_start3A_58 = tpu.memref_slice %arg12[%add3A_33, %dma_start3A_57] : memref<10240x128xbf16, #tpu.memory_space<vmem_shared>> -> memref<128x128xbf16, #tpu.memory_space<vmem_shared>>
      %dma_start3A_59 = arith.constant 0 : i32
      %dma_start3A_60 = tpu.memref_slice %arg12[%add3A_33, %dma_start3A_59] : memref<10240x128xbf16, #tpu.memory_space<vmem_shared>> -> memref<128x128xbf16, #tpu.memory_space<vmem_shared>>
      tpu.enqueue_dma source(%arg8 : memref<128x128xbf16, #tpu.memory_space<vmem>>) target(%dma_start3A_60 : memref<128x128xbf16, #tpu.memory_space<vmem_shared>>) target_semaphore(%run_scoped3A : memref<!tpu.dma_semaphore, #tpu.memory_space<semaphore_mem>>)
      %dma_wait3A_61 = arith.constant 0 : i32
      %dma_wait3A_62 = tpu.memref_slice %arg12[%add3A_33, %dma_wait3A_61] : memref<10240x128xbf16, #tpu.memory_space<vmem_shared>> -> memref<128x128xbf16, #tpu.memory_space<vmem_shared>>
      %dma_wait3A_63 = arith.constant 0 : i32
      %dma_wait3A_64 = tpu.memref_slice %arg12[%add3A_33, %dma_wait3A_63] : memref<10240x128xbf16, #tpu.memory_space<vmem_shared>> -> memref<128x128xbf16, #tpu.memory_space<vmem_shared>>
      tpu.wait_dma2 semaphore(%run_scoped3A : memref<!tpu.dma_semaphore, #tpu.memory_space<semaphore_mem>>) src(%arg8 : memref<128x128xbf16, #tpu.memory_space<vmem>>) dst(%dma_wait3A_64 : memref<128x128xbf16, #tpu.memory_space<vmem_shared>>)
      tpu.yield
    }) : () -> ()
    %add3A_34 = arith.constant 384 : i32
    %add3A_35 = arith.addi %mul3A_27, %add3A_34 : i32
    "tpu.region"() ({
      %run_scoped3A = tpu.sem_alloc : memref<!tpu.dma_semaphore, #tpu.memory_space<semaphore_mem>>
      %dma_start3A_57 = arith.constant 0 : i32
      %dma_start3A_58 = tpu.memref_slice %arg12[%add3A_35, %dma_start3A_57] : memref<10240x128xbf16, #tpu.memory_space<vmem_shared>> -> memref<128x128xbf16, #tpu.memory_space<vmem_shared>>
      %dma_start3A_59 = arith.constant 0 : i32
      %dma_start3A_60 = tpu.memref_slice %arg12[%add3A_35, %dma_start3A_59] : memref<10240x128xbf16, #tpu.memory_space<vmem_shared>> -> memref<128x128xbf16, #tpu.memory_space<vmem_shared>>
      tpu.enqueue_dma source(%arg8 : memref<128x128xbf16, #tpu.memory_space<vmem>>) target(%dma_start3A_60 : memref<128x128xbf16, #tpu.memory_space<vmem_shared>>) target_semaphore(%run_scoped3A : memref<!tpu.dma_semaphore, #tpu.memory_space<semaphore_mem>>)
      %dma_wait3A_61 = arith.constant 0 : i32
      %dma_wait3A_62 = tpu.memref_slice %arg12[%add3A_35, %dma_wait3A_61] : memref<10240x128xbf16, #tpu.memory_space<vmem_shared>> -> memref<128x128xbf16, #tpu.memory_space<vmem_shared>>
      %dma_wait3A_63 = arith.constant 0 : i32
      %dma_wait3A_64 = tpu.memref_slice %arg12[%add3A_35, %dma_wait3A_63] : memref<10240x128xbf16, #tpu.memory_space<vmem_shared>> -> memref<128x128xbf16, #tpu.memory_space<vmem_shared>>
      tpu.wait_dma2 semaphore(%run_scoped3A : memref<!tpu.dma_semaphore, #tpu.memory_space<semaphore_mem>>) src(%arg8 : memref<128x128xbf16, #tpu.memory_space<vmem>>) dst(%dma_wait3A_64 : memref<128x128xbf16, #tpu.memory_space<vmem_shared>>)
      tpu.yield
    }) : () -> ()
    %add3A_36 = arith.constant 512 : i32
    %add3A_37 = arith.addi %mul3A_27, %add3A_36 : i32
    "tpu.region"() ({
      %run_scoped3A = tpu.sem_alloc : memref<!tpu.dma_semaphore, #tpu.memory_space<semaphore_mem>>
      %dma_start3A_57 = arith.constant 0 : i32
      %dma_start3A_58 = tpu.memref_slice %arg12[%add3A_37, %dma_start3A_57] : memref<10240x128xbf16, #tpu.memory_space<vmem_shared>> -> memref<128x128xbf16, #tpu.memory_space<vmem_shared>>
      %dma_start3A_59 = arith.constant 0 : i32
      %dma_start3A_60 = tpu.memref_slice %arg12[%add3A_37, %dma_start3A_59] : memref<10240x128xbf16, #tpu.memory_space<vmem_shared>> -> memref<128x128xbf16, #tpu.memory_space<vmem_shared>>
      tpu.enqueue_dma source(%arg8 : memref<128x128xbf16, #tpu.memory_space<vmem>>) target(%dma_start3A_60 : memref<128x128xbf16, #tpu.memory_space<vmem_shared>>) target_semaphore(%run_scoped3A : memref<!tpu.dma_semaphore, #tpu.memory_space<semaphore_mem>>)
      %dma_wait3A_61 = arith.constant 0 : i32
      %dma_wait3A_62 = tpu.memref_slice %arg12[%add3A_37, %dma_wait3A_61] : memref<10240x128xbf16, #tpu.memory_space<vmem_shared>> -> memref<128x128xbf16, #tpu.memory_space<vmem_shared>>
      %dma_wait3A_63 = arith.constant 0 : i32
      %dma_wait3A_64 = tpu.memref_slice %arg12[%add3A_37, %dma_wait3A_63] : memref<10240x128xbf16, #tpu.memory_space<vmem_shared>> -> memref<128x128xbf16, #tpu.memory_space<vmem_shared>>
      tpu.wait_dma2 semaphore(%run_scoped3A : memref<!tpu.dma_semaphore, #tpu.memory_space<semaphore_mem>>) src(%arg8 : memref<128x128xbf16, #tpu.memory_space<vmem>>) dst(%dma_wait3A_64 : memref<128x128xbf16, #tpu.memory_space<vmem_shared>>)
      tpu.yield
    }) : () -> ()
    %dma_wait3A = arith.constant 0 : i32
    %dma_wait3A_38 = tpu.memref_slice %arg13[%mul3A_15, %dma_wait3A] : memref<10240x128xbf16, #tpu.memory_space<vmem_shared>> -> memref<640x128xbf16, #tpu.memory_space<vmem_shared>>
    %dma_wait3A_39 = arith.constant 0 : i32
    %dma_wait3A_40 = tpu.memref_slice %arg2[%mul3A_13, %dma_wait3A_39] : memref<10240x128xbf16, #tpu.memory_space<hbm>> -> memref<640x128xbf16, #tpu.memory_space<hbm>>
    tpu.wait_dma2 semaphore(%arg14 : memref<!tpu.dma_semaphore, #tpu.memory_space<semaphore_mem>>) src(%dma_wait3A_40 : memref<640x128xbf16, #tpu.memory_space<hbm>>) dst(%dma_wait3A_38 : memref<640x128xbf16, #tpu.memory_space<vmem_shared>>)
    %dma_wait3A_41 = arith.constant 0 : i32
    %dma_wait3A_42 = tpu.memref_slice %arg3[%select_n3A, %dma_wait3A_41] : memref<2652x128xi32, #tpu.memory_space<hbm>> -> memref<92x128xi32, #tpu.memory_space<hbm>>
    %dma_wait3A_43 = arith.constant 0 : i32
    %dma_wait3A_44 = tpu.memref_slice %arg3[%select_n3A, %dma_wait3A_43] : memref<2652x128xi32, #tpu.memory_space<hbm>> -> memref<92x128xi32, #tpu.memory_space<hbm>>
    tpu.wait_dma2 semaphore(%arg15 : memref<!tpu.dma_semaphore, #tpu.memory_space<semaphore_mem>>) src(%dma_wait3A_44 : memref<92x128xi32, #tpu.memory_space<hbm>>) dst(%arg6 : memref<92x128xi32, #tpu.memory_space<vmem>>)
    %barrier3A = arith.constant 0 : index
    tpu.barrier barrier_id(%barrier3A)
    %while3A = arith.constant 0 : i32
    %while3A_45 = arith.constant 0 : i32
    %while3A_46 = arith.subi %select_n3A_8, %while3A : i32
    %while3A_47 = arith.addi %while3A, %while3A_46 : i32
    %while3A_48 = arith.constant 1 : i32
    %while3A_49 = arith.divsi %while3A_46, %while3A_48 : i32
    %while3A_50 = arith.muli %while3A_49, %while3A_48 : i32
    %while3A_51 = arith.addi %while3A, %while3A_50 : i32
    %while3A_52 = arith.constant 1 : i32
    %while3A_53 = scf.for %while3A_57 = %while3A to %while3A_51 step %while3A_52 iter_args(%while3A_58 = %while3A_45) -> (i32)  : i32 {
      %mul3A_59 = arith.constant 4 : i32
      %mul3A_60 = arith.muli %mul3A_59, %while3A_57 : i32
      %dma_start3A_61 = arith.constant 0 : i32
      %dma_start3A_62 = tpu.memref_slice %arg6[%mul3A_60, %dma_start3A_61] : memref<92x128xi32, #tpu.memory_space<vmem>> -> memref<1x128xi32, #tpu.memory_space<vmem>>
      %dma_start3A_63 = tpu.memref_squeeze %dma_start3A_62 : memref<1x128xi32, #tpu.memory_space<vmem>> -> memref<128xi32, #tpu.memory_space<vmem>>
      %dma_start3A_64 = arith.constant 0 : i32
      %dma_start3A_65 = arith.constant 0 : i32
      %dma_start3A_66 = tpu.memref_slice %arg13[%dma_start3A_64, %dma_start3A_65] : memref<10240x128xbf16, #tpu.memory_space<vmem_shared>> -> memref<10240x128xbf16, #tpu.memory_space<vmem_shared>>
      tpu.enqueue_indirect_dma source(%dma_start3A_66 : memref<10240x128xbf16, #tpu.memory_space<vmem_shared>>) target(%arg8 : memref<128x128xbf16, #tpu.memory_space<vmem>>) offsets(%dma_start3A_63 : memref<128xi32, #tpu.memory_space<vmem>>) semaphore(%arg14 : memref<!tpu.dma_semaphore, #tpu.memory_space<semaphore_mem>>)
      %add3A_67 = arith.constant 1 : i32
      %add3A_68 = arith.addi %mul3A_60, %add3A_67 : i32
      %dma_start3A_69 = arith.constant 0 : i32
      %dma_start3A_70 = tpu.memref_slice %arg6[%add3A_68, %dma_start3A_69] : memref<92x128xi32, #tpu.memory_space<vmem>> -> memref<1x128xi32, #tpu.memory_space<vmem>>
      %dma_start3A_71 = tpu.memref_squeeze %dma_start3A_70 : memref<1x128xi32, #tpu.memory_space<vmem>> -> memref<128xi32, #tpu.memory_space<vmem>>
      %dma_start3A_72 = arith.constant 0 : i32
      %dma_start3A_73 = arith.constant 0 : i32
      %dma_start3A_74 = tpu.memref_slice %arg13[%dma_start3A_72, %dma_start3A_73] : memref<10240x128xbf16, #tpu.memory_space<vmem_shared>> -> memref<10240x128xbf16, #tpu.memory_space<vmem_shared>>
      tpu.enqueue_indirect_dma source(%dma_start3A_74 : memref<10240x128xbf16, #tpu.memory_space<vmem_shared>>) target(%arg9 : memref<128x128xbf16, #tpu.memory_space<vmem>>) offsets(%dma_start3A_71 : memref<128xi32, #tpu.memory_space<vmem>>) semaphore(%arg15 : memref<!tpu.dma_semaphore, #tpu.memory_space<semaphore_mem>>)
      %add3A_75 = arith.constant 2 : i32
      %add3A_76 = arith.addi %mul3A_60, %add3A_75 : i32
      %dma_start3A_77 = arith.constant 0 : i32
      %dma_start3A_78 = tpu.memref_slice %arg6[%add3A_76, %dma_start3A_77] : memref<92x128xi32, #tpu.memory_space<vmem>> -> memref<1x128xi32, #tpu.memory_space<vmem>>
      %dma_start3A_79 = tpu.memref_squeeze %dma_start3A_78 : memref<1x128xi32, #tpu.memory_space<vmem>> -> memref<128xi32, #tpu.memory_space<vmem>>
      %dma_start3A_80 = arith.constant 0 : i32
      %dma_start3A_81 = arith.constant 0 : i32
      %dma_start3A_82 = tpu.memref_slice %arg13[%dma_start3A_80, %dma_start3A_81] : memref<10240x128xbf16, #tpu.memory_space<vmem_shared>> -> memref<10240x128xbf16, #tpu.memory_space<vmem_shared>>
      tpu.enqueue_indirect_dma source(%dma_start3A_82 : memref<10240x128xbf16, #tpu.memory_space<vmem_shared>>) target(%arg10 : memref<128x128xbf16, #tpu.memory_space<vmem>>) offsets(%dma_start3A_79 : memref<128xi32, #tpu.memory_space<vmem>>) semaphore(%arg16 : memref<!tpu.dma_semaphore, #tpu.memory_space<semaphore_mem>>)
      %add3A_83 = arith.constant 3 : i32
      %add3A_84 = arith.addi %mul3A_60, %add3A_83 : i32
      %dma_start3A_85 = arith.constant 0 : i32
      %dma_start3A_86 = tpu.memref_slice %arg6[%add3A_84, %dma_start3A_85] : memref<92x128xi32, #tpu.memory_space<vmem>> -> memref<1x128xi32, #tpu.memory_space<vmem>>
      %dma_start3A_87 = tpu.memref_squeeze %dma_start3A_86 : memref<1x128xi32, #tpu.memory_space<vmem>> -> memref<128xi32, #tpu.memory_space<vmem>>
      %dma_start3A_88 = arith.constant 0 : i32
      %dma_start3A_89 = arith.constant 0 : i32
      %dma_start3A_90 = tpu.memref_slice %arg13[%dma_start3A_88, %dma_start3A_89] : memref<10240x128xbf16, #tpu.memory_space<vmem_shared>> -> memref<10240x128xbf16, #tpu.memory_space<vmem_shared>>
      tpu.enqueue_indirect_dma source(%dma_start3A_90 : memref<10240x128xbf16, #tpu.memory_space<vmem_shared>>) target(%arg11 : memref<128x128xbf16, #tpu.memory_space<vmem>>) offsets(%dma_start3A_87 : memref<128xi32, #tpu.memory_space<vmem>>) semaphore(%arg17 : memref<!tpu.dma_semaphore, #tpu.memory_space<semaphore_mem>>)
      %add3A_91 = arith.addi %select_n3A, %mul3A_60 : i32
      %dma_start3A_92 = arith.constant 0 : i32
      %dma_start3A_93 = tpu.memref_slice %arg4[%add3A_91, %dma_start3A_92] : memref<2652x128xi32, #tpu.memory_space<hbm>> -> memref<4x128xi32, #tpu.memory_space<hbm>>
      %dma_start3A_94 = arith.constant 0 : i32
      %dma_start3A_95 = tpu.memref_slice %arg4[%add3A_91, %dma_start3A_94] : memref<2652x128xi32, #tpu.memory_space<hbm>> -> memref<4x128xi32, #tpu.memory_space<hbm>>
      tpu.enqueue_dma source(%dma_start3A_95 : memref<4x128xi32, #tpu.memory_space<hbm>>) target(%arg7 : memref<4x128xi32, #tpu.memory_space<vmem>>) target_semaphore(%arg18 : memref<!tpu.dma_semaphore, #tpu.memory_space<semaphore_mem>>)
      %dma_wait3A_96 = arith.constant 0 : i32
      %dma_wait3A_97 = tpu.memref_slice %arg4[%add3A_91, %dma_wait3A_96] : memref<2652x128xi32, #tpu.memory_space<hbm>> -> memref<4x128xi32, #tpu.memory_space<hbm>>
      %dma_wait3A_98 = arith.constant 0 : i32
      %dma_wait3A_99 = tpu.memref_slice %arg4[%add3A_91, %dma_wait3A_98] : memref<2652x128xi32, #tpu.memory_space<hbm>> -> memref<4x128xi32, #tpu.memory_space<hbm>>
      tpu.wait_dma2 semaphore(%arg18 : memref<!tpu.dma_semaphore, #tpu.memory_space<semaphore_mem>>) src(%dma_wait3A_99 : memref<4x128xi32, #tpu.memory_space<hbm>>) dst(%arg7 : memref<4x128xi32, #tpu.memory_space<vmem>>)
      %dma_wait3A_100 = arith.constant 0 : i32
      %dma_wait3A_101 = tpu.memref_slice %arg6[%mul3A_60, %dma_wait3A_100] : memref<92x128xi32, #tpu.memory_space<vmem>> -> memref<1x128xi32, #tpu.memory_space<vmem>>
      %dma_wait3A_102 = tpu.memref_squeeze %dma_wait3A_101 : memref<1x128xi32, #tpu.memory_space<vmem>> -> memref<128xi32, #tpu.memory_space<vmem>>
      %dma_wait3A_103 = arith.constant 0 : i32
      %dma_wait3A_104 = arith.constant 0 : i32
      %dma_wait3A_105 = tpu.memref_slice %arg13[%dma_wait3A_103, %dma_wait3A_104] : memref<10240x128xbf16, #tpu.memory_space<vmem_shared>> -> memref<10240x128xbf16, #tpu.memory_space<vmem_shared>>
      tpu.wait_indirect_dma semaphore(%arg14 : memref<!tpu.dma_semaphore, #tpu.memory_space<semaphore_mem>>) src(%dma_wait3A_105 : memref<10240x128xbf16, #tpu.memory_space<vmem_shared>>) dst(%arg8 : memref<128x128xbf16, #tpu.memory_space<vmem>>)
      %run_scoped3A = arith.constant 0 : i32
      "tpu.region"() ({
        %run_scoped3A_128 = tpu.sem_alloc : memref<!tpu.dma_semaphore, #tpu.memory_space<semaphore_mem>>
        %dma_start3A_129 = arith.constant 0 : i32
        %dma_start3A_130 = tpu.memref_slice %arg7[%run_scoped3A, %dma_start3A_129] : memref<4x128xi32, #tpu.memory_space<vmem>> -> memref<1x128xi32, #tpu.memory_space<vmem>>
        %dma_start3A_131 = tpu.memref_squeeze %dma_start3A_130 : memref<1x128xi32, #tpu.memory_space<vmem>> -> memref<128xi32, #tpu.memory_space<vmem>>
        %dma_start3A_132 = arith.constant 0 : i32
        %dma_start3A_133 = arith.constant 0 : i32
        %dma_start3A_134 = tpu.memref_slice %arg12[%dma_start3A_132, %dma_start3A_133] : memref<10240x128xbf16, #tpu.memory_space<vmem_shared>> -> memref<10240x128xbf16, #tpu.memory_space<vmem_shared>>
        tpu.enqueue_indirect_dma source(%arg8 : memref<128x128xbf16, #tpu.memory_space<vmem>>) target(%dma_start3A_134 : memref<10240x128xbf16, #tpu.memory_space<vmem_shared>>) offsets(%dma_start3A_131 : memref<128xi32, #tpu.memory_space<vmem>>) semaphore(%run_scoped3A_128 : memref<!tpu.dma_semaphore, #tpu.memory_space<semaphore_mem>>) {add = true}
        %dma_wait3A_135 = arith.constant 0 : i32
        %dma_wait3A_136 = tpu.memref_slice %arg7[%run_scoped3A, %dma_wait3A_135] : memref<4x128xi32, #tpu.memory_space<vmem>> -> memref<1x128xi32, #tpu.memory_space<vmem>>
        %dma_wait3A_137 = tpu.memref_squeeze %dma_wait3A_136 : memref<1x128xi32, #tpu.memory_space<vmem>> -> memref<128xi32, #tpu.memory_space<vmem>>
        %dma_wait3A_138 = arith.constant 0 : i32
        %dma_wait3A_139 = arith.constant 0 : i32
        %dma_wait3A_140 = tpu.memref_slice %arg12[%dma_wait3A_138, %dma_wait3A_139] : memref<10240x128xbf16, #tpu.memory_space<vmem_shared>> -> memref<10240x128xbf16, #tpu.memory_space<vmem_shared>>
        tpu.wait_indirect_dma semaphore(%run_scoped3A_128 : memref<!tpu.dma_semaphore, #tpu.memory_space<semaphore_mem>>) src(%arg8 : memref<128x128xbf16, #tpu.memory_space<vmem>>) dst(%dma_wait3A_140 : memref<10240x128xbf16, #tpu.memory_space<vmem_shared>>)
        tpu.yield
      }) : () -> ()
      %dma_wait3A_106 = arith.constant 0 : i32
      %dma_wait3A_107 = tpu.memref_slice %arg6[%add3A_68, %dma_wait3A_106] : memref<92x128xi32, #tpu.memory_space<vmem>> -> memref<1x128xi32, #tpu.memory_space<vmem>>
      %dma_wait3A_108 = tpu.memref_squeeze %dma_wait3A_107 : memref<1x128xi32, #tpu.memory_space<vmem>> -> memref<128xi32, #tpu.memory_space<vmem>>
      %dma_wait3A_109 = arith.constant 0 : i32
      %dma_wait3A_110 = arith.constant 0 : i32
      %dma_wait3A_111 = tpu.memref_slice %arg13[%dma_wait3A_109, %dma_wait3A_110] : memref<10240x128xbf16, #tpu.memory_space<vmem_shared>> -> memref<10240x128xbf16, #tpu.memory_space<vmem_shared>>
      tpu.wait_indirect_dma semaphore(%arg15 : memref<!tpu.dma_semaphore, #tpu.memory_space<semaphore_mem>>) src(%dma_wait3A_111 : memref<10240x128xbf16, #tpu.memory_space<vmem_shared>>) dst(%arg9 : memref<128x128xbf16, #tpu.memory_space<vmem>>)
      %run_scoped3A_112 = arith.constant 1 : i32
      "tpu.region"() ({
        %run_scoped3A_128 = tpu.sem_alloc : memref<!tpu.dma_semaphore, #tpu.memory_space<semaphore_mem>>
        %dma_start3A_129 = arith.constant 0 : i32
        %dma_start3A_130 = tpu.memref_slice %arg7[%run_scoped3A_112, %dma_start3A_129] : memref<4x128xi32, #tpu.memory_space<vmem>> -> memref<1x128xi32, #tpu.memory_space<vmem>>
        %dma_start3A_131 = tpu.memref_squeeze %dma_start3A_130 : memref<1x128xi32, #tpu.memory_space<vmem>> -> memref<128xi32, #tpu.memory_space<vmem>>
        %dma_start3A_132 = arith.constant 0 : i32
        %dma_start3A_133 = arith.constant 0 : i32
        %dma_start3A_134 = tpu.memref_slice %arg12[%dma_start3A_132, %dma_start3A_133] : memref<10240x128xbf16, #tpu.memory_space<vmem_shared>> -> memref<10240x128xbf16, #tpu.memory_space<vmem_shared>>
        tpu.enqueue_indirect_dma source(%arg9 : memref<128x128xbf16, #tpu.memory_space<vmem>>) target(%dma_start3A_134 : memref<10240x128xbf16, #tpu.memory_space<vmem_shared>>) offsets(%dma_start3A_131 : memref<128xi32, #tpu.memory_space<vmem>>) semaphore(%run_scoped3A_128 : memref<!tpu.dma_semaphore, #tpu.memory_space<semaphore_mem>>) {add = true}
        %dma_wait3A_135 = arith.constant 0 : i32
        %dma_wait3A_136 = tpu.memref_slice %arg7[%run_scoped3A_112, %dma_wait3A_135] : memref<4x128xi32, #tpu.memory_space<vmem>> -> memref<1x128xi32, #tpu.memory_space<vmem>>
        %dma_wait3A_137 = tpu.memref_squeeze %dma_wait3A_136 : memref<1x128xi32, #tpu.memory_space<vmem>> -> memref<128xi32, #tpu.memory_space<vmem>>
        %dma_wait3A_138 = arith.constant 0 : i32
        %dma_wait3A_139 = arith.constant 0 : i32
        %dma_wait3A_140 = tpu.memref_slice %arg12[%dma_wait3A_138, %dma_wait3A_139] : memref<10240x128xbf16, #tpu.memory_space<vmem_shared>> -> memref<10240x128xbf16, #tpu.memory_space<vmem_shared>>
        tpu.wait_indirect_dma semaphore(%run_scoped3A_128 : memref<!tpu.dma_semaphore, #tpu.memory_space<semaphore_mem>>) src(%arg9 : memref<128x128xbf16, #tpu.memory_space<vmem>>) dst(%dma_wait3A_140 : memref<10240x128xbf16, #tpu.memory_space<vmem_shared>>)
        tpu.yield
      }) : () -> ()
      %dma_wait3A_113 = arith.constant 0 : i32
      %dma_wait3A_114 = tpu.memref_slice %arg6[%add3A_76, %dma_wait3A_113] : memref<92x128xi32, #tpu.memory_space<vmem>> -> memref<1x128xi32, #tpu.memory_space<vmem>>
      %dma_wait3A_115 = tpu.memref_squeeze %dma_wait3A_114 : memref<1x128xi32, #tpu.memory_space<vmem>> -> memref<128xi32, #tpu.memory_space<vmem>>
      %dma_wait3A_116 = arith.constant 0 : i32
      %dma_wait3A_117 = arith.constant 0 : i32
      %dma_wait3A_118 = tpu.memref_slice %arg13[%dma_wait3A_116, %dma_wait3A_117] : memref<10240x128xbf16, #tpu.memory_space<vmem_shared>> -> memref<10240x128xbf16, #tpu.memory_space<vmem_shared>>
      tpu.wait_indirect_dma semaphore(%arg16 : memref<!tpu.dma_semaphore, #tpu.memory_space<semaphore_mem>>) src(%dma_wait3A_118 : memref<10240x128xbf16, #tpu.memory_space<vmem_shared>>) dst(%arg10 : memref<128x128xbf16, #tpu.memory_space<vmem>>)
      %run_scoped3A_119 = arith.constant 2 : i32
      "tpu.region"() ({
        %run_scoped3A_128 = tpu.sem_alloc : memref<!tpu.dma_semaphore, #tpu.memory_space<semaphore_mem>>
        %dma_start3A_129 = arith.constant 0 : i32
        %dma_start3A_130 = tpu.memref_slice %arg7[%run_scoped3A_119, %dma_start3A_129] : memref<4x128xi32, #tpu.memory_space<vmem>> -> memref<1x128xi32, #tpu.memory_space<vmem>>
        %dma_start3A_131 = tpu.memref_squeeze %dma_start3A_130 : memref<1x128xi32, #tpu.memory_space<vmem>> -> memref<128xi32, #tpu.memory_space<vmem>>
        %dma_start3A_132 = arith.constant 0 : i32
        %dma_start3A_133 = arith.constant 0 : i32
        %dma_start3A_134 = tpu.memref_slice %arg12[%dma_start3A_132, %dma_start3A_133] : memref<10240x128xbf16, #tpu.memory_space<vmem_shared>> -> memref<10240x128xbf16, #tpu.memory_space<vmem_shared>>
        tpu.enqueue_indirect_dma source(%arg10 : memref<128x128xbf16, #tpu.memory_space<vmem>>) target(%dma_start3A_134 : memref<10240x128xbf16, #tpu.memory_space<vmem_shared>>) offsets(%dma_start3A_131 : memref<128xi32, #tpu.memory_space<vmem>>) semaphore(%run_scoped3A_128 : memref<!tpu.dma_semaphore, #tpu.memory_space<semaphore_mem>>) {add = true}
        %dma_wait3A_135 = arith.constant 0 : i32
        %dma_wait3A_136 = tpu.memref_slice %arg7[%run_scoped3A_119, %dma_wait3A_135] : memref<4x128xi32, #tpu.memory_space<vmem>> -> memref<1x128xi32, #tpu.memory_space<vmem>>
        %dma_wait3A_137 = tpu.memref_squeeze %dma_wait3A_136 : memref<1x128xi32, #tpu.memory_space<vmem>> -> memref<128xi32, #tpu.memory_space<vmem>>
        %dma_wait3A_138 = arith.constant 0 : i32
        %dma_wait3A_139 = arith.constant 0 : i32
        %dma_wait3A_140 = tpu.memref_slice %arg12[%dma_wait3A_138, %dma_wait3A_139] : memref<10240x128xbf16, #tpu.memory_space<vmem_shared>> -> memref<10240x128xbf16, #tpu.memory_space<vmem_shared>>
        tpu.wait_indirect_dma semaphore(%run_scoped3A_128 : memref<!tpu.dma_semaphore, #tpu.memory_space<semaphore_mem>>) src(%arg10 : memref<128x128xbf16, #tpu.memory_space<vmem>>) dst(%dma_wait3A_140 : memref<10240x128xbf16, #tpu.memory_space<vmem_shared>>)
        tpu.yield
      }) : () -> ()
      %dma_wait3A_120 = arith.constant 0 : i32
      %dma_wait3A_121 = tpu.memref_slice %arg6[%add3A_84, %dma_wait3A_120] : memref<92x128xi32, #tpu.memory_space<vmem>> -> memref<1x128xi32, #tpu.memory_space<vmem>>
      %dma_wait3A_122 = tpu.memref_squeeze %dma_wait3A_121 : memref<1x128xi32, #tpu.memory_space<vmem>> -> memref<128xi32, #tpu.memory_space<vmem>>
      %dma_wait3A_123 = arith.constant 0 : i32
      %dma_wait3A_124 = arith.constant 0 : i32
      %dma_wait3A_125 = tpu.memref_slice %arg13[%dma_wait3A_123, %dma_wait3A_124] : memref<10240x128xbf16, #tpu.memory_space<vmem_shared>> -> memref<10240x128xbf16, #tpu.memory_space<vmem_shared>>
      tpu.wait_indirect_dma semaphore(%arg17 : memref<!tpu.dma_semaphore, #tpu.memory_space<semaphore_mem>>) src(%dma_wait3A_125 : memref<10240x128xbf16, #tpu.memory_space<vmem_shared>>) dst(%arg11 : memref<128x128xbf16, #tpu.memory_space<vmem>>)
      %run_scoped3A_126 = arith.constant 3 : i32
      "tpu.region"() ({
        %run_scoped3A_128 = tpu.sem_alloc : memref<!tpu.dma_semaphore, #tpu.memory_space<semaphore_mem>>
        %dma_start3A_129 = arith.constant 0 : i32
        %dma_start3A_130 = tpu.memref_slice %arg7[%run_scoped3A_126, %dma_start3A_129] : memref<4x128xi32, #tpu.memory_space<vmem>> -> memref<1x128xi32, #tpu.memory_space<vmem>>
        %dma_start3A_131 = tpu.memref_squeeze %dma_start3A_130 : memref<1x128xi32, #tpu.memory_space<vmem>> -> memref<128xi32, #tpu.memory_space<vmem>>
        %dma_start3A_132 = arith.constant 0 : i32
        %dma_start3A_133 = arith.constant 0 : i32
        %dma_start3A_134 = tpu.memref_slice %arg12[%dma_start3A_132, %dma_start3A_133] : memref<10240x128xbf16, #tpu.memory_space<vmem_shared>> -> memref<10240x128xbf16, #tpu.memory_space<vmem_shared>>
        tpu.enqueue_indirect_dma source(%arg11 : memref<128x128xbf16, #tpu.memory_space<vmem>>) target(%dma_start3A_134 : memref<10240x128xbf16, #tpu.memory_space<vmem_shared>>) offsets(%dma_start3A_131 : memref<128xi32, #tpu.memory_space<vmem>>) semaphore(%run_scoped3A_128 : memref<!tpu.dma_semaphore, #tpu.memory_space<semaphore_mem>>) {add = true}
        %dma_wait3A_135 = arith.constant 0 : i32
        %dma_wait3A_136 = tpu.memref_slice %arg7[%run_scoped3A_126, %dma_wait3A_135] : memref<4x128xi32, #tpu.memory_space<vmem>> -> memref<1x128xi32, #tpu.memory_space<vmem>>
        %dma_wait3A_137 = tpu.memref_squeeze %dma_wait3A_136 : memref<1x128xi32, #tpu.memory_space<vmem>> -> memref<128xi32, #tpu.memory_space<vmem>>
        %dma_wait3A_138 = arith.constant 0 : i32
        %dma_wait3A_139 = arith.constant 0 : i32
        %dma_wait3A_140 = tpu.memref_slice %arg12[%dma_wait3A_138, %dma_wait3A_139] : memref<10240x128xbf16, #tpu.memory_space<vmem_shared>> -> memref<10240x128xbf16, #tpu.memory_space<vmem_shared>>
        tpu.wait_indirect_dma semaphore(%run_scoped3A_128 : memref<!tpu.dma_semaphore, #tpu.memory_space<semaphore_mem>>) src(%arg11 : memref<128x128xbf16, #tpu.memory_space<vmem>>) dst(%dma_wait3A_140 : memref<10240x128xbf16, #tpu.memory_space<vmem_shared>>)
        tpu.yield
      }) : () -> ()
      %while3A_127 = arith.constant 0 : i32
      scf.yield %while3A_127 : i32
    }
    %while3A_54 = arith.constant 1 : i32
    %while3A_55 = scf.for %while3A_57 = %while3A_51 to %while3A_47 step %while3A_54 iter_args(%while3A_58 = %while3A_53) -> (i32)  : i32 {
      %mul3A_59 = arith.constant 4 : i32
      %mul3A_60 = arith.muli %mul3A_59, %while3A_57 : i32
      %dma_start3A_61 = arith.constant 0 : i32
      %dma_start3A_62 = tpu.memref_slice %arg6[%mul3A_60, %dma_start3A_61] : memref<92x128xi32, #tpu.memory_space<vmem>> -> memref<1x128xi32, #tpu.memory_space<vmem>>
      %dma_start3A_63 = tpu.memref_squeeze %dma_start3A_62 : memref<1x128xi32, #tpu.memory_space<vmem>> -> memref<128xi32, #tpu.memory_space<vmem>>
      %dma_start3A_64 = arith.constant 0 : i32
      %dma_start3A_65 = arith.constant 0 : i32
      %dma_start3A_66 = tpu.memref_slice %arg13[%dma_start3A_64, %dma_start3A_65] : memref<10240x128xbf16, #tpu.memory_space<vmem_shared>> -> memref<10240x128xbf16, #tpu.memory_space<vmem_shared>>
      tpu.enqueue_indirect_dma source(%dma_start3A_66 : memref<10240x128xbf16, #tpu.memory_space<vmem_shared>>) target(%arg8 : memref<128x128xbf16, #tpu.memory_space<vmem>>) offsets(%dma_start3A_63 : memref<128xi32, #tpu.memory_space<vmem>>) semaphore(%arg14 : memref<!tpu.dma_semaphore, #tpu.memory_space<semaphore_mem>>)
      %add3A_67 = arith.constant 1 : i32
      %add3A_68 = arith.addi %mul3A_60, %add3A_67 : i32
      %dma_start3A_69 = arith.constant 0 : i32
      %dma_start3A_70 = tpu.memref_slice %arg6[%add3A_68, %dma_start3A_69] : memref<92x128xi32, #tpu.memory_space<vmem>> -> memref<1x128xi32, #tpu.memory_space<vmem>>
      %dma_start3A_71 = tpu.memref_squeeze %dma_start3A_70 : memref<1x128xi32, #tpu.memory_space<vmem>> -> memref<128xi32, #tpu.memory_space<vmem>>
      %dma_start3A_72 = arith.constant 0 : i32
      %dma_start3A_73 = arith.constant 0 : i32
      %dma_start3A_74 = tpu.memref_slice %arg13[%dma_start3A_72, %dma_start3A_73] : memref<10240x128xbf16, #tpu.memory_space<vmem_shared>> -> memref<10240x128xbf16, #tpu.memory_space<vmem_shared>>
      tpu.enqueue_indirect_dma source(%dma_start3A_74 : memref<10240x128xbf16, #tpu.memory_space<vmem_shared>>) target(%arg9 : memref<128x128xbf16, #tpu.memory_space<vmem>>) offsets(%dma_start3A_71 : memref<128xi32, #tpu.memory_space<vmem>>) semaphore(%arg15 : memref<!tpu.dma_semaphore, #tpu.memory_space<semaphore_mem>>)
      %add3A_75 = arith.constant 2 : i32
      %add3A_76 = arith.addi %mul3A_60, %add3A_75 : i32
      %dma_start3A_77 = arith.constant 0 : i32
      %dma_start3A_78 = tpu.memref_slice %arg6[%add3A_76, %dma_start3A_77] : memref<92x128xi32, #tpu.memory_space<vmem>> -> memref<1x128xi32, #tpu.memory_space<vmem>>
      %dma_start3A_79 = tpu.memref_squeeze %dma_start3A_78 : memref<1x128xi32, #tpu.memory_space<vmem>> -> memref<128xi32, #tpu.memory_space<vmem>>
      %dma_start3A_80 = arith.constant 0 : i32
      %dma_start3A_81 = arith.constant 0 : i32
      %dma_start3A_82 = tpu.memref_slice %arg13[%dma_start3A_80, %dma_start3A_81] : memref<10240x128xbf16, #tpu.memory_space<vmem_shared>> -> memref<10240x128xbf16, #tpu.memory_space<vmem_shared>>
      tpu.enqueue_indirect_dma source(%dma_start3A_82 : memref<10240x128xbf16, #tpu.memory_space<vmem_shared>>) target(%arg10 : memref<128x128xbf16, #tpu.memory_space<vmem>>) offsets(%dma_start3A_79 : memref<128xi32, #tpu.memory_space<vmem>>) semaphore(%arg16 : memref<!tpu.dma_semaphore, #tpu.memory_space<semaphore_mem>>)
      %add3A_83 = arith.constant 3 : i32
      %add3A_84 = arith.addi %mul3A_60, %add3A_83 : i32
      %dma_start3A_85 = arith.constant 0 : i32
      %dma_start3A_86 = tpu.memref_slice %arg6[%add3A_84, %dma_start3A_85] : memref<92x128xi32, #tpu.memory_space<vmem>> -> memref<1x128xi32, #tpu.memory_space<vmem>>
      %dma_start3A_87 = tpu.memref_squeeze %dma_start3A_86 : memref<1x128xi32, #tpu.memory_space<vmem>> -> memref<128xi32, #tpu.memory_space<vmem>>
      %dma_start3A_88 = arith.constant 0 : i32
      %dma_start3A_89 = arith.constant 0 : i32
      %dma_start3A_90 = tpu.memref_slice %arg13[%dma_start3A_88, %dma_start3A_89] : memref<10240x128xbf16, #tpu.memory_space<vmem_shared>> -> memref<10240x128xbf16, #tpu.memory_space<vmem_shared>>
      tpu.enqueue_indirect_dma source(%dma_start3A_90 : memref<10240x128xbf16, #tpu.memory_space<vmem_shared>>) target(%arg11 : memref<128x128xbf16, #tpu.memory_space<vmem>>) offsets(%dma_start3A_87 : memref<128xi32, #tpu.memory_space<vmem>>) semaphore(%arg17 : memref<!tpu.dma_semaphore, #tpu.memory_space<semaphore_mem>>)
      %add3A_91 = arith.addi %select_n3A, %mul3A_60 : i32
      %dma_start3A_92 = arith.constant 0 : i32
      %dma_start3A_93 = tpu.memref_slice %arg4[%add3A_91, %dma_start3A_92] : memref<2652x128xi32, #tpu.memory_space<hbm>> -> memref<4x128xi32, #tpu.memory_space<hbm>>
      %dma_start3A_94 = arith.constant 0 : i32
      %dma_start3A_95 = tpu.memref_slice %arg4[%add3A_91, %dma_start3A_94] : memref<2652x128xi32, #tpu.memory_space<hbm>> -> memref<4x128xi32, #tpu.memory_space<hbm>>
      tpu.enqueue_dma source(%dma_start3A_95 : memref<4x128xi32, #tpu.memory_space<hbm>>) target(%arg7 : memref<4x128xi32, #tpu.memory_space<vmem>>) target_semaphore(%arg18 : memref<!tpu.dma_semaphore, #tpu.memory_space<semaphore_mem>>)
      %dma_wait3A_96 = arith.constant 0 : i32
      %dma_wait3A_97 = tpu.memref_slice %arg4[%add3A_91, %dma_wait3A_96] : memref<2652x128xi32, #tpu.memory_space<hbm>> -> memref<4x128xi32, #tpu.memory_space<hbm>>
      %dma_wait3A_98 = arith.constant 0 : i32
      %dma_wait3A_99 = tpu.memref_slice %arg4[%add3A_91, %dma_wait3A_98] : memref<2652x128xi32, #tpu.memory_space<hbm>> -> memref<4x128xi32, #tpu.memory_space<hbm>>
      tpu.wait_dma2 semaphore(%arg18 : memref<!tpu.dma_semaphore, #tpu.memory_space<semaphore_mem>>) src(%dma_wait3A_99 : memref<4x128xi32, #tpu.memory_space<hbm>>) dst(%arg7 : memref<4x128xi32, #tpu.memory_space<vmem>>)
      %dma_wait3A_100 = arith.constant 0 : i32
      %dma_wait3A_101 = tpu.memref_slice %arg6[%mul3A_60, %dma_wait3A_100] : memref<92x128xi32, #tpu.memory_space<vmem>> -> memref<1x128xi32, #tpu.memory_space<vmem>>
      %dma_wait3A_102 = tpu.memref_squeeze %dma_wait3A_101 : memref<1x128xi32, #tpu.memory_space<vmem>> -> memref<128xi32, #tpu.memory_space<vmem>>
      %dma_wait3A_103 = arith.constant 0 : i32
      %dma_wait3A_104 = arith.constant 0 : i32
      %dma_wait3A_105 = tpu.memref_slice %arg13[%dma_wait3A_103, %dma_wait3A_104] : memref<10240x128xbf16, #tpu.memory_space<vmem_shared>> -> memref<10240x128xbf16, #tpu.memory_space<vmem_shared>>
      tpu.wait_indirect_dma semaphore(%arg14 : memref<!tpu.dma_semaphore, #tpu.memory_space<semaphore_mem>>) src(%dma_wait3A_105 : memref<10240x128xbf16, #tpu.memory_space<vmem_shared>>) dst(%arg8 : memref<128x128xbf16, #tpu.memory_space<vmem>>)
      %run_scoped3A = arith.constant 0 : i32
      "tpu.region"() ({
        %run_scoped3A_128 = tpu.sem_alloc : memref<!tpu.dma_semaphore, #tpu.memory_space<semaphore_mem>>
        %dma_start3A_129 = arith.constant 0 : i32
        %dma_start3A_130 = tpu.memref_slice %arg7[%run_scoped3A, %dma_start3A_129] : memref<4x128xi32, #tpu.memory_space<vmem>> -> memref<1x128xi32, #tpu.memory_space<vmem>>
        %dma_start3A_131 = tpu.memref_squeeze %dma_start3A_130 : memref<1x128xi32, #tpu.memory_space<vmem>> -> memref<128xi32, #tpu.memory_space<vmem>>
        %dma_start3A_132 = arith.constant 0 : i32
        %dma_start3A_133 = arith.constant 0 : i32
        %dma_start3A_134 = tpu.memref_slice %arg12[%dma_start3A_132, %dma_start3A_133] : memref<10240x128xbf16, #tpu.memory_space<vmem_shared>> -> memref<10240x128xbf16, #tpu.memory_space<vmem_shared>>
        tpu.enqueue_indirect_dma source(%arg8 : memref<128x128xbf16, #tpu.memory_space<vmem>>) target(%dma_start3A_134 : memref<10240x128xbf16, #tpu.memory_space<vmem_shared>>) offsets(%dma_start3A_131 : memref<128xi32, #tpu.memory_space<vmem>>) semaphore(%run_scoped3A_128 : memref<!tpu.dma_semaphore, #tpu.memory_space<semaphore_mem>>) {add = true}
        %dma_wait3A_135 = arith.constant 0 : i32
        %dma_wait3A_136 = tpu.memref_slice %arg7[%run_scoped3A, %dma_wait3A_135] : memref<4x128xi32, #tpu.memory_space<vmem>> -> memref<1x128xi32, #tpu.memory_space<vmem>>
        %dma_wait3A_137 = tpu.memref_squeeze %dma_wait3A_136 : memref<1x128xi32, #tpu.memory_space<vmem>> -> memref<128xi32, #tpu.memory_space<vmem>>
        %dma_wait3A_138 = arith.constant 0 : i32
        %dma_wait3A_139 = arith.constant 0 : i32
        %dma_wait3A_140 = tpu.memref_slice %arg12[%dma_wait3A_138, %dma_wait3A_139] : memref<10240x128xbf16, #tpu.memory_space<vmem_shared>> -> memref<10240x128xbf16, #tpu.memory_space<vmem_shared>>
        tpu.wait_indirect_dma semaphore(%run_scoped3A_128 : memref<!tpu.dma_semaphore, #tpu.memory_space<semaphore_mem>>) src(%arg8 : memref<128x128xbf16, #tpu.memory_space<vmem>>) dst(%dma_wait3A_140 : memref<10240x128xbf16, #tpu.memory_space<vmem_shared>>)
        tpu.yield
      }) : () -> ()
      %dma_wait3A_106 = arith.constant 0 : i32
      %dma_wait3A_107 = tpu.memref_slice %arg6[%add3A_68, %dma_wait3A_106] : memref<92x128xi32, #tpu.memory_space<vmem>> -> memref<1x128xi32, #tpu.memory_space<vmem>>
      %dma_wait3A_108 = tpu.memref_squeeze %dma_wait3A_107 : memref<1x128xi32, #tpu.memory_space<vmem>> -> memref<128xi32, #tpu.memory_space<vmem>>
      %dma_wait3A_109 = arith.constant 0 : i32
      %dma_wait3A_110 = arith.constant 0 : i32
      %dma_wait3A_111 = tpu.memref_slice %arg13[%dma_wait3A_109, %dma_wait3A_110] : memref<10240x128xbf16, #tpu.memory_space<vmem_shared>> -> memref<10240x128xbf16, #tpu.memory_space<vmem_shared>>
      tpu.wait_indirect_dma semaphore(%arg15 : memref<!tpu.dma_semaphore, #tpu.memory_space<semaphore_mem>>) src(%dma_wait3A_111 : memref<10240x128xbf16, #tpu.memory_space<vmem_shared>>) dst(%arg9 : memref<128x128xbf16, #tpu.memory_space<vmem>>)
      %run_scoped3A_112 = arith.constant 1 : i32
      "tpu.region"() ({
        %run_scoped3A_128 = tpu.sem_alloc : memref<!tpu.dma_semaphore, #tpu.memory_space<semaphore_mem>>
        %dma_start3A_129 = arith.constant 0 : i32
        %dma_start3A_130 = tpu.memref_slice %arg7[%run_scoped3A_112, %dma_start3A_129] : memref<4x128xi32, #tpu.memory_space<vmem>> -> memref<1x128xi32, #tpu.memory_space<vmem>>
        %dma_start3A_131 = tpu.memref_squeeze %dma_start3A_130 : memref<1x128xi32, #tpu.memory_space<vmem>> -> memref<128xi32, #tpu.memory_space<vmem>>
        %dma_start3A_132 = arith.constant 0 : i32
        %dma_start3A_133 = arith.constant 0 : i32
        %dma_start3A_134 = tpu.memref_slice %arg12[%dma_start3A_132, %dma_start3A_133] : memref<10240x128xbf16, #tpu.memory_space<vmem_shared>> -> memref<10240x128xbf16, #tpu.memory_space<vmem_shared>>
        tpu.enqueue_indirect_dma source(%arg9 : memref<128x128xbf16, #tpu.memory_space<vmem>>) target(%dma_start3A_134 : memref<10240x128xbf16, #tpu.memory_space<vmem_shared>>) offsets(%dma_start3A_131 : memref<128xi32, #tpu.memory_space<vmem>>) semaphore(%run_scoped3A_128 : memref<!tpu.dma_semaphore, #tpu.memory_space<semaphore_mem>>) {add = true}
        %dma_wait3A_135 = arith.constant 0 : i32
        %dma_wait3A_136 = tpu.memref_slice %arg7[%run_scoped3A_112, %dma_wait3A_135] : memref<4x128xi32, #tpu.memory_space<vmem>> -> memref<1x128xi32, #tpu.memory_space<vmem>>
        %dma_wait3A_137 = tpu.memref_squeeze %dma_wait3A_136 : memref<1x128xi32, #tpu.memory_space<vmem>> -> memref<128xi32, #tpu.memory_space<vmem>>
        %dma_wait3A_138 = arith.constant 0 : i32
        %dma_wait3A_139 = arith.constant 0 : i32
        %dma_wait3A_140 = tpu.memref_slice %arg12[%dma_wait3A_138, %dma_wait3A_139] : memref<10240x128xbf16, #tpu.memory_space<vmem_shared>> -> memref<10240x128xbf16, #tpu.memory_space<vmem_shared>>
        tpu.wait_indirect_dma semaphore(%run_scoped3A_128 : memref<!tpu.dma_semaphore, #tpu.memory_space<semaphore_mem>>) src(%arg9 : memref<128x128xbf16, #tpu.memory_space<vmem>>) dst(%dma_wait3A_140 : memref<10240x128xbf16, #tpu.memory_space<vmem_shared>>)
        tpu.yield
      }) : () -> ()
      %dma_wait3A_113 = arith.constant 0 : i32
      %dma_wait3A_114 = tpu.memref_slice %arg6[%add3A_76, %dma_wait3A_113] : memref<92x128xi32, #tpu.memory_space<vmem>> -> memref<1x128xi32, #tpu.memory_space<vmem>>
      %dma_wait3A_115 = tpu.memref_squeeze %dma_wait3A_114 : memref<1x128xi32, #tpu.memory_space<vmem>> -> memref<128xi32, #tpu.memory_space<vmem>>
      %dma_wait3A_116 = arith.constant 0 : i32
      %dma_wait3A_117 = arith.constant 0 : i32
      %dma_wait3A_118 = tpu.memref_slice %arg13[%dma_wait3A_116, %dma_wait3A_117] : memref<10240x128xbf16, #tpu.memory_space<vmem_shared>> -> memref<10240x128xbf16, #tpu.memory_space<vmem_shared>>
      tpu.wait_indirect_dma semaphore(%arg16 : memref<!tpu.dma_semaphore, #tpu.memory_space<semaphore_mem>>) src(%dma_wait3A_118 : memref<10240x128xbf16, #tpu.memory_space<vmem_shared>>) dst(%arg10 : memref<128x128xbf16, #tpu.memory_space<vmem>>)
      %run_scoped3A_119 = arith.constant 2 : i32
      "tpu.region"() ({
        %run_scoped3A_128 = tpu.sem_alloc : memref<!tpu.dma_semaphore, #tpu.memory_space<semaphore_mem>>
        %dma_start3A_129 = arith.constant 0 : i32
        %dma_start3A_130 = tpu.memref_slice %arg7[%run_scoped3A_119, %dma_start3A_129] : memref<4x128xi32, #tpu.memory_space<vmem>> -> memref<1x128xi32, #tpu.memory_space<vmem>>
        %dma_start3A_131 = tpu.memref_squeeze %dma_start3A_130 : memref<1x128xi32, #tpu.memory_space<vmem>> -> memref<128xi32, #tpu.memory_space<vmem>>
        %dma_start3A_132 = arith.constant 0 : i32
        %dma_start3A_133 = arith.constant 0 : i32
        %dma_start3A_134 = tpu.memref_slice %arg12[%dma_start3A_132, %dma_start3A_133] : memref<10240x128xbf16, #tpu.memory_space<vmem_shared>> -> memref<10240x128xbf16, #tpu.memory_space<vmem_shared>>
        tpu.enqueue_indirect_dma source(%arg10 : memref<128x128xbf16, #tpu.memory_space<vmem>>) target(%dma_start3A_134 : memref<10240x128xbf16, #tpu.memory_space<vmem_shared>>) offsets(%dma_start3A_131 : memref<128xi32, #tpu.memory_space<vmem>>) semaphore(%run_scoped3A_128 : memref<!tpu.dma_semaphore, #tpu.memory_space<semaphore_mem>>) {add = true}
        %dma_wait3A_135 = arith.constant 0 : i32
        %dma_wait3A_136 = tpu.memref_slice %arg7[%run_scoped3A_119, %dma_wait3A_135] : memref<4x128xi32, #tpu.memory_space<vmem>> -> memref<1x128xi32, #tpu.memory_space<vmem>>
        %dma_wait3A_137 = tpu.memref_squeeze %dma_wait3A_136 : memref<1x128xi32, #tpu.memory_space<vmem>> -> memref<128xi32, #tpu.memory_space<vmem>>
        %dma_wait3A_138 = arith.constant 0 : i32
        %dma_wait3A_139 = arith.constant 0 : i32
        %dma_wait3A_140 = tpu.memref_slice %arg12[%dma_wait3A_138, %dma_wait3A_139] : memref<10240x128xbf16, #tpu.memory_space<vmem_shared>> -> memref<10240x128xbf16, #tpu.memory_space<vmem_shared>>
        tpu.wait_indirect_dma semaphore(%run_scoped3A_128 : memref<!tpu.dma_semaphore, #tpu.memory_space<semaphore_mem>>) src(%arg10 : memref<128x128xbf16, #tpu.memory_space<vmem>>) dst(%dma_wait3A_140 : memref<10240x128xbf16, #tpu.memory_space<vmem_shared>>)
        tpu.yield
      }) : () -> ()
      %dma_wait3A_120 = arith.constant 0 : i32
      %dma_wait3A_121 = tpu.memref_slice %arg6[%add3A_84, %dma_wait3A_120] : memref<92x128xi32, #tpu.memory_space<vmem>> -> memref<1x128xi32, #tpu.memory_space<vmem>>
      %dma_wait3A_122 = tpu.memref_squeeze %dma_wait3A_121 : memref<1x128xi32, #tpu.memory_space<vmem>> -> memref<128xi32, #tpu.memory_space<vmem>>
      %dma_wait3A_123 = arith.constant 0 : i32
      %dma_wait3A_124 = arith.constant 0 : i32
      %dma_wait3A_125 = tpu.memref_slice %arg13[%dma_wait3A_123, %dma_wait3A_124] : memref<10240x128xbf16, #tpu.memory_space<vmem_shared>> -> memref<10240x128xbf16, #tpu.memory_space<vmem_shared>>
      tpu.wait_indirect_dma semaphore(%arg17 : memref<!tpu.dma_semaphore, #tpu.memory_space<semaphore_mem>>) src(%dma_wait3A_125 : memref<10240x128xbf16, #tpu.memory_space<vmem_shared>>) dst(%arg11 : memref<128x128xbf16, #tpu.memory_space<vmem>>)
      %run_scoped3A_126 = arith.constant 3 : i32
      "tpu.region"() ({
        %run_scoped3A_128 = tpu.sem_alloc : memref<!tpu.dma_semaphore, #tpu.memory_space<semaphore_mem>>
        %dma_start3A_129 = arith.constant 0 : i32
        %dma_start3A_130 = tpu.memref_slice %arg7[%run_scoped3A_126, %dma_start3A_129] : memref<4x128xi32, #tpu.memory_space<vmem>> -> memref<1x128xi32, #tpu.memory_space<vmem>>
        %dma_start3A_131 = tpu.memref_squeeze %dma_start3A_130 : memref<1x128xi32, #tpu.memory_space<vmem>> -> memref<128xi32, #tpu.memory_space<vmem>>
        %dma_start3A_132 = arith.constant 0 : i32
        %dma_start3A_133 = arith.constant 0 : i32
        %dma_start3A_134 = tpu.memref_slice %arg12[%dma_start3A_132, %dma_start3A_133] : memref<10240x128xbf16, #tpu.memory_space<vmem_shared>> -> memref<10240x128xbf16, #tpu.memory_space<vmem_shared>>
        tpu.enqueue_indirect_dma source(%arg11 : memref<128x128xbf16, #tpu.memory_space<vmem>>) target(%dma_start3A_134 : memref<10240x128xbf16, #tpu.memory_space<vmem_shared>>) offsets(%dma_start3A_131 : memref<128xi32, #tpu.memory_space<vmem>>) semaphore(%run_scoped3A_128 : memref<!tpu.dma_semaphore, #tpu.memory_space<semaphore_mem>>) {add = true}
        %dma_wait3A_135 = arith.constant 0 : i32
        %dma_wait3A_136 = tpu.memref_slice %arg7[%run_scoped3A_126, %dma_wait3A_135] : memref<4x128xi32, #tpu.memory_space<vmem>> -> memref<1x128xi32, #tpu.memory_space<vmem>>
        %dma_wait3A_137 = tpu.memref_squeeze %dma_wait3A_136 : memref<1x128xi32, #tpu.memory_space<vmem>> -> memref<128xi32, #tpu.memory_space<vmem>>
        %dma_wait3A_138 = arith.constant 0 : i32
        %dma_wait3A_139 = arith.constant 0 : i32
        %dma_wait3A_140 = tpu.memref_slice %arg12[%dma_wait3A_138, %dma_wait3A_139] : memref<10240x128xbf16, #tpu.memory_space<vmem_shared>> -> memref<10240x128xbf16, #tpu.memory_space<vmem_shared>>
        tpu.wait_indirect_dma semaphore(%run_scoped3A_128 : memref<!tpu.dma_semaphore, #tpu.memory_space<semaphore_mem>>) src(%arg11 : memref<128x128xbf16, #tpu.memory_space<vmem>>) dst(%dma_wait3A_140 : memref<10240x128xbf16, #tpu.memory_space<vmem_shared>>)
        tpu.yield
      }) : () -> ()
      %while3A_127 = arith.constant 0 : i32
      scf.yield %while3A_127 : i32
    }
    %barrier3A_56 = arith.constant 0 : index
    tpu.barrier barrier_id(%barrier3A_56)
    "tpu.region"() ({
      %run_scoped3A = tpu.sem_alloc : memref<!tpu.dma_semaphore, #tpu.memory_space<semaphore_mem>>
      %dma_start3A_57 = arith.constant 0 : i32
      %dma_start3A_58 = tpu.memref_slice %arg5[%arg0, %mul3A_27, %dma_start3A_57] : memref<2x10240x128xbf16, #tpu.memory_space<hbm>> -> memref<1x640x128xbf16, #tpu.memory_space<hbm>>
      %dma_start3A_59 = tpu.memref_squeeze %dma_start3A_58 : memref<1x640x128xbf16, #tpu.memory_space<hbm>> -> memref<640x128xbf16, #tpu.memory_space<hbm>>
      %dma_start3A_60 = arith.constant 0 : i32
      %dma_start3A_61 = tpu.memref_slice %arg12[%mul3A_27, %dma_start3A_60] : memref<10240x128xbf16, #tpu.memory_space<vmem_shared>> -> memref<640x128xbf16, #tpu.memory_space<vmem_shared>>
      tpu.enqueue_dma source(%dma_start3A_61 : memref<640x128xbf16, #tpu.memory_space<vmem_shared>>) target(%dma_start3A_59 : memref<640x128xbf16, #tpu.memory_space<hbm>>) target_semaphore(%run_scoped3A : memref<!tpu.dma_semaphore, #tpu.memory_space<semaphore_mem>>)
      %dma_wait3A_62 = arith.constant 0 : i32
      %dma_wait3A_63 = tpu.memref_slice %arg5[%arg0, %mul3A_27, %dma_wait3A_62] : memref<2x10240x128xbf16, #tpu.memory_space<hbm>> -> memref<1x640x128xbf16, #tpu.memory_space<hbm>>
      %dma_wait3A_64 = tpu.memref_squeeze %dma_wait3A_63 : memref<1x640x128xbf16, #tpu.memory_space<hbm>> -> memref<640x128xbf16, #tpu.memory_space<hbm>>
      %dma_wait3A_65 = arith.constant 0 : i32
      %dma_wait3A_66 = tpu.memref_slice %arg12[%mul3A_27, %dma_wait3A_65] : memref<10240x128xbf16, #tpu.memory_space<vmem_shared>> -> memref<640x128xbf16, #tpu.memory_space<vmem_shared>>
      tpu.wait_dma2 semaphore(%run_scoped3A : memref<!tpu.dma_semaphore, #tpu.memory_space<semaphore_mem>>) src(%dma_wait3A_66 : memref<640x128xbf16, #tpu.memory_space<vmem_shared>>) dst(%dma_wait3A_64 : memref<640x128xbf16, #tpu.memory_space<hbm>>)
      tpu.yield
    }) : () -> ()
    return
  }
}

module attributes {stable_mosaic.version = 14 : i64} {
  func.func @_tc0_body(%arg0: memref<10000x128xf32, #tpu.memory_space<vmem>>, %arg1: memref<128x128xf32, #tpu.memory_space<vmem>>, %arg2: memref<2x10240x1xf32, #tpu.memory_space<vmem>>, %arg3: memref<10240x1xf32, #tpu.memory_space<vmem>>, %arg4: memref<10000x128xf32, #tpu.memory_space<vmem>>, %arg5: memref<10240x128xbf16, #tpu.memory_space<vmem>>) attributes {dimension_semantics = [], scalar_prefetch = 0 : i64, scratch_operands = 0 : i64, tpu.core_type = #tpu.core_type<tc>} {
    %get3A = arith.constant 0 : index
    %get3A_0 = arith.constant 0 : index
    %get3A_1 = arith.constant 0 : index
    %get3A_2 = vector.load %arg2[%get3A, %get3A_0, %get3A_1] : memref<2x10240x1xf32, #tpu.memory_space<vmem>>, vector<1x10240x1xf32>
    %get3A_3 = vector.shape_cast %get3A_2 : vector<1x10240x1xf32> to vector<10240x1xf32>
    %get3A_4 = arith.constant 1 : index
    %get3A_5 = arith.constant 0 : index
    %get3A_6 = arith.constant 0 : index
    %get3A_7 = vector.load %arg2[%get3A_4, %get3A_5, %get3A_6] : memref<2x10240x1xf32, #tpu.memory_space<vmem>>, vector<1x10240x1xf32>
    %get3A_8 = vector.shape_cast %get3A_7 : vector<1x10240x1xf32> to vector<10240x1xf32>
    %add3A = arith.addf %get3A_3, %get3A_8 : vector<10240x1xf32>
    %add3A_9 = arith.constant 1.000000e+00 : f32
    %add3A_10 = vector.broadcast %add3A_9 : f32 to vector<10240x1xf32>
    %add3A_11 = arith.addf %add3A, %add3A_10 : vector<10240x1xf32>
    %rsqrt3A = math.rsqrt %add3A_11 : vector<10240x1xf32>
    %swap3A = arith.constant 0 : index
    %swap3A_12 = arith.constant 0 : index
    %swap3A_13 = vector.load %arg3[%swap3A, %swap3A_12] : memref<10240x1xf32, #tpu.memory_space<vmem>>, vector<10240x1xf32>
    tpu.vector_store %arg3[%swap3A, %swap3A_12], %rsqrt3A {strides = array<i32>} : memref<10240x1xf32, #tpu.memory_space<vmem>>, vector<10240x1xf32>,
    %get3A_14 = arith.constant 0 : index
    %get3A_15 = arith.constant 0 : index
    %get3A_16 = vector.load %arg0[%get3A_14, %get3A_15] : memref<10000x128xf32, #tpu.memory_space<vmem>>, vector<10000x128xf32>
    %get3A_17 = arith.constant 0 : index
    %get3A_18 = arith.constant 0 : index
    %get3A_19 = vector.load %arg1[%get3A_17, %get3A_18] : memref<128x128xf32, #tpu.memory_space<vmem>>, vector<128x128xf32>
    %dot_general3A = arith.constant dense<0.000000e+00> : vector<10000x128xf32>
    %dot_general3A_20 = tpu.matmul %get3A_16, %get3A_19, %dot_general3A {dimension_numbers = #tpu.dot_dimension_numbers<[1], [0], [0], [1], [0, 0, 1, 1], [], []>, transpose_lhs_hint = false} : vector<10000x128xf32>, vector<128x128xf32>, vector<10000x128xf32> -> vector<10000x128xf32>
    %slice3A = vector.extract_strided_slice %rsqrt3A {offsets = [0, 0], sizes = [10000, 1], strides = [1, 1]} : vector<10240x1xf32> to vector<10000x1xf32>
    %mul3A = vector.broadcast %slice3A : vector<10000x1xf32> to vector<10000x128xf32>
    %mul3A_21 = arith.mulf %dot_general3A_20, %mul3A : vector<10000x128xf32>
    %swap3A_22 = arith.constant 0 : index
    %swap3A_23 = arith.constant 0 : index
    %swap3A_24 = vector.load %arg4[%swap3A_22, %swap3A_23] : memref<10000x128xf32, #tpu.memory_space<vmem>>, vector<10000x128xf32>
    tpu.vector_store %arg4[%swap3A_22, %swap3A_23], %mul3A_21 {strides = array<i32>} : memref<10000x128xf32, #tpu.memory_space<vmem>>, vector<10000x128xf32>,
    %convert_element_type3A = arith.truncf %mul3A_21 : vector<10000x128xf32> to vector<10000x128xbf16>
    %swap3A_25 = arith.constant 0 : index
    %swap3A_26 = arith.constant 0 : index
    %swap3A_27 = vector.load %arg5[%swap3A_25, %swap3A_26] : memref<10240x128xbf16, #tpu.memory_space<vmem>>, vector<10000x128xbf16>
    tpu.vector_store %arg5[%swap3A_25, %swap3A_26], %convert_element_type3A {strides = array<i32>} : memref<10240x128xbf16, #tpu.memory_space<vmem>>, vector<10000x128xbf16>,
    %broadcast_in_dim3A = arith.constant 0.000000e+00 : bf16
    %broadcast_in_dim3A_28 = vector.broadcast %broadcast_in_dim3A : bf16 to vector<240x128xbf16>
    %swap3A_29 = arith.constant 10000 : index
    %swap3A_30 = arith.constant 0 : index
    %swap3A_31 = vector.load %arg5[%swap3A_29, %swap3A_30] : memref<10240x128xbf16, #tpu.memory_space<vmem>>, vector<240x128xbf16>
    tpu.vector_store %arg5[%swap3A_29, %swap3A_30], %broadcast_in_dim3A_28 {strides = array<i32>} : memref<10240x128xbf16, #tpu.memory_space<vmem>>, vector<240x128xbf16>,
    return
  }
}

module attributes {stable_mosaic.version = 14 : i64} {
  func.func @_tc_mid_body(%arg0: memref<2x10240x128xbf16, #tpu.memory_space<vmem>>, %arg1: memref<10000x128xf32, #tpu.memory_space<vmem>>, %arg2: memref<10240x1xf32, #tpu.memory_space<vmem>>, %arg3: memref<1x128xf32, #tpu.memory_space<vmem>>, %arg4: memref<128x128xf32, #tpu.memory_space<vmem>>, %arg5: memref<10000x128xf32, #tpu.memory_space<vmem>>, %arg6: memref<10240x128xbf16, #tpu.memory_space<vmem>>) attributes {dimension_semantics = [], scalar_prefetch = 0 : i64, scratch_operands = 0 : i64, tpu.core_type = #tpu.core_type<tc>} {
    %get3A = arith.constant 0 : index
    %get3A_0 = arith.constant 0 : index
    %get3A_1 = vector.load %arg2[%get3A, %get3A_0] : memref<10240x1xf32, #tpu.memory_space<vmem>>, vector<10000x1xf32>
    %get3A_2 = arith.constant 0 : index
    %get3A_3 = arith.constant 0 : index
    %get3A_4 = arith.constant 0 : index
    %get3A_5 = vector.load %arg0[%get3A_2, %get3A_3, %get3A_4] : memref<2x10240x128xbf16, #tpu.memory_space<vmem>>, vector<1x10000x128xbf16>
    %get3A_6 = vector.shape_cast %get3A_5 : vector<1x10000x128xbf16> to vector<10000x128xbf16>
    %convert_element_type3A = arith.extf %get3A_6 : vector<10000x128xbf16> to vector<10000x128xf32>
    %get3A_7 = arith.constant 1 : index
    %get3A_8 = arith.constant 0 : index
    %get3A_9 = arith.constant 0 : index
    %get3A_10 = vector.load %arg0[%get3A_7, %get3A_8, %get3A_9] : memref<2x10240x128xbf16, #tpu.memory_space<vmem>>, vector<1x10000x128xbf16>
    %get3A_11 = vector.shape_cast %get3A_10 : vector<1x10000x128xbf16> to vector<10000x128xbf16>
    %convert_element_type3A_12 = arith.extf %get3A_11 : vector<10000x128xbf16> to vector<10000x128xf32>
    %add3A = arith.addf %convert_element_type3A, %convert_element_type3A_12 : vector<10000x128xf32>
    %get3A_13 = arith.constant 0 : index
    %get3A_14 = arith.constant 0 : index
    %get3A_15 = vector.load %arg1[%get3A_13, %get3A_14] : memref<10000x128xf32, #tpu.memory_space<vmem>>, vector<10000x128xf32>
    %add3A_16 = arith.addf %add3A, %get3A_15 : vector<10000x128xf32>
    %mul3A = vector.broadcast %get3A_1 : vector<10000x1xf32> to vector<10000x128xf32>
    %mul3A_17 = arith.mulf %mul3A, %add3A_16 : vector<10000x128xf32>
    %get3A_18 = arith.constant 0 : index
    %get3A_19 = arith.constant 0 : index
    %get3A_20 = vector.load %arg3[%get3A_18, %get3A_19] : memref<1x128xf32, #tpu.memory_space<vmem>>, vector<1x128xf32>
    %add3A_21 = vector.broadcast %get3A_20 : vector<1x128xf32> to vector<10000x128xf32>
    %add3A_22 = arith.addf %mul3A_17, %add3A_21 : vector<10000x128xf32>
    %max3A = arith.constant 0.000000e+00 : f32
    %max3A_23 = vector.broadcast %max3A : f32 to vector<10000x128xf32>
    %max3A_24 = arith.maximumf %add3A_22, %max3A_23 : vector<10000x128xf32>
    %get3A_25 = arith.constant 0 : index
    %get3A_26 = arith.constant 0 : index
    %get3A_27 = vector.load %arg4[%get3A_25, %get3A_26] : memref<128x128xf32, #tpu.memory_space<vmem>>, vector<128x128xf32>
    %dot_general3A = arith.constant dense<0.000000e+00> : vector<10000x128xf32>
    %dot_general3A_28 = tpu.matmul %max3A_24, %get3A_27, %dot_general3A {dimension_numbers = #tpu.dot_dimension_numbers<[1], [0], [0], [1], [0, 0, 1, 1], [], []>, transpose_lhs_hint = false} : vector<10000x128xf32>, vector<128x128xf32>, vector<10000x128xf32> -> vector<10000x128xf32>
    %mul3A_29 = vector.broadcast %get3A_1 : vector<10000x1xf32> to vector<10000x128xf32>
    %mul3A_30 = arith.mulf %dot_general3A_28, %mul3A_29 : vector<10000x128xf32>
    %swap3A = arith.constant 0 : index
    %swap3A_31 = arith.constant 0 : index
    %swap3A_32 = vector.load %arg5[%swap3A, %swap3A_31] : memref<10000x128xf32, #tpu.memory_space<vmem>>, vector<10000x128xf32>
    tpu.vector_store %arg5[%swap3A, %swap3A_31], %mul3A_30 {strides = array<i32>} : memref<10000x128xf32, #tpu.memory_space<vmem>>, vector<10000x128xf32>,
    %convert_element_type3A_33 = arith.truncf %mul3A_30 : vector<10000x128xf32> to vector<10000x128xbf16>
    %swap3A_34 = arith.constant 0 : index
    %swap3A_35 = arith.constant 0 : index
    %swap3A_36 = vector.load %arg6[%swap3A_34, %swap3A_35] : memref<10240x128xbf16, #tpu.memory_space<vmem>>, vector<10000x128xbf16>
    tpu.vector_store %arg6[%swap3A_34, %swap3A_35], %convert_element_type3A_33 {strides = array<i32>} : memref<10240x128xbf16, #tpu.memory_space<vmem>>, vector<10000x128xbf16>,
    %broadcast_in_dim3A = arith.constant 0.000000e+00 : bf16
    %broadcast_in_dim3A_37 = vector.broadcast %broadcast_in_dim3A : bf16 to vector<240x128xbf16>
    %swap3A_38 = arith.constant 10000 : index
    %swap3A_39 = arith.constant 0 : index
    %swap3A_40 = vector.load %arg6[%swap3A_38, %swap3A_39] : memref<10240x128xbf16, #tpu.memory_space<vmem>>, vector<240x128xbf16>
    tpu.vector_store %arg6[%swap3A_38, %swap3A_39], %broadcast_in_dim3A_37 {strides = array<i32>} : memref<10240x128xbf16, #tpu.memory_space<vmem>>, vector<240x128xbf16>,
    return
  }
}

module attributes {stable_mosaic.version = 14 : i64} {
  func.func @_tc_fin_body(%arg0: memref<2x10240x128xbf16, #tpu.memory_space<vmem>>, %arg1: memref<10000x128xf32, #tpu.memory_space<vmem>>, %arg2: memref<10240x1xf32, #tpu.memory_space<vmem>>, %arg3: memref<1x128xf32, #tpu.memory_space<vmem>>, %arg4: memref<1x10000xi32, #tpu.memory_space<vmem>>, %arg5: memref<128x128xf32, #tpu.memory_space<vmem>>, %arg6: memref<1x128xf32, #tpu.memory_space<vmem>>, %arg7: memref<128x10xf32, #tpu.memory_space<vmem>>, %arg8: memref<1x10xf32, #tpu.memory_space<vmem>>, %arg9: memref<64x10xf32, #tpu.memory_space<vmem>>, %arg10: memref<64x10xf32, #tpu.memory_space<vmem>>) attributes {dimension_semantics = [], scalar_prefetch = 0 : i64, scratch_operands = 0 : i64, tpu.core_type = #tpu.core_type<tc>} {
    %get3A = arith.constant 0 : index
    %get3A_0 = arith.constant 0 : index
    %get3A_1 = vector.load %arg2[%get3A, %get3A_0] : memref<10240x1xf32, #tpu.memory_space<vmem>>, vector<10000x1xf32>
    %get3A_2 = arith.constant 0 : index
    %get3A_3 = arith.constant 0 : index
    %get3A_4 = arith.constant 0 : index
    %get3A_5 = vector.load %arg0[%get3A_2, %get3A_3, %get3A_4] : memref<2x10240x128xbf16, #tpu.memory_space<vmem>>, vector<1x10000x128xbf16>
    %get3A_6 = vector.shape_cast %get3A_5 : vector<1x10000x128xbf16> to vector<10000x128xbf16>
    %convert_element_type3A = arith.extf %get3A_6 : vector<10000x128xbf16> to vector<10000x128xf32>
    %get3A_7 = arith.constant 1 : index
    %get3A_8 = arith.constant 0 : index
    %get3A_9 = arith.constant 0 : index
    %get3A_10 = vector.load %arg0[%get3A_7, %get3A_8, %get3A_9] : memref<2x10240x128xbf16, #tpu.memory_space<vmem>>, vector<1x10000x128xbf16>
    %get3A_11 = vector.shape_cast %get3A_10 : vector<1x10000x128xbf16> to vector<10000x128xbf16>
    %convert_element_type3A_12 = arith.extf %get3A_11 : vector<10000x128xbf16> to vector<10000x128xf32>
    %add3A = arith.addf %convert_element_type3A, %convert_element_type3A_12 : vector<10000x128xf32>
    %get3A_13 = arith.constant 0 : index
    %get3A_14 = arith.constant 0 : index
    %get3A_15 = vector.load %arg1[%get3A_13, %get3A_14] : memref<10000x128xf32, #tpu.memory_space<vmem>>, vector<10000x128xf32>
    %add3A_16 = arith.addf %add3A, %get3A_15 : vector<10000x128xf32>
    %mul3A = vector.broadcast %get3A_1 : vector<10000x1xf32> to vector<10000x128xf32>
    %mul3A_17 = arith.mulf %mul3A, %add3A_16 : vector<10000x128xf32>
    %get3A_18 = arith.constant 0 : index
    %get3A_19 = arith.constant 0 : index
    %get3A_20 = vector.load %arg3[%get3A_18, %get3A_19] : memref<1x128xf32, #tpu.memory_space<vmem>>, vector<1x128xf32>
    %add3A_21 = vector.broadcast %get3A_20 : vector<1x128xf32> to vector<10000x128xf32>
    %add3A_22 = arith.addf %mul3A_17, %add3A_21 : vector<10000x128xf32>
    %max3A = arith.constant 0.000000e+00 : f32
    %max3A_23 = vector.broadcast %max3A : f32 to vector<10000x128xf32>
    %max3A_24 = arith.maximumf %add3A_22, %max3A_23 : vector<10000x128xf32>
    %iota3A = tpu.iota {dimensions = array<i32: 0>} : vector<64x10000xi32>
    %get3A_25 = arith.constant 0 : index
    %get3A_26 = arith.constant 0 : index
    %get3A_27 = vector.load %arg4[%get3A_25, %get3A_26] : memref<1x10000xi32, #tpu.memory_space<vmem>>, vector<1x10000xi32>
    %eq3A = vector.broadcast %get3A_27 : vector<1x10000xi32> to vector<64x10000xi32>
    %eq3A_28 = arith.cmpi eq, %eq3A, %iota3A : vector<64x10000xi32>
    %convert_element_type3A_29 = arith.extui %eq3A_28 : vector<64x10000xi1> to vector<64x10000xi32>
    %convert_element_type3A_30 = arith.sitofp %convert_element_type3A_29 : vector<64x10000xi32> to vector<64x10000xf32>
    %dot_general3A = arith.constant dense<0.000000e+00> : vector<64x128xf32>
    %dot_general3A_31 = tpu.matmul %convert_element_type3A_30, %max3A_24, %dot_general3A {dimension_numbers = #tpu.dot_dimension_numbers<[1], [0], [0], [1], [0, 0, 1, 1], [], []>, transpose_lhs_hint = false} : vector<64x10000xf32>, vector<10000x128xf32>, vector<64x128xf32> -> vector<64x128xf32>
    %broadcast_in_dim3A = arith.constant 1.000000e+00 : f32
    %broadcast_in_dim3A_32 = vector.broadcast %broadcast_in_dim3A : f32 to vector<10000x1xf32>
    %dot_general3A_33 = arith.constant dense<0.000000e+00> : vector<64x1xf32>
    %dot_general3A_34 = tpu.matmul %convert_element_type3A_30, %broadcast_in_dim3A_32, %dot_general3A_33 {dimension_numbers = #tpu.dot_dimension_numbers<[1], [0], [0], [1], [0, 0, 1, 1], [], []>, transpose_lhs_hint = false} : vector<64x10000xf32>, vector<10000x1xf32>, vector<64x1xf32> -> vector<64x1xf32>
    %max3A_35 = arith.constant 1.000000e+00 : f32
    %max3A_36 = vector.broadcast %max3A_35 : f32 to vector<64x1xf32>
    %max3A_37 = arith.maximumf %dot_general3A_34, %max3A_36 : vector<64x1xf32>
    %div3A = vector.broadcast %max3A_37 : vector<64x1xf32> to vector<64x128xf32>
    %div3A_38 = arith.divf %dot_general3A_31, %div3A : vector<64x128xf32>
    %get3A_39 = arith.constant 0 : index
    %get3A_40 = arith.constant 0 : index
    %get3A_41 = vector.load %arg5[%get3A_39, %get3A_40] : memref<128x128xf32, #tpu.memory_space<vmem>>, vector<128x128xf32>
    %dot_general3A_42 = arith.constant dense<0.000000e+00> : vector<64x128xf32>
    %dot_general3A_43 = tpu.matmul %div3A_38, %get3A_41, %dot_general3A_42 {dimension_numbers = #tpu.dot_dimension_numbers<[1], [0], [0], [1], [0, 0, 1, 1], [], []>, transpose_lhs_hint = false} : vector<64x128xf32>, vector<128x128xf32>, vector<64x128xf32> -> vector<64x128xf32>
    %get3A_44 = arith.constant 0 : index
    %get3A_45 = arith.constant 0 : index
    %get3A_46 = vector.load %arg6[%get3A_44, %get3A_45] : memref<1x128xf32, #tpu.memory_space<vmem>>, vector<1x128xf32>
    %add3A_47 = vector.broadcast %get3A_46 : vector<1x128xf32> to vector<64x128xf32>
    %add3A_48 = arith.addf %dot_general3A_43, %add3A_47 : vector<64x128xf32>
    %max3A_49 = arith.constant 0.000000e+00 : f32
    %max3A_50 = vector.broadcast %max3A_49 : f32 to vector<64x128xf32>
    %max3A_51 = arith.maximumf %add3A_48, %max3A_50 : vector<64x128xf32>
    %get3A_52 = arith.constant 0 : index
    %get3A_53 = arith.constant 0 : index
    %get3A_54 = vector.load %arg7[%get3A_52, %get3A_53] : memref<128x10xf32, #tpu.memory_space<vmem>>, vector<128x10xf32>
    %dot_general3A_55 = arith.constant dense<0.000000e+00> : vector<64x10xf32>
    %dot_general3A_56 = tpu.matmul %max3A_51, %get3A_54, %dot_general3A_55 {dimension_numbers = #tpu.dot_dimension_numbers<[1], [0], [0], [1], [0, 0, 1, 1], [], []>, transpose_lhs_hint = false} : vector<64x128xf32>, vector<128x10xf32>, vector<64x10xf32> -> vector<64x10xf32>
    %get3A_57 = arith.constant 0 : index
    %get3A_58 = arith.constant 0 : index
    %get3A_59 = vector.load %arg8[%get3A_57, %get3A_58] : memref<1x10xf32, #tpu.memory_space<vmem>>, vector<1x10xf32>
    %add3A_60 = vector.broadcast %get3A_59 : vector<1x10xf32> to vector<64x10xf32>
    %add3A_61 = arith.addf %dot_general3A_56, %add3A_60 : vector<64x10xf32>
    %reduce_max3A = arith.constant dense<0xFF800000> : vector<64xf32>
    %reduce_max3A_62 = vector.multi_reduction <maximumf>, %add3A_61, %reduce_max3A [1] : vector<64x10xf32> to vector<64xf32>
    %broadcast_in_dim3A_63 = vector.shape_cast %reduce_max3A_62 : vector<64xf32> to vector<64x1xf32>
    %sub3A = vector.broadcast %broadcast_in_dim3A_63 : vector<64x1xf32> to vector<64x10xf32>
    %sub3A_64 = arith.subf %add3A_61, %sub3A : vector<64x10xf32>
    %exp3A = math.exp %sub3A_64 : vector<64x10xf32>
    %reduce_sum3A = arith.constant dense<0.000000e+00> : vector<64xf32>
    %reduce_sum3A_65 = vector.multi_reduction <add>, %exp3A, %reduce_sum3A [1] : vector<64x10xf32> to vector<64xf32>
    %broadcast_in_dim3A_66 = vector.shape_cast %reduce_sum3A_65 : vector<64xf32> to vector<64x1xf32>
    %log3A = math.log %broadcast_in_dim3A_66 : vector<64x1xf32>
    %add3A_67 = arith.addf %log3A, %broadcast_in_dim3A_63 : vector<64x1xf32>
    %sub3A_68 = vector.broadcast %add3A_67 : vector<64x1xf32> to vector<64x10xf32>
    %sub3A_69 = arith.subf %add3A_61, %sub3A_68 : vector<64x10xf32>
    %swap3A = arith.constant 0 : index
    %swap3A_70 = arith.constant 0 : index
    %swap3A_71 = vector.load %arg9[%swap3A, %swap3A_70] : memref<64x10xf32, #tpu.memory_space<vmem>>, vector<64x10xf32>
    tpu.vector_store %arg9[%swap3A, %swap3A_70], %sub3A_69 {strides = array<i32>} : memref<64x10xf32, #tpu.memory_space<vmem>>, vector<64x10xf32>,
    %swap3A_72 = arith.constant 0 : index
    %swap3A_73 = arith.constant 0 : index
    %swap3A_74 = vector.load %arg10[%swap3A_72, %swap3A_73] : memref<64x10xf32, #tpu.memory_space<vmem>>, vector<64x10xf32>
    tpu.vector_store %arg10[%swap3A_72, %swap3A_73], %add3A_61 {strides = array<i32>} : memref<64x10xf32, #tpu.memory_space<vmem>>, vector<64x10xf32>,
    return
  }
}

</mosaic_0001>

<sc_bundles>
// kernel: kernel.10.cloned.1.call-start
scs
__scs_entry_jumppad:
0x0: {  	(pc) =	sbr.rel $0x88, $3  }
0x1: {  	(tag) =	ssettag $0x0;
	lr =	simm.s32 $0x1  }
0x2: {  	[smem:$0x3F94] =	sst lr;
	_ =	strace $0xD0000000  }
0x3: {  	_ = 	snop  }
0x4: {  	_ = 	snop  }
0x5: {  	_ = 	snop  }
0x6: {  	_ = 	snop  }
0x7: {  	_ = 	snop  }
__scs_overlays_trampoline_lowered:
0x8: {  	[smem:$0x3FA3] =	sst s0  }
0x9: {  	[smem:$0x3FA4] =	sst s1  }
0xa: {  	[smem:$0x3FA5] =	sst s2  }
0xb: {  	[smem:$0x3FA6] =	sst s3  }
0xc: {  	[smem:$0x3FA7] =	sst s4  }
0xd: {  	[smem:$0x3FA8] =	sst s5  }
0xe: {  	[smem:$0x3FA9] =	sst s6  }
0xf: {  	[smem:$0x3FAA] =	sst s7  }
0x10: {  	[smem:$0x3FAB] =	sst s8  }
0x11: {  	[smem:$0x3FAC] =	sst s9;
	s0 =	simm.s32 @!p0 $0x0  }
0x12: {  	s1 =	sld [smem:$0x3F92];
	s0 =	simm.s32 @p0 $0x1  }
0x13: {  	[smem:$0x3FAD] =	sst s0;
	s0 =	simm.s32 @!p1 $0x0  }
0x14: {  	s2 =	sld [smem:$0x3F91];
	s0 =	simm.s32 @p1 $0x1  }
0x15: {  	[smem:$0x3FAE] =	sst s0;
	s0 =	simm.s32 @!p2 $0x0  }
0x16: {  	s3 =	sld [smem:$0x3FDB];
	s0 =	simm.s32 @p2 $0x1  }
0x17: {  	s4 =	simm.s32 $0x1BF5;
	[smem:$0x3FB0] =	sst s0  }
0x18: {  	s0 =	sld [smem:$0x3F93];
	_ =	swait.ge [sflag:s4], $0x0  }
0x19: {  	s7 =	sld [smem:$0x3F94]  }
0x1a: {  	s8 =	sadd.s32 $0xFFFFE003, lr  }
0x1b: {  	s9 =	sadd.s32 $0xFFFFFEF7, lr;
	s5 =	simm.s32 $0xFFFFFFFF;
	p2 =	slt.u32 s8, $0xFFFFF086  }
0x1c: {  	p1 =	slt.u32 s9, $0xF7A;
	s5 =	simm.s32 @!p2 $0x0  }
0x1d: {  	s5 =	simm.s32 @p1 $0x1;
	p0 =	seq.s32 s7, s2  }
0x1e: {  	s7 =	smul.u32 @!p0 $0xF7A, s2;
	p2 =	seq.s32 @!p0 s5, $0x0  }
0x1f: {  	s9 =	smul.u32 $0xF7A, s1;
	s8 =	simm.s32 @!p0 $0x1BF5;
	p2 =	por !p2, p0  }
0x20: {  	[sflag:s8] =	ssyncset.s32 @!p0 $0xFFFFF086;
	s6 =	sadd.s32 @!p0 s3, s7;
	s7 =	simm.s32 @!p0 $0x108  }
0x21: {  	s3 =	sadd.s32 s3, s9;
	s6 =	sadd.s32 @!p0 $0x88, s6;
	s7 =	simm.s32 @p2 $0x1082  }
0x22: {  	[simem:s7], [sflag:s8] =	dma.local @!p0 [hbm:s6], $0xF7A  }
0x23: {  	s9 =	sor.u32 $0xD0000000, s2;
	s6 =	simm.s32 $0x108;
	_ =	swait.ge @!p0 [sflag:s8], $0x0  }
0x24: {  	s3 =	sadd.s32 $0x88, s3;
	s6 =	simm.s32 @!p1 $0x1082;
	[sflag:s4] =	ssyncset.s32 $0xFFFFF086  }
0x25: {  	[simem:s6], [sflag:s4] =	dma.local [hbm:s3], $0xF7A  }
0x26: {  	[smem:$0x3F94] =	sst s1;
	(tag) =	ssettag s2;
	_ =	strace s9  }
0x27: {  	s1 =	sld [smem:$0x3FA4]  }
0x28: {  	s2 =	sld [smem:$0x3FA5]  }
0x29: {  	s4 =	sld [smem:$0x3FA7]  }
0x2a: {  	p0 =	seq.s32 s5, $0x0;
	s5 =	sld [smem:$0x3FA8]  }
0x2b: {  	s6 =	sld [smem:$0x3FA9]  }
0x2c: {  	s7 =	sld [smem:$0x3FAA]  }
0x2d: {  	s3 =	simm.s32 $0x108;
	s8 =	sld [smem:$0x3FAB]  }
0x2e: {  	s3 =	simm.s32 @!p0 $0x1082;
	s9 =	sld [smem:$0x3FAC]  }
0x2f: {  	lr =	sadd.s32 s0, s3;
	s0 =	sld [smem:$0x3FA3]  }
0x30: {  	s3 =	sld [smem:$0x3FA6]  }
0x31: {  	[smem:$0x3FAF] =	sst s10  }
0x32: {  	s10 =	sld [smem:$0x3FAD];
	_ =	sdelay $0x3  }
0x33: {  	p0 =	seq.s32 s10, $0x1;
	s10 =	sld [smem:$0x3FAF];
	_ =	sdelay $0x3  }
0x34: {  	[smem:$0x3FAF] =	sst s10  }
0x35: {  	s10 =	sld [smem:$0x3FAE];
	_ =	sdelay $0x3  }
0x36: {  	p1 =	seq.s32 s10, $0x1;
	s10 =	sld [smem:$0x3FAF];
	_ =	sdelay $0x3  }
0x37: {  	[smem:$0x3FAF] =	sst s10  }
0x38: {  	s10 =	sld [smem:$0x3FB0]  }
0x39: {  	_ = 	snop;
	(pc) =	sbr.ind lr, $3  }
0x3a: {  	_ = 	snop  }
0x3b: {  	_ = 	snop  }
0x3c: {  	p2 =	seq.s32 s10, $0x1;
	s10 =	sld [smem:$0x3FAF]  }
0x3d: {  	_ =	shalt  }
0x3e: {  	_ =	shalt  }
0x3f: {  	_ =	shalt  }
0x40: {  	_ =	shalt  }
0x41: {  	_ =	shalt  }
0x42: {  	_ =	shalt  }
0x43: {  	_ =	shalt  }
0x44: {  	_ =	shalt  }
0x45: {  	_ =	shalt  }
0x46: {  	_ =	shalt  }
0x47: {  	_ =	shalt  }
0x48: {  	_ =	shalt  }
0x49: {  	_ =	shalt  }
0x4a: {  	_ =	shalt  }
0x4b: {  	_ =	shalt  }
0x4c: {  	_ =	shalt  }
0x4d: {  	_ =	shalt  }
0x4e: {  	_ =	shalt  }
0x4f: {  	_ =	shalt  }
0x50: {  	_ =	shalt  }
0x51: {  	_ =	shalt  }
0x52: {  	_ =	shalt  }
0x53: {  	_ =	shalt  }
0x54: {  	_ =	shalt  }
0x55: {  	_ =	shalt  }
0x56: {  	_ =	shalt  }
0x57: {  	_ =	shalt  }
0x58: {  	_ =	shalt  }
0x59: {  	_ =	shalt  }
0x5a: {  	_ =	shalt  }
0x5b: {  	_ =	shalt  }
0x5c: {  	_ =	shalt  }
0x5d: {  	_ =	shalt  }
0x5e: {  	_ =	shalt  }
0x5f: {  	_ =	shalt  }
0x60: {  	_ =	shalt  }
0x61: {  	_ =	shalt  }
0x62: {  	_ =	shalt  }
0x63: {  	_ =	shalt  }
0x64: {  	_ =	shalt  }
0x65: {  	_ =	shalt  }
0x66: {  	_ =	shalt  }
0x67: {  	_ =	shalt  }
0x68: {  	_ =	shalt  }
0x69: {  	_ =	shalt  }
0x6a: {  	_ =	shalt  }
0x6b: {  	_ =	shalt  }
0x6c: {  	_ =	shalt  }
0x6d: {  	_ =	shalt  }
0x6e: {  	_ =	shalt  }
0x6f: {  	_ =	shalt  }
0x70: {  	_ =	shalt  }
0x71: {  	_ =	shalt  }
0x72: {  	_ =	shalt  }
0x73: {  	_ =	shalt  }
0x74: {  	_ =	shalt  }
0x75: {  	_ =	shalt  }
0x76: {  	_ =	shalt  }
0x77: {  	_ =	shalt  }
0x78: {  	_ =	shalt  }
0x79: {  	_ =	shalt  }
0x7a: {  	_ =	shalt  }
0x7b: {  	_ =	shalt  }
0x7c: {  	_ =	shalt  }
0x7d: {  	_ =	shalt  }
0x7e: {  	_ =	shalt  }
0x7f: {  	_ =	shalt  }
0x80: {  	_ =	shalt  }
0x81: {  	_ =	shalt  }
0x82: {  	_ =	shalt  }
0x83: {  	_ =	shalt  }
0x84: {  	_ =	shalt  }
0x85: {  	_ =	shalt  }
0x86: {  	_ =	shalt  }
0x87: {  	_ =	shalt  }
.Lfunc_end0:
.L_simem_size_0:
called_computation_lowered:
.L_overlay_start_0:
0x88: {  	s2 =	sld [smem:$0x3FD9]  }
0x89: {  	s3 =	sld [smem:$0x3FFE];
	_ =	sdelay $0x1  }
0x8a: {  	s1 =	srdreg.scid  }
0x8b: {  	s0 =	sand.u32 $0x1, s1  }
0x8c: {  	s16 =	sshll.u32 s0, $0xA;
	s2 =	sadd.s32 s3, s2  }
0x8d: {  	s2 =	sadd.s32 s2, s16  }
0x8e: {  	[smem:$0x3FBB] =	sst s2  }
0x8f: {  	_ = 	snop  }
0x90: {  	(tm) =	ssettm $0x1  }
0x91: {  	s17 =	sld [smem:$0x3FFB];
	_ =	sdelay $0x3  }
0x92: {  	_ =	strace s17  }
0x93: {  	s2 =	sld [smem:$0x3FFC];
	_ =	sdelay $0x3  }
0x94: {  	_ =	strace s2  }
0x95: {  	s2 =	sld [smem:$0x3FFD];
	_ =	sdelay $0x3  }
0x96: {  	_ =	strace s2  }
0x97: {  	_ =	strace $0x8FFFFFFF  }
0x98: {  	s18 =	sld [smem:$0x3FDB];
	_ =	sdelay $0x1  }
0x99: {  	s19 =	simm.s32 $_scs_section_size  }
0x9a: {  	s4 =	simm.s32 $_size__tile_overlayer_lowered;
	s5 =	simm.s32 $_tile_overlayer_lowered  }
0x9b: {  	s22 =	simm.s32 $0x1BFF;
	s21 =	sshll.u32 s5, $0x1;
	s2 =	sadd.s32 s19, s18  }
0x9c: {  	s6 =	simm.s32 $0x0;
	s20 =	sshll.u32 s4, $0x1;
	s4 =	sadd.s32 s21, s2  }
0x9d: {  	[timem:s6], [sflag:s22] =	dma.local [hbm:s4], s20  }
0x9e: {  	_ =	swait.ge [sflag:s22], s20  }
0x9f: {  	s3 =	ssub.s32 $0x0, s20;
	[sflag:s22] =	ssyncset.done $0x0  }
0xa0: {  	[sflag:s22] =	ssyncadd.s32 s3;
	_ =	sdelay $0x1  }
0xa1: {  	s23 =	simm.s32 $0x1B8B  }
0xa2: {  	_ =	swait.ge [sflag:s23], $0x1  }
0xa3: {  	[sflag:s23] =	ssyncset.done $0x0  }
0xa4: {  	s25 =	simm.s32 $0x1B8E;
	s24 =	sld [smem:$0x3FFE];
	[sflag:s23] =	ssyncadd.s32 $0xFFFFFFFF  }
0xa5: {  	s26 =	simm.s32 $execute0_lowered;
	[smem:$0x3FD2] =	sst s25  }
0xa6: {  	s4 =	sshll.u32 s26, $0x1;
	_ =	strace $0x80000046;
	[dreg:$0x1] =	wrdreg $0xFFFFFFFF  }
0xa7: {  	s28 =	simm.s32 $_size_execute0_lowered;
	s2 =	sadd.s32 s2, s4;
	[dreg:$0x0] =	wrdreg $0x0  }
0xa8: {  	s4 =	sshll.u32 s28, $0x1;
	[dreg:$0x2] =	wrdreg s2  }
0xa9: {  	[dreg:$0x3] =	wrdreg s4  }
0xaa: {  	[dreg:$0x4] =	wrdreg $0xC0  }
0xab: {  	_ =	task [dreg:s6], $0x5FFFF  }
0xac: {  	[dreg:$0x1] =	wrdreg $0xFFFFFFFF  }
0xad: {  	[dreg:$0x0] =	wrdreg $0x60  }
0xae: {  	[dreg:$0x2] =	wrdreg s24  }
0xaf: {  	[dreg:$0x3] =	wrdreg $0x78000  }
0xb0: {  	[dreg:$0x4] =	wrdreg $0x9  }
0xb1: {  	_ =	task.clear_ibuf [dreg:s6], $0x5FFFF;
	_ =	strace $0x90000046  }
0xb2: {  	s29 =	simm.s32 $0x9;
	_ =	strace $0x80000048  }
0xb3: {  	_ =	swait.ge [sflag:s29], $0x1  }
0xb4: {  	[sflag:s29] =	ssyncadd.s32 $0xFFFFFFFF  }
0xb5: {  	_ =	strace $0x90000048  }
0xb6: {  	_ =	sfence  }
0xb7: {  	s30 =	sld [smem:$0x0];
	_ =	sdelay $0x2  }
0xb8: {  	s31 =	sshll.u32 s1, $0xD;
	s1 =	sshrl.u32 s1, $0x2  }
0xb9: {  	s3 =	sand.u32 $0x4000, s31;
	s1 =	sadd.s32 s1, s30  }
0xba: {  	s0 =	sor.u32 s3, s0;
	s1 =	sshll.u32 s1, $0x11  }
0xbb: {  	s0 =	sor.u32 s1, s0  }
0xbc: {  	s0 =	sadd.s32 $0x8F2B, s0  }
0xbd: {  	[sflag:s0] =	ssyncadd.remote.s32 $0x1  }
0xbe: {  	_ =	sfence.sel $0xFFFF  }
0xbf: {  	[dreg:$0x0] =	wrdreg $0xFFFFFFFF;
	(pc) =	sbr.abs _section_cstart, $3  }
0xc0: {  	[dreg:$0x1] =	wrdreg $0xFFFFFFFF  }
0xc1: {  	_ =	task.clear_ibuf [dreg:s6], $0x2FFFF;
	_ =	strace $0x9FFFFFFF  }
0xc2: {  	(tm) =	ssettm $0x7FFFFFFF  }
0xc3: {  	_ =	shalt  }
tec
execute0_lowered:
.L_overlay_start_1:
0x0: {  	(tag) =	ssettag $0x1  }
0x1: {  	s3 =	rddreg [dreg:$0x0]  }
0x2: {  	s5 =	rddreg [dreg:$0x1]  }
0x3: {  	s0 =	rddreg [dreg:$0x2];
	s4 =	srdreg.scid  }
0x4: {  	s2 =	simm.s32 $0x0;
	s1 =	stileid.u32;
	s12 =	simm.s32 $0x1400  }
0x5: {  	s13 =	simm.s32 $0x14000;
	s14 =	simm.s32 $0x5000;
	s15 =	simm.s32 $0x100  }
0x6: {  	s16 =	simm.s32 $0x0;
	s4 =	sand.u32 $0x1, s4;
	[smem:$0x7FF] =	sst s2  }
0x7: {  	s7 =	smul.u32 $0x500, s1;
	s28 =	sshrl.u32 s1, $0x3;
	s9 =	sshll.u32 s1, $0x7  }
0x8: {  	s10 =	smul.u32 $0x5000, s1;
	s6 =	sshll.u32 s4, $0x4;
	_ =	strace $0x80000047  }
0x9: {  	s8 =	sshll.u32 s4, $0x7;
	s4 =	ssub.s32 $0x2, s4;
	s30 =	sand.u32 $0x380, s9  }
0xa: {  	s9 =	simm.s32 $0x2800;
	s6 =	sor.u32 s1, s6;
	s7 =	sor.u32 s8, s7  }
0xb: {  	s8 =	smul.u32 $0x50000, s28;
	s29 =	sshrl.u32 s4, $0x1;
	s31 =	sshrl.u32 s10, $0x2  }
0xc: {  	s10 =	simm.s32 $0x80;
	s6 =	smul.u32 $0x500, s6;
	s7 =	sshrl.u32 s7, $0x3  }
0xd: {  	s11 =	ssub.s32 s4, s29;
	s7 =	sadd.s32 s7, s3;
	s8 =	sshrl.u32 s8, $0x2  }
0xe: {  	s6 =	sadd.s32 s6, s3;
	s8 =	sadd.s32 s8, s5;
	s5 =	sadd.s32 s31, s5  }
0xf: {  	s3 =	sadd.s32 $0x3C00, s6;
	s4 =	sadd.s32 s30, s8;
	s6 =	sadd.s32 $0x18800, s7  }
0x10: {  	v0 =	vimm.f32 $0.0e+00;
	v1 =	vimm.f32 $1.000000000e+00;
	s7 =	smax.u32 s11, $0x1;
	s8 =	simm.s32 $0x1;
	s11 =	simm.s32 $0x400  }
.LBB2_1:
0x11: {  	[tilespmem:s2], [sflag:$0x1] =	stream.linear.gather [hbm4b:s3+s2], $0x2800, $0x38;
	[tilespmem:$0xA000] =	vst v63  }
0x12: {  	_ =	swait.ge [sflag:s8], $0x2800  }
0x13: {  	[sflag:s8] =	ssyncset.done $0x0  }
0x14: {  	s17 =	simm.s32 $0x0;
	[sflag:s8] =	ssyncadd.s32 $0xFFFFD800  }
.LBB2_2:
0x15: {  	p0 =	sne.s32 s17, $0x9FC0  }
.Ltmp0:
0x16: {  	_ = 	snop;
	(pc) =	sbr.rel @p0 .LBB2_2-.Ltmp0, $3  }
0x17: {  	_ =	sdelay $0x1  }
0x18: {  	s18 =	sshra.s32 s17, $0x2  }
0x19: {  	s17 =	sadd.s32 $0x40, s17;
	[tilespmem:s18+$0x2800] =	vst v0  }
0x1a: {  	s17 =	simm.s32 $0x0  }
.LBB2_4:
0x1b: {  	s18 =	sshra.s32 s17, $0x2  }
0x1c: {  	v2 =	vld [tilespmem:s18+$0x0];
	_ =	sdelay $0x7  }
0x1d: {  	[tilespmem:v2+s9+$0x0] =	vst.idx.add.f32.msk $0xffff, v1  }
0x1e: {  	v2 =	vld [tilespmem:s18+$0x10];
	_ =	sdelay $0x7  }
0x1f: {  	[tilespmem:v2+s9+$0x0] =	vst.idx.add.f32.msk $0xffff, v1  }
0x20: {  	v2 =	vld [tilespmem:s18+$0x20];
	_ =	sdelay $0x7  }
0x21: {  	[tilespmem:v2+s9+$0x0] =	vst.idx.add.f32.msk $0xffff, v1  }
0x22: {  	v2 =	vld [tilespmem:s18+$0x30];
	_ =	sdelay $0x7  }
0x23: {  	[tilespmem:v2+s9+$0x0] =	vst.idx.add.f32.msk $0xffff, v1  }
0x24: {  	v2 =	vld [tilespmem:s18+$0x40];
	_ =	sdelay $0x7  }
0x25: {  	[tilespmem:v2+s9+$0x0] =	vst.idx.add.f32.msk $0xffff, v1  }
0x26: {  	v2 =	vld [tilespmem:s18+$0x50];
	_ =	sdelay $0x7  }
0x27: {  	[tilespmem:v2+s9+$0x0] =	vst.idx.add.f32.msk $0xffff, v1  }
0x28: {  	v2 =	vld [tilespmem:s18+$0x60];
	_ =	sdelay $0x7  }
0x29: {  	[tilespmem:v2+s9+$0x0] =	vst.idx.add.f32.msk $0xffff, v1  }
0x2a: {  	v2 =	vld [tilespmem:s18+$0x70];
	_ =	sdelay $0x2  }
0x2b: {  	p0 =	sne.s32 s17, $0x9E00  }
.Ltmp1:
0x2c: {  	_ = 	snop;
	(pc) =	sbr.rel @p0 .LBB2_4-.Ltmp1, $2  }
0x2d: {  	_ =	sdelay $0x2  }
0x2e: {  	s17 =	sadd.s32 $0x200, s17;
	[tilespmem:v2+s9+$0x0] =	vst.idx.add.f32.msk $0xffff, v1  }
0x2f: {  	s17 =	simm.s32 $0x2800  }
0x30: {  	[spmem:s4] =	stream.strided.scatter [tilespmem:s17], [sflag:$0x1], $0x2800, s11, s10, $0x38;
	[tilespmem:$0xA000] =	vst v63  }
0x31: {  	_ =	swait.ge [sflag:s8], $0x2800  }
0x32: {  	[sflag:s8] =	ssyncset.done $0x0  }
0x33: {  	[sflag:s8] =	ssyncadd.s32 $0xFFFFD800  }
0x34: {  	[bflag:$0x0] =	sbarrier.arrive $0xFFFF  }
0x35: {  	[tilespmem:s14], [sflag:$0x1] =	stream.strided.gather [spmem:s5], $0x2800, s13, s12, $0x38;
	[tilespmem:$0xA000] =	vst v63  }
0x36: {  	s18 =	simm.s32 $0x0;
	_ =	swait.ge [sflag:s8], $0x2800  }
0x37: {  	s19 =	sand.u32 $0x70, s18;
	s18 =	sand.u32 $0x1C00, s18;
	[sflag:s8] =	ssyncset.done $0x0  }
0x38: {  	s18 =	sor.u32 s19, s18;
	[sflag:s8] =	ssyncadd.s32 $0xFFFFD800  }
0x39: {  	v2 =	vld [tilespmem:s18+$0x5080]  }
0x3a: {  	v3 =	vld [tilespmem:s18+$0x5000];
	_ =	sdelay $0x1  }
0x3b: {  	v4 =	vld [tilespmem:s18+$0x5100];
	_ =	sdelay $0x1  }
0x3c: {  	v5 =	vld [tilespmem:s18+$0x5180]  }
0x3d: {  	v2 =	vadd.f32 v2, v3  }
0x3e: {  	v3 =	vld [tilespmem:s18+$0x5200]  }
0x3f: {  	v2 =	vadd.f32 v4, v2  }
0x40: {  	v56 =	vld [tilespmem:s18+$0x5280]  }
0x41: {  	v2 =	vadd.f32 v5, v2  }
0x42: {  	v57 =	vld [tilespmem:s18+$0x5300]  }
0x43: {  	v2 =	vadd.f32 v3, v2  }
0x44: {  	v3 =	vld [tilespmem:s18+$0x5380]  }
0x45: {  	v2 =	vadd.f32 v56, v2  }
0x46: {  	v58 =	vld [tilespmem:s18+$0x6400]  }
0x47: {  	v2 =	vadd.f32 v57, v2  }
0x48: {  	v59 =	vld [tilespmem:s18+$0x6480]  }
0x49: {  	v2 =	vadd.f32 v3, v2  }
0x4a: {  	v3 =	vld [tilespmem:s18+$0x6500]  }
0x4b: {  	v2 =	vadd.f32 v58, v2  }
0x4c: {  	v60 =	vld [tilespmem:s18+$0x6580]  }
0x4d: {  	v2 =	vadd.f32 v59, v2  }
0x4e: {  	v61 =	vld [tilespmem:s18+$0x6600]  }
0x4f: {  	v2 =	vadd.f32 v3, v2  }
0x50: {  	v3 =	vld [tilespmem:s18+$0x6680]  }
0x51: {  	v2 =	vadd.f32 v60, v2  }
0x52: {  	v62 =	vld [tilespmem:s18+$0x6700]  }
0x53: {  	v2 =	vadd.f32 v61, v2  }
0x54: {  	v63 =	vld [tilespmem:s18+$0x6780]  }
0x55: {  	v2 =	vadd.f32 v3, v2;
	_ =	sdelay $0x1  }
0x56: {  	v2 =	vadd.f32 v62, v2;
	_ =	sdelay $0x1  }
0x57: {  	s31 =	simm.s32 $0x10;
	s19 =	simm.s32 $0x80;
	v2 =	vadd.f32 v63, v2  }
0x58: {  	s20 =	sand.u32 $0x1C00, s19;
	s18 =	sand.u32 $0x70, s31  }
0x59: {  	s18 =	sor.u32 s18, s20;
	s20 =	simm.s32 $0x20;
	[tilespmem:s17+$0x0] =	vst v2  }
.LBB2_6:
0x5a: {  	p0 =	sne.s32 s20, $0x270;
	v2 =	vld [tilespmem:s18+$0x5080]  }
0x5b: {  	v3 =	vld [tilespmem:s18+$0x5000];
	_ =	sdelay $0x1  }
0x5c: {  	v4 =	vld [tilespmem:s18+$0x5100];
	_ =	sdelay $0x1  }
0x5d: {  	v5 =	vld [tilespmem:s18+$0x5180]  }
0x5e: {  	v2 =	vadd.f32 v2, v3  }
0x5f: {  	v3 =	vld [tilespmem:s18+$0x5200]  }
0x60: {  	v2 =	vadd.f32 v4, v2  }
0x61: {  	v4 =	vld [tilespmem:s18+$0x5280]  }
0x62: {  	v2 =	vadd.f32 v5, v2  }
0x63: {  	v5 =	vld [tilespmem:s18+$0x5300]  }
0x64: {  	v2 =	vadd.f32 v3, v2  }
0x65: {  	v3 =	vld [tilespmem:s18+$0x5380]  }
0x66: {  	v2 =	vadd.f32 v4, v2  }
0x67: {  	v4 =	vld [tilespmem:s18+$0x6400]  }
0x68: {  	v2 =	vadd.f32 v5, v2  }
0x69: {  	v5 =	vld [tilespmem:s18+$0x6480]  }
0x6a: {  	v2 =	vadd.f32 v3, v2  }
0x6b: {  	v3 =	vld [tilespmem:s18+$0x6500]  }
0x6c: {  	v2 =	vadd.f32 v4, v2  }
0x6d: {  	v4 =	vld [tilespmem:s18+$0x6580]  }
0x6e: {  	v2 =	vadd.f32 v5, v2  }
0x6f: {  	v5 =	vld [tilespmem:s18+$0x6600]  }
0x70: {  	v2 =	vadd.f32 v3, v2  }
0x71: {  	v3 =	vld [tilespmem:s18+$0x6680]  }
0x72: {  	v2 =	vadd.f32 v4, v2  }
0x73: {  	v4 =	vld [tilespmem:s18+$0x6700]  }
0x74: {  	v2 =	vadd.f32 v5, v2  }
0x75: {  	v5 =	vld [tilespmem:s18+$0x6780]  }
0x76: {  	v2 =	vadd.f32 v3, v2;
	_ =	sdelay $0x1  }
.Ltmp2:
0x77: {  	v2 =	vadd.f32 v4, v2;
	(pc) =	sbr.rel @p0 .LBB2_6-.Ltmp2, $4  }
0x78: {  	_ = 	snop  }
0x79: {  	s19 =	sadd.s32 $0x80, s19;
	v2 =	vadd.f32 v5, v2  }
0x7a: {  	s17 =	sadd.s32 $0x10, s17;
	s21 =	sand.u32 $0x1C00, s19;
	s18 =	sand.u32 $0x70, s20  }
0x7b: {  	s20 =	sadd.s32 $0x10, s20;
	s18 =	sor.u32 s18, s21;
	[tilespmem:s17+$0x0] =	vst v2  }
0x7c: {  	v2 =	vld [tilespmem:s18+$0x5080]  }
0x7d: {  	v3 =	vld [tilespmem:s18+$0x5000];
	_ =	sdelay $0x1  }
0x7e: {  	v4 =	vld [tilespmem:s18+$0x5100];
	_ =	sdelay $0x1  }
0x7f: {  	v5 =	vld [tilespmem:s18+$0x5180]  }
0x80: {  	v2 =	vadd.f32 v2, v3  }
0x81: {  	v3 =	vld [tilespmem:s18+$0x5200]  }
0x82: {  	v2 =	vadd.f32 v4, v2  }
0x83: {  	v56 =	vld [tilespmem:s18+$0x5280]  }
0x84: {  	v2 =	vadd.f32 v5, v2  }
0x85: {  	v57 =	vld [tilespmem:s18+$0x5300]  }
0x86: {  	v2 =	vadd.f32 v3, v2  }
0x87: {  	v3 =	vld [tilespmem:s18+$0x5380]  }
0x88: {  	v2 =	vadd.f32 v56, v2  }
0x89: {  	v58 =	vld [tilespmem:s18+$0x6400]  }
0x8a: {  	v2 =	vadd.f32 v57, v2  }
0x8b: {  	v59 =	vld [tilespmem:s18+$0x6480]  }
0x8c: {  	v2 =	vadd.f32 v3, v2  }
0x8d: {  	v3 =	vld [tilespmem:s18+$0x6500]  }
0x8e: {  	v2 =	vadd.f32 v58, v2  }
0x8f: {  	v60 =	vld [tilespmem:s18+$0x6580]  }
0x90: {  	v2 =	vadd.f32 v59, v2  }
0x91: {  	v61 =	vld [tilespmem:s18+$0x6600]  }
0x92: {  	v2 =	vadd.f32 v3, v2  }
0x93: {  	v3 =	vld [tilespmem:s18+$0x6680]  }
0x94: {  	v2 =	vadd.f32 v60, v2  }
0x95: {  	v62 =	vld [tilespmem:s18+$0x6700]  }
0x96: {  	v2 =	vadd.f32 v61, v2  }
0x97: {  	v63 =	vld [tilespmem:s18+$0x6780]  }
0x98: {  	v2 =	vadd.f32 v3, v2;
	_ =	sdelay $0x1  }
0x99: {  	v2 =	vadd.f32 v62, v2;
	_ =	sdelay $0x1  }
0x9a: {  	s16 =	sadd.s32 $0x1, s16;
	v2 =	vadd.f32 v63, v2  }
0x9b: {  	s17 =	sadd.s32 $0x10, s17;
	p0 =	sne.s32 s16, s7  }
.Ltmp3:
0x9c: {  	[tilespmem:s17+$0x0] =	vst v2;
	(pc) =	sbr.rel @p0 .LBB2_1-.Ltmp3, $4  }
0x9d: {  	[hbm4b:s6+s10] =	stream.strided.scatter [tilespmem:s9], [sflag:$0x1], $0x280, s15, s10, $0x38;
	[tilespmem:$0xA000] =	vst v63  }
0x9e: {  	_ =	swait.ge [sflag:s8], $0x280  }
0x9f: {  	[sflag:s8] =	ssyncset.done $0x0  }
0xa0: {  	[sflag:s8] =	ssyncadd.s32 $0xFFFFFD80  }
0xa1: {  	_ =	sfence.sel $0x180000  }
0xa2: {  	[bflag:$0x0] =	sbarrier.arrive $0xFFFF  }
0xa3: {  	p0 =	sne.s32 s1, $0x0;
	_ =	strace $0x90000047  }
0xa4: {  	s0 =	sadd.s32 @!p0 $0x100000, s0;
	[bflag:$0x2] =	sbarrier.arrive $0xFFFF  }
0xa5: {  	[sflag:s0] =	ssyncadd.tile.s32 @!p0 $0x1;
	_ =	shalt  }
.Lfunc_end2:
_tile_overlayer_lowered:
.L_overlay_start_2:
0xa6: {  	(tag) =	ssettag $0x2  }
0xa7: {  	s0 =	rddreg [dreg:$0x0];
	s2 =	stileid.u32  }
0xa8: {  	s1 =	rddreg [dreg:$0x1];
	p0 =	sne.s32 s2, $0x0  }
0xa9: {  	s3 =	rddreg [dreg:$0x2];
	[bflag:$0x3] =	sbarrier.arrive $0xFFFF;
	s2 =	simm.s32 @!p0 $0x1C01  }
0xaa: {  	[timem:s3], [sflag:s2] =	dma.local @!p0 [hbm:s0], s1  }
0xab: {  	s0 =	simm.s32 @!p0 $0x1  }
0xac: {  	_ =	swait.ge @!p0 [sflag:s0], s1  }
0xad: {  	s1 =	ssub.s32 @!p0 $0x0, s1;
	[sflag:s0] =	ssyncset.done @!p0 $0x0  }
0xae: {  	[sflag:s0] =	ssyncadd.s32 @!p0 s1  }
0xaf: {  	[bflag:$0x3] =	sbarrier.arrive $0xFFFF  }
0xb0: {  	_ =	shalt  }

// kernel: kernel.13.cloned.1.call-start
scs
__scs_entry_jumppad:
0x0: {  	(pc) =	sbr.rel $0x88, $3  }
0x1: {  	(tag) =	ssettag $0x0;
	lr =	simm.s32 $0x1  }
0x2: {  	[smem:$0x3F94] =	sst lr;
	_ =	strace $0xD0000000  }
0x3: {  	_ = 	snop  }
0x4: {  	_ = 	snop  }
0x5: {  	_ = 	snop  }
0x6: {  	_ = 	snop  }
0x7: {  	_ = 	snop  }
__scs_overlays_trampoline_lowered:
0x8: {  	[smem:$0x3FA3] =	sst s0  }
0x9: {  	[smem:$0x3FA4] =	sst s1  }
0xa: {  	[smem:$0x3FA5] =	sst s2  }
0xb: {  	[smem:$0x3FA6] =	sst s3  }
0xc: {  	[smem:$0x3FA7] =	sst s4  }
0xd: {  	[smem:$0x3FA8] =	sst s5  }
0xe: {  	[smem:$0x3FA9] =	sst s6  }
0xf: {  	[smem:$0x3FAA] =	sst s7  }
0x10: {  	[smem:$0x3FAB] =	sst s8  }
0x11: {  	[smem:$0x3FAC] =	sst s9;
	s0 =	simm.s32 @!p0 $0x0  }
0x12: {  	s1 =	sld [smem:$0x3F92];
	s0 =	simm.s32 @p0 $0x1  }
0x13: {  	[smem:$0x3FAD] =	sst s0;
	s0 =	simm.s32 @!p1 $0x0  }
0x14: {  	s2 =	sld [smem:$0x3F91];
	s0 =	simm.s32 @p1 $0x1  }
0x15: {  	[smem:$0x3FAE] =	sst s0;
	s0 =	simm.s32 @!p2 $0x0  }
0x16: {  	s3 =	sld [smem:$0x3FDB];
	s0 =	simm.s32 @p2 $0x1  }
0x17: {  	s4 =	simm.s32 $0x1BF5;
	[smem:$0x3FB0] =	sst s0  }
0x18: {  	s0 =	sld [smem:$0x3F93];
	_ =	swait.ge [sflag:s4], $0x0  }
0x19: {  	s7 =	sld [smem:$0x3F94]  }
0x1a: {  	s8 =	sadd.s32 $0xFFFFE003, lr  }
0x1b: {  	s9 =	sadd.s32 $0xFFFFFEF7, lr;
	s5 =	simm.s32 $0xFFFFFFFF;
	p2 =	slt.u32 s8, $0xFFFFF086  }
0x1c: {  	p1 =	slt.u32 s9, $0xF7A;
	s5 =	simm.s32 @!p2 $0x0  }
0x1d: {  	s5 =	simm.s32 @p1 $0x1;
	p0 =	seq.s32 s7, s2  }
0x1e: {  	s7 =	smul.u32 @!p0 $0xF7A, s2;
	p2 =	seq.s32 @!p0 s5, $0x0  }
0x1f: {  	s9 =	smul.u32 $0xF7A, s1;
	s8 =	simm.s32 @!p0 $0x1BF5;
	p2 =	por !p2, p0  }
0x20: {  	[sflag:s8] =	ssyncset.s32 @!p0 $0xFFFFF086;
	s6 =	sadd.s32 @!p0 s3, s7;
	s7 =	simm.s32 @!p0 $0x108  }
0x21: {  	s3 =	sadd.s32 s3, s9;
	s6 =	sadd.s32 @!p0 $0x88, s6;
	s7 =	simm.s32 @p2 $0x1082  }
0x22: {  	[simem:s7], [sflag:s8] =	dma.local @!p0 [hbm:s6], $0xF7A  }
0x23: {  	s9 =	sor.u32 $0xD0000000, s2;
	s6 =	simm.s32 $0x108;
	_ =	swait.ge @!p0 [sflag:s8], $0x0  }
0x24: {  	s3 =	sadd.s32 $0x88, s3;
	s6 =	simm.s32 @!p1 $0x1082;
	[sflag:s4] =	ssyncset.s32 $0xFFFFF086  }
0x25: {  	[simem:s6], [sflag:s4] =	dma.local [hbm:s3], $0xF7A  }
0x26: {  	[smem:$0x3F94] =	sst s1;
	(tag) =	ssettag s2;
	_ =	strace s9  }
0x27: {  	s1 =	sld [smem:$0x3FA4]  }
0x28: {  	s2 =	sld [smem:$0x3FA5]  }
0x29: {  	s4 =	sld [smem:$0x3FA7]  }
0x2a: {  	p0 =	seq.s32 s5, $0x0;
	s5 =	sld [smem:$0x3FA8]  }
0x2b: {  	s6 =	sld [smem:$0x3FA9]  }
0x2c: {  	s7 =	sld [smem:$0x3FAA]  }
0x2d: {  	s3 =	simm.s32 $0x108;
	s8 =	sld [smem:$0x3FAB]  }
0x2e: {  	s3 =	simm.s32 @!p0 $0x1082;
	s9 =	sld [smem:$0x3FAC]  }
0x2f: {  	lr =	sadd.s32 s0, s3;
	s0 =	sld [smem:$0x3FA3]  }
0x30: {  	s3 =	sld [smem:$0x3FA6]  }
0x31: {  	[smem:$0x3FAF] =	sst s10  }
0x32: {  	s10 =	sld [smem:$0x3FAD];
	_ =	sdelay $0x3  }
0x33: {  	p0 =	seq.s32 s10, $0x1;
	s10 =	sld [smem:$0x3FAF];
	_ =	sdelay $0x3  }
0x34: {  	[smem:$0x3FAF] =	sst s10  }
0x35: {  	s10 =	sld [smem:$0x3FAE];
	_ =	sdelay $0x3  }
0x36: {  	p1 =	seq.s32 s10, $0x1;
	s10 =	sld [smem:$0x3FAF];
	_ =	sdelay $0x3  }
0x37: {  	[smem:$0x3FAF] =	sst s10  }
0x38: {  	s10 =	sld [smem:$0x3FB0]  }
0x39: {  	_ = 	snop;
	(pc) =	sbr.ind lr, $3  }
0x3a: {  	_ = 	snop  }
0x3b: {  	_ = 	snop  }
0x3c: {  	p2 =	seq.s32 s10, $0x1;
	s10 =	sld [smem:$0x3FAF]  }
0x3d: {  	_ =	shalt  }
0x3e: {  	_ =	shalt  }
0x3f: {  	_ =	shalt  }
0x40: {  	_ =	shalt  }
0x41: {  	_ =	shalt  }
0x42: {  	_ =	shalt  }
0x43: {  	_ =	shalt  }
0x44: {  	_ =	shalt  }
0x45: {  	_ =	shalt  }
0x46: {  	_ =	shalt  }
0x47: {  	_ =	shalt  }
0x48: {  	_ =	shalt  }
0x49: {  	_ =	shalt  }
0x4a: {  	_ =	shalt  }
0x4b: {  	_ =	shalt  }
0x4c: {  	_ =	shalt  }
0x4d: {  	_ =	shalt  }
0x4e: {  	_ =	shalt  }
0x4f: {  	_ =	shalt  }
0x50: {  	_ =	shalt  }
0x51: {  	_ =	shalt  }
0x52: {  	_ =	shalt  }
0x53: {  	_ =	shalt  }
0x54: {  	_ =	shalt  }
0x55: {  	_ =	shalt  }
0x56: {  	_ =	shalt  }
0x57: {  	_ =	shalt  }
0x58: {  	_ =	shalt  }
0x59: {  	_ =	shalt  }
0x5a: {  	_ =	shalt  }
0x5b: {  	_ =	shalt  }
0x5c: {  	_ =	shalt  }
0x5d: {  	_ =	shalt  }
0x5e: {  	_ =	shalt  }
0x5f: {  	_ =	shalt  }
0x60: {  	_ =	shalt  }
0x61: {  	_ =	shalt  }
0x62: {  	_ =	shalt  }
0x63: {  	_ =	shalt  }
0x64: {  	_ =	shalt  }
0x65: {  	_ =	shalt  }
0x66: {  	_ =	shalt  }
0x67: {  	_ =	shalt  }
0x68: {  	_ =	shalt  }
0x69: {  	_ =	shalt  }
0x6a: {  	_ =	shalt  }
0x6b: {  	_ =	shalt  }
0x6c: {  	_ =	shalt  }
0x6d: {  	_ =	shalt  }
0x6e: {  	_ =	shalt  }
0x6f: {  	_ =	shalt  }
0x70: {  	_ =	shalt  }
0x71: {  	_ =	shalt  }
0x72: {  	_ =	shalt  }
0x73: {  	_ =	shalt  }
0x74: {  	_ =	shalt  }
0x75: {  	_ =	shalt  }
0x76: {  	_ =	shalt  }
0x77: {  	_ =	shalt  }
0x78: {  	_ =	shalt  }
0x79: {  	_ =	shalt  }
0x7a: {  	_ =	shalt  }
0x7b: {  	_ =	shalt  }
0x7c: {  	_ =	shalt  }
0x7d: {  	_ =	shalt  }
0x7e: {  	_ =	shalt  }
0x7f: {  	_ =	shalt  }
0x80: {  	_ =	shalt  }
0x81: {  	_ =	shalt  }
0x82: {  	_ =	shalt  }
0x83: {  	_ =	shalt  }
0x84: {  	_ =	shalt  }
0x85: {  	_ =	shalt  }
0x86: {  	_ =	shalt  }
0x87: {  	_ =	shalt  }
.Lfunc_end0:
.L_simem_size_0:
called_computation.1_lowered:
.L_overlay_start_0:
0x88: {  	s2 =	sld [smem:$0x3FD9]  }
0x89: {  	s3 =	sld [smem:$0x3FFE];
	_ =	sdelay $0x1  }
0x8a: {  	s1 =	srdreg.scid  }
0x8b: {  	s0 =	sand.u32 $0x1, s1  }
0x8c: {  	s16 =	sshll.u32 s0, $0xA;
	s2 =	sadd.s32 s3, s2  }
0x8d: {  	s2 =	sadd.s32 s2, s16  }
0x8e: {  	[smem:$0x3FBB] =	sst s2  }
0x8f: {  	_ = 	snop  }
0x90: {  	(tm) =	ssettm $0x1  }
0x91: {  	s17 =	sld [smem:$0x3FFB];
	_ =	sdelay $0x3  }
0x92: {  	_ =	strace s17  }
0x93: {  	s2 =	sld [smem:$0x3FFC];
	_ =	sdelay $0x3  }
0x94: {  	_ =	strace s2  }
0x95: {  	s2 =	sld [smem:$0x3FFD];
	_ =	sdelay $0x3  }
0x96: {  	_ =	strace s2  }
0x97: {  	_ =	strace $0x8FFFFFFF  }
0x98: {  	s18 =	sld [smem:$0x3FDB];
	_ =	sdelay $0x1  }
0x99: {  	s19 =	simm.s32 $_scs_section_size  }
0x9a: {  	s4 =	simm.s32 $_size__tile_overlayer_lowered;
	s5 =	simm.s32 $_tile_overlayer_lowered  }
0x9b: {  	s22 =	simm.s32 $0x1BFF;
	s21 =	sshll.u32 s5, $0x1;
	s2 =	sadd.s32 s19, s18  }
0x9c: {  	s6 =	simm.s32 $0x0;
	s20 =	sshll.u32 s4, $0x1;
	s4 =	sadd.s32 s21, s2  }
0x9d: {  	[timem:s6], [sflag:s22] =	dma.local [hbm:s4], s20  }
0x9e: {  	_ =	swait.ge [sflag:s22], s20  }
0x9f: {  	s3 =	ssub.s32 $0x0, s20;
	[sflag:s22] =	ssyncset.done $0x0  }
0xa0: {  	[sflag:s22] =	ssyncadd.s32 s3;
	_ =	sdelay $0x1  }
0xa1: {  	s23 =	simm.s32 $0x1B8B  }
0xa2: {  	_ =	swait.ge [sflag:s23], $0x1  }
0xa3: {  	[sflag:s23] =	ssyncset.done $0x0  }
0xa4: {  	s25 =	simm.s32 $0x1B8E;
	s24 =	sld [smem:$0x3FFE];
	[sflag:s23] =	ssyncadd.s32 $0xFFFFFFFF  }
0xa5: {  	s26 =	simm.s32 $execute0_lowered;
	[smem:$0x3FD2] =	sst s25  }
0xa6: {  	s4 =	sshll.u32 s26, $0x1;
	_ =	strace $0x80000049;
	[dreg:$0x1] =	wrdreg $0xFFFFFFFF  }
0xa7: {  	s28 =	simm.s32 $_size_execute0_lowered;
	s2 =	sadd.s32 s2, s4;
	[dreg:$0x0] =	wrdreg $0x0  }
0xa8: {  	s4 =	sshll.u32 s28, $0x1;
	[dreg:$0x2] =	wrdreg s2  }
0xa9: {  	[dreg:$0x3] =	wrdreg s4  }
0xaa: {  	[dreg:$0x4] =	wrdreg $0xC0  }
0xab: {  	_ =	task [dreg:s6], $0x5FFFF  }
0xac: {  	[dreg:$0x1] =	wrdreg $0xFFFFFFFF  }
0xad: {  	[dreg:$0x0] =	wrdreg $0x60  }
0xae: {  	[dreg:$0x2] =	wrdreg s24  }
0xaf: {  	[dreg:$0x3] =	wrdreg $0x150000  }
0xb0: {  	[dreg:$0x4] =	wrdreg $0xB0000  }
0xb1: {  	[dreg:$0x5] =	wrdreg $0x9  }
0xb2: {  	_ =	task.clear_ibuf [dreg:s6], $0x6FFFF;
	_ =	strace $0x90000049  }
0xb3: {  	s29 =	simm.s32 $0x9;
	_ =	strace $0x8000004B  }
0xb4: {  	_ =	swait.ge [sflag:s29], $0x1  }
0xb5: {  	[sflag:s29] =	ssyncadd.s32 $0xFFFFFFFF  }
0xb6: {  	_ =	strace $0x9000004B  }
0xb7: {  	_ =	sfence  }
0xb8: {  	s30 =	sld [smem:$0x0];
	_ =	sdelay $0x2  }
0xb9: {  	s31 =	sshll.u32 s1, $0xD;
	s1 =	sshrl.u32 s1, $0x2  }
0xba: {  	s3 =	sand.u32 $0x4000, s31;
	s1 =	sadd.s32 s1, s30  }
0xbb: {  	s0 =	sor.u32 s3, s0;
	s1 =	sshll.u32 s1, $0x11  }
0xbc: {  	s0 =	sor.u32 s1, s0  }
0xbd: {  	s0 =	sadd.s32 $0x8F2B, s0  }
0xbe: {  	[sflag:s0] =	ssyncadd.remote.s32 $0x1  }
0xbf: {  	_ =	sfence.sel $0xFFFF  }
0xc0: {  	[dreg:$0x0] =	wrdreg $0xFFFFFFFF;
	(pc) =	sbr.abs _section_cstart, $3  }
0xc1: {  	[dreg:$0x1] =	wrdreg $0xFFFFFFFF  }
0xc2: {  	_ =	task.clear_ibuf [dreg:s6], $0x2FFFF;
	_ =	strace $0x9FFFFFFF  }
0xc3: {  	(tm) =	ssettm $0x7FFFFFFF  }
tec
execute0_lowered:
.L_overlay_start_1:
0x0: {  	(tag) =	ssettag $0x1  }
0x1: {  	s0 =	rddreg [dreg:$0x0]  }
0x2: {  	s2 =	rddreg [dreg:$0x1]  }
0x3: {  	s3 =	rddreg [dreg:$0x2];
	s10 =	stileid.u32;
	s4 =	simm.s32 $0x0  }
0x4: {  	s5 =	srdreg.scid;
	s19 =	simm.s32 $0x3000;
	s1 =	smul.u32 $0x14000, s10  }
0x5: {  	s28 =	simm.s32 $0x2E00;
	s29 =	simm.s32 $0x5;
	s6 =	smul.u32 $0x5C, s10  }
0x6: {  	s30 =	simm.s32 $0x2E80;
	s31 =	simm.s32 $0x3;
	s7 =	smul.u32 $0x44, s10  }
0x7: {  	[smem:$0x7FF] =	sst s4;
	s5 =	sand.u32 $0x1, s5;
	s23 =	smul.u32 $0x28000, s10  }
0x8: {  	_ =	strace $0x8000004A;
	s9 =	smul.u32 $0x140000, s5;
	p0 =	seq.s32 s5, $0x0  }
0x9: {  	s5 =	ssub.s32 $0x2, s5;
	s8 =	sshrl.u32 s1, $0x4;
	s7 =	sadd.s32 $0x5C0, s7  }
0xa: {  	s21 =	sshrl.u32 s5, $0x1;
	s8 =	sadd.s32 s8, s0;
	s7 =	smov.u32 @p0 s6  }
0xb: {  	s20 =	sadd.s32 s1, s9;
	s22 =	ssub.s32 s5, s21;
	s5 =	simm.s32 $0x17  }
0xc: {  	s1 =	sshrl.u32 s1, $0x1;
	s9 =	sshrl.u32 s23, $0x2;
	s21 =	simm.s32 $0x1  }
0xd: {  	s23 =	simm.s32 $0x80;
	s7 =	sshll.u32 s7, $0x4;
	s6 =	sshrl.u32 s20, $0x4  }
0xe: {  	s5 =	simm.s32 @!p0 $0x11;
	s12 =	sadd.s32 s1, s2;
	s8 =	sadd.s32 $0x4B800, s8  }
0xf: {  	s24 =	sadd.s32 s9, s3;
	s16 =	smax.u32 s22, $0x1;
	s20 =	simm.s32 $0x6  }
0x10: {  	s22 =	simm.s32 $0x2;
	s7 =	sadd.s32 s7, s0;
	s0 =	sadd.s32 s6, s0  }
0x11: {  	[dreg:$0x5] =	wrdreg s8;
	s8 =	sshll.u32 s10, $0x6;
	s9 =	sadd.s32 $0x2000, s24  }
0x12: {  	s25 =	sadd.s32 $0x4000, s24;
	s26 =	sadd.s32 $0x6000, s24;
	s14 =	sadd.s32 $0x8000, s24  }
0x13: {  	s18 =	sshrl.u32 s12, $0x3;
	s24 =	simm.s32 $0x5000;
	[dreg:$0x7] =	wrdreg s9  }
0x14: {  	s6 =	simm.s32 $0x2F80;
	s11 =	sadd.s32 $0x19200, s7;
	[dreg:$0x8] =	wrdreg s25  }
0x15: {  	s10 =	sor.u32 $0x1C01, s8;
	[dreg:$0x9] =	wrdreg s26;
	s15 =	sadd.s32 $0x5F800, s0  }
0x16: {  	s25 =	simm.s32 $0x7000;
	s26 =	simm.s32 $0x9000;
	[dreg:$0x4] =	wrdreg s11  }
0x17: {  	s0 =	simm.s32 $0x2F00;
	[dreg:$0x6] =	wrdreg s10;
	s10 =	sadd.s32 s1, s3  }
0x18: {  	v0 =	vimm.bf16 $0.0e+00;
	s11 =	sadd.s32 $0xE200, s7;
	s1 =	simm.s32 $0x4;
	s7 =	simm.s32 $0x0  }
.LBB2_1:
0x19: {  	s9 =	rddreg [dreg:$0x4]  }
0x1a: {  	s17 =	rddreg [dreg:$0x5]  }
0x1b: {  	s12 =	rddreg [dreg:$0x6]  }
0x1c: {  	[tilespmem:s4], [sflag:$0x2] =	stream.linear.gather [hbm4b:s9+s4], $0x2E00, $0x38;
	[tilespmem:$0x1F000] =	vst v63  }
0x1d: {  	[spmem:s18], [sflag:s12] =	dma.local [hbm:s17], $0x1400  }
0x1e: {  	s9 =	simm.s32 $0x0;
	s12 =	simm.s32 $0x100  }
.LBB2_2:
0x1f: {  	p0 =	sne.s32 s12, $0x7F00;
	[tilespmem:s9+$0x3030] =	vst v0;
	s17 =	smov.u32 s12;
	s12 =	sadd.s32 $0x100, s12  }
.Ltmp0:
0x20: {  	[tilespmem:s9+$0x3020] =	vst v0;
	(pc) =	sbr.rel @p0 .LBB2_2-.Ltmp0, $3  }
0x21: {  	[tilespmem:s9+$0x3000] =	vst v0  }
0x22: {  	[tilespmem:s9+$0x3010] =	vst v0;
	_ =	sdelay $0x1  }
0x23: {  	s9 =	sshra.s32 s17, $0x2  }
0x24: {  	[tilespmem:s9+$0x3030] =	vst v0  }
0x25: {  	[tilespmem:s9+$0x3020] =	vst v0  }
0x26: {  	[tilespmem:s9+$0x3000] =	vst v0  }
0x27: {  	[tilespmem:s9+$0x3010] =	vst v0  }
0x28: {  	[spmem:s10] =	stream.linear.scatter [tilespmem:s19], [sflag:$0x6], $0x2000, $0x38;
	[tilespmem:$0x1F000] =	vst v63  }
0x29: {  	_ =	swait.ge [sflag:s20], $0x2000  }
0x2a: {  	[sflag:s20] =	ssyncset.done $0x0  }
0x2b: {  	s12 =	rddreg [dreg:$0x7];
	[sflag:s20] =	ssyncadd.s32 $0xFFFFE000  }
0x2c: {  	[spmem:s12] =	stream.linear.scatter [tilespmem:s19], [sflag:$0x6], $0x2000, $0x38;
	[tilespmem:$0x1F000] =	vst v63  }
0x2d: {  	_ =	swait.ge [sflag:s20], $0x2000  }
0x2e: {  	[sflag:s20] =	ssyncset.done $0x0  }
0x2f: {  	s13 =	rddreg [dreg:$0x8];
	[sflag:s20] =	ssyncadd.s32 $0xFFFFE000  }
0x30: {  	[spmem:s13] =	stream.linear.scatter [tilespmem:s19], [sflag:$0x6], $0x2000, $0x38;
	[tilespmem:$0x1F000] =	vst v63  }
0x31: {  	_ =	swait.ge [sflag:s20], $0x2000  }
0x32: {  	[sflag:s20] =	ssyncset.done $0x0  }
0x33: {  	s17 =	rddreg [dreg:$0x9];
	[sflag:s20] =	ssyncadd.s32 $0xFFFFE000  }
0x34: {  	[spmem:s17] =	stream.linear.scatter [tilespmem:s19], [sflag:$0x6], $0x2000, $0x38;
	[tilespmem:$0x1F000] =	vst v63  }
0x35: {  	_ =	swait.ge [sflag:s20], $0x2000  }
0x36: {  	[sflag:s20] =	ssyncset.done $0x0  }
0x37: {  	[sflag:s20] =	ssyncadd.s32 $0xFFFFE000  }
0x38: {  	[spmem:s14] =	stream.linear.scatter [tilespmem:s19], [sflag:$0x6], $0x2000, $0x38;
	[tilespmem:$0x1F000] =	vst v63  }
0x39: {  	_ =	swait.ge [sflag:s20], $0x2000  }
0x3a: {  	[sflag:s20] =	ssyncset.done $0x0  }
0x3b: {  	[sflag:s20] =	ssyncadd.s32 $0xFFFFE000  }
0x3c: {  	_ =	swait.ge [sflag:s21], $0x1400  }
0x3d: {  	[sflag:s21] =	ssyncset.done $0x0  }
0x3e: {  	p1 =	sne.s32 s5, $0x1;
	[sflag:s21] =	ssyncadd.s32 $0xFFFFEC00  }
.Ltmp1:
0x3f: {  	_ =	swait.ge [sflag:s22], $0x2E00;
	(pc) =	sbr.rel @!p1 .LBB2_4-.Ltmp1, $4  }
0x40: {  	[sflag:s22] =	ssyncset.done $0x0  }
0x41: {  	[sflag:s22] =	ssyncadd.s32 $0xFFFFD200  }
0x42: {  	[bflag:$0x0] =	sbarrier.arrive $0xFFFF  }
0x43: {  	s9 =	simm.s32 $0x180;
	p0 =	por $0x0, $0x0;
	s12 =	sadd.s32 $0xFFFFFFFF, s5  }
0x44: {  	s17 =	simm.s32 $0x0  }
0x45: {  	[tilespmem:s19], [sflag:$0x1] =	stream.indirect.gather [spmem:s2], $0x40, s17, s23, $0xb8;
	[tilespmem:$0x1F000] =	vst v63  }
0x46: {  	s13 =	simm.s32 $0x80  }
0x47: {  	[tilespmem:s24], [sflag:$0x2] =	stream.indirect.gather [spmem:s2], $0x40, s13, s23, $0xb8;
	[tilespmem:$0x1F000] =	vst v63  }
0x48: {  	s13 =	simm.s32 $0x100  }
0x49: {  	[tilespmem:s25], [sflag:$0x3] =	stream.indirect.gather [spmem:s2], $0x40, s13, s23, $0xb8;
	[tilespmem:$0x1F000] =	vst v63  }
0x4a: {  	_ = 	snop  }
0x4b: {  	[tilespmem:s26], [sflag:$0x4] =	stream.indirect.gather [spmem:s2], $0x40, s9, s23, $0xb8;
	[tilespmem:$0x1F000] =	vst v63  }
0x4c: {  	_ = 	snop  }
0x4d: {  	[tilespmem:s28], [sflag:$0x5] =	stream.linear.gather [hbm4b:s11+s4], $0x200, $0x38;
	[tilespmem:$0x1F000] =	vst v63  }
0x4e: {  	_ =	swait.ge [sflag:s29], $0x200  }
0x4f: {  	[sflag:s29] =	ssyncset.done $0x0  }
0x50: {  	[sflag:s29] =	ssyncadd.s32 $0xFFFFFE00  }
0x51: {  	_ =	swait.ge [sflag:s21], $0x2000  }
0x52: {  	[sflag:s21] =	ssyncset.done $0x0  }
0x53: {  	[sflag:s21] =	ssyncadd.s32 $0xFFFFE000  }
0x54: {  	[spmem:s3] =	stream.indirect.scatter.add.bf16 [tilespmem:s19], [sflag:$0x6], $0x40, s28, s23, $0xb8;
	[tilespmem:$0x1F000] =	vst v63  }
0x55: {  	_ =	swait.ge [sflag:s20], $0x2000  }
0x56: {  	[sflag:s20] =	ssyncset.done $0x0  }
0x57: {  	[sflag:s20] =	ssyncadd.s32 $0xFFFFE000  }
0x58: {  	_ =	swait.ge [sflag:s22], $0x2000  }
0x59: {  	[sflag:s22] =	ssyncset.done $0x0  }
0x5a: {  	[sflag:s22] =	ssyncadd.s32 $0xFFFFE000  }
0x5b: {  	[spmem:s3] =	stream.indirect.scatter.add.bf16 [tilespmem:s24], [sflag:$0x6], $0x40, s30, s23, $0xb8;
	[tilespmem:$0x1F000] =	vst v63  }
0x5c: {  	_ =	swait.ge [sflag:s20], $0x2000  }
0x5d: {  	[sflag:s20] =	ssyncset.done $0x0  }
0x5e: {  	[sflag:s20] =	ssyncadd.s32 $0xFFFFE000  }
0x5f: {  	_ =	swait.ge [sflag:s31], $0x2000  }
0x60: {  	[sflag:s31] =	ssyncset.done $0x0  }
0x61: {  	[sflag:s31] =	ssyncadd.s32 $0xFFFFE000  }
0x62: {  	[spmem:s3] =	stream.indirect.scatter.add.bf16 [tilespmem:s25], [sflag:$0x6], $0x40, s0, s23, $0xb8;
	[tilespmem:$0x1F000] =	vst v63  }
0x63: {  	_ =	swait.ge [sflag:s20], $0x2000  }
0x64: {  	[sflag:s20] =	ssyncset.done $0x0  }
0x65: {  	[sflag:s20] =	ssyncadd.s32 $0xFFFFE000  }
0x66: {  	p1 =	sne.s32 s12, $0x1;
	_ =	swait.ge [sflag:s1], $0x2000  }
.Ltmp2:
0x67: {  	[sflag:s1] =	ssyncset.done $0x0;
	(pc) =	sbr.rel @!p1 .LBB2_6-.Ltmp2, $4  }
0x68: {  	[sflag:s1] =	ssyncadd.s32 $0xFFFFE000  }
0x69: {  	[spmem:s3] =	stream.indirect.scatter.add.bf16 [tilespmem:s26], [sflag:$0x6], $0x40, s6, s23, $0xb8;
	[tilespmem:$0x1F000] =	vst v63  }
0x6a: {  	s12 =	sadd.s32 $0xFFFFFFFF, s12;
	p0 =	por $0x1, $0x1;
	_ =	swait.ge [sflag:s20], $0x2000  }
0x6b: {  	s17 =	smov.u32 s11;
	s9 =	simm.s32 $0x380;
	[sflag:s20] =	ssyncset.done $0x0  }
.LBB2_7:
0x6c: {  	s13 =	sadd.s32 $0xFFFFFE80, s9;
	[sflag:s20] =	ssyncadd.s32 $0xFFFFE000;
	s17 =	sadd.s32 $0x40, s17  }
0x6d: {  	[tilespmem:s19], [sflag:$0x1] =	stream.indirect.gather [spmem:s2], $0x40, s13, s23, $0xb8;
	[tilespmem:$0x1F000] =	vst v63  }
0x6e: {  	p1 =	sne.s32 s12, $0x1;
	s12 =	sadd.s32 $0xFFFFFFFF, s12;
	s13 =	sadd.s32 $0xFFFFFF00, s9  }
0x6f: {  	[tilespmem:s24], [sflag:$0x2] =	stream.indirect.gather [spmem:s2], $0x40, s13, s23, $0xb8;
	[tilespmem:$0x1F000] =	vst v63  }
0x70: {  	s13 =	sadd.s32 $0xFFFFFF80, s9  }
0x71: {  	[tilespmem:s25], [sflag:$0x3] =	stream.indirect.gather [spmem:s2], $0x40, s13, s23, $0xb8;
	[tilespmem:$0x1F000] =	vst v63  }
0x72: {  	_ = 	snop  }
0x73: {  	[tilespmem:s26], [sflag:$0x4] =	stream.indirect.gather [spmem:s2], $0x40, s9, s23, $0xb8;
	[tilespmem:$0x1F000] =	vst v63  }
0x74: {  	_ = 	snop  }
0x75: {  	[tilespmem:s28], [sflag:$0x5] =	stream.linear.gather [hbm4b:s17+s4], $0x200, $0x38;
	[tilespmem:$0x1F000] =	vst v63  }
0x76: {  	_ =	swait.ge [sflag:s29], $0x200  }
0x77: {  	[sflag:s29] =	ssyncset.done $0x0  }
0x78: {  	[sflag:s29] =	ssyncadd.s32 $0xFFFFFE00  }
0x79: {  	_ =	swait.ge [sflag:s21], $0x2000  }
0x7a: {  	[sflag:s21] =	ssyncset.done $0x0  }
0x7b: {  	[sflag:s21] =	ssyncadd.s32 $0xFFFFE000  }
0x7c: {  	[spmem:s3] =	stream.indirect.scatter.add.bf16 [tilespmem:s19], [sflag:$0x6], $0x40, s28, s23, $0xb8;
	[tilespmem:$0x1F000] =	vst v63  }
0x7d: {  	_ =	swait.ge [sflag:s20], $0x2000  }
0x7e: {  	[sflag:s20] =	ssyncset.done $0x0  }
0x7f: {  	[sflag:s20] =	ssyncadd.s32 $0xFFFFE000  }
0x80: {  	_ =	swait.ge [sflag:s22], $0x2000  }
0x81: {  	[sflag:s22] =	ssyncset.done $0x0  }
0x82: {  	[sflag:s22] =	ssyncadd.s32 $0xFFFFE000  }
0x83: {  	[spmem:s3] =	stream.indirect.scatter.add.bf16 [tilespmem:s24], [sflag:$0x6], $0x40, s30, s23, $0xb8;
	[tilespmem:$0x1F000] =	vst v63  }
0x84: {  	_ =	swait.ge [sflag:s20], $0x2000  }
0x85: {  	[sflag:s20] =	ssyncset.done $0x0  }
0x86: {  	[sflag:s20] =	ssyncadd.s32 $0xFFFFE000  }
0x87: {  	_ =	swait.ge [sflag:s31], $0x2000  }
0x88: {  	[sflag:s31] =	ssyncset.done $0x0  }
0x89: {  	[sflag:s31] =	ssyncadd.s32 $0xFFFFE000  }
0x8a: {  	[spmem:s3] =	stream.indirect.scatter.add.bf16 [tilespmem:s25], [sflag:$0x6], $0x40, s0, s23, $0xb8;
	[tilespmem:$0x1F000] =	vst v63  }
0x8b: {  	_ =	swait.ge [sflag:s20], $0x2000  }
0x8c: {  	[sflag:s20] =	ssyncset.done $0x0  }
0x8d: {  	[sflag:s20] =	ssyncadd.s32 $0xFFFFE000  }
0x8e: {  	_ =	swait.ge [sflag:s1], $0x2000  }
.Ltmp3:
0x8f: {  	[sflag:s1] =	ssyncset.done $0x0;
	(pc) =	sbr.rel @p1 .LBB2_7-.Ltmp3, $4  }
0x90: {  	[sflag:s1] =	ssyncadd.s32 $0xFFFFE000  }
0x91: {  	[spmem:s3] =	stream.indirect.scatter.add.bf16 [tilespmem:s26], [sflag:$0x6], $0x40, s6, s23, $0xb8;
	[tilespmem:$0x1F000] =	vst v63  }
0x92: {  	_ =	swait.ge [sflag:s20], $0x2000  }
0x93: {  	s9 =	sadd.s32 $0x200, s9;
	[sflag:s20] =	ssyncset.done $0x0  }
.LBB2_8:
0x94: {  	s12 =	sadd.s32 $0xFFFFFE80, s9;
	[sflag:s20] =	ssyncadd.s32 @p0 $0xFFFFE000  }
0x95: {  	[tilespmem:s19], [sflag:$0x1] =	stream.indirect.gather [spmem:s2], $0x40, s12, s23, $0xb8;
	[tilespmem:$0x1F000] =	vst v63  }
0x96: {  	s13 =	sadd.s32 $0xFFFFFF00, s9  }
0x97: {  	[tilespmem:s24], [sflag:$0x2] =	stream.indirect.gather [spmem:s2], $0x40, s13, s23, $0xb8;
	[tilespmem:$0x1F000] =	vst v63  }
0x98: {  	s13 =	sadd.s32 $0xFFFFFF80, s9  }
0x99: {  	[tilespmem:s25], [sflag:$0x3] =	stream.indirect.gather [spmem:s2], $0x40, s13, s23, $0xb8;
	[tilespmem:$0x1F000] =	vst v63  }
0x9a: {  	_ = 	snop  }
0x9b: {  	[tilespmem:s26], [sflag:$0x4] =	stream.indirect.gather [spmem:s2], $0x40, s9, s23, $0xb8;
	[tilespmem:$0x1F000] =	vst v63  }
0x9c: {  	s12 =	sadd.s32 @p0 $0x40, s17;
	s9 =	smov.u32 s11  }
0x9d: {  	s9 =	smov.u32 @p0 s12  }
0x9e: {  	[tilespmem:s28], [sflag:$0x5] =	stream.linear.gather [hbm4b:s9+s4], $0x200, $0x38;
	[tilespmem:$0x1F000] =	vst v63  }
0x9f: {  	_ =	swait.ge [sflag:s29], $0x200  }
0xa0: {  	[sflag:s29] =	ssyncset.done $0x0  }
0xa1: {  	[sflag:s29] =	ssyncadd.s32 $0xFFFFFE00  }
0xa2: {  	_ =	swait.ge [sflag:s21], $0x2000  }
0xa3: {  	[sflag:s21] =	ssyncset.done $0x0  }
0xa4: {  	[sflag:s21] =	ssyncadd.s32 $0xFFFFE000  }
0xa5: {  	[spmem:s3] =	stream.indirect.scatter.add.bf16 [tilespmem:s19], [sflag:$0x6], $0x40, s28, s23, $0xb8;
	[tilespmem:$0x1F000] =	vst v63  }
0xa6: {  	_ =	swait.ge [sflag:s20], $0x2000  }
0xa7: {  	[sflag:s20] =	ssyncset.done $0x0  }
0xa8: {  	[sflag:s20] =	ssyncadd.s32 $0xFFFFE000  }
0xa9: {  	_ =	swait.ge [sflag:s22], $0x2000  }
0xaa: {  	[sflag:s22] =	ssyncset.done $0x0  }
0xab: {  	[sflag:s22] =	ssyncadd.s32 $0xFFFFE000  }
0xac: {  	[spmem:s3] =	stream.indirect.scatter.add.bf16 [tilespmem:s24], [sflag:$0x6], $0x40, s30, s23, $0xb8;
	[tilespmem:$0x1F000] =	vst v63  }
0xad: {  	_ =	swait.ge [sflag:s20], $0x2000  }
0xae: {  	[sflag:s20] =	ssyncset.done $0x0  }
0xaf: {  	[sflag:s20] =	ssyncadd.s32 $0xFFFFE000  }
0xb0: {  	_ =	swait.ge [sflag:s31], $0x2000  }
0xb1: {  	[sflag:s31] =	ssyncset.done $0x0  }
0xb2: {  	[sflag:s31] =	ssyncadd.s32 $0xFFFFE000  }
0xb3: {  	[spmem:s3] =	stream.indirect.scatter.add.bf16 [tilespmem:s25], [sflag:$0x6], $0x40, s0, s23, $0xb8;
	[tilespmem:$0x1F000] =	vst v63  }
0xb4: {  	_ =	swait.ge [sflag:s20], $0x2000  }
0xb5: {  	[sflag:s20] =	ssyncset.done $0x0  }
0xb6: {  	[sflag:s20] =	ssyncadd.s32 $0xFFFFE000  }
0xb7: {  	_ =	swait.ge [sflag:s1], $0x2000  }
0xb8: {  	[sflag:s1] =	ssyncset.done $0x0  }
0xb9: {  	[sflag:s1] =	ssyncadd.s32 $0xFFFFE000  }
0xba: {  	[spmem:s3] =	stream.indirect.scatter.add.bf16 [tilespmem:s26], [sflag:$0x6], $0x40, s6, s23, $0xb8;
	[tilespmem:$0x1F000] =	vst v63  }
0xbb: {  	_ =	swait.ge [sflag:s20], $0x2000  }
0xbc: {  	[sflag:s20] =	ssyncset.done $0x0  }
0xbd: {  	s7 =	sadd.s32 $0x1, s7;
	s17 =	sshrl.u32 s10, $0x3;
	[sflag:s20] =	ssyncadd.s32 $0xFFFFE000  }
0xbe: {  	s13 =	sor.u32 $0x1C06, s8;
	p0 =	sne.s32 s7, s16;
	[bflag:$0x0] =	sbarrier.arrive $0xFFFF  }
0xbf: {  	[hbm:s15], [sflag:s13] =	dma.local [spmem:s17], $0x1400  }
.Ltmp4:
0xc0: {  	_ = 	snop;
	(pc) =	sbr.rel @p0 .LBB2_1-.Ltmp4, $4  }
.Ltmp5:
0xc1: {  	_ = 	snop;
	(pc) =	sbr.rel @!p0 .LBB2_9-.Ltmp5, $4  }
0xc2: {  	_ =	swait.ge [sflag:s20], $0x1400  }
0xc3: {  	[sflag:s20] =	ssyncset.done $0x0  }
0xc4: {  	[sflag:s20] =	ssyncadd.s32 $0xFFFFEC00  }
0xc5: {  	_ = 	snop  }
.LBB2_4:
.Ltmp6:
0xc6: {  	(pc) =	sbr.rel .LBB2_8-.Ltmp6, $2  }
0xc7: {  	_ =	sdelay $0x2  }
0xc8: {  	s17 =	smov.u32 s11  }
.LBB2_6:
.Ltmp7:
0xc9: {  	(pc) =	sbr.rel .LBB2_8-.Ltmp7, $2  }
0xca: {  	_ =	sdelay $0x2  }
0xcb: {  	s17 =	smov.u32 s11  }
.LBB2_9:
0xcc: {  	_ =	sfence.sel $0x180000  }
0xcd: {  	[bflag:$0x0] =	sbarrier.arrive $0xFFFF  }
0xce: {  	_ =	strace $0x9000004A  }
0xcf: {  	s0 =	stileid.u32;
	[bflag:$0x2] =	sbarrier.arrive $0xFFFF  }
0xd0: {  	p0 =	sne.s32 s0, $0x0;
	s0 =	rddreg [dreg:$0x3]  }
0xd1: {  	s0 =	sadd.s32 @!p0 $0x100000, s0  }
0xd2: {  	[sflag:s0] =	ssyncadd.tile.s32 @!p0 $0x1;
	_ =	shalt  }
.Lfunc_end2:
_tile_overlayer_lowered:
.L_overlay_start_2:
0xd3: {  	(tag) =	ssettag $0x2  }
0xd4: {  	s0 =	rddreg [dreg:$0x0];
	s2 =	stileid.u32  }
0xd5: {  	s1 =	rddreg [dreg:$0x1];
	p0 =	sne.s32 s2, $0x0  }
0xd6: {  	s3 =	rddreg [dreg:$0x2];
	[bflag:$0x3] =	sbarrier.arrive $0xFFFF;
	s2 =	simm.s32 @!p0 $0x1C06  }
0xd7: {  	[timem:s3], [sflag:s2] =	dma.local @!p0 [hbm:s0], s1  }
0xd8: {  	s0 =	simm.s32 @!p0 $0x6  }
0xd9: {  	_ =	swait.ge @!p0 [sflag:s0], s1  }
0xda: {  	s1 =	ssub.s32 @!p0 $0x0, s1;
	[sflag:s0] =	ssyncset.done @!p0 $0x0  }
0xdb: {  	[sflag:s0] =	ssyncadd.s32 @!p0 s1  }
0xdc: {  	[bflag:$0x3] =	sbarrier.arrive $0xFFFF  }
0xdd: {  	_ =	shalt  }

// kernel: kernel.16.cloned.1.call-start
scs
__scs_entry_jumppad:
0x0: {  	(pc) =	sbr.rel $0x88, $3  }
0x1: {  	(tag) =	ssettag $0x0;
	lr =	simm.s32 $0x1  }
0x2: {  	[smem:$0x3F94] =	sst lr;
	_ =	strace $0xD0000000  }
0x3: {  	_ = 	snop  }
0x4: {  	_ = 	snop  }
0x5: {  	_ = 	snop  }
0x6: {  	_ = 	snop  }
0x7: {  	_ = 	snop  }
__scs_overlays_trampoline_lowered:
0x8: {  	[smem:$0x3FA3] =	sst s0  }
0x9: {  	[smem:$0x3FA4] =	sst s1  }
0xa: {  	[smem:$0x3FA5] =	sst s2  }
0xb: {  	[smem:$0x3FA6] =	sst s3  }
0xc: {  	[smem:$0x3FA7] =	sst s4  }
0xd: {  	[smem:$0x3FA8] =	sst s5  }
0xe: {  	[smem:$0x3FA9] =	sst s6  }
0xf: {  	[smem:$0x3FAA] =	sst s7  }
0x10: {  	[smem:$0x3FAB] =	sst s8  }
0x11: {  	[smem:$0x3FAC] =	sst s9;
	s0 =	simm.s32 @!p0 $0x0  }
0x12: {  	s1 =	sld [smem:$0x3F92];
	s0 =	simm.s32 @p0 $0x1  }
0x13: {  	[smem:$0x3FAD] =	sst s0;
	s0 =	simm.s32 @!p1 $0x0  }
0x14: {  	s2 =	sld [smem:$0x3F91];
	s0 =	simm.s32 @p1 $0x1  }
0x15: {  	[smem:$0x3FAE] =	sst s0;
	s0 =	simm.s32 @!p2 $0x0  }
0x16: {  	s3 =	sld [smem:$0x3FDB];
	s0 =	simm.s32 @p2 $0x1  }
0x17: {  	s4 =	simm.s32 $0x1BF5;
	[smem:$0x3FB0] =	sst s0  }
0x18: {  	s0 =	sld [smem:$0x3F93];
	_ =	swait.ge [sflag:s4], $0x0  }
0x19: {  	s7 =	sld [smem:$0x3F94]  }
0x1a: {  	s8 =	sadd.s32 $0xFFFFE003, lr  }
0x1b: {  	s9 =	sadd.s32 $0xFFFFFEF7, lr;
	s5 =	simm.s32 $0xFFFFFFFF;
	p2 =	slt.u32 s8, $0xFFFFF086  }
0x1c: {  	p1 =	slt.u32 s9, $0xF7A;
	s5 =	simm.s32 @!p2 $0x0  }
0x1d: {  	s5 =	simm.s32 @p1 $0x1;
	p0 =	seq.s32 s7, s2  }
0x1e: {  	s7 =	smul.u32 @!p0 $0xF7A, s2;
	p2 =	seq.s32 @!p0 s5, $0x0  }
0x1f: {  	s9 =	smul.u32 $0xF7A, s1;
	s8 =	simm.s32 @!p0 $0x1BF5;
	p2 =	por !p2, p0  }
0x20: {  	[sflag:s8] =	ssyncset.s32 @!p0 $0xFFFFF086;
	s6 =	sadd.s32 @!p0 s3, s7;
	s7 =	simm.s32 @!p0 $0x108  }
0x21: {  	s3 =	sadd.s32 s3, s9;
	s6 =	sadd.s32 @!p0 $0x88, s6;
	s7 =	simm.s32 @p2 $0x1082  }
0x22: {  	[simem:s7], [sflag:s8] =	dma.local @!p0 [hbm:s6], $0xF7A  }
0x23: {  	s9 =	sor.u32 $0xD0000000, s2;
	s6 =	simm.s32 $0x108;
	_ =	swait.ge @!p0 [sflag:s8], $0x0  }
0x24: {  	s3 =	sadd.s32 $0x88, s3;
	s6 =	simm.s32 @!p1 $0x1082;
	[sflag:s4] =	ssyncset.s32 $0xFFFFF086  }
0x25: {  	[simem:s6], [sflag:s4] =	dma.local [hbm:s3], $0xF7A  }
0x26: {  	[smem:$0x3F94] =	sst s1;
	(tag) =	ssettag s2;
	_ =	strace s9  }
0x27: {  	s1 =	sld [smem:$0x3FA4]  }
0x28: {  	s2 =	sld [smem:$0x3FA5]  }
0x29: {  	s4 =	sld [smem:$0x3FA7]  }
0x2a: {  	p0 =	seq.s32 s5, $0x0;
	s5 =	sld [smem:$0x3FA8]  }
0x2b: {  	s6 =	sld [smem:$0x3FA9]  }
0x2c: {  	s7 =	sld [smem:$0x3FAA]  }
0x2d: {  	s3 =	simm.s32 $0x108;
	s8 =	sld [smem:$0x3FAB]  }
0x2e: {  	s3 =	simm.s32 @!p0 $0x1082;
	s9 =	sld [smem:$0x3FAC]  }
0x2f: {  	lr =	sadd.s32 s0, s3;
	s0 =	sld [smem:$0x3FA3]  }
0x30: {  	s3 =	sld [smem:$0x3FA6]  }
0x31: {  	[smem:$0x3FAF] =	sst s10  }
0x32: {  	s10 =	sld [smem:$0x3FAD];
	_ =	sdelay $0x3  }
0x33: {  	p0 =	seq.s32 s10, $0x1;
	s10 =	sld [smem:$0x3FAF];
	_ =	sdelay $0x3  }
0x34: {  	[smem:$0x3FAF] =	sst s10  }
0x35: {  	s10 =	sld [smem:$0x3FAE];
	_ =	sdelay $0x3  }
0x36: {  	p1 =	seq.s32 s10, $0x1;
	s10 =	sld [smem:$0x3FAF];
	_ =	sdelay $0x3  }
0x37: {  	[smem:$0x3FAF] =	sst s10  }
0x38: {  	s10 =	sld [smem:$0x3FB0]  }
0x39: {  	_ = 	snop;
	(pc) =	sbr.ind lr, $3  }
0x3a: {  	_ = 	snop  }
0x3b: {  	_ = 	snop  }
0x3c: {  	p2 =	seq.s32 s10, $0x1;
	s10 =	sld [smem:$0x3FAF]  }
0x3d: {  	_ =	shalt  }
0x3e: {  	_ =	shalt  }
0x3f: {  	_ =	shalt  }
0x40: {  	_ =	shalt  }
0x41: {  	_ =	shalt  }
0x42: {  	_ =	shalt  }
0x43: {  	_ =	shalt  }
0x44: {  	_ =	shalt  }
0x45: {  	_ =	shalt  }
0x46: {  	_ =	shalt  }
0x47: {  	_ =	shalt  }
0x48: {  	_ =	shalt  }
0x49: {  	_ =	shalt  }
0x4a: {  	_ =	shalt  }
0x4b: {  	_ =	shalt  }
0x4c: {  	_ =	shalt  }
0x4d: {  	_ =	shalt  }
0x4e: {  	_ =	shalt  }
0x4f: {  	_ =	shalt  }
0x50: {  	_ =	shalt  }
0x51: {  	_ =	shalt  }
0x52: {  	_ =	shalt  }
0x53: {  	_ =	shalt  }
0x54: {  	_ =	shalt  }
0x55: {  	_ =	shalt  }
0x56: {  	_ =	shalt  }
0x57: {  	_ =	shalt  }
0x58: {  	_ =	shalt  }
0x59: {  	_ =	shalt  }
0x5a: {  	_ =	shalt  }
0x5b: {  	_ =	shalt  }
0x5c: {  	_ =	shalt  }
0x5d: {  	_ =	shalt  }
0x5e: {  	_ =	shalt  }
0x5f: {  	_ =	shalt  }
0x60: {  	_ =	shalt  }
0x61: {  	_ =	shalt  }
0x62: {  	_ =	shalt  }
0x63: {  	_ =	shalt  }
0x64: {  	_ =	shalt  }
0x65: {  	_ =	shalt  }
0x66: {  	_ =	shalt  }
0x67: {  	_ =	shalt  }
0x68: {  	_ =	shalt  }
0x69: {  	_ =	shalt  }
0x6a: {  	_ =	shalt  }
0x6b: {  	_ =	shalt  }
0x6c: {  	_ =	shalt  }
0x6d: {  	_ =	shalt  }
0x6e: {  	_ =	shalt  }
0x6f: {  	_ =	shalt  }
0x70: {  	_ =	shalt  }
0x71: {  	_ =	shalt  }
0x72: {  	_ =	shalt  }
0x73: {  	_ =	shalt  }
0x74: {  	_ =	shalt  }
0x75: {  	_ =	shalt  }
0x76: {  	_ =	shalt  }
0x77: {  	_ =	shalt  }
0x78: {  	_ =	shalt  }
0x79: {  	_ =	shalt  }
0x7a: {  	_ =	shalt  }
0x7b: {  	_ =	shalt  }
0x7c: {  	_ =	shalt  }
0x7d: {  	_ =	shalt  }
0x7e: {  	_ =	shalt  }
0x7f: {  	_ =	shalt  }
0x80: {  	_ =	shalt  }
0x81: {  	_ =	shalt  }
0x82: {  	_ =	shalt  }
0x83: {  	_ =	shalt  }
0x84: {  	_ =	shalt  }
0x85: {  	_ =	shalt  }
0x86: {  	_ =	shalt  }
0x87: {  	_ =	shalt  }
.Lfunc_end0:
.L_simem_size_0:
called_computation.2_lowered:
.L_overlay_start_0:
0x88: {  	s2 =	sld [smem:$0x3FD9]  }
0x89: {  	s3 =	sld [smem:$0x3FFE];
	_ =	sdelay $0x1  }
0x8a: {  	s1 =	srdreg.scid  }
0x8b: {  	s0 =	sand.u32 $0x1, s1  }
0x8c: {  	s16 =	sshll.u32 s0, $0xA;
	s2 =	sadd.s32 s3, s2  }
0x8d: {  	s2 =	sadd.s32 s2, s16  }
0x8e: {  	[smem:$0x3FBB] =	sst s2  }
0x8f: {  	_ = 	snop  }
0x90: {  	(tm) =	ssettm $0x1  }
0x91: {  	s17 =	sld [smem:$0x3FFB];
	_ =	sdelay $0x3  }
0x92: {  	_ =	strace s17  }
0x93: {  	s2 =	sld [smem:$0x3FFC];
	_ =	sdelay $0x3  }
0x94: {  	_ =	strace s2  }
0x95: {  	s2 =	sld [smem:$0x3FFD];
	_ =	sdelay $0x3  }
0x96: {  	_ =	strace s2  }
0x97: {  	_ =	strace $0x8FFFFFFF  }
0x98: {  	s18 =	sld [smem:$0x3FDB];
	_ =	sdelay $0x1  }
0x99: {  	s19 =	simm.s32 $_scs_section_size  }
0x9a: {  	s4 =	simm.s32 $_size__tile_overlayer_lowered;
	s5 =	simm.s32 $_tile_overlayer_lowered  }
0x9b: {  	s22 =	simm.s32 $0x1BFF;
	s21 =	sshll.u32 s5, $0x1;
	s2 =	sadd.s32 s19, s18  }
0x9c: {  	s6 =	simm.s32 $0x0;
	s20 =	sshll.u32 s4, $0x1;
	s4 =	sadd.s32 s21, s2  }
0x9d: {  	[timem:s6], [sflag:s22] =	dma.local [hbm:s4], s20  }
0x9e: {  	_ =	swait.ge [sflag:s22], s20  }
0x9f: {  	s3 =	ssub.s32 $0x0, s20;
	[sflag:s22] =	ssyncset.done $0x0  }
0xa0: {  	[sflag:s22] =	ssyncadd.s32 s3;
	_ =	sdelay $0x1  }
0xa1: {  	s23 =	simm.s32 $0x1B8B  }
0xa2: {  	_ =	swait.ge [sflag:s23], $0x1  }
0xa3: {  	[sflag:s23] =	ssyncset.done $0x0  }
0xa4: {  	s25 =	simm.s32 $0x1B8E;
	s24 =	sld [smem:$0x3FFE];
	[sflag:s23] =	ssyncadd.s32 $0xFFFFFFFF  }
0xa5: {  	s26 =	simm.s32 $execute0_lowered;
	[smem:$0x3FD2] =	sst s25  }
0xa6: {  	s4 =	sshll.u32 s26, $0x1;
	_ =	strace $0x8000004C;
	[dreg:$0x1] =	wrdreg $0xFFFFFFFF  }
0xa7: {  	s28 =	simm.s32 $_size_execute0_lowered;
	s2 =	sadd.s32 s2, s4;
	[dreg:$0x0] =	wrdreg $0x0  }
0xa8: {  	s4 =	sshll.u32 s28, $0x1;
	[dreg:$0x2] =	wrdreg s2  }
0xa9: {  	[dreg:$0x3] =	wrdreg s4  }
0xaa: {  	[dreg:$0x4] =	wrdreg $0xC0  }
0xab: {  	_ =	task [dreg:s6], $0x5FFFF  }
0xac: {  	[dreg:$0x1] =	wrdreg $0xFFFFFFFF  }
0xad: {  	[dreg:$0x0] =	wrdreg $0x60  }
0xae: {  	[dreg:$0x2] =	wrdreg s24  }
0xaf: {  	[dreg:$0x3] =	wrdreg $0x150000  }
0xb0: {  	[dreg:$0x4] =	wrdreg $0xB0000  }
0xb1: {  	[dreg:$0x5] =	wrdreg $0x9  }
0xb2: {  	_ =	task.clear_ibuf [dreg:s6], $0x6FFFF;
	_ =	strace $0x9000004C  }
0xb3: {  	s29 =	simm.s32 $0x9;
	_ =	strace $0x8000004E  }
0xb4: {  	_ =	swait.ge [sflag:s29], $0x1  }
0xb5: {  	[sflag:s29] =	ssyncadd.s32 $0xFFFFFFFF  }
0xb6: {  	_ =	strace $0x9000004E  }
0xb7: {  	_ =	sfence  }
0xb8: {  	s30 =	sld [smem:$0x0];
	_ =	sdelay $0x2  }
0xb9: {  	s31 =	sshll.u32 s1, $0xD;
	s1 =	sshrl.u32 s1, $0x2  }
0xba: {  	s3 =	sand.u32 $0x4000, s31;
	s1 =	sadd.s32 s1, s30  }
0xbb: {  	s0 =	sor.u32 s3, s0;
	s1 =	sshll.u32 s1, $0x11  }
0xbc: {  	s0 =	sor.u32 s1, s0  }
0xbd: {  	s0 =	sadd.s32 $0x8F2B, s0  }
0xbe: {  	[sflag:s0] =	ssyncadd.remote.s32 $0x1  }
0xbf: {  	_ =	sfence.sel $0xFFFF  }
0xc0: {  	[dreg:$0x0] =	wrdreg $0xFFFFFFFF;
	(pc) =	sbr.abs _section_cstart, $3  }
0xc1: {  	[dreg:$0x1] =	wrdreg $0xFFFFFFFF  }
0xc2: {  	_ =	task.clear_ibuf [dreg:s6], $0x2FFFF;
	_ =	strace $0x9FFFFFFF  }
0xc3: {  	(tm) =	ssettm $0x7FFFFFFF  }
tec
execute0_lowered:
.L_overlay_start_1:
0x0: {  	(tag) =	ssettag $0x1  }
0x1: {  	s0 =	rddreg [dreg:$0x0]  }
0x2: {  	s2 =	rddreg [dreg:$0x1]  }
0x3: {  	s3 =	rddreg [dreg:$0x2];
	s10 =	stileid.u32;
	s4 =	simm.s32 $0x0  }
0x4: {  	s5 =	srdreg.scid;
	s19 =	simm.s32 $0x3000;
	s1 =	smul.u32 $0x14000, s10  }
0x5: {  	s28 =	simm.s32 $0x2E00;
	s29 =	simm.s32 $0x5;
	s6 =	smul.u32 $0x5C, s10  }
0x6: {  	s30 =	simm.s32 $0x2E80;
	s31 =	simm.s32 $0x3;
	s7 =	smul.u32 $0x44, s10  }
0x7: {  	[smem:$0x7FF] =	sst s4;
	s5 =	sand.u32 $0x1, s5;
	s23 =	smul.u32 $0x28000, s10  }
0x8: {  	_ =	strace $0x8000004D;
	s9 =	smul.u32 $0x140000, s5;
	p0 =	seq.s32 s5, $0x0  }
0x9: {  	s5 =	ssub.s32 $0x2, s5;
	s8 =	sshrl.u32 s1, $0x4;
	s7 =	sadd.s32 $0x5C0, s7  }
0xa: {  	s21 =	sshrl.u32 s5, $0x1;
	s8 =	sadd.s32 s8, s0;
	s7 =	smov.u32 @p0 s6  }
0xb: {  	s20 =	sadd.s32 s1, s9;
	s22 =	ssub.s32 s5, s21;
	s5 =	simm.s32 $0x17  }
0xc: {  	s1 =	sshrl.u32 s1, $0x1;
	s9 =	sshrl.u32 s23, $0x2;
	s21 =	simm.s32 $0x1  }
0xd: {  	s23 =	simm.s32 $0x80;
	s7 =	sshll.u32 s7, $0x4;
	s6 =	sshrl.u32 s20, $0x4  }
0xe: {  	s5 =	simm.s32 @!p0 $0x11;
	s12 =	sadd.s32 s1, s2;
	s8 =	sadd.s32 $0x4B800, s8  }
0xf: {  	s24 =	sadd.s32 s9, s3;
	s16 =	smax.u32 s22, $0x1;
	s20 =	simm.s32 $0x6  }
0x10: {  	s22 =	simm.s32 $0x2;
	s7 =	sadd.s32 s7, s0;
	s0 =	sadd.s32 s6, s0  }
0x11: {  	[dreg:$0x5] =	wrdreg s8;
	s8 =	sshll.u32 s10, $0x6;
	s9 =	sadd.s32 $0x2000, s24  }
0x12: {  	s25 =	sadd.s32 $0x4000, s24;
	s26 =	sadd.s32 $0x6000, s24;
	s14 =	sadd.s32 $0x8000, s24  }
0x13: {  	s18 =	sshrl.u32 s12, $0x3;
	s24 =	simm.s32 $0x5000;
	[dreg:$0x7] =	wrdreg s9  }
0x14: {  	s6 =	simm.s32 $0x2F80;
	s11 =	sadd.s32 $0x19200, s7;
	[dreg:$0x8] =	wrdreg s25  }
0x15: {  	s10 =	sor.u32 $0x1C01, s8;
	[dreg:$0x9] =	wrdreg s26;
	s15 =	sadd.s32 $0x5F800, s0  }
0x16: {  	s25 =	simm.s32 $0x7000;
	s26 =	simm.s32 $0x9000;
	[dreg:$0x4] =	wrdreg s11  }
0x17: {  	s0 =	simm.s32 $0x2F00;
	[dreg:$0x6] =	wrdreg s10;
	s10 =	sadd.s32 s1, s3  }
0x18: {  	v0 =	vimm.bf16 $0.0e+00;
	s11 =	sadd.s32 $0xE200, s7;
	s1 =	simm.s32 $0x4;
	s7 =	simm.s32 $0x0  }
.LBB2_1:
0x19: {  	s9 =	rddreg [dreg:$0x4]  }
0x1a: {  	s17 =	rddreg [dreg:$0x5]  }
0x1b: {  	s12 =	rddreg [dreg:$0x6]  }
0x1c: {  	[tilespmem:s4], [sflag:$0x2] =	stream.linear.gather [hbm4b:s9+s4], $0x2E00, $0x38;
	[tilespmem:$0x1F000] =	vst v63  }
0x1d: {  	[spmem:s18], [sflag:s12] =	dma.local [hbm:s17], $0x1400  }
0x1e: {  	s9 =	simm.s32 $0x0;
	s12 =	simm.s32 $0x100  }
.LBB2_2:
0x1f: {  	p0 =	sne.s32 s12, $0x7F00;
	[tilespmem:s9+$0x3030] =	vst v0;
	s17 =	smov.u32 s12;
	s12 =	sadd.s32 $0x100, s12  }
.Ltmp0:
0x20: {  	[tilespmem:s9+$0x3020] =	vst v0;
	(pc) =	sbr.rel @p0 .LBB2_2-.Ltmp0, $3  }
0x21: {  	[tilespmem:s9+$0x3000] =	vst v0  }
0x22: {  	[tilespmem:s9+$0x3010] =	vst v0;
	_ =	sdelay $0x1  }
0x23: {  	s9 =	sshra.s32 s17, $0x2  }
0x24: {  	[tilespmem:s9+$0x3030] =	vst v0  }
0x25: {  	[tilespmem:s9+$0x3020] =	vst v0  }
0x26: {  	[tilespmem:s9+$0x3000] =	vst v0  }
0x27: {  	[tilespmem:s9+$0x3010] =	vst v0  }
0x28: {  	[spmem:s10] =	stream.linear.scatter [tilespmem:s19], [sflag:$0x6], $0x2000, $0x38;
	[tilespmem:$0x1F000] =	vst v63  }
0x29: {  	_ =	swait.ge [sflag:s20], $0x2000  }
0x2a: {  	[sflag:s20] =	ssyncset.done $0x0  }
0x2b: {  	s12 =	rddreg [dreg:$0x7];
	[sflag:s20] =	ssyncadd.s32 $0xFFFFE000  }
0x2c: {  	[spmem:s12] =	stream.linear.scatter [tilespmem:s19], [sflag:$0x6], $0x2000, $0x38;
	[tilespmem:$0x1F000] =	vst v63  }
0x2d: {  	_ =	swait.ge [sflag:s20], $0x2000  }
0x2e: {  	[sflag:s20] =	ssyncset.done $0x0  }
0x2f: {  	s13 =	rddreg [dreg:$0x8];
	[sflag:s20] =	ssyncadd.s32 $0xFFFFE000  }
0x30: {  	[spmem:s13] =	stream.linear.scatter [tilespmem:s19], [sflag:$0x6], $0x2000, $0x38;
	[tilespmem:$0x1F000] =	vst v63  }
0x31: {  	_ =	swait.ge [sflag:s20], $0x2000  }
0x32: {  	[sflag:s20] =	ssyncset.done $0x0  }
0x33: {  	s17 =	rddreg [dreg:$0x9];
	[sflag:s20] =	ssyncadd.s32 $0xFFFFE000  }
0x34: {  	[spmem:s17] =	stream.linear.scatter [tilespmem:s19], [sflag:$0x6], $0x2000, $0x38;
	[tilespmem:$0x1F000] =	vst v63  }
0x35: {  	_ =	swait.ge [sflag:s20], $0x2000  }
0x36: {  	[sflag:s20] =	ssyncset.done $0x0  }
0x37: {  	[sflag:s20] =	ssyncadd.s32 $0xFFFFE000  }
0x38: {  	[spmem:s14] =	stream.linear.scatter [tilespmem:s19], [sflag:$0x6], $0x2000, $0x38;
	[tilespmem:$0x1F000] =	vst v63  }
0x39: {  	_ =	swait.ge [sflag:s20], $0x2000  }
0x3a: {  	[sflag:s20] =	ssyncset.done $0x0  }
0x3b: {  	[sflag:s20] =	ssyncadd.s32 $0xFFFFE000  }
0x3c: {  	_ =	swait.ge [sflag:s21], $0x1400  }
0x3d: {  	[sflag:s21] =	ssyncset.done $0x0  }
0x3e: {  	p1 =	sne.s32 s5, $0x1;
	[sflag:s21] =	ssyncadd.s32 $0xFFFFEC00  }
.Ltmp1:
0x3f: {  	_ =	swait.ge [sflag:s22], $0x2E00;
	(pc) =	sbr.rel @!p1 .LBB2_4-.Ltmp1, $4  }
0x40: {  	[sflag:s22] =	ssyncset.done $0x0  }
0x41: {  	[sflag:s22] =	ssyncadd.s32 $0xFFFFD200  }
0x42: {  	[bflag:$0x0] =	sbarrier.arrive $0xFFFF  }
0x43: {  	s9 =	simm.s32 $0x180;
	p0 =	por $0x0, $0x0;
	s12 =	sadd.s32 $0xFFFFFFFF, s5  }
0x44: {  	s17 =	simm.s32 $0x0  }
0x45: {  	[tilespmem:s19], [sflag:$0x1] =	stream.indirect.gather [spmem:s2], $0x40, s17, s23, $0xb8;
	[tilespmem:$0x1F000] =	vst v63  }
0x46: {  	s13 =	simm.s32 $0x80  }
0x47: {  	[tilespmem:s24], [sflag:$0x2] =	stream.indirect.gather [spmem:s2], $0x40, s13, s23, $0xb8;
	[tilespmem:$0x1F000] =	vst v63  }
0x48: {  	s13 =	simm.s32 $0x100  }
0x49: {  	[tilespmem:s25], [sflag:$0x3] =	stream.indirect.gather [spmem:s2], $0x40, s13, s23, $0xb8;
	[tilespmem:$0x1F000] =	vst v63  }
0x4a: {  	_ = 	snop  }
0x4b: {  	[tilespmem:s26], [sflag:$0x4] =	stream.indirect.gather [spmem:s2], $0x40, s9, s23, $0xb8;
	[tilespmem:$0x1F000] =	vst v63  }
0x4c: {  	_ = 	snop  }
0x4d: {  	[tilespmem:s28], [sflag:$0x5] =	stream.linear.gather [hbm4b:s11+s4], $0x200, $0x38;
	[tilespmem:$0x1F000] =	vst v63  }
0x4e: {  	_ =	swait.ge [sflag:s29], $0x200  }
0x4f: {  	[sflag:s29] =	ssyncset.done $0x0  }
0x50: {  	[sflag:s29] =	ssyncadd.s32 $0xFFFFFE00  }
0x51: {  	_ =	swait.ge [sflag:s21], $0x2000  }
0x52: {  	[sflag:s21] =	ssyncset.done $0x0  }
0x53: {  	[sflag:s21] =	ssyncadd.s32 $0xFFFFE000  }
0x54: {  	[spmem:s3] =	stream.indirect.scatter.add.bf16 [tilespmem:s19], [sflag:$0x6], $0x40, s28, s23, $0xb8;
	[tilespmem:$0x1F000] =	vst v63  }
0x55: {  	_ =	swait.ge [sflag:s20], $0x2000  }
0x56: {  	[sflag:s20] =	ssyncset.done $0x0  }
0x57: {  	[sflag:s20] =	ssyncadd.s32 $0xFFFFE000  }
0x58: {  	_ =	swait.ge [sflag:s22], $0x2000  }
0x59: {  	[sflag:s22] =	ssyncset.done $0x0  }
0x5a: {  	[sflag:s22] =	ssyncadd.s32 $0xFFFFE000  }
0x5b: {  	[spmem:s3] =	stream.indirect.scatter.add.bf16 [tilespmem:s24], [sflag:$0x6], $0x40, s30, s23, $0xb8;
	[tilespmem:$0x1F000] =	vst v63  }
0x5c: {  	_ =	swait.ge [sflag:s20], $0x2000  }
0x5d: {  	[sflag:s20] =	ssyncset.done $0x0  }
0x5e: {  	[sflag:s20] =	ssyncadd.s32 $0xFFFFE000  }
0x5f: {  	_ =	swait.ge [sflag:s31], $0x2000  }
0x60: {  	[sflag:s31] =	ssyncset.done $0x0  }
0x61: {  	[sflag:s31] =	ssyncadd.s32 $0xFFFFE000  }
0x62: {  	[spmem:s3] =	stream.indirect.scatter.add.bf16 [tilespmem:s25], [sflag:$0x6], $0x40, s0, s23, $0xb8;
	[tilespmem:$0x1F000] =	vst v63  }
0x63: {  	_ =	swait.ge [sflag:s20], $0x2000  }
0x64: {  	[sflag:s20] =	ssyncset.done $0x0  }
0x65: {  	[sflag:s20] =	ssyncadd.s32 $0xFFFFE000  }
0x66: {  	p1 =	sne.s32 s12, $0x1;
	_ =	swait.ge [sflag:s1], $0x2000  }
.Ltmp2:
0x67: {  	[sflag:s1] =	ssyncset.done $0x0;
	(pc) =	sbr.rel @!p1 .LBB2_6-.Ltmp2, $4  }
0x68: {  	[sflag:s1] =	ssyncadd.s32 $0xFFFFE000  }
0x69: {  	[spmem:s3] =	stream.indirect.scatter.add.bf16 [tilespmem:s26], [sflag:$0x6], $0x40, s6, s23, $0xb8;
	[tilespmem:$0x1F000] =	vst v63  }
0x6a: {  	s12 =	sadd.s32 $0xFFFFFFFF, s12;
	p0 =	por $0x1, $0x1;
	_ =	swait.ge [sflag:s20], $0x2000  }
0x6b: {  	s17 =	smov.u32 s11;
	s9 =	simm.s32 $0x380;
	[sflag:s20] =	ssyncset.done $0x0  }
.LBB2_7:
0x6c: {  	s13 =	sadd.s32 $0xFFFFFE80, s9;
	[sflag:s20] =	ssyncadd.s32 $0xFFFFE000;
	s17 =	sadd.s32 $0x40, s17  }
0x6d: {  	[tilespmem:s19], [sflag:$0x1] =	stream.indirect.gather [spmem:s2], $0x40, s13, s23, $0xb8;
	[tilespmem:$0x1F000] =	vst v63  }
0x6e: {  	p1 =	sne.s32 s12, $0x1;
	s12 =	sadd.s32 $0xFFFFFFFF, s12;
	s13 =	sadd.s32 $0xFFFFFF00, s9  }
0x6f: {  	[tilespmem:s24], [sflag:$0x2] =	stream.indirect.gather [spmem:s2], $0x40, s13, s23, $0xb8;
	[tilespmem:$0x1F000] =	vst v63  }
0x70: {  	s13 =	sadd.s32 $0xFFFFFF80, s9  }
0x71: {  	[tilespmem:s25], [sflag:$0x3] =	stream.indirect.gather [spmem:s2], $0x40, s13, s23, $0xb8;
	[tilespmem:$0x1F000] =	vst v63  }
0x72: {  	_ = 	snop  }
0x73: {  	[tilespmem:s26], [sflag:$0x4] =	stream.indirect.gather [spmem:s2], $0x40, s9, s23, $0xb8;
	[tilespmem:$0x1F000] =	vst v63  }
0x74: {  	_ = 	snop  }
0x75: {  	[tilespmem:s28], [sflag:$0x5] =	stream.linear.gather [hbm4b:s17+s4], $0x200, $0x38;
	[tilespmem:$0x1F000] =	vst v63  }
0x76: {  	_ =	swait.ge [sflag:s29], $0x200  }
0x77: {  	[sflag:s29] =	ssyncset.done $0x0  }
0x78: {  	[sflag:s29] =	ssyncadd.s32 $0xFFFFFE00  }
0x79: {  	_ =	swait.ge [sflag:s21], $0x2000  }
0x7a: {  	[sflag:s21] =	ssyncset.done $0x0  }
0x7b: {  	[sflag:s21] =	ssyncadd.s32 $0xFFFFE000  }
0x7c: {  	[spmem:s3] =	stream.indirect.scatter.add.bf16 [tilespmem:s19], [sflag:$0x6], $0x40, s28, s23, $0xb8;
	[tilespmem:$0x1F000] =	vst v63  }
0x7d: {  	_ =	swait.ge [sflag:s20], $0x2000  }
0x7e: {  	[sflag:s20] =	ssyncset.done $0x0  }
0x7f: {  	[sflag:s20] =	ssyncadd.s32 $0xFFFFE000  }
0x80: {  	_ =	swait.ge [sflag:s22], $0x2000  }
0x81: {  	[sflag:s22] =	ssyncset.done $0x0  }
0x82: {  	[sflag:s22] =	ssyncadd.s32 $0xFFFFE000  }
0x83: {  	[spmem:s3] =	stream.indirect.scatter.add.bf16 [tilespmem:s24], [sflag:$0x6], $0x40, s30, s23, $0xb8;
	[tilespmem:$0x1F000] =	vst v63  }
0x84: {  	_ =	swait.ge [sflag:s20], $0x2000  }
0x85: {  	[sflag:s20] =	ssyncset.done $0x0  }
0x86: {  	[sflag:s20] =	ssyncadd.s32 $0xFFFFE000  }
0x87: {  	_ =	swait.ge [sflag:s31], $0x2000  }
0x88: {  	[sflag:s31] =	ssyncset.done $0x0  }
0x89: {  	[sflag:s31] =	ssyncadd.s32 $0xFFFFE000  }
0x8a: {  	[spmem:s3] =	stream.indirect.scatter.add.bf16 [tilespmem:s25], [sflag:$0x6], $0x40, s0, s23, $0xb8;
	[tilespmem:$0x1F000] =	vst v63  }
0x8b: {  	_ =	swait.ge [sflag:s20], $0x2000  }
0x8c: {  	[sflag:s20] =	ssyncset.done $0x0  }
0x8d: {  	[sflag:s20] =	ssyncadd.s32 $0xFFFFE000  }
0x8e: {  	_ =	swait.ge [sflag:s1], $0x2000  }
.Ltmp3:
0x8f: {  	[sflag:s1] =	ssyncset.done $0x0;
	(pc) =	sbr.rel @p1 .LBB2_7-.Ltmp3, $4  }
0x90: {  	[sflag:s1] =	ssyncadd.s32 $0xFFFFE000  }
0x91: {  	[spmem:s3] =	stream.indirect.scatter.add.bf16 [tilespmem:s26], [sflag:$0x6], $0x40, s6, s23, $0xb8;
	[tilespmem:$0x1F000] =	vst v63  }
0x92: {  	_ =	swait.ge [sflag:s20], $0x2000  }
0x93: {  	s9 =	sadd.s32 $0x200, s9;
	[sflag:s20] =	ssyncset.done $0x0  }
.LBB2_8:
0x94: {  	s12 =	sadd.s32 $0xFFFFFE80, s9;
	[sflag:s20] =	ssyncadd.s32 @p0 $0xFFFFE000  }
0x95: {  	[tilespmem:s19], [sflag:$0x1] =	stream.indirect.gather [spmem:s2], $0x40, s12, s23, $0xb8;
	[tilespmem:$0x1F000] =	vst v63  }
0x96: {  	s13 =	sadd.s32 $0xFFFFFF00, s9  }
0x97: {  	[tilespmem:s24], [sflag:$0x2] =	stream.indirect.gather [spmem:s2], $0x40, s13, s23, $0xb8;
	[tilespmem:$0x1F000] =	vst v63  }
0x98: {  	s13 =	sadd.s32 $0xFFFFFF80, s9  }
0x99: {  	[tilespmem:s25], [sflag:$0x3] =	stream.indirect.gather [spmem:s2], $0x40, s13, s23, $0xb8;
	[tilespmem:$0x1F000] =	vst v63  }
0x9a: {  	_ = 	snop  }
0x9b: {  	[tilespmem:s26], [sflag:$0x4] =	stream.indirect.gather [spmem:s2], $0x40, s9, s23, $0xb8;
	[tilespmem:$0x1F000] =	vst v63  }
0x9c: {  	s12 =	sadd.s32 @p0 $0x40, s17;
	s9 =	smov.u32 s11  }
0x9d: {  	s9 =	smov.u32 @p0 s12  }
0x9e: {  	[tilespmem:s28], [sflag:$0x5] =	stream.linear.gather [hbm4b:s9+s4], $0x200, $0x38;
	[tilespmem:$0x1F000] =	vst v63  }
0x9f: {  	_ =	swait.ge [sflag:s29], $0x200  }
0xa0: {  	[sflag:s29] =	ssyncset.done $0x0  }
0xa1: {  	[sflag:s29] =	ssyncadd.s32 $0xFFFFFE00  }
0xa2: {  	_ =	swait.ge [sflag:s21], $0x2000  }
0xa3: {  	[sflag:s21] =	ssyncset.done $0x0  }
0xa4: {  	[sflag:s21] =	ssyncadd.s32 $0xFFFFE000  }
0xa5: {  	[spmem:s3] =	stream.indirect.scatter.add.bf16 [tilespmem:s19], [sflag:$0x6], $0x40, s28, s23, $0xb8;
	[tilespmem:$0x1F000] =	vst v63  }
0xa6: {  	_ =	swait.ge [sflag:s20], $0x2000  }
0xa7: {  	[sflag:s20] =	ssyncset.done $0x0  }
0xa8: {  	[sflag:s20] =	ssyncadd.s32 $0xFFFFE000  }
0xa9: {  	_ =	swait.ge [sflag:s22], $0x2000  }
0xaa: {  	[sflag:s22] =	ssyncset.done $0x0  }
0xab: {  	[sflag:s22] =	ssyncadd.s32 $0xFFFFE000  }
0xac: {  	[spmem:s3] =	stream.indirect.scatter.add.bf16 [tilespmem:s24], [sflag:$0x6], $0x40, s30, s23, $0xb8;
	[tilespmem:$0x1F000] =	vst v63  }
0xad: {  	_ =	swait.ge [sflag:s20], $0x2000  }
0xae: {  	[sflag:s20] =	ssyncset.done $0x0  }
0xaf: {  	[sflag:s20] =	ssyncadd.s32 $0xFFFFE000  }
0xb0: {  	_ =	swait.ge [sflag:s31], $0x2000  }
0xb1: {  	[sflag:s31] =	ssyncset.done $0x0  }
0xb2: {  	[sflag:s31] =	ssyncadd.s32 $0xFFFFE000  }
0xb3: {  	[spmem:s3] =	stream.indirect.scatter.add.bf16 [tilespmem:s25], [sflag:$0x6], $0x40, s0, s23, $0xb8;
	[tilespmem:$0x1F000] =	vst v63  }
0xb4: {  	_ =	swait.ge [sflag:s20], $0x2000  }
0xb5: {  	[sflag:s20] =	ssyncset.done $0x0  }
0xb6: {  	[sflag:s20] =	ssyncadd.s32 $0xFFFFE000  }
0xb7: {  	_ =	swait.ge [sflag:s1], $0x2000  }
0xb8: {  	[sflag:s1] =	ssyncset.done $0x0  }
0xb9: {  	[sflag:s1] =	ssyncadd.s32 $0xFFFFE000  }
0xba: {  	[spmem:s3] =	stream.indirect.scatter.add.bf16 [tilespmem:s26], [sflag:$0x6], $0x40, s6, s23, $0xb8;
	[tilespmem:$0x1F000] =	vst v63  }
0xbb: {  	_ =	swait.ge [sflag:s20], $0x2000  }
0xbc: {  	[sflag:s20] =	ssyncset.done $0x0  }
0xbd: {  	s7 =	sadd.s32 $0x1, s7;
	s17 =	sshrl.u32 s10, $0x3;
	[sflag:s20] =	ssyncadd.s32 $0xFFFFE000  }
0xbe: {  	s13 =	sor.u32 $0x1C06, s8;
	p0 =	sne.s32 s7, s16;
	[bflag:$0x0] =	sbarrier.arrive $0xFFFF  }
0xbf: {  	[hbm:s15], [sflag:s13] =	dma.local [spmem:s17], $0x1400  }
.Ltmp4:
0xc0: {  	_ = 	snop;
	(pc) =	sbr.rel @p0 .LBB2_1-.Ltmp4, $4  }
.Ltmp5:
0xc1: {  	_ = 	snop;
	(pc) =	sbr.rel @!p0 .LBB2_9-.Ltmp5, $4  }
0xc2: {  	_ =	swait.ge [sflag:s20], $0x1400  }
0xc3: {  	[sflag:s20] =	ssyncset.done $0x0  }
0xc4: {  	[sflag:s20] =	ssyncadd.s32 $0xFFFFEC00  }
0xc5: {  	_ = 	snop  }
.LBB2_4:
.Ltmp6:
0xc6: {  	(pc) =	sbr.rel .LBB2_8-.Ltmp6, $2  }
0xc7: {  	_ =	sdelay $0x2  }
0xc8: {  	s17 =	smov.u32 s11  }
.LBB2_6:
.Ltmp7:
0xc9: {  	(pc) =	sbr.rel .LBB2_8-.Ltmp7, $2  }
0xca: {  	_ =	sdelay $0x2  }
0xcb: {  	s17 =	smov.u32 s11  }
.LBB2_9:
0xcc: {  	_ =	sfence.sel $0x180000  }
0xcd: {  	[bflag:$0x0] =	sbarrier.arrive $0xFFFF  }
0xce: {  	_ =	strace $0x9000004D  }
0xcf: {  	s0 =	stileid.u32;
	[bflag:$0x2] =	sbarrier.arrive $0xFFFF  }
0xd0: {  	p0 =	sne.s32 s0, $0x0;
	s0 =	rddreg [dreg:$0x3]  }
0xd1: {  	s0 =	sadd.s32 @!p0 $0x100000, s0  }
0xd2: {  	[sflag:s0] =	ssyncadd.tile.s32 @!p0 $0x1;
	_ =	shalt  }
.Lfunc_end2:
_tile_overlayer_lowered:
.L_overlay_start_2:
0xd3: {  	(tag) =	ssettag $0x2  }
0xd4: {  	s0 =	rddreg [dreg:$0x0];
	s2 =	stileid.u32  }
0xd5: {  	s1 =	rddreg [dreg:$0x1];
	p0 =	sne.s32 s2, $0x0  }
0xd6: {  	s3 =	rddreg [dreg:$0x2];
	[bflag:$0x3] =	sbarrier.arrive $0xFFFF;
	s2 =	simm.s32 @!p0 $0x1C06  }
0xd7: {  	[timem:s3], [sflag:s2] =	dma.local @!p0 [hbm:s0], s1  }
0xd8: {  	s0 =	simm.s32 @!p0 $0x6  }
0xd9: {  	_ =	swait.ge @!p0 [sflag:s0], s1  }
0xda: {  	s1 =	ssub.s32 @!p0 $0x0, s1;
	[sflag:s0] =	ssyncset.done @!p0 $0x0  }
0xdb: {  	[sflag:s0] =	ssyncadd.s32 @!p0 s1  }
0xdc: {  	[bflag:$0x3] =	sbarrier.arrive $0xFFFF  }
0xdd: {  	_ =	shalt  }

// kernel: kernel.19.cloned.1.call-start
scs
__scs_entry_jumppad:
0x0: {  	(pc) =	sbr.rel $0x88, $3  }
0x1: {  	(tag) =	ssettag $0x0;
	lr =	simm.s32 $0x1  }
0x2: {  	[smem:$0x3F94] =	sst lr;
	_ =	strace $0xD0000000  }
0x3: {  	_ = 	snop  }
0x4: {  	_ = 	snop  }
0x5: {  	_ = 	snop  }
0x6: {  	_ = 	snop  }
0x7: {  	_ = 	snop  }
__scs_overlays_trampoline_lowered:
0x8: {  	[smem:$0x3FA3] =	sst s0  }
0x9: {  	[smem:$0x3FA4] =	sst s1  }
0xa: {  	[smem:$0x3FA5] =	sst s2  }
0xb: {  	[smem:$0x3FA6] =	sst s3  }
0xc: {  	[smem:$0x3FA7] =	sst s4  }
0xd: {  	[smem:$0x3FA8] =	sst s5  }
0xe: {  	[smem:$0x3FA9] =	sst s6  }
0xf: {  	[smem:$0x3FAA] =	sst s7  }
0x10: {  	[smem:$0x3FAB] =	sst s8  }
0x11: {  	[smem:$0x3FAC] =	sst s9;
	s0 =	simm.s32 @!p0 $0x0  }
0x12: {  	s1 =	sld [smem:$0x3F92];
	s0 =	simm.s32 @p0 $0x1  }
0x13: {  	[smem:$0x3FAD] =	sst s0;
	s0 =	simm.s32 @!p1 $0x0  }
0x14: {  	s2 =	sld [smem:$0x3F91];
	s0 =	simm.s32 @p1 $0x1  }
0x15: {  	[smem:$0x3FAE] =	sst s0;
	s0 =	simm.s32 @!p2 $0x0  }
0x16: {  	s3 =	sld [smem:$0x3FDB];
	s0 =	simm.s32 @p2 $0x1  }
0x17: {  	s4 =	simm.s32 $0x1BF5;
	[smem:$0x3FB0] =	sst s0  }
0x18: {  	s0 =	sld [smem:$0x3F93];
	_ =	swait.ge [sflag:s4], $0x0  }
0x19: {  	s7 =	sld [smem:$0x3F94]  }
0x1a: {  	s8 =	sadd.s32 $0xFFFFE003, lr  }
0x1b: {  	s9 =	sadd.s32 $0xFFFFFEF7, lr;
	s5 =	simm.s32 $0xFFFFFFFF;
	p2 =	slt.u32 s8, $0xFFFFF086  }
0x1c: {  	p1 =	slt.u32 s9, $0xF7A;
	s5 =	simm.s32 @!p2 $0x0  }
0x1d: {  	s5 =	simm.s32 @p1 $0x1;
	p0 =	seq.s32 s7, s2  }
0x1e: {  	s7 =	smul.u32 @!p0 $0xF7A, s2;
	p2 =	seq.s32 @!p0 s5, $0x0  }
0x1f: {  	s9 =	smul.u32 $0xF7A, s1;
	s8 =	simm.s32 @!p0 $0x1BF5;
	p2 =	por !p2, p0  }
0x20: {  	[sflag:s8] =	ssyncset.s32 @!p0 $0xFFFFF086;
	s6 =	sadd.s32 @!p0 s3, s7;
	s7 =	simm.s32 @!p0 $0x108  }
0x21: {  	s3 =	sadd.s32 s3, s9;
	s6 =	sadd.s32 @!p0 $0x88, s6;
	s7 =	simm.s32 @p2 $0x1082  }
0x22: {  	[simem:s7], [sflag:s8] =	dma.local @!p0 [hbm:s6], $0xF7A  }
0x23: {  	s9 =	sor.u32 $0xD0000000, s2;
	s6 =	simm.s32 $0x108;
	_ =	swait.ge @!p0 [sflag:s8], $0x0  }
0x24: {  	s3 =	sadd.s32 $0x88, s3;
	s6 =	simm.s32 @!p1 $0x1082;
	[sflag:s4] =	ssyncset.s32 $0xFFFFF086  }
0x25: {  	[simem:s6], [sflag:s4] =	dma.local [hbm:s3], $0xF7A  }
0x26: {  	[smem:$0x3F94] =	sst s1;
	(tag) =	ssettag s2;
	_ =	strace s9  }
0x27: {  	s1 =	sld [smem:$0x3FA4]  }
0x28: {  	s2 =	sld [smem:$0x3FA5]  }
0x29: {  	s4 =	sld [smem:$0x3FA7]  }
0x2a: {  	p0 =	seq.s32 s5, $0x0;
	s5 =	sld [smem:$0x3FA8]  }
0x2b: {  	s6 =	sld [smem:$0x3FA9]  }
0x2c: {  	s7 =	sld [smem:$0x3FAA]  }
0x2d: {  	s3 =	simm.s32 $0x108;
	s8 =	sld [smem:$0x3FAB]  }
0x2e: {  	s3 =	simm.s32 @!p0 $0x1082;
	s9 =	sld [smem:$0x3FAC]  }
0x2f: {  	lr =	sadd.s32 s0, s3;
	s0 =	sld [smem:$0x3FA3]  }
0x30: {  	s3 =	sld [smem:$0x3FA6]  }
0x31: {  	[smem:$0x3FAF] =	sst s10  }
0x32: {  	s10 =	sld [smem:$0x3FAD];
	_ =	sdelay $0x3  }
0x33: {  	p0 =	seq.s32 s10, $0x1;
	s10 =	sld [smem:$0x3FAF];
	_ =	sdelay $0x3  }
0x34: {  	[smem:$0x3FAF] =	sst s10  }
0x35: {  	s10 =	sld [smem:$0x3FAE];
	_ =	sdelay $0x3  }
0x36: {  	p1 =	seq.s32 s10, $0x1;
	s10 =	sld [smem:$0x3FAF];
	_ =	sdelay $0x3  }
0x37: {  	[smem:$0x3FAF] =	sst s10  }
0x38: {  	s10 =	sld [smem:$0x3FB0]  }
0x39: {  	_ = 	snop;
	(pc) =	sbr.ind lr, $3  }
0x3a: {  	_ = 	snop  }
0x3b: {  	_ = 	snop  }
0x3c: {  	p2 =	seq.s32 s10, $0x1;
	s10 =	sld [smem:$0x3FAF]  }
0x3d: {  	_ =	shalt  }
0x3e: {  	_ =	shalt  }
0x3f: {  	_ =	shalt  }
0x40: {  	_ =	shalt  }
0x41: {  	_ =	shalt  }
0x42: {  	_ =	shalt  }
0x43: {  	_ =	shalt  }
0x44: {  	_ =	shalt  }
0x45: {  	_ =	shalt  }
0x46: {  	_ =	shalt  }
0x47: {  	_ =	shalt  }
0x48: {  	_ =	shalt  }
0x49: {  	_ =	shalt  }
0x4a: {  	_ =	shalt  }
0x4b: {  	_ =	shalt  }
0x4c: {  	_ =	shalt  }
0x4d: {  	_ =	shalt  }
0x4e: {  	_ =	shalt  }
0x4f: {  	_ =	shalt  }
0x50: {  	_ =	shalt  }
0x51: {  	_ =	shalt  }
0x52: {  	_ =	shalt  }
0x53: {  	_ =	shalt  }
0x54: {  	_ =	shalt  }
0x55: {  	_ =	shalt  }
0x56: {  	_ =	shalt  }
0x57: {  	_ =	shalt  }
0x58: {  	_ =	shalt  }
0x59: {  	_ =	shalt  }
0x5a: {  	_ =	shalt  }
0x5b: {  	_ =	shalt  }
0x5c: {  	_ =	shalt  }
0x5d: {  	_ =	shalt  }
0x5e: {  	_ =	shalt  }
0x5f: {  	_ =	shalt  }
0x60: {  	_ =	shalt  }
0x61: {  	_ =	shalt  }
0x62: {  	_ =	shalt  }
0x63: {  	_ =	shalt  }
0x64: {  	_ =	shalt  }
0x65: {  	_ =	shalt  }
0x66: {  	_ =	shalt  }
0x67: {  	_ =	shalt  }
0x68: {  	_ =	shalt  }
0x69: {  	_ =	shalt  }
0x6a: {  	_ =	shalt  }
0x6b: {  	_ =	shalt  }
0x6c: {  	_ =	shalt  }
0x6d: {  	_ =	shalt  }
0x6e: {  	_ =	shalt  }
0x6f: {  	_ =	shalt  }
0x70: {  	_ =	shalt  }
0x71: {  	_ =	shalt  }
0x72: {  	_ =	shalt  }
0x73: {  	_ =	shalt  }
0x74: {  	_ =	shalt  }
0x75: {  	_ =	shalt  }
0x76: {  	_ =	shalt  }
0x77: {  	_ =	shalt  }
0x78: {  	_ =	shalt  }
0x79: {  	_ =	shalt  }
0x7a: {  	_ =	shalt  }
0x7b: {  	_ =	shalt  }
0x7c: {  	_ =	shalt  }
0x7d: {  	_ =	shalt  }
0x7e: {  	_ =	shalt  }
0x7f: {  	_ =	shalt  }
0x80: {  	_ =	shalt  }
0x81: {  	_ =	shalt  }
0x82: {  	_ =	shalt  }
0x83: {  	_ =	shalt  }
0x84: {  	_ =	shalt  }
0x85: {  	_ =	shalt  }
0x86: {  	_ =	shalt  }
0x87: {  	_ =	shalt  }
.Lfunc_end0:
.L_simem_size_0:
called_computation.3_lowered:
.L_overlay_start_0:
0x88: {  	s2 =	sld [smem:$0x3FD9]  }
0x89: {  	s3 =	sld [smem:$0x3FFE];
	_ =	sdelay $0x1  }
0x8a: {  	s1 =	srdreg.scid  }
0x8b: {  	s0 =	sand.u32 $0x1, s1  }
0x8c: {  	s16 =	sshll.u32 s0, $0xA;
	s2 =	sadd.s32 s3, s2  }
0x8d: {  	s2 =	sadd.s32 s2, s16  }
0x8e: {  	[smem:$0x3FBB] =	sst s2  }
0x8f: {  	_ = 	snop  }
0x90: {  	(tm) =	ssettm $0x1  }
0x91: {  	s17 =	sld [smem:$0x3FFB];
	_ =	sdelay $0x3  }
0x92: {  	_ =	strace s17  }
0x93: {  	s2 =	sld [smem:$0x3FFC];
	_ =	sdelay $0x3  }
0x94: {  	_ =	strace s2  }
0x95: {  	s2 =	sld [smem:$0x3FFD];
	_ =	sdelay $0x3  }
0x96: {  	_ =	strace s2  }
0x97: {  	_ =	strace $0x8FFFFFFF  }
0x98: {  	s18 =	sld [smem:$0x3FDB];
	_ =	sdelay $0x1  }
0x99: {  	s19 =	simm.s32 $_scs_section_size  }
0x9a: {  	s4 =	simm.s32 $_size__tile_overlayer_lowered;
	s5 =	simm.s32 $_tile_overlayer_lowered  }
0x9b: {  	s22 =	simm.s32 $0x1BFF;
	s21 =	sshll.u32 s5, $0x1;
	s2 =	sadd.s32 s19, s18  }
0x9c: {  	s6 =	simm.s32 $0x0;
	s20 =	sshll.u32 s4, $0x1;
	s4 =	sadd.s32 s21, s2  }
0x9d: {  	[timem:s6], [sflag:s22] =	dma.local [hbm:s4], s20  }
0x9e: {  	_ =	swait.ge [sflag:s22], s20  }
0x9f: {  	s3 =	ssub.s32 $0x0, s20;
	[sflag:s22] =	ssyncset.done $0x0  }
0xa0: {  	[sflag:s22] =	ssyncadd.s32 s3;
	_ =	sdelay $0x1  }
0xa1: {  	s23 =	simm.s32 $0x1B8B  }
0xa2: {  	_ =	swait.ge [sflag:s23], $0x1  }
0xa3: {  	[sflag:s23] =	ssyncset.done $0x0  }
0xa4: {  	s25 =	simm.s32 $0x1B8E;
	s24 =	sld [smem:$0x3FFE];
	[sflag:s23] =	ssyncadd.s32 $0xFFFFFFFF  }
0xa5: {  	s26 =	simm.s32 $execute0_lowered;
	[smem:$0x3FD2] =	sst s25  }
0xa6: {  	s4 =	sshll.u32 s26, $0x1;
	_ =	strace $0x8000004F;
	[dreg:$0x1] =	wrdreg $0xFFFFFFFF  }
0xa7: {  	s28 =	simm.s32 $_size_execute0_lowered;
	s2 =	sadd.s32 s2, s4;
	[dreg:$0x0] =	wrdreg $0x0  }
0xa8: {  	s4 =	sshll.u32 s28, $0x1;
	[dreg:$0x2] =	wrdreg s2  }
0xa9: {  	[dreg:$0x3] =	wrdreg s4  }
0xaa: {  	[dreg:$0x4] =	wrdreg $0xC0  }
0xab: {  	_ =	task [dreg:s6], $0x5FFFF  }
0xac: {  	[dreg:$0x1] =	wrdreg $0xFFFFFFFF  }
0xad: {  	[dreg:$0x0] =	wrdreg $0x60  }
0xae: {  	[dreg:$0x2] =	wrdreg s24  }
0xaf: {  	[dreg:$0x3] =	wrdreg $0x150000  }
0xb0: {  	[dreg:$0x4] =	wrdreg $0xB0000  }
0xb1: {  	[dreg:$0x5] =	wrdreg $0x9  }
0xb2: {  	_ =	task.clear_ibuf [dreg:s6], $0x6FFFF;
	_ =	strace $0x9000004F  }
0xb3: {  	s29 =	simm.s32 $0x9;
	_ =	strace $0x80000051  }
0xb4: {  	_ =	swait.ge [sflag:s29], $0x1  }
0xb5: {  	[sflag:s29] =	ssyncadd.s32 $0xFFFFFFFF  }
0xb6: {  	_ =	strace $0x90000051  }
0xb7: {  	_ =	sfence  }
0xb8: {  	s30 =	sld [smem:$0x0];
	_ =	sdelay $0x2  }
0xb9: {  	s31 =	sshll.u32 s1, $0xD;
	s1 =	sshrl.u32 s1, $0x2  }
0xba: {  	s3 =	sand.u32 $0x4000, s31;
	s1 =	sadd.s32 s1, s30  }
0xbb: {  	s0 =	sor.u32 s3, s0;
	s1 =	sshll.u32 s1, $0x11  }
0xbc: {  	s0 =	sor.u32 s1, s0  }
0xbd: {  	s0 =	sadd.s32 $0x8F2B, s0  }
0xbe: {  	[sflag:s0] =	ssyncadd.remote.s32 $0x1  }
0xbf: {  	_ =	sfence.sel $0xFFFF  }
0xc0: {  	[dreg:$0x0] =	wrdreg $0xFFFFFFFF;
	(pc) =	sbr.abs _section_cstart, $3  }
0xc1: {  	[dreg:$0x1] =	wrdreg $0xFFFFFFFF  }
0xc2: {  	_ =	task.clear_ibuf [dreg:s6], $0x2FFFF;
	_ =	strace $0x9FFFFFFF  }
0xc3: {  	(tm) =	ssettm $0x7FFFFFFF  }
tec
execute0_lowered:
.L_overlay_start_1:
0x0: {  	(tag) =	ssettag $0x1  }
0x1: {  	s0 =	rddreg [dreg:$0x0]  }
0x2: {  	s2 =	rddreg [dreg:$0x1]  }
0x3: {  	s3 =	rddreg [dreg:$0x2];
	s10 =	stileid.u32;
	s4 =	simm.s32 $0x0  }
0x4: {  	s5 =	srdreg.scid;
	s19 =	simm.s32 $0x3000;
	s1 =	smul.u32 $0x14000, s10  }
0x5: {  	s28 =	simm.s32 $0x2E00;
	s29 =	simm.s32 $0x5;
	s6 =	smul.u32 $0x5C, s10  }
0x6: {  	s30 =	simm.s32 $0x2E80;
	s31 =	simm.s32 $0x3;
	s7 =	smul.u32 $0x44, s10  }
0x7: {  	[smem:$0x7FF] =	sst s4;
	s5 =	sand.u32 $0x1, s5;
	s23 =	smul.u32 $0x28000, s10  }
0x8: {  	_ =	strace $0x80000050;
	s9 =	smul.u32 $0x140000, s5;
	p0 =	seq.s32 s5, $0x0  }
0x9: {  	s5 =	ssub.s32 $0x2, s5;
	s8 =	sshrl.u32 s1, $0x4;
	s7 =	sadd.s32 $0x5C0, s7  }
0xa: {  	s21 =	sshrl.u32 s5, $0x1;
	s8 =	sadd.s32 s8, s0;
	s7 =	smov.u32 @p0 s6  }
0xb: {  	s20 =	sadd.s32 s1, s9;
	s22 =	ssub.s32 s5, s21;
	s5 =	simm.s32 $0x17  }
0xc: {  	s1 =	sshrl.u32 s1, $0x1;
	s9 =	sshrl.u32 s23, $0x2;
	s21 =	simm.s32 $0x1  }
0xd: {  	s23 =	simm.s32 $0x80;
	s7 =	sshll.u32 s7, $0x4;
	s6 =	sshrl.u32 s20, $0x4  }
0xe: {  	s5 =	simm.s32 @!p0 $0x11;
	s12 =	sadd.s32 s1, s2;
	s8 =	sadd.s32 $0x4B800, s8  }
0xf: {  	s24 =	sadd.s32 s9, s3;
	s16 =	smax.u32 s22, $0x1;
	s20 =	simm.s32 $0x6  }
0x10: {  	s22 =	simm.s32 $0x2;
	s7 =	sadd.s32 s7, s0;
	s0 =	sadd.s32 s6, s0  }
0x11: {  	[dreg:$0x5] =	wrdreg s8;
	s8 =	sshll.u32 s10, $0x6;
	s9 =	sadd.s32 $0x2000, s24  }
0x12: {  	s25 =	sadd.s32 $0x4000, s24;
	s26 =	sadd.s32 $0x6000, s24;
	s14 =	sadd.s32 $0x8000, s24  }
0x13: {  	s18 =	sshrl.u32 s12, $0x3;
	s24 =	simm.s32 $0x5000;
	[dreg:$0x7] =	wrdreg s9  }
0x14: {  	s6 =	simm.s32 $0x2F80;
	s11 =	sadd.s32 $0x19200, s7;
	[dreg:$0x8] =	wrdreg s25  }
0x15: {  	s10 =	sor.u32 $0x1C01, s8;
	[dreg:$0x9] =	wrdreg s26;
	s15 =	sadd.s32 $0x5F800, s0  }
0x16: {  	s25 =	simm.s32 $0x7000;
	s26 =	simm.s32 $0x9000;
	[dreg:$0x4] =	wrdreg s11  }
0x17: {  	s0 =	simm.s32 $0x2F00;
	[dreg:$0x6] =	wrdreg s10;
	s10 =	sadd.s32 s1, s3  }
0x18: {  	v0 =	vimm.bf16 $0.0e+00;
	s11 =	sadd.s32 $0xE200, s7;
	s1 =	simm.s32 $0x4;
	s7 =	simm.s32 $0x0  }
.LBB2_1:
0x19: {  	s9 =	rddreg [dreg:$0x4]  }
0x1a: {  	s17 =	rddreg [dreg:$0x5]  }
0x1b: {  	s12 =	rddreg [dreg:$0x6]  }
0x1c: {  	[tilespmem:s4], [sflag:$0x2] =	stream.linear.gather [hbm4b:s9+s4], $0x2E00, $0x38;
	[tilespmem:$0x1F000] =	vst v63  }
0x1d: {  	[spmem:s18], [sflag:s12] =	dma.local [hbm:s17], $0x1400  }
0x1e: {  	s9 =	simm.s32 $0x0;
	s12 =	simm.s32 $0x100  }
.LBB2_2:
0x1f: {  	p0 =	sne.s32 s12, $0x7F00;
	[tilespmem:s9+$0x3030] =	vst v0;
	s17 =	smov.u32 s12;
	s12 =	sadd.s32 $0x100, s12  }
.Ltmp0:
0x20: {  	[tilespmem:s9+$0x3020] =	vst v0;
	(pc) =	sbr.rel @p0 .LBB2_2-.Ltmp0, $3  }
0x21: {  	[tilespmem:s9+$0x3000] =	vst v0  }
0x22: {  	[tilespmem:s9+$0x3010] =	vst v0;
	_ =	sdelay $0x1  }
0x23: {  	s9 =	sshra.s32 s17, $0x2  }
0x24: {  	[tilespmem:s9+$0x3030] =	vst v0  }
0x25: {  	[tilespmem:s9+$0x3020] =	vst v0  }
0x26: {  	[tilespmem:s9+$0x3000] =	vst v0  }
0x27: {  	[tilespmem:s9+$0x3010] =	vst v0  }
0x28: {  	[spmem:s10] =	stream.linear.scatter [tilespmem:s19], [sflag:$0x6], $0x2000, $0x38;
	[tilespmem:$0x1F000] =	vst v63  }
0x29: {  	_ =	swait.ge [sflag:s20], $0x2000  }
0x2a: {  	[sflag:s20] =	ssyncset.done $0x0  }
0x2b: {  	s12 =	rddreg [dreg:$0x7];
	[sflag:s20] =	ssyncadd.s32 $0xFFFFE000  }
0x2c: {  	[spmem:s12] =	stream.linear.scatter [tilespmem:s19], [sflag:$0x6], $0x2000, $0x38;
	[tilespmem:$0x1F000] =	vst v63  }
0x2d: {  	_ =	swait.ge [sflag:s20], $0x2000  }
0x2e: {  	[sflag:s20] =	ssyncset.done $0x0  }
0x2f: {  	s13 =	rddreg [dreg:$0x8];
	[sflag:s20] =	ssyncadd.s32 $0xFFFFE000  }
0x30: {  	[spmem:s13] =	stream.linear.scatter [tilespmem:s19], [sflag:$0x6], $0x2000, $0x38;
	[tilespmem:$0x1F000] =	vst v63  }
0x31: {  	_ =	swait.ge [sflag:s20], $0x2000  }
0x32: {  	[sflag:s20] =	ssyncset.done $0x0  }
0x33: {  	s17 =	rddreg [dreg:$0x9];
	[sflag:s20] =	ssyncadd.s32 $0xFFFFE000  }
0x34: {  	[spmem:s17] =	stream.linear.scatter [tilespmem:s19], [sflag:$0x6], $0x2000, $0x38;
	[tilespmem:$0x1F000] =	vst v63  }
0x35: {  	_ =	swait.ge [sflag:s20], $0x2000  }
0x36: {  	[sflag:s20] =	ssyncset.done $0x0  }
0x37: {  	[sflag:s20] =	ssyncadd.s32 $0xFFFFE000  }
0x38: {  	[spmem:s14] =	stream.linear.scatter [tilespmem:s19], [sflag:$0x6], $0x2000, $0x38;
	[tilespmem:$0x1F000] =	vst v63  }
0x39: {  	_ =	swait.ge [sflag:s20], $0x2000  }
0x3a: {  	[sflag:s20] =	ssyncset.done $0x0  }
0x3b: {  	[sflag:s20] =	ssyncadd.s32 $0xFFFFE000  }
0x3c: {  	_ =	swait.ge [sflag:s21], $0x1400  }
0x3d: {  	[sflag:s21] =	ssyncset.done $0x0  }
0x3e: {  	p1 =	sne.s32 s5, $0x1;
	[sflag:s21] =	ssyncadd.s32 $0xFFFFEC00  }
.Ltmp1:
0x3f: {  	_ =	swait.ge [sflag:s22], $0x2E00;
	(pc) =	sbr.rel @!p1 .LBB2_4-.Ltmp1, $4  }
0x40: {  	[sflag:s22] =	ssyncset.done $0x0  }
0x41: {  	[sflag:s22] =	ssyncadd.s32 $0xFFFFD200  }
0x42: {  	[bflag:$0x0] =	sbarrier.arrive $0xFFFF  }
0x43: {  	s9 =	simm.s32 $0x180;
	p0 =	por $0x0, $0x0;
	s12 =	sadd.s32 $0xFFFFFFFF, s5  }
0x44: {  	s17 =	simm.s32 $0x0  }
0x45: {  	[tilespmem:s19], [sflag:$0x1] =	stream.indirect.gather [spmem:s2], $0x40, s17, s23, $0xb8;
	[tilespmem:$0x1F000] =	vst v63  }
0x46: {  	s13 =	simm.s32 $0x80  }
0x47: {  	[tilespmem:s24], [sflag:$0x2] =	stream.indirect.gather [spmem:s2], $0x40, s13, s23, $0xb8;
	[tilespmem:$0x1F000] =	vst v63  }
0x48: {  	s13 =	simm.s32 $0x100  }
0x49: {  	[tilespmem:s25], [sflag:$0x3] =	stream.indirect.gather [spmem:s2], $0x40, s13, s23, $0xb8;
	[tilespmem:$0x1F000] =	vst v63  }
0x4a: {  	_ = 	snop  }
0x4b: {  	[tilespmem:s26], [sflag:$0x4] =	stream.indirect.gather [spmem:s2], $0x40, s9, s23, $0xb8;
	[tilespmem:$0x1F000] =	vst v63  }
0x4c: {  	_ = 	snop  }
0x4d: {  	[tilespmem:s28], [sflag:$0x5] =	stream.linear.gather [hbm4b:s11+s4], $0x200, $0x38;
	[tilespmem:$0x1F000] =	vst v63  }
0x4e: {  	_ =	swait.ge [sflag:s29], $0x200  }
0x4f: {  	[sflag:s29] =	ssyncset.done $0x0  }
0x50: {  	[sflag:s29] =	ssyncadd.s32 $0xFFFFFE00  }
0x51: {  	_ =	swait.ge [sflag:s21], $0x2000  }
0x52: {  	[sflag:s21] =	ssyncset.done $0x0  }
0x53: {  	[sflag:s21] =	ssyncadd.s32 $0xFFFFE000  }
0x54: {  	[spmem:s3] =	stream.indirect.scatter.add.bf16 [tilespmem:s19], [sflag:$0x6], $0x40, s28, s23, $0xb8;
	[tilespmem:$0x1F000] =	vst v63  }
0x55: {  	_ =	swait.ge [sflag:s20], $0x2000  }
0x56: {  	[sflag:s20] =	ssyncset.done $0x0  }
0x57: {  	[sflag:s20] =	ssyncadd.s32 $0xFFFFE000  }
0x58: {  	_ =	swait.ge [sflag:s22], $0x2000  }
0x59: {  	[sflag:s22] =	ssyncset.done $0x0  }
0x5a: {  	[sflag:s22] =	ssyncadd.s32 $0xFFFFE000  }
0x5b: {  	[spmem:s3] =	stream.indirect.scatter.add.bf16 [tilespmem:s24], [sflag:$0x6], $0x40, s30, s23, $0xb8;
	[tilespmem:$0x1F000] =	vst v63  }
0x5c: {  	_ =	swait.ge [sflag:s20], $0x2000  }
0x5d: {  	[sflag:s20] =	ssyncset.done $0x0  }
0x5e: {  	[sflag:s20] =	ssyncadd.s32 $0xFFFFE000  }
0x5f: {  	_ =	swait.ge [sflag:s31], $0x2000  }
0x60: {  	[sflag:s31] =	ssyncset.done $0x0  }
0x61: {  	[sflag:s31] =	ssyncadd.s32 $0xFFFFE000  }
0x62: {  	[spmem:s3] =	stream.indirect.scatter.add.bf16 [tilespmem:s25], [sflag:$0x6], $0x40, s0, s23, $0xb8;
	[tilespmem:$0x1F000] =	vst v63  }
0x63: {  	_ =	swait.ge [sflag:s20], $0x2000  }
0x64: {  	[sflag:s20] =	ssyncset.done $0x0  }
0x65: {  	[sflag:s20] =	ssyncadd.s32 $0xFFFFE000  }
0x66: {  	p1 =	sne.s32 s12, $0x1;
	_ =	swait.ge [sflag:s1], $0x2000  }
.Ltmp2:
0x67: {  	[sflag:s1] =	ssyncset.done $0x0;
	(pc) =	sbr.rel @!p1 .LBB2_6-.Ltmp2, $4  }
0x68: {  	[sflag:s1] =	ssyncadd.s32 $0xFFFFE000  }
0x69: {  	[spmem:s3] =	stream.indirect.scatter.add.bf16 [tilespmem:s26], [sflag:$0x6], $0x40, s6, s23, $0xb8;
	[tilespmem:$0x1F000] =	vst v63  }
0x6a: {  	s12 =	sadd.s32 $0xFFFFFFFF, s12;
	p0 =	por $0x1, $0x1;
	_ =	swait.ge [sflag:s20], $0x2000  }
0x6b: {  	s17 =	smov.u32 s11;
	s9 =	simm.s32 $0x380;
	[sflag:s20] =	ssyncset.done $0x0  }
.LBB2_7:
0x6c: {  	s13 =	sadd.s32 $0xFFFFFE80, s9;
	[sflag:s20] =	ssyncadd.s32 $0xFFFFE000;
	s17 =	sadd.s32 $0x40, s17  }
0x6d: {  	[tilespmem:s19], [sflag:$0x1] =	stream.indirect.gather [spmem:s2], $0x40, s13, s23, $0xb8;
	[tilespmem:$0x1F000] =	vst v63  }
0x6e: {  	p1 =	sne.s32 s12, $0x1;
	s12 =	sadd.s32 $0xFFFFFFFF, s12;
	s13 =	sadd.s32 $0xFFFFFF00, s9  }
0x6f: {  	[tilespmem:s24], [sflag:$0x2] =	stream.indirect.gather [spmem:s2], $0x40, s13, s23, $0xb8;
	[tilespmem:$0x1F000] =	vst v63  }
0x70: {  	s13 =	sadd.s32 $0xFFFFFF80, s9  }
0x71: {  	[tilespmem:s25], [sflag:$0x3] =	stream.indirect.gather [spmem:s2], $0x40, s13, s23, $0xb8;
	[tilespmem:$0x1F000] =	vst v63  }
0x72: {  	_ = 	snop  }
0x73: {  	[tilespmem:s26], [sflag:$0x4] =	stream.indirect.gather [spmem:s2], $0x40, s9, s23, $0xb8;
	[tilespmem:$0x1F000] =	vst v63  }
0x74: {  	_ = 	snop  }
0x75: {  	[tilespmem:s28], [sflag:$0x5] =	stream.linear.gather [hbm4b:s17+s4], $0x200, $0x38;
	[tilespmem:$0x1F000] =	vst v63  }
0x76: {  	_ =	swait.ge [sflag:s29], $0x200  }
0x77: {  	[sflag:s29] =	ssyncset.done $0x0  }
0x78: {  	[sflag:s29] =	ssyncadd.s32 $0xFFFFFE00  }
0x79: {  	_ =	swait.ge [sflag:s21], $0x2000  }
0x7a: {  	[sflag:s21] =	ssyncset.done $0x0  }
0x7b: {  	[sflag:s21] =	ssyncadd.s32 $0xFFFFE000  }
0x7c: {  	[spmem:s3] =	stream.indirect.scatter.add.bf16 [tilespmem:s19], [sflag:$0x6], $0x40, s28, s23, $0xb8;
	[tilespmem:$0x1F000] =	vst v63  }
0x7d: {  	_ =	swait.ge [sflag:s20], $0x2000  }
0x7e: {  	[sflag:s20] =	ssyncset.done $0x0  }
0x7f: {  	[sflag:s20] =	ssyncadd.s32 $0xFFFFE000  }
0x80: {  	_ =	swait.ge [sflag:s22], $0x2000  }
0x81: {  	[sflag:s22] =	ssyncset.done $0x0  }
0x82: {  	[sflag:s22] =	ssyncadd.s32 $0xFFFFE000  }
0x83: {  	[spmem:s3] =	stream.indirect.scatter.add.bf16 [tilespmem:s24], [sflag:$0x6], $0x40, s30, s23, $0xb8;
	[tilespmem:$0x1F000] =	vst v63  }
0x84: {  	_ =	swait.ge [sflag:s20], $0x2000  }
0x85: {  	[sflag:s20] =	ssyncset.done $0x0  }
0x86: {  	[sflag:s20] =	ssyncadd.s32 $0xFFFFE000  }
0x87: {  	_ =	swait.ge [sflag:s31], $0x2000  }
0x88: {  	[sflag:s31] =	ssyncset.done $0x0  }
0x89: {  	[sflag:s31] =	ssyncadd.s32 $0xFFFFE000  }
0x8a: {  	[spmem:s3] =	stream.indirect.scatter.add.bf16 [tilespmem:s25], [sflag:$0x6], $0x40, s0, s23, $0xb8;
	[tilespmem:$0x1F000] =	vst v63  }
0x8b: {  	_ =	swait.ge [sflag:s20], $0x2000  }
0x8c: {  	[sflag:s20] =	ssyncset.done $0x0  }
0x8d: {  	[sflag:s20] =	ssyncadd.s32 $0xFFFFE000  }
0x8e: {  	_ =	swait.ge [sflag:s1], $0x2000  }
.Ltmp3:
0x8f: {  	[sflag:s1] =	ssyncset.done $0x0;
	(pc) =	sbr.rel @p1 .LBB2_7-.Ltmp3, $4  }
0x90: {  	[sflag:s1] =	ssyncadd.s32 $0xFFFFE000  }
0x91: {  	[spmem:s3] =	stream.indirect.scatter.add.bf16 [tilespmem:s26], [sflag:$0x6], $0x40, s6, s23, $0xb8;
	[tilespmem:$0x1F000] =	vst v63  }
0x92: {  	_ =	swait.ge [sflag:s20], $0x2000  }
0x93: {  	s9 =	sadd.s32 $0x200, s9;
	[sflag:s20] =	ssyncset.done $0x0  }
.LBB2_8:
0x94: {  	s12 =	sadd.s32 $0xFFFFFE80, s9;
	[sflag:s20] =	ssyncadd.s32 @p0 $0xFFFFE000  }
0x95: {  	[tilespmem:s19], [sflag:$0x1] =	stream.indirect.gather [spmem:s2], $0x40, s12, s23, $0xb8;
	[tilespmem:$0x1F000] =	vst v63  }
0x96: {  	s13 =	sadd.s32 $0xFFFFFF00, s9  }
0x97: {  	[tilespmem:s24], [sflag:$0x2] =	stream.indirect.gather [spmem:s2], $0x40, s13, s23, $0xb8;
	[tilespmem:$0x1F000] =	vst v63  }
0x98: {  	s13 =	sadd.s32 $0xFFFFFF80, s9  }
0x99: {  	[tilespmem:s25], [sflag:$0x3] =	stream.indirect.gather [spmem:s2], $0x40, s13, s23, $0xb8;
	[tilespmem:$0x1F000] =	vst v63  }
0x9a: {  	_ = 	snop  }
0x9b: {  	[tilespmem:s26], [sflag:$0x4] =	stream.indirect.gather [spmem:s2], $0x40, s9, s23, $0xb8;
	[tilespmem:$0x1F000] =	vst v63  }
0x9c: {  	s12 =	sadd.s32 @p0 $0x40, s17;
	s9 =	smov.u32 s11  }
0x9d: {  	s9 =	smov.u32 @p0 s12  }
0x9e: {  	[tilespmem:s28], [sflag:$0x5] =	stream.linear.gather [hbm4b:s9+s4], $0x200, $0x38;
	[tilespmem:$0x1F000] =	vst v63  }
0x9f: {  	_ =	swait.ge [sflag:s29], $0x200  }
0xa0: {  	[sflag:s29] =	ssyncset.done $0x0  }
0xa1: {  	[sflag:s29] =	ssyncadd.s32 $0xFFFFFE00  }
0xa2: {  	_ =	swait.ge [sflag:s21], $0x2000  }
0xa3: {  	[sflag:s21] =	ssyncset.done $0x0  }
0xa4: {  	[sflag:s21] =	ssyncadd.s32 $0xFFFFE000  }
0xa5: {  	[spmem:s3] =	stream.indirect.scatter.add.bf16 [tilespmem:s19], [sflag:$0x6], $0x40, s28, s23, $0xb8;
	[tilespmem:$0x1F000] =	vst v63  }
0xa6: {  	_ =	swait.ge [sflag:s20], $0x2000  }
0xa7: {  	[sflag:s20] =	ssyncset.done $0x0  }
0xa8: {  	[sflag:s20] =	ssyncadd.s32 $0xFFFFE000  }
0xa9: {  	_ =	swait.ge [sflag:s22], $0x2000  }
0xaa: {  	[sflag:s22] =	ssyncset.done $0x0  }
0xab: {  	[sflag:s22] =	ssyncadd.s32 $0xFFFFE000  }
0xac: {  	[spmem:s3] =	stream.indirect.scatter.add.bf16 [tilespmem:s24], [sflag:$0x6], $0x40, s30, s23, $0xb8;
	[tilespmem:$0x1F000] =	vst v63  }
0xad: {  	_ =	swait.ge [sflag:s20], $0x2000  }
0xae: {  	[sflag:s20] =	ssyncset.done $0x0  }
0xaf: {  	[sflag:s20] =	ssyncadd.s32 $0xFFFFE000  }
0xb0: {  	_ =	swait.ge [sflag:s31], $0x2000  }
0xb1: {  	[sflag:s31] =	ssyncset.done $0x0  }
0xb2: {  	[sflag:s31] =	ssyncadd.s32 $0xFFFFE000  }
0xb3: {  	[spmem:s3] =	stream.indirect.scatter.add.bf16 [tilespmem:s25], [sflag:$0x6], $0x40, s0, s23, $0xb8;
	[tilespmem:$0x1F000] =	vst v63  }
0xb4: {  	_ =	swait.ge [sflag:s20], $0x2000  }
0xb5: {  	[sflag:s20] =	ssyncset.done $0x0  }
0xb6: {  	[sflag:s20] =	ssyncadd.s32 $0xFFFFE000  }
0xb7: {  	_ =	swait.ge [sflag:s1], $0x2000  }
0xb8: {  	[sflag:s1] =	ssyncset.done $0x0  }
0xb9: {  	[sflag:s1] =	ssyncadd.s32 $0xFFFFE000  }
0xba: {  	[spmem:s3] =	stream.indirect.scatter.add.bf16 [tilespmem:s26], [sflag:$0x6], $0x40, s6, s23, $0xb8;
	[tilespmem:$0x1F000] =	vst v63  }
0xbb: {  	_ =	swait.ge [sflag:s20], $0x2000  }
0xbc: {  	[sflag:s20] =	ssyncset.done $0x0  }
0xbd: {  	s7 =	sadd.s32 $0x1, s7;
	s17 =	sshrl.u32 s10, $0x3;
	[sflag:s20] =	ssyncadd.s32 $0xFFFFE000  }
0xbe: {  	s13 =	sor.u32 $0x1C06, s8;
	p0 =	sne.s32 s7, s16;
	[bflag:$0x0] =	sbarrier.arrive $0xFFFF  }
0xbf: {  	[hbm:s15], [sflag:s13] =	dma.local [spmem:s17], $0x1400  }
.Ltmp4:
0xc0: {  	_ = 	snop;
	(pc) =	sbr.rel @p0 .LBB2_1-.Ltmp4, $4  }
.Ltmp5:
0xc1: {  	_ = 	snop;
	(pc) =	sbr.rel @!p0 .LBB2_9-.Ltmp5, $4  }
0xc2: {  	_ =	swait.ge [sflag:s20], $0x1400  }
0xc3: {  	[sflag:s20] =	ssyncset.done $0x0  }
0xc4: {  	[sflag:s20] =	ssyncadd.s32 $0xFFFFEC00  }
0xc5: {  	_ = 	snop  }
.LBB2_4:
.Ltmp6:
0xc6: {  	(pc) =	sbr.rel .LBB2_8-.Ltmp6, $2  }
0xc7: {  	_ =	sdelay $0x2  }
0xc8: {  	s17 =	smov.u32 s11  }
.LBB2_6:
.Ltmp7:
0xc9: {  	(pc) =	sbr.rel .LBB2_8-.Ltmp7, $2  }
0xca: {  	_ =	sdelay $0x2  }
0xcb: {  	s17 =	smov.u32 s11  }
.LBB2_9:
0xcc: {  	_ =	sfence.sel $0x180000  }
0xcd: {  	[bflag:$0x0] =	sbarrier.arrive $0xFFFF  }
0xce: {  	_ =	strace $0x90000050  }
0xcf: {  	s0 =	stileid.u32;
	[bflag:$0x2] =	sbarrier.arrive $0xFFFF  }
0xd0: {  	p0 =	sne.s32 s0, $0x0;
	s0 =	rddreg [dreg:$0x3]  }
0xd1: {  	s0 =	sadd.s32 @!p0 $0x100000, s0  }
0xd2: {  	[sflag:s0] =	ssyncadd.tile.s32 @!p0 $0x1;
	_ =	shalt  }
.Lfunc_end2:
_tile_overlayer_lowered:
.L_overlay_start_2:
0xd3: {  	(tag) =	ssettag $0x2  }
0xd4: {  	s0 =	rddreg [dreg:$0x0];
	s2 =	stileid.u32  }
0xd5: {  	s1 =	rddreg [dreg:$0x1];
	p0 =	sne.s32 s2, $0x0  }
0xd6: {  	s3 =	rddreg [dreg:$0x2];
	[bflag:$0x3] =	sbarrier.arrive $0xFFFF;
	s2 =	simm.s32 @!p0 $0x1C06  }
0xd7: {  	[timem:s3], [sflag:s2] =	dma.local @!p0 [hbm:s0], s1  }
0xd8: {  	s0 =	simm.s32 @!p0 $0x6  }
0xd9: {  	_ =	swait.ge @!p0 [sflag:s0], s1  }
0xda: {  	s1 =	ssub.s32 @!p0 $0x0, s1;
	[sflag:s0] =	ssyncset.done @!p0 $0x0  }
0xdb: {  	[sflag:s0] =	ssyncadd.s32 @!p0 s1  }
0xdc: {  	[bflag:$0x3] =	sbarrier.arrive $0xFFFF  }
0xdd: {  	_ =	shalt  }

</sc_bundles>
